<compile_context>
chip_gen: v7x
topology: tpu7x:2x2x1
jax: 0.10.2.dev20260603
libtpu: 0.0.44.dev20260713+nightly
codegen_flags: <defaults>
</compile_context>

<pallas_src>
import jax
import jax.numpy as jnp
from jax import lax
from jax.experimental import pallas as pl
from jax.experimental.pallas import tpu as pltpu
from jax.experimental.pallas import tpu_sc as plsc

N, D, A, NNORM, NB = 100000, 128, 64, 1024, 1024
HIDDEN_K, EPISODES, STEP_SIZE, INI_TH = 16, 2, 0.02, 0.5

R = 4096
NPAD = ((N + R - 1) // R) * R
NBLK = NPAD // R
CHUNK = 128
NCH = NPAD // CHUNK
EPS = 1e-8
NEG = -jnp.inf

NC, NS, L = 2, 16, 16
NW = NC * NS
GB = 1280
GPW = GB // NW
ROWS_PW = A // NW

_SC_MESH = dict(core_axis_name="c", subcore_axis_name="s")


def _g1_body(feat_hbm, idx_hbm, out_hbm, idx_v, rows_v, sem):
    wid = lax.axis_index("s") * NC + lax.axis_index("c")
    base = wid * GPW
    pltpu.sync_copy(idx_hbm.at[pl.ds(base, GPW)], idx_v)
    gcp = pltpu.make_async_copy(feat_hbm.at[idx_v], rows_v, sem)
    gcp.start()
    gcp.wait()
    pltpu.sync_copy(rows_v, out_hbm.at[pl.ds(base, GPW)])


def _gather_rows(feat_emb, idx_pad):
    return pl.kernel(
        _g1_body,
        out_type=jax.ShapeDtypeStruct((GB, D), jnp.float32),
        compiler_params=pltpu.CompilerParams(needs_layout_passes=False),
        mesh=plsc.VectorSubcoreMesh(**_SC_MESH),
        scratch_types=[
            pltpu.VMEM((GPW,), jnp.int32),
            pltpu.VMEM((GPW, D), jnp.float32),
            pltpu.SemaphoreType.DMA,
        ],
    )(feat_emb, idx_pad)


def _main_body(feat, w1t, b1, w2t, b2, raw_ano, ano_idx, pred_o, sims_o, m_o):
    i = pl.program_id(0)
    x = feat[...]
    h = jnp.maximum(
        jnp.dot(x.astype(jnp.bfloat16), w1t[...].astype(jnp.bfloat16),
                preferred_element_type=jnp.float32) + b1[...], 0.0)
    pred_o[...] = jnp.sum(h * w2t[...], axis=1, keepdims=True) + b2[0, 0]

    nrm = jnp.sqrt(jnp.sum(x * x, axis=1, keepdims=True))
    nf = x / jnp.maximum(nrm, EPS)

    a = raw_ano[...]
    anrm = jnp.sqrt(jnp.sum(a * a, axis=1, keepdims=True))
    an = a / jnp.maximum(anrm, EPS)

    sim = lax.dot_general(an, nf, (((1,), (1,)), ((), ())),
                          preferred_element_type=jnp.float32)
    col = i * R + lax.broadcasted_iota(jnp.int32, (1, R), 1)
    sim = jnp.where(col == ano_idx[...], NEG, sim)
    sim = jnp.where(col >= N, NEG, sim)
    sims_o[...] = sim
    m_o[...] = jnp.max(sim.reshape(A, R // CHUNK, CHUNK), axis=2).reshape(
        1, A, R // CHUNK)


def _main_pass(feat_pad, w1t, b1_2d, w2t, b2_2d, raw_ano, ano_idx):
    return pl.pallas_call(
        _main_body,
        grid=(NBLK,),
        in_specs=[
            pl.BlockSpec((R, D), lambda i: (i, 0)),
            pl.BlockSpec((D, 8 * D), lambda i: (0, 0)),
            pl.BlockSpec((1, 8 * D), lambda i: (0, 0)),
            pl.BlockSpec((1, 8 * D), lambda i: (0, 0)),
            pl.BlockSpec((1, 1), lambda i: (0, 0)),
            pl.BlockSpec((A, D), lambda i: (0, 0)),
            pl.BlockSpec((A, 1), lambda i: (0, 0)),
        ],
        out_specs=[
            pl.BlockSpec((R, 1), lambda i: (i, 0)),
            pl.BlockSpec((A, R), lambda i: (0, i)),
            pl.BlockSpec((1, A, R // CHUNK), lambda i: (i, 0, 0)),
        ],
        out_shape=[
            jax.ShapeDtypeStruct((NPAD, 1), jnp.float32),
            jax.ShapeDtypeStruct((A, NPAD), jnp.float32),
            jax.ShapeDtypeStruct((NBLK, A, R // CHUNK), jnp.float32),
        ],
    )(feat_pad, w1t, b1_2d, w2t, b2_2d, raw_ano, ano_idx)


def _merge16(vals, idxs, x, xi):
    xs, xis = plsc.sort_key_val(x, xi, descending=True)
    rxs = lax.rev(xs, (0,))
    rxis = lax.rev(xis, (0,))
    take_a = (vals > rxs) | ((vals == rxs) & (idxs < rxis))
    mv = jnp.where(take_a, vals, rxs)
    mi = jnp.where(take_a, idxs, rxis)
    nv, ni = plsc.sort_key_val(mv, mi, descending=True)
    return nv, ni


def _topk_body(sims_hbm, m_hbm, feat_hbm, vals_out, idx_out, near_out,
               buf, mbuf, idref, vout, iout, rows_v, sem):
    wid = lax.axis_index("s") * NC + lax.axis_index("c")
    iota16 = lax.iota(jnp.int32, L)
    minf = jnp.full((L,), NEG, dtype=jnp.float32)

    for rr in range(ROWS_PW):
        row = wid * ROWS_PW + rr
        pltpu.sync_copy(m_hbm.at[row], mbuf)

        def p1_body(g, carry):
            vals, thr = carry
            cm = mbuf[pl.ds(g * L, L)]

            def do_merge(c):
                rxs = lax.rev(plsc.sort_key_val(cm, iota16, descending=True)[0], (0,))
                nv = plsc.sort_key_val(jnp.maximum(c[0], rxs), iota16,
                                       descending=True)[0]
                return nv, jnp.min(nv)

            return lax.cond(jnp.any(cm > thr), do_merge, lambda c: c, carry)

        _, t0 = lax.fori_loop(0, NCH // L, p1_body, (minf, jnp.min(minf)))

        def pa_group(g, slot):
            cm = mbuf[pl.ds(g * L, L)]

            def hit_group(s):
                for lane in range(L):
                    def issue(s2, _lane=lane):
                        chunk = g * L + _lane
                        idref[s2] = chunk
                        pltpu.make_async_copy(
                            sims_hbm.at[row, pl.ds(chunk * CHUNK, CHUNK)],
                            buf.at[pl.ds(s2 * CHUNK, CHUNK)], sem).start()
                        return s2 + 1

                    s = lax.cond(cm[lane] >= t0, issue, lambda s2: s2, s)
                return s

            return lax.cond(jnp.any(cm >= t0), hit_group, lambda s: s, slot)

        slot = lax.fori_loop(0, NCH // L, pa_group, jnp.int32(0))

        def pb(j, z):
            pltpu.make_async_copy(sims_hbm.at[row, pl.ds(0, CHUNK)],
                                  buf.at[pl.ds(0, CHUNK)], sem).wait()
            return z

        lax.fori_loop(0, slot, pb, jnp.int32(0))

        def pc(j, carry):
            chunk = idref[j]
            cb = j * CHUNK
            for v in range(CHUNK // L):
                off = cb + v * L
                x = buf[pl.ds(off, L)]
                xi = chunk * CHUNK + v * L + iota16

                def mg(c, x=x, xi=xi):
                    nv, ni = _merge16(c[0], c[1], x, xi)
                    return nv, ni, jnp.min(nv)

                carry = lax.cond(jnp.any(x > carry[2]), mg,
                                 lambda c: c, carry)
            return carry

        vals, idxs, _ = lax.fori_loop(
            0, slot, pc,
            (minf, jnp.zeros((L,), jnp.int32), jnp.min(minf)))
        vout[...] = vals
        iout[...] = idxs
        pltpu.sync_copy(vout, vals_out.at[row])
        pltpu.sync_copy(iout, idx_out.at[row])
        ncp = pltpu.make_async_copy(feat_hbm.at[iout], rows_v, sem)
        ncp.start()
        ncp.wait()
        pltpu.sync_copy(rows_v, near_out.at[pl.ds(row * HIDDEN_K, HIDDEN_K)])


def _topk_pass(sims, m_arr, feat_emb):
    return pl.kernel(
        _topk_body,
        out_type=[
            jax.ShapeDtypeStruct((A, HIDDEN_K), jnp.float32),
            jax.ShapeDtypeStruct((A, HIDDEN_K), jnp.int32),
            jax.ShapeDtypeStruct((A * HIDDEN_K, D), jnp.float32),
        ],
        compiler_params=pltpu.CompilerParams(needs_layout_passes=False),
        mesh=plsc.VectorSubcoreMesh(**_SC_MESH),
        scratch_types=[
            pltpu.VMEM((NPAD,), jnp.float32),
            pltpu.VMEM((NCH,), jnp.float32),
            pltpu.SMEM((NCH,), jnp.int32),
            pltpu.VMEM((HIDDEN_K,), jnp.float32),
            pltpu.VMEM((HIDDEN_K,), jnp.int32),
            pltpu.VMEM((HIDDEN_K, D), jnp.float32),
            pltpu.SemaphoreType.DMA,
        ],
    )(sims, m_arr, feat_emb)


def _stats_body(raw_ano, raw_no, raw_near, std_ab_o, std_no_o, nei_ab_o, nei_no_o):
    a = raw_ano[...]
    an = a / jnp.maximum(jnp.sqrt(jnp.sum(a * a, axis=1, keepdims=True)), EPS)
    no = raw_no[...]
    non = no / jnp.maximum(jnp.sqrt(jnp.sum(no * no, axis=1, keepdims=True)), EPS)
    nr = raw_near[...]
    nrn = nr / jnp.maximum(jnp.sqrt(jnp.sum(nr * nr, axis=1, keepdims=True)), EPS)

    dn = (((1,), (1,)), ((), ()))
    std_ab_o[...] = jnp.mean(
        lax.dot_general(an, an, dn, preferred_element_type=jnp.float32),
        axis=1, keepdims=True)
    std_no_o[...] = jnp.mean(
        lax.dot_general(an, non, dn, preferred_element_type=jnp.float32),
        axis=1, keepdims=True)
    nei_ab_o[...] = jnp.mean(
        lax.dot_general(nrn, an, dn, preferred_element_type=jnp.float32),
        axis=1, keepdims=True)
    nei_no_o[...] = jnp.mean(
        lax.dot_general(nrn, non, dn, preferred_element_type=jnp.float32),
        axis=1, keepdims=True)


def _stats_pass(raw_ano, raw_no, raw_near):
    return pl.pallas_call(
        _stats_body,
        out_shape=[
            jax.ShapeDtypeStruct((A, 1), jnp.float32),
            jax.ShapeDtypeStruct((A, 1), jnp.float32),
            jax.ShapeDtypeStruct((A * HIDDEN_K, 1), jnp.float32),
            jax.ShapeDtypeStruct((A * HIDDEN_K, 1), jnp.float32),
        ],
    )(raw_ano, raw_no, raw_near)


def _rl_body(sims_near, std_ab, std_no, nei_ab, nei_no,
             rewards_o, newth_o, mask_o):
    sims = sims_near[...]
    sab = std_ab[...]
    sno = std_no[...]
    nab = nei_ab[...]
    nno = nei_no[...]
    th = jnp.full((A, 1), INI_TH, dtype=jnp.float32)
    rws = []
    for _ in range(EPISODES):
        cond = sims >= th
        good = jnp.where(cond, (nab >= sab).astype(jnp.float32),
                         (nno <= sno).astype(jnp.float32))
        reward = jnp.sum(good, axis=1, keepdims=True)
        th = jnp.where(reward >= 0.5 * HIDDEN_K, th - STEP_SIZE, th + STEP_SIZE)
        rws.append(reward)
    rewards_o[...] = jnp.concatenate(rws, axis=1)
    new_th = jnp.where(th >= 1.0, 0.999, th)
    new_th = jnp.where(new_th <= 0.0, 0.001, new_th)
    newth_o[...] = new_th
    mask_o[...] = (sims > new_th).astype(jnp.int32)


def _rl_pass(sims_near, std_ab, std_no, nei_ab, nei_no):
    return pl.pallas_call(
        _rl_body,
        out_shape=[
            jax.ShapeDtypeStruct((A, EPISODES), jnp.float32),
            jax.ShapeDtypeStruct((A, 1), jnp.float32),
            jax.ShapeDtypeStruct((A, HIDDEN_K), jnp.int32),
        ],
    )(sims_near, std_ab, std_no, nei_ab, nei_no)


def kernel(feat_emb, nodes_batch, labels_batch, anomaly_list, norm_list, W1, b1, W2, b2):
    feat_pad = jnp.pad(feat_emb, ((0, NPAD - N), (0, 0)))
    w1t = W1.T
    b1_2d = b1.reshape(1, 8 * D)
    b2_2d = b2.reshape(1, 1)

    idx_pad = jnp.concatenate([
        anomaly_list.astype(jnp.int32), norm_list.astype(jnp.int32),
        jnp.zeros((GB - A - NNORM,), jnp.int32)])
    gath = _gather_rows(feat_emb, idx_pad)
    raw_ano = gath[:A]
    raw_no = gath[A:A + NNORM]

    ano_idx = anomaly_list.astype(jnp.int32).reshape(A, 1)
    pred_pad, sims, m3 = _main_pass(feat_pad, w1t, b1_2d, W2, b2_2d,
                                    raw_ano, ano_idx)
    pred_score = pred_pad[:N]
    m_arr = m3.transpose(1, 0, 2).reshape(A, NCH)

    sims_near, nearest, raw_near = _topk_pass(sims, m_arr, feat_emb)

    std_ab, std_no, nei_ab_f, nei_no_f = _stats_pass(raw_ano, raw_no, raw_near)
    rewards, newth, mask_i = _rl_pass(
        sims_near, std_ab, std_no,
        nei_ab_f.reshape(A, HIDDEN_K), nei_no_f.reshape(A, HIDDEN_K))

    return (nearest, sims_near, mask_i.astype(jnp.bool_), rewards,
            newth.reshape(A), pred_score)

# --- scband reference (transcript-rebuilt; emitter-appended) ---
"""Pipeline reference for scband-rl-valu-39444979646862 (READ-ONLY COPY).

The authoritative reference and input builder live on the scoring server;
editing this copy changes nothing except your own understanding.
"""

import jax, jax.numpy as jnp
import numpy as np

N, D, A, NNORM, NB = 100000, 128, 64, 1024, 1024
HIDDEN_K, EPISODES, STEP_SIZE, INI_TH = 16, 2, 0.02, 0.5


def setup_inputs(seed: int = 0):
    key = jax.random.key(seed)
    ks = jax.random.split(key, 8)
    feat_emb = jax.random.normal(ks[0], (N, D), dtype=jnp.float32)
    nodes_batch = jax.random.randint(ks[1], (NB,), 0, N, dtype=jnp.int64) if jax.config.jax_enable_x64 else jax.random.randint(ks[1], (NB,), 0, N)
    labels_batch = jax.random.randint(ks[2], (NB,), 0, 2)
    anomaly_list = jax.random.randint(ks[3], (A,), 0, N)
    norm_list = jax.random.randint(ks[4], (NNORM,), 0, N)
    W1 = jax.random.normal(ks[5], (8 * D, D), dtype=jnp.float32) * (1.0 / np.sqrt(D))
    b1 = jnp.zeros((8 * D,), dtype=jnp.float32)
    W2 = jax.random.normal(ks[6], (1, 8 * D), dtype=jnp.float32) * (1.0 / np.sqrt(8 * D))
    b2 = jnp.zeros((1,), dtype=jnp.float32)
    return {"feat_emb": feat_emb, "nodes_batch": nodes_batch, "labels_batch": labels_batch,
            "anomaly_list": anomaly_list, "norm_list": norm_list,
            "W1": W1, "b1": b1, "W2": W2, "b2": b2}


def reference(feat_emb, nodes_batch, labels_batch, anomaly_list, norm_list, W1, b1, W2, b2):
    k = HIDDEN_K
    # label_valuator: Linear(D, 8D) -> ReLU -> Linear(8D, 1)
    pred_score = jnp.maximum(feat_emb @ W1.T + b1, 0.0) @ W2.T + b2

    # cosine-normalized embeddings (torch cosine_similarity eps=1e-8)
    eps = 1e-8
    norms = jnp.linalg.norm(feat_emb, axis=1, keepdims=True)
    nf = feat_emb / jnp.maximum(norms, eps)
    nf_ano = nf[anomaly_list]          # [A, D]
    nf_no = nf[norm_list]              # [NNORM, D]

    # find_k_nearest_nodes for every anomaly: top-(k+1) by cosine similarity (== smallest 1-sim)
    sim_all = nf_ano @ nf.T            # [A, N]
    vals, idx = jax.lax.top_k(sim_all, k + 1)
    sims_near = vals[:, 1:]            # drop self
    nearest = idx[:, 1:]               # [A, k]

    # compute_similarity means
    std_ab = (nf_ano @ nf_ano.T).mean(axis=1)      # [A]
    std_no = (nf_ano @ nf_no.T).mean(axis=1)       # [A]
    nf_near = nf[nearest]                          # [A, k, D]
    nei_ab = (nf_near @ nf_ano.T).mean(axis=2)     # [A, k]
    nei_no = (nf_near @ nf_no.T).mean(axis=2)      # [A, k]

    # RL episodes: threshold adaptation per anomaly (independent across i, vectorized)
    th = jnp.full((nf_ano.shape[0],), INI_TH, dtype=jnp.float32)
    rewards_log = []
    for _ in range(EPISODES):
        cond = sims_near >= th[:, None]
        good = jnp.where(cond, nei_ab >= std_ab[:, None], nei_no <= std_no[:, None])
        reward = good.sum(axis=1).astype(jnp.float32)
        th = jnp.where(reward >= 0.5 * k, th - STEP_SIZE, th + STEP_SIZE)
        rewards_log.append(reward)
    rewards = jnp.stack(rewards_log, axis=1)       # [A, episodes]

    new_th = jnp.where(th >= 1.0, 0.999, th)
    new_th = jnp.where(new_th <= 0.0, 0.001, new_th)

    # mask_index_list as fixed-shape boolean mask over nearest neighbors
    mask = sims_near > new_th[:, None]             # [A, k]

    return (nearest, sims_near, mask, rewards, new_th, pred_score)

if __name__ == "__main__":
    import jax
    _d = setup_inputs()
    print(jax.jit(kernel)(*tuple(_d.values())))

</pallas_src>

<mosaic_0001>
#map = affine_map<(d0, d1) -> (0, 0)>
#map1 = affine_map<(d0, d1) -> (0)>
module attributes {stable_mosaic.version = 14 : i64} {
  func.func @_g1_body(%arg0: i32, %arg1: i32, %arg2: memref<100000x128xf32, #tpu.memory_space<hbm>>, %arg3: memref<1280xi32, #tpu.memory_space<hbm>>, %arg4: memref<1280x128xf32, #tpu.memory_space<hbm>>, %arg5: memref<40xi32, #tpu.memory_space<vmem>>, %arg6: memref<40x128xf32, #tpu.memory_space<vmem>>, %arg7: memref<!tpu.dma_semaphore, #tpu.memory_space<semaphore_mem>>) attributes {dimension_semantics = [#tpu.dimension_semantics<core_parallel>, #tpu.dimension_semantics<subcore_parallel>], iteration_bounds = array<i64: 2, 16>, scalar_prefetch = 0 : i64, scratch_operands = 3 : i64, tpu.core_type = #tpu.core_type<sc_vector_subcore>, window_params = [{transform_indices = #map}, {transform_indices = #map1}, {transform_indices = #map}]} {
    %mul3A = arith.constant 2 : i32
    %mul3A_0 = arith.muli %arg1, %mul3A : i32
    %add3A = arith.addi %mul3A_0, %arg0 : i32
    %mul3A_1 = arith.constant 40 : i32
    %mul3A_2 = arith.muli %add3A, %mul3A_1 : i32
    "tpu.region"() ({
      %run_scoped3A = tpu.sem_alloc : memref<!tpu.dma_semaphore, #tpu.memory_space<semaphore_mem>>
      %dma_start3A_7 = tpu.memref_slice %arg3[%mul3A_2] : memref<1280xi32, #tpu.memory_space<hbm>> -> memref<40xi32, #tpu.memory_space<hbm>>
      %dma_start3A_8 = tpu.memref_slice %arg3[%mul3A_2] : memref<1280xi32, #tpu.memory_space<hbm>> -> memref<40xi32, #tpu.memory_space<hbm>>
      tpu.enqueue_dma source(%dma_start3A_8 : memref<40xi32, #tpu.memory_space<hbm>>) target(%arg5 : memref<40xi32, #tpu.memory_space<vmem>>) target_semaphore(%run_scoped3A : memref<!tpu.dma_semaphore, #tpu.memory_space<semaphore_mem>>)
      %dma_wait3A_9 = tpu.memref_slice %arg3[%mul3A_2] : memref<1280xi32, #tpu.memory_space<hbm>> -> memref<40xi32, #tpu.memory_space<hbm>>
      %dma_wait3A_10 = tpu.memref_slice %arg3[%mul3A_2] : memref<1280xi32, #tpu.memory_space<hbm>> -> memref<40xi32, #tpu.memory_space<hbm>>
      tpu.wait_dma2 semaphore(%run_scoped3A : memref<!tpu.dma_semaphore, #tpu.memory_space<semaphore_mem>>) src(%dma_wait3A_10 : memref<40xi32, #tpu.memory_space<hbm>>) dst(%arg5 : memref<40xi32, #tpu.memory_space<vmem>>)
      tpu.yield
    }) : () -> ()
    %dma_start3A = arith.constant 0 : i32
    %dma_start3A_3 = arith.constant 0 : i32
    %dma_start3A_4 = tpu.memref_slice %arg2[%dma_start3A, %dma_start3A_3] : memref<100000x128xf32, #tpu.memory_space<hbm>> -> memref<100000x128xf32, #tpu.memory_space<hbm>>
    tpu.enqueue_indirect_dma source(%dma_start3A_4 : memref<100000x128xf32, #tpu.memory_space<hbm>>) target(%arg6 : memref<40x128xf32, #tpu.memory_space<vmem>>) offsets(%arg5 : memref<40xi32, #tpu.memory_space<vmem>>) semaphore(%arg7 : memref<!tpu.dma_semaphore, #tpu.memory_space<semaphore_mem>>)
    %dma_wait3A = arith.constant 0 : i32
    %dma_wait3A_5 = arith.constant 0 : i32
    %dma_wait3A_6 = tpu.memref_slice %arg2[%dma_wait3A, %dma_wait3A_5] : memref<100000x128xf32, #tpu.memory_space<hbm>> -> memref<100000x128xf32, #tpu.memory_space<hbm>>
    tpu.wait_indirect_dma semaphore(%arg7 : memref<!tpu.dma_semaphore, #tpu.memory_space<semaphore_mem>>) src(%dma_wait3A_6 : memref<100000x128xf32, #tpu.memory_space<hbm>>) dst(%arg6 : memref<40x128xf32, #tpu.memory_space<vmem>>)
    "tpu.region"() ({
      %run_scoped3A = tpu.sem_alloc : memref<!tpu.dma_semaphore, #tpu.memory_space<semaphore_mem>>
      %dma_start3A_7 = arith.constant 0 : i32
      %dma_start3A_8 = tpu.memref_slice %arg4[%mul3A_2, %dma_start3A_7] : memref<1280x128xf32, #tpu.memory_space<hbm>> -> memref<40x128xf32, #tpu.memory_space<hbm>>
      %dma_start3A_9 = arith.constant 0 : i32
      %dma_start3A_10 = tpu.memref_slice %arg4[%mul3A_2, %dma_start3A_9] : memref<1280x128xf32, #tpu.memory_space<hbm>> -> memref<40x128xf32, #tpu.memory_space<hbm>>
      tpu.enqueue_dma source(%arg6 : memref<40x128xf32, #tpu.memory_space<vmem>>) target(%dma_start3A_10 : memref<40x128xf32, #tpu.memory_space<hbm>>) target_semaphore(%run_scoped3A : memref<!tpu.dma_semaphore, #tpu.memory_space<semaphore_mem>>)
      %dma_wait3A_11 = arith.constant 0 : i32
      %dma_wait3A_12 = tpu.memref_slice %arg4[%mul3A_2, %dma_wait3A_11] : memref<1280x128xf32, #tpu.memory_space<hbm>> -> memref<40x128xf32, #tpu.memory_space<hbm>>
      %dma_wait3A_13 = arith.constant 0 : i32
      %dma_wait3A_14 = tpu.memref_slice %arg4[%mul3A_2, %dma_wait3A_13] : memref<1280x128xf32, #tpu.memory_space<hbm>> -> memref<40x128xf32, #tpu.memory_space<hbm>>
      tpu.wait_dma2 semaphore(%run_scoped3A : memref<!tpu.dma_semaphore, #tpu.memory_space<semaphore_mem>>) src(%arg6 : memref<40x128xf32, #tpu.memory_space<vmem>>) dst(%dma_wait3A_14 : memref<40x128xf32, #tpu.memory_space<hbm>>)
      tpu.yield
    }) : () -> ()
    return
  }
}

#map = affine_map<(d0, d1) -> (0, 0)>
module attributes {stable_mosaic.version = 14 : i64} {
  func.func @_topk_body(%arg0: i32, %arg1: i32, %arg2: memref<64x102400xf32, #tpu.memory_space<hbm>>, %arg3: memref<64x800xf32, #tpu.memory_space<hbm>>, %arg4: memref<100000x128xf32, #tpu.memory_space<hbm>>, %arg5: memref<64x16xf32, #tpu.memory_space<hbm>>, %arg6: memref<64x16xi32, #tpu.memory_space<hbm>>, %arg7: memref<1024x128xf32, #tpu.memory_space<hbm>>, %arg8: memref<102400xf32, #tpu.memory_space<vmem>>, %arg9: memref<800xf32, #tpu.memory_space<vmem>>, %arg10: memref<800xi32, #tpu.memory_space<smem>>, %arg11: memref<16xf32, #tpu.memory_space<vmem>>, %arg12: memref<16xi32, #tpu.memory_space<vmem>>, %arg13: memref<16x128xf32, #tpu.memory_space<vmem>>, %arg14: memref<!tpu.dma_semaphore, #tpu.memory_space<semaphore_mem>>) attributes {dimension_semantics = [#tpu.dimension_semantics<core_parallel>, #tpu.dimension_semantics<subcore_parallel>], iteration_bounds = array<i64: 2, 16>, scalar_prefetch = 0 : i64, scratch_operands = 7 : i64, tpu.core_type = #tpu.core_type<sc_vector_subcore>, window_params = [{transform_indices = #map}, {transform_indices = #map}, {transform_indices = #map}, {transform_indices = #map}, {transform_indices = #map}, {transform_indices = #map}]} {
    %mul3A = arith.constant 2 : i32
    %mul3A_0 = arith.muli %arg1, %mul3A : i32
    %add3A = arith.addi %mul3A_0, %arg0 : i32
    %iota3A = tpu.iota {dimensions = array<i32: 0>} : vector<16xi32>
    %broadcast_in_dim3A = arith.constant 0xFF800000 : f32
    %broadcast_in_dim3A_1 = vector.broadcast %broadcast_in_dim3A : f32 to vector<16xf32>
    %mul3A_2 = arith.constant 2 : i32
    %mul3A_3 = arith.muli %add3A, %mul3A_2 : i32
    %add3A_4 = arith.constant 0 : i32
    %add3A_5 = arith.addi %mul3A_3, %add3A_4 : i32
    "tpu.region"() ({
      %run_scoped3A = tpu.sem_alloc : memref<!tpu.dma_semaphore, #tpu.memory_space<semaphore_mem>>
      %dma_start3A_116 = arith.constant 0 : i32
      %dma_start3A_117 = tpu.memref_slice %arg3[%add3A_5, %dma_start3A_116] : memref<64x800xf32, #tpu.memory_space<hbm>> -> memref<1x800xf32, #tpu.memory_space<hbm>>
      %dma_start3A_118 = tpu.memref_squeeze %dma_start3A_117 : memref<1x800xf32, #tpu.memory_space<hbm>> -> memref<800xf32, #tpu.memory_space<hbm>>
      %dma_start3A_119 = arith.constant 0 : i32
      %dma_start3A_120 = tpu.memref_slice %arg3[%add3A_5, %dma_start3A_119] : memref<64x800xf32, #tpu.memory_space<hbm>> -> memref<1x800xf32, #tpu.memory_space<hbm>>
      %dma_start3A_121 = tpu.memref_squeeze %dma_start3A_120 : memref<1x800xf32, #tpu.memory_space<hbm>> -> memref<800xf32, #tpu.memory_space<hbm>>
      tpu.enqueue_dma source(%dma_start3A_121 : memref<800xf32, #tpu.memory_space<hbm>>) target(%arg9 : memref<800xf32, #tpu.memory_space<vmem>>) target_semaphore(%run_scoped3A : memref<!tpu.dma_semaphore, #tpu.memory_space<semaphore_mem>>)
      %dma_wait3A_122 = arith.constant 0 : i32
      %dma_wait3A_123 = tpu.memref_slice %arg3[%add3A_5, %dma_wait3A_122] : memref<64x800xf32, #tpu.memory_space<hbm>> -> memref<1x800xf32, #tpu.memory_space<hbm>>
      %dma_wait3A_124 = tpu.memref_squeeze %dma_wait3A_123 : memref<1x800xf32, #tpu.memory_space<hbm>> -> memref<800xf32, #tpu.memory_space<hbm>>
      %dma_wait3A_125 = arith.constant 0 : i32
      %dma_wait3A_126 = tpu.memref_slice %arg3[%add3A_5, %dma_wait3A_125] : memref<64x800xf32, #tpu.memory_space<hbm>> -> memref<1x800xf32, #tpu.memory_space<hbm>>
      %dma_wait3A_127 = tpu.memref_squeeze %dma_wait3A_126 : memref<1x800xf32, #tpu.memory_space<hbm>> -> memref<800xf32, #tpu.memory_space<hbm>>
      tpu.wait_dma2 semaphore(%run_scoped3A : memref<!tpu.dma_semaphore, #tpu.memory_space<semaphore_mem>>) src(%dma_wait3A_127 : memref<800xf32, #tpu.memory_space<hbm>>) dst(%arg9 : memref<800xf32, #tpu.memory_space<vmem>>)
      tpu.yield
    }) : () -> ()
    %reduce_min3A = arith.constant true
    %reduce_min3A_6 = vector.broadcast %reduce_min3A : i1 to vector<16xi1>
    %reduce_min3A_7 = tpu.scan <min>, %broadcast_in_dim3A_1 masked %reduce_min3A_6 : vector<16xf32>, vector<16xi1> -> vector<16xf32>
    %reduce_min3A_8 = vector.extract %reduce_min3A_7[15] : f32 from vector<16xf32>
    %scan3A = arith.constant 0 : i32
    %scan3A_9 = arith.constant 50 : i32
    %scan3A_10 = arith.addi %scan3A, %scan3A_9 : i32
    %scan3A_11 = arith.constant 1 : i32
    %scan3A_12:2 = scf.for %scan3A_116 = %scan3A to %scan3A_10 step %scan3A_11 iter_args(%scan3A_117 = %broadcast_in_dim3A_1, %scan3A_118 = %reduce_min3A_8) -> (vector<16xf32>, f32)  : i32 {
      %mul3A_119 = arith.constant 16 : i32
      %mul3A_120 = arith.muli %scan3A_116, %mul3A_119 : i32
      %get3A = arith.index_cast %mul3A_120 : i32 to index
      %get3A_121 = tpu.vector_load %arg9[%get3A] {strides = array<i32>} : memref<800xf32, #tpu.memory_space<vmem>>, vector<16xf32>,
      %gt3A = vector.broadcast %scan3A_118 : f32 to vector<16xf32>
      %gt3A_122 = arith.cmpf ogt, %get3A_121, %gt3A : vector<16xf32>
      %reduce_or3A = arith.constant 1.000000e+00 : f32
      %reduce_or3A_123 = arith.constant 0.000000e+00 : f32
      %reduce_or3A_124 = vector.broadcast %reduce_or3A : f32 to vector<16xf32>
      %reduce_or3A_125 = vector.broadcast %reduce_or3A_123 : f32 to vector<16xf32>
      %reduce_or3A_126 = arith.select %gt3A_122, %reduce_or3A_124, %reduce_or3A_125 : vector<16xi1>, vector<16xf32>
      %reduce_or3A_127 = arith.constant true
      %reduce_or3A_128 = vector.broadcast %reduce_or3A_127 : i1 to vector<16xi1>
      %reduce_or3A_129 = tpu.scan <max>, %reduce_or3A_126 masked %reduce_or3A_128 : vector<16xf32>, vector<16xi1> -> vector<16xf32>
      %reduce_or3A_130 = vector.extract %reduce_or3A_129[15] : f32 from vector<16xf32>
      %reduce_or3A_131 = arith.constant 0.000000e+00 : f32
      %reduce_or3A_132 = arith.cmpf ogt, %reduce_or3A_130, %reduce_or3A_131 : f32
      %convert_element_type3A = arith.extui %reduce_or3A_132 : i1 to i32
      %cond3A = arith.constant 0 : i32
      %cond3A_133 = arith.cmpi ne, %convert_element_type3A, %cond3A : i32
      %cond3A_134:2 = scf.if %cond3A_133 -> (vector<16xf32>, f32) {
        %masked_sort3A = arith.constant dense<true> : vector<16xi1>
        %masked_sort3A_135, %masked_sort3A_136, %masked_sort3A_137 = tpu.sort %get3A_121, %iota3A masked %masked_sort3A {descending = true} : (vector<16xf32>, vector<16xi32>, vector<16xi1>) -> (vector<16xi1>, vector<16xf32>, vector<16xi32>)
        %rev3A = arith.constant 15 : i32
        %rev3A_138 = vector.broadcast %rev3A : i32 to vector<16xi32>
        %rev3A_139 = tpu.iota {dimensions = array<i32: 0>} : vector<16xi32>
        %rev3A_140 = arith.subi %rev3A_138, %rev3A_139 : vector<16xi32>
        %rev3A_141 = tpu.dynamic_gather %masked_sort3A_136[%rev3A_140] in [0] : vector<16xf32>, vector<16xi32> -> vector<16xf32>
        %max3A = arith.maximumf %scan3A_117, %rev3A_141 : vector<16xf32>
        %masked_sort3A_142 = arith.constant dense<true> : vector<16xi1>
        %masked_sort3A_143, %masked_sort3A_144, %masked_sort3A_145 = tpu.sort %max3A, %iota3A masked %masked_sort3A_142 {descending = true} : (vector<16xf32>, vector<16xi32>, vector<16xi1>) -> (vector<16xi1>, vector<16xf32>, vector<16xi32>)
        %reduce_min3A_146 = arith.constant true
        %reduce_min3A_147 = vector.broadcast %reduce_min3A_146 : i1 to vector<16xi1>
        %reduce_min3A_148 = tpu.scan <min>, %masked_sort3A_144 masked %reduce_min3A_147 : vector<16xf32>, vector<16xi1> -> vector<16xf32>
        %reduce_min3A_149 = vector.extract %reduce_min3A_148[15] : f32 from vector<16xf32>
        scf.yield %masked_sort3A_144, %reduce_min3A_149 : vector<16xf32>, f32
      } else {
        scf.yield %scan3A_117, %scan3A_118 : vector<16xf32>, f32
      }
      scf.yield %cond3A_134#0, %cond3A_134#1 : vector<16xf32>, f32
    }
    %scan3A_13 = arith.constant 50 : i32
    %scan3A_14 = arith.constant 0 : i32
    %scan3A_15 = arith.constant 0 : i32
    %scan3A_16 = arith.constant 50 : i32
    %scan3A_17 = arith.addi %scan3A_15, %scan3A_16 : i32
    %scan3A_18 = arith.constant 1 : i32
    %scan3A_19 = scf.for %scan3A_116 = %scan3A_15 to %scan3A_17 step %scan3A_18 iter_args(%scan3A_117 = %scan3A_14) -> (i32)  : i32 {
      %mul3A_118 = arith.constant 16 : i32
      %mul3A_119 = arith.muli %scan3A_116, %mul3A_118 : i32
      %get3A = arith.index_cast %mul3A_119 : i32 to index
      %get3A_120 = tpu.vector_load %arg9[%get3A] {strides = array<i32>} : memref<800xf32, #tpu.memory_space<vmem>>, vector<16xf32>,
      %ge3A = vector.broadcast %scan3A_12#1 : f32 to vector<16xf32>
      %ge3A_121 = arith.cmpf oge, %get3A_120, %ge3A : vector<16xf32>
      %reduce_or3A = arith.constant 1.000000e+00 : f32
      %reduce_or3A_122 = arith.constant 0.000000e+00 : f32
      %reduce_or3A_123 = vector.broadcast %reduce_or3A : f32 to vector<16xf32>
      %reduce_or3A_124 = vector.broadcast %reduce_or3A_122 : f32 to vector<16xf32>
      %reduce_or3A_125 = arith.select %ge3A_121, %reduce_or3A_123, %reduce_or3A_124 : vector<16xi1>, vector<16xf32>
      %reduce_or3A_126 = arith.constant true
      %reduce_or3A_127 = vector.broadcast %reduce_or3A_126 : i1 to vector<16xi1>
      %reduce_or3A_128 = tpu.scan <max>, %reduce_or3A_125 masked %reduce_or3A_127 : vector<16xf32>, vector<16xi1> -> vector<16xf32>
      %reduce_or3A_129 = vector.extract %reduce_or3A_128[15] : f32 from vector<16xf32>
      %reduce_or3A_130 = arith.constant 0.000000e+00 : f32
      %reduce_or3A_131 = arith.cmpf ogt, %reduce_or3A_129, %reduce_or3A_130 : f32
      %convert_element_type3A = arith.extui %reduce_or3A_131 : i1 to i32
      %cond3A = arith.constant 0 : i32
      %cond3A_132 = arith.cmpi ne, %convert_element_type3A, %cond3A : i32
      %cond3A_133 = scf.if %cond3A_132 -> (i32) {
        %slice3A = vector.extract_strided_slice %get3A_120 {offsets = [0], sizes = [1], strides = [1]} : vector<16xf32> to vector<1xf32>
        %squeeze3A = vector.extract %slice3A[0] : f32 from vector<1xf32>
        %ge3A_134 = arith.cmpf oge, %squeeze3A, %scan3A_12#1 : f32
        %convert_element_type3A_135 = arith.extui %ge3A_134 : i1 to i32
        %cond3A_136 = arith.constant 0 : i32
        %cond3A_137 = arith.cmpi ne, %convert_element_type3A_135, %cond3A_136 : i32
        %cond3A_138 = scf.if %cond3A_137 -> (i32) {
          %mul3A_244 = arith.constant 16 : i32
          %mul3A_245 = arith.muli %scan3A_116, %mul3A_244 : i32
          %add3A_246 = arith.constant 0 : i32
          %add3A_247 = arith.addi %mul3A_245, %add3A_246 : i32
          %swap3A_248 = arith.index_cast %scan3A_117 : i32 to index
          %swap3A_249 = memref.load %arg10[%swap3A_248] : memref<800xi32, #tpu.memory_space<smem>>
          memref.store %add3A_247, %arg10[%swap3A_248] : memref<800xi32, #tpu.memory_space<smem>>
          %mul3A_250 = arith.constant 128 : i32
          %mul3A_251 = arith.muli %add3A_247, %mul3A_250 : i32
          %mul3A_252 = arith.constant 128 : i32
          %mul3A_253 = arith.muli %scan3A_117, %mul3A_252 : i32
          %dma_start3A_254 = tpu.memref_slice %arg8[%mul3A_253] : memref<102400xf32, #tpu.memory_space<vmem>> -> memref<128xf32, #tpu.memory_space<vmem>>
          %dma_start3A_255 = tpu.memref_slice %arg2[%add3A_5, %mul3A_251] : memref<64x102400xf32, #tpu.memory_space<hbm>> -> memref<1x128xf32, #tpu.memory_space<hbm>>
          %dma_start3A_256 = tpu.memref_squeeze %dma_start3A_255 : memref<1x128xf32, #tpu.memory_space<hbm>> -> memref<128xf32, #tpu.memory_space<hbm>>
          %dma_start3A_257 = tpu.memref_slice %arg8[%mul3A_253] : memref<102400xf32, #tpu.memory_space<vmem>> -> memref<128xf32, #tpu.memory_space<vmem>>
          %dma_start3A_258 = tpu.memref_slice %arg2[%add3A_5, %mul3A_251] : memref<64x102400xf32, #tpu.memory_space<hbm>> -> memref<1x128xf32, #tpu.memory_space<hbm>>
          %dma_start3A_259 = tpu.memref_squeeze %dma_start3A_258 : memref<1x128xf32, #tpu.memory_space<hbm>> -> memref<128xf32, #tpu.memory_space<hbm>>
          tpu.enqueue_dma source(%dma_start3A_259 : memref<128xf32, #tpu.memory_space<hbm>>) target(%dma_start3A_257 : memref<128xf32, #tpu.memory_space<vmem>>) target_semaphore(%arg14 : memref<!tpu.dma_semaphore, #tpu.memory_space<semaphore_mem>>)
          %add3A_260 = arith.constant 1 : i32
          %add3A_261 = arith.addi %scan3A_117, %add3A_260 : i32
          scf.yield %add3A_261 : i32
        } else {
          scf.yield %scan3A_117 : i32
        }
        %slice3A_139 = vector.extract_strided_slice %get3A_120 {offsets = [1], sizes = [1], strides = [1]} : vector<16xf32> to vector<1xf32>
        %squeeze3A_140 = vector.extract %slice3A_139[0] : f32 from vector<1xf32>
        %ge3A_141 = arith.cmpf oge, %squeeze3A_140, %scan3A_12#1 : f32
        %convert_element_type3A_142 = arith.extui %ge3A_141 : i1 to i32
        %cond3A_143 = arith.constant 0 : i32
        %cond3A_144 = arith.cmpi ne, %convert_element_type3A_142, %cond3A_143 : i32
        %cond3A_145 = scf.if %cond3A_144 -> (i32) {
          %mul3A_244 = arith.constant 16 : i32
          %mul3A_245 = arith.muli %scan3A_116, %mul3A_244 : i32
          %add3A_246 = arith.constant 1 : i32
          %add3A_247 = arith.addi %mul3A_245, %add3A_246 : i32
          %swap3A_248 = arith.index_cast %cond3A_138 : i32 to index
          %swap3A_249 = memref.load %arg10[%swap3A_248] : memref<800xi32, #tpu.memory_space<smem>>
          memref.store %add3A_247, %arg10[%swap3A_248] : memref<800xi32, #tpu.memory_space<smem>>
          %mul3A_250 = arith.constant 128 : i32
          %mul3A_251 = arith.muli %add3A_247, %mul3A_250 : i32
          %mul3A_252 = arith.constant 128 : i32
          %mul3A_253 = arith.muli %cond3A_138, %mul3A_252 : i32
          %dma_start3A_254 = tpu.memref_slice %arg8[%mul3A_253] : memref<102400xf32, #tpu.memory_space<vmem>> -> memref<128xf32, #tpu.memory_space<vmem>>
          %dma_start3A_255 = tpu.memref_slice %arg2[%add3A_5, %mul3A_251] : memref<64x102400xf32, #tpu.memory_space<hbm>> -> memref<1x128xf32, #tpu.memory_space<hbm>>
          %dma_start3A_256 = tpu.memref_squeeze %dma_start3A_255 : memref<1x128xf32, #tpu.memory_space<hbm>> -> memref<128xf32, #tpu.memory_space<hbm>>
          %dma_start3A_257 = tpu.memref_slice %arg8[%mul3A_253] : memref<102400xf32, #tpu.memory_space<vmem>> -> memref<128xf32, #tpu.memory_space<vmem>>
          %dma_start3A_258 = tpu.memref_slice %arg2[%add3A_5, %mul3A_251] : memref<64x102400xf32, #tpu.memory_space<hbm>> -> memref<1x128xf32, #tpu.memory_space<hbm>>
          %dma_start3A_259 = tpu.memref_squeeze %dma_start3A_258 : memref<1x128xf32, #tpu.memory_space<hbm>> -> memref<128xf32, #tpu.memory_space<hbm>>
          tpu.enqueue_dma source(%dma_start3A_259 : memref<128xf32, #tpu.memory_space<hbm>>) target(%dma_start3A_257 : memref<128xf32, #tpu.memory_space<vmem>>) target_semaphore(%arg14 : memref<!tpu.dma_semaphore, #tpu.memory_space<semaphore_mem>>)
          %add3A_260 = arith.constant 1 : i32
          %add3A_261 = arith.addi %cond3A_138, %add3A_260 : i32
          scf.yield %add3A_261 : i32
        } else {
          scf.yield %cond3A_138 : i32
        }
        %slice3A_146 = vector.extract_strided_slice %get3A_120 {offsets = [2], sizes = [1], strides = [1]} : vector<16xf32> to vector<1xf32>
        %squeeze3A_147 = vector.extract %slice3A_146[0] : f32 from vector<1xf32>
        %ge3A_148 = arith.cmpf oge, %squeeze3A_147, %scan3A_12#1 : f32
        %convert_element_type3A_149 = arith.extui %ge3A_148 : i1 to i32
        %cond3A_150 = arith.constant 0 : i32
        %cond3A_151 = arith.cmpi ne, %convert_element_type3A_149, %cond3A_150 : i32
        %cond3A_152 = scf.if %cond3A_151 -> (i32) {
          %mul3A_244 = arith.constant 16 : i32
          %mul3A_245 = arith.muli %scan3A_116, %mul3A_244 : i32
          %add3A_246 = arith.constant 2 : i32
          %add3A_247 = arith.addi %mul3A_245, %add3A_246 : i32
          %swap3A_248 = arith.index_cast %cond3A_145 : i32 to index
          %swap3A_249 = memref.load %arg10[%swap3A_248] : memref<800xi32, #tpu.memory_space<smem>>
          memref.store %add3A_247, %arg10[%swap3A_248] : memref<800xi32, #tpu.memory_space<smem>>
          %mul3A_250 = arith.constant 128 : i32
          %mul3A_251 = arith.muli %add3A_247, %mul3A_250 : i32
          %mul3A_252 = arith.constant 128 : i32
          %mul3A_253 = arith.muli %cond3A_145, %mul3A_252 : i32
          %dma_start3A_254 = tpu.memref_slice %arg8[%mul3A_253] : memref<102400xf32, #tpu.memory_space<vmem>> -> memref<128xf32, #tpu.memory_space<vmem>>
          %dma_start3A_255 = tpu.memref_slice %arg2[%add3A_5, %mul3A_251] : memref<64x102400xf32, #tpu.memory_space<hbm>> -> memref<1x128xf32, #tpu.memory_space<hbm>>
          %dma_start3A_256 = tpu.memref_squeeze %dma_start3A_255 : memref<1x128xf32, #tpu.memory_space<hbm>> -> memref<128xf32, #tpu.memory_space<hbm>>
          %dma_start3A_257 = tpu.memref_slice %arg8[%mul3A_253] : memref<102400xf32, #tpu.memory_space<vmem>> -> memref<128xf32, #tpu.memory_space<vmem>>
          %dma_start3A_258 = tpu.memref_slice %arg2[%add3A_5, %mul3A_251] : memref<64x102400xf32, #tpu.memory_space<hbm>> -> memref<1x128xf32, #tpu.memory_space<hbm>>
          %dma_start3A_259 = tpu.memref_squeeze %dma_start3A_258 : memref<1x128xf32, #tpu.memory_space<hbm>> -> memref<128xf32, #tpu.memory_space<hbm>>
          tpu.enqueue_dma source(%dma_start3A_259 : memref<128xf32, #tpu.memory_space<hbm>>) target(%dma_start3A_257 : memref<128xf32, #tpu.memory_space<vmem>>) target_semaphore(%arg14 : memref<!tpu.dma_semaphore, #tpu.memory_space<semaphore_mem>>)
          %add3A_260 = arith.constant 1 : i32
          %add3A_261 = arith.addi %cond3A_145, %add3A_260 : i32
          scf.yield %add3A_261 : i32
        } else {
          scf.yield %cond3A_145 : i32
        }
        %slice3A_153 = vector.extract_strided_slice %get3A_120 {offsets = [3], sizes = [1], strides = [1]} : vector<16xf32> to vector<1xf32>
        %squeeze3A_154 = vector.extract %slice3A_153[0] : f32 from vector<1xf32>
        %ge3A_155 = arith.cmpf oge, %squeeze3A_154, %scan3A_12#1 : f32
        %convert_element_type3A_156 = arith.extui %ge3A_155 : i1 to i32
        %cond3A_157 = arith.constant 0 : i32
        %cond3A_158 = arith.cmpi ne, %convert_element_type3A_156, %cond3A_157 : i32
        %cond3A_159 = scf.if %cond3A_158 -> (i32) {
          %mul3A_244 = arith.constant 16 : i32
          %mul3A_245 = arith.muli %scan3A_116, %mul3A_244 : i32
          %add3A_246 = arith.constant 3 : i32
          %add3A_247 = arith.addi %mul3A_245, %add3A_246 : i32
          %swap3A_248 = arith.index_cast %cond3A_152 : i32 to index
          %swap3A_249 = memref.load %arg10[%swap3A_248] : memref<800xi32, #tpu.memory_space<smem>>
          memref.store %add3A_247, %arg10[%swap3A_248] : memref<800xi32, #tpu.memory_space<smem>>
          %mul3A_250 = arith.constant 128 : i32
          %mul3A_251 = arith.muli %add3A_247, %mul3A_250 : i32
          %mul3A_252 = arith.constant 128 : i32
          %mul3A_253 = arith.muli %cond3A_152, %mul3A_252 : i32
          %dma_start3A_254 = tpu.memref_slice %arg8[%mul3A_253] : memref<102400xf32, #tpu.memory_space<vmem>> -> memref<128xf32, #tpu.memory_space<vmem>>
          %dma_start3A_255 = tpu.memref_slice %arg2[%add3A_5, %mul3A_251] : memref<64x102400xf32, #tpu.memory_space<hbm>> -> memref<1x128xf32, #tpu.memory_space<hbm>>
          %dma_start3A_256 = tpu.memref_squeeze %dma_start3A_255 : memref<1x128xf32, #tpu.memory_space<hbm>> -> memref<128xf32, #tpu.memory_space<hbm>>
          %dma_start3A_257 = tpu.memref_slice %arg8[%mul3A_253] : memref<102400xf32, #tpu.memory_space<vmem>> -> memref<128xf32, #tpu.memory_space<vmem>>
          %dma_start3A_258 = tpu.memref_slice %arg2[%add3A_5, %mul3A_251] : memref<64x102400xf32, #tpu.memory_space<hbm>> -> memref<1x128xf32, #tpu.memory_space<hbm>>
          %dma_start3A_259 = tpu.memref_squeeze %dma_start3A_258 : memref<1x128xf32, #tpu.memory_space<hbm>> -> memref<128xf32, #tpu.memory_space<hbm>>
          tpu.enqueue_dma source(%dma_start3A_259 : memref<128xf32, #tpu.memory_space<hbm>>) target(%dma_start3A_257 : memref<128xf32, #tpu.memory_space<vmem>>) target_semaphore(%arg14 : memref<!tpu.dma_semaphore, #tpu.memory_space<semaphore_mem>>)
          %add3A_260 = arith.constant 1 : i32
          %add3A_261 = arith.addi %cond3A_152, %add3A_260 : i32
          scf.yield %add3A_261 : i32
        } else {
          scf.yield %cond3A_152 : i32
        }
        %slice3A_160 = vector.extract_strided_slice %get3A_120 {offsets = [4], sizes = [1], strides = [1]} : vector<16xf32> to vector<1xf32>
        %squeeze3A_161 = vector.extract %slice3A_160[0] : f32 from vector<1xf32>
        %ge3A_162 = arith.cmpf oge, %squeeze3A_161, %scan3A_12#1 : f32
        %convert_element_type3A_163 = arith.extui %ge3A_162 : i1 to i32
        %cond3A_164 = arith.constant 0 : i32
        %cond3A_165 = arith.cmpi ne, %convert_element_type3A_163, %cond3A_164 : i32
        %cond3A_166 = scf.if %cond3A_165 -> (i32) {
          %mul3A_244 = arith.constant 16 : i32
          %mul3A_245 = arith.muli %scan3A_116, %mul3A_244 : i32
          %add3A_246 = arith.constant 4 : i32
          %add3A_247 = arith.addi %mul3A_245, %add3A_246 : i32
          %swap3A_248 = arith.index_cast %cond3A_159 : i32 to index
          %swap3A_249 = memref.load %arg10[%swap3A_248] : memref<800xi32, #tpu.memory_space<smem>>
          memref.store %add3A_247, %arg10[%swap3A_248] : memref<800xi32, #tpu.memory_space<smem>>
          %mul3A_250 = arith.constant 128 : i32
          %mul3A_251 = arith.muli %add3A_247, %mul3A_250 : i32
          %mul3A_252 = arith.constant 128 : i32
          %mul3A_253 = arith.muli %cond3A_159, %mul3A_252 : i32
          %dma_start3A_254 = tpu.memref_slice %arg8[%mul3A_253] : memref<102400xf32, #tpu.memory_space<vmem>> -> memref<128xf32, #tpu.memory_space<vmem>>
          %dma_start3A_255 = tpu.memref_slice %arg2[%add3A_5, %mul3A_251] : memref<64x102400xf32, #tpu.memory_space<hbm>> -> memref<1x128xf32, #tpu.memory_space<hbm>>
          %dma_start3A_256 = tpu.memref_squeeze %dma_start3A_255 : memref<1x128xf32, #tpu.memory_space<hbm>> -> memref<128xf32, #tpu.memory_space<hbm>>
          %dma_start3A_257 = tpu.memref_slice %arg8[%mul3A_253] : memref<102400xf32, #tpu.memory_space<vmem>> -> memref<128xf32, #tpu.memory_space<vmem>>
          %dma_start3A_258 = tpu.memref_slice %arg2[%add3A_5, %mul3A_251] : memref<64x102400xf32, #tpu.memory_space<hbm>> -> memref<1x128xf32, #tpu.memory_space<hbm>>
          %dma_start3A_259 = tpu.memref_squeeze %dma_start3A_258 : memref<1x128xf32, #tpu.memory_space<hbm>> -> memref<128xf32, #tpu.memory_space<hbm>>
          tpu.enqueue_dma source(%dma_start3A_259 : memref<128xf32, #tpu.memory_space<hbm>>) target(%dma_start3A_257 : memref<128xf32, #tpu.memory_space<vmem>>) target_semaphore(%arg14 : memref<!tpu.dma_semaphore, #tpu.memory_space<semaphore_mem>>)
          %add3A_260 = arith.constant 1 : i32
          %add3A_261 = arith.addi %cond3A_159, %add3A_260 : i32
          scf.yield %add3A_261 : i32
        } else {
          scf.yield %cond3A_159 : i32
        }
        %slice3A_167 = vector.extract_strided_slice %get3A_120 {offsets = [5], sizes = [1], strides = [1]} : vector<16xf32> to vector<1xf32>
        %squeeze3A_168 = vector.extract %slice3A_167[0] : f32 from vector<1xf32>
        %ge3A_169 = arith.cmpf oge, %squeeze3A_168, %scan3A_12#1 : f32
        %convert_element_type3A_170 = arith.extui %ge3A_169 : i1 to i32
        %cond3A_171 = arith.constant 0 : i32
        %cond3A_172 = arith.cmpi ne, %convert_element_type3A_170, %cond3A_171 : i32
        %cond3A_173 = scf.if %cond3A_172 -> (i32) {
          %mul3A_244 = arith.constant 16 : i32
          %mul3A_245 = arith.muli %scan3A_116, %mul3A_244 : i32
          %add3A_246 = arith.constant 5 : i32
          %add3A_247 = arith.addi %mul3A_245, %add3A_246 : i32
          %swap3A_248 = arith.index_cast %cond3A_166 : i32 to index
          %swap3A_249 = memref.load %arg10[%swap3A_248] : memref<800xi32, #tpu.memory_space<smem>>
          memref.store %add3A_247, %arg10[%swap3A_248] : memref<800xi32, #tpu.memory_space<smem>>
          %mul3A_250 = arith.constant 128 : i32
          %mul3A_251 = arith.muli %add3A_247, %mul3A_250 : i32
          %mul3A_252 = arith.constant 128 : i32
          %mul3A_253 = arith.muli %cond3A_166, %mul3A_252 : i32
          %dma_start3A_254 = tpu.memref_slice %arg8[%mul3A_253] : memref<102400xf32, #tpu.memory_space<vmem>> -> memref<128xf32, #tpu.memory_space<vmem>>
          %dma_start3A_255 = tpu.memref_slice %arg2[%add3A_5, %mul3A_251] : memref<64x102400xf32, #tpu.memory_space<hbm>> -> memref<1x128xf32, #tpu.memory_space<hbm>>
          %dma_start3A_256 = tpu.memref_squeeze %dma_start3A_255 : memref<1x128xf32, #tpu.memory_space<hbm>> -> memref<128xf32, #tpu.memory_space<hbm>>
          %dma_start3A_257 = tpu.memref_slice %arg8[%mul3A_253] : memref<102400xf32, #tpu.memory_space<vmem>> -> memref<128xf32, #tpu.memory_space<vmem>>
          %dma_start3A_258 = tpu.memref_slice %arg2[%add3A_5, %mul3A_251] : memref<64x102400xf32, #tpu.memory_space<hbm>> -> memref<1x128xf32, #tpu.memory_space<hbm>>
          %dma_start3A_259 = tpu.memref_squeeze %dma_start3A_258 : memref<1x128xf32, #tpu.memory_space<hbm>> -> memref<128xf32, #tpu.memory_space<hbm>>
          tpu.enqueue_dma source(%dma_start3A_259 : memref<128xf32, #tpu.memory_space<hbm>>) target(%dma_start3A_257 : memref<128xf32, #tpu.memory_space<vmem>>) target_semaphore(%arg14 : memref<!tpu.dma_semaphore, #tpu.memory_space<semaphore_mem>>)
          %add3A_260 = arith.constant 1 : i32
          %add3A_261 = arith.addi %cond3A_166, %add3A_260 : i32
          scf.yield %add3A_261 : i32
        } else {
          scf.yield %cond3A_166 : i32
        }
        %slice3A_174 = vector.extract_strided_slice %get3A_120 {offsets = [6], sizes = [1], strides = [1]} : vector<16xf32> to vector<1xf32>
        %squeeze3A_175 = vector.extract %slice3A_174[0] : f32 from vector<1xf32>
        %ge3A_176 = arith.cmpf oge, %squeeze3A_175, %scan3A_12#1 : f32
        %convert_element_type3A_177 = arith.extui %ge3A_176 : i1 to i32
        %cond3A_178 = arith.constant 0 : i32
        %cond3A_179 = arith.cmpi ne, %convert_element_type3A_177, %cond3A_178 : i32
        %cond3A_180 = scf.if %cond3A_179 -> (i32) {
          %mul3A_244 = arith.constant 16 : i32
          %mul3A_245 = arith.muli %scan3A_116, %mul3A_244 : i32
          %add3A_246 = arith.constant 6 : i32
          %add3A_247 = arith.addi %mul3A_245, %add3A_246 : i32
          %swap3A_248 = arith.index_cast %cond3A_173 : i32 to index
          %swap3A_249 = memref.load %arg10[%swap3A_248] : memref<800xi32, #tpu.memory_space<smem>>
          memref.store %add3A_247, %arg10[%swap3A_248] : memref<800xi32, #tpu.memory_space<smem>>
          %mul3A_250 = arith.constant 128 : i32
          %mul3A_251 = arith.muli %add3A_247, %mul3A_250 : i32
          %mul3A_252 = arith.constant 128 : i32
          %mul3A_253 = arith.muli %cond3A_173, %mul3A_252 : i32
          %dma_start3A_254 = tpu.memref_slice %arg8[%mul3A_253] : memref<102400xf32, #tpu.memory_space<vmem>> -> memref<128xf32, #tpu.memory_space<vmem>>
          %dma_start3A_255 = tpu.memref_slice %arg2[%add3A_5, %mul3A_251] : memref<64x102400xf32, #tpu.memory_space<hbm>> -> memref<1x128xf32, #tpu.memory_space<hbm>>
          %dma_start3A_256 = tpu.memref_squeeze %dma_start3A_255 : memref<1x128xf32, #tpu.memory_space<hbm>> -> memref<128xf32, #tpu.memory_space<hbm>>
          %dma_start3A_257 = tpu.memref_slice %arg8[%mul3A_253] : memref<102400xf32, #tpu.memory_space<vmem>> -> memref<128xf32, #tpu.memory_space<vmem>>
          %dma_start3A_258 = tpu.memref_slice %arg2[%add3A_5, %mul3A_251] : memref<64x102400xf32, #tpu.memory_space<hbm>> -> memref<1x128xf32, #tpu.memory_space<hbm>>
          %dma_start3A_259 = tpu.memref_squeeze %dma_start3A_258 : memref<1x128xf32, #tpu.memory_space<hbm>> -> memref<128xf32, #tpu.memory_space<hbm>>
          tpu.enqueue_dma source(%dma_start3A_259 : memref<128xf32, #tpu.memory_space<hbm>>) target(%dma_start3A_257 : memref<128xf32, #tpu.memory_space<vmem>>) target_semaphore(%arg14 : memref<!tpu.dma_semaphore, #tpu.memory_space<semaphore_mem>>)
          %add3A_260 = arith.constant 1 : i32
          %add3A_261 = arith.addi %cond3A_173, %add3A_260 : i32
          scf.yield %add3A_261 : i32
        } else {
          scf.yield %cond3A_173 : i32
        }
        %slice3A_181 = vector.extract_strided_slice %get3A_120 {offsets = [7], sizes = [1], strides = [1]} : vector<16xf32> to vector<1xf32>
        %squeeze3A_182 = vector.extract %slice3A_181[0] : f32 from vector<1xf32>
        %ge3A_183 = arith.cmpf oge, %squeeze3A_182, %scan3A_12#1 : f32
        %convert_element_type3A_184 = arith.extui %ge3A_183 : i1 to i32
        %cond3A_185 = arith.constant 0 : i32
        %cond3A_186 = arith.cmpi ne, %convert_element_type3A_184, %cond3A_185 : i32
        %cond3A_187 = scf.if %cond3A_186 -> (i32) {
          %mul3A_244 = arith.constant 16 : i32
          %mul3A_245 = arith.muli %scan3A_116, %mul3A_244 : i32
          %add3A_246 = arith.constant 7 : i32
          %add3A_247 = arith.addi %mul3A_245, %add3A_246 : i32
          %swap3A_248 = arith.index_cast %cond3A_180 : i32 to index
          %swap3A_249 = memref.load %arg10[%swap3A_248] : memref<800xi32, #tpu.memory_space<smem>>
          memref.store %add3A_247, %arg10[%swap3A_248] : memref<800xi32, #tpu.memory_space<smem>>
          %mul3A_250 = arith.constant 128 : i32
          %mul3A_251 = arith.muli %add3A_247, %mul3A_250 : i32
          %mul3A_252 = arith.constant 128 : i32
          %mul3A_253 = arith.muli %cond3A_180, %mul3A_252 : i32
          %dma_start3A_254 = tpu.memref_slice %arg8[%mul3A_253] : memref<102400xf32, #tpu.memory_space<vmem>> -> memref<128xf32, #tpu.memory_space<vmem>>
          %dma_start3A_255 = tpu.memref_slice %arg2[%add3A_5, %mul3A_251] : memref<64x102400xf32, #tpu.memory_space<hbm>> -> memref<1x128xf32, #tpu.memory_space<hbm>>
          %dma_start3A_256 = tpu.memref_squeeze %dma_start3A_255 : memref<1x128xf32, #tpu.memory_space<hbm>> -> memref<128xf32, #tpu.memory_space<hbm>>
          %dma_start3A_257 = tpu.memref_slice %arg8[%mul3A_253] : memref<102400xf32, #tpu.memory_space<vmem>> -> memref<128xf32, #tpu.memory_space<vmem>>
          %dma_start3A_258 = tpu.memref_slice %arg2[%add3A_5, %mul3A_251] : memref<64x102400xf32, #tpu.memory_space<hbm>> -> memref<1x128xf32, #tpu.memory_space<hbm>>
          %dma_start3A_259 = tpu.memref_squeeze %dma_start3A_258 : memref<1x128xf32, #tpu.memory_space<hbm>> -> memref<128xf32, #tpu.memory_space<hbm>>
          tpu.enqueue_dma source(%dma_start3A_259 : memref<128xf32, #tpu.memory_space<hbm>>) target(%dma_start3A_257 : memref<128xf32, #tpu.memory_space<vmem>>) target_semaphore(%arg14 : memref<!tpu.dma_semaphore, #tpu.memory_space<semaphore_mem>>)
          %add3A_260 = arith.constant 1 : i32
          %add3A_261 = arith.addi %cond3A_180, %add3A_260 : i32
          scf.yield %add3A_261 : i32
        } else {
          scf.yield %cond3A_180 : i32
        }
        %slice3A_188 = vector.extract_strided_slice %get3A_120 {offsets = [8], sizes = [1], strides = [1]} : vector<16xf32> to vector<1xf32>
        %squeeze3A_189 = vector.extract %slice3A_188[0] : f32 from vector<1xf32>
        %ge3A_190 = arith.cmpf oge, %squeeze3A_189, %scan3A_12#1 : f32
        %convert_element_type3A_191 = arith.extui %ge3A_190 : i1 to i32
        %cond3A_192 = arith.constant 0 : i32
        %cond3A_193 = arith.cmpi ne, %convert_element_type3A_191, %cond3A_192 : i32
        %cond3A_194 = scf.if %cond3A_193 -> (i32) {
          %mul3A_244 = arith.constant 16 : i32
          %mul3A_245 = arith.muli %scan3A_116, %mul3A_244 : i32
          %add3A_246 = arith.constant 8 : i32
          %add3A_247 = arith.addi %mul3A_245, %add3A_246 : i32
          %swap3A_248 = arith.index_cast %cond3A_187 : i32 to index
          %swap3A_249 = memref.load %arg10[%swap3A_248] : memref<800xi32, #tpu.memory_space<smem>>
          memref.store %add3A_247, %arg10[%swap3A_248] : memref<800xi32, #tpu.memory_space<smem>>
          %mul3A_250 = arith.constant 128 : i32
          %mul3A_251 = arith.muli %add3A_247, %mul3A_250 : i32
          %mul3A_252 = arith.constant 128 : i32
          %mul3A_253 = arith.muli %cond3A_187, %mul3A_252 : i32
          %dma_start3A_254 = tpu.memref_slice %arg8[%mul3A_253] : memref<102400xf32, #tpu.memory_space<vmem>> -> memref<128xf32, #tpu.memory_space<vmem>>
          %dma_start3A_255 = tpu.memref_slice %arg2[%add3A_5, %mul3A_251] : memref<64x102400xf32, #tpu.memory_space<hbm>> -> memref<1x128xf32, #tpu.memory_space<hbm>>
          %dma_start3A_256 = tpu.memref_squeeze %dma_start3A_255 : memref<1x128xf32, #tpu.memory_space<hbm>> -> memref<128xf32, #tpu.memory_space<hbm>>
          %dma_start3A_257 = tpu.memref_slice %arg8[%mul3A_253] : memref<102400xf32, #tpu.memory_space<vmem>> -> memref<128xf32, #tpu.memory_space<vmem>>
          %dma_start3A_258 = tpu.memref_slice %arg2[%add3A_5, %mul3A_251] : memref<64x102400xf32, #tpu.memory_space<hbm>> -> memref<1x128xf32, #tpu.memory_space<hbm>>
          %dma_start3A_259 = tpu.memref_squeeze %dma_start3A_258 : memref<1x128xf32, #tpu.memory_space<hbm>> -> memref<128xf32, #tpu.memory_space<hbm>>
          tpu.enqueue_dma source(%dma_start3A_259 : memref<128xf32, #tpu.memory_space<hbm>>) target(%dma_start3A_257 : memref<128xf32, #tpu.memory_space<vmem>>) target_semaphore(%arg14 : memref<!tpu.dma_semaphore, #tpu.memory_space<semaphore_mem>>)
          %add3A_260 = arith.constant 1 : i32
          %add3A_261 = arith.addi %cond3A_187, %add3A_260 : i32
          scf.yield %add3A_261 : i32
        } else {
          scf.yield %cond3A_187 : i32
        }
        %slice3A_195 = vector.extract_strided_slice %get3A_120 {offsets = [9], sizes = [1], strides = [1]} : vector<16xf32> to vector<1xf32>
        %squeeze3A_196 = vector.extract %slice3A_195[0] : f32 from vector<1xf32>
        %ge3A_197 = arith.cmpf oge, %squeeze3A_196, %scan3A_12#1 : f32
        %convert_element_type3A_198 = arith.extui %ge3A_197 : i1 to i32
        %cond3A_199 = arith.constant 0 : i32
        %cond3A_200 = arith.cmpi ne, %convert_element_type3A_198, %cond3A_199 : i32
        %cond3A_201 = scf.if %cond3A_200 -> (i32) {
          %mul3A_244 = arith.constant 16 : i32
          %mul3A_245 = arith.muli %scan3A_116, %mul3A_244 : i32
          %add3A_246 = arith.constant 9 : i32
          %add3A_247 = arith.addi %mul3A_245, %add3A_246 : i32
          %swap3A_248 = arith.index_cast %cond3A_194 : i32 to index
          %swap3A_249 = memref.load %arg10[%swap3A_248] : memref<800xi32, #tpu.memory_space<smem>>
          memref.store %add3A_247, %arg10[%swap3A_248] : memref<800xi32, #tpu.memory_space<smem>>
          %mul3A_250 = arith.constant 128 : i32
          %mul3A_251 = arith.muli %add3A_247, %mul3A_250 : i32
          %mul3A_252 = arith.constant 128 : i32
          %mul3A_253 = arith.muli %cond3A_194, %mul3A_252 : i32
          %dma_start3A_254 = tpu.memref_slice %arg8[%mul3A_253] : memref<102400xf32, #tpu.memory_space<vmem>> -> memref<128xf32, #tpu.memory_space<vmem>>
          %dma_start3A_255 = tpu.memref_slice %arg2[%add3A_5, %mul3A_251] : memref<64x102400xf32, #tpu.memory_space<hbm>> -> memref<1x128xf32, #tpu.memory_space<hbm>>
          %dma_start3A_256 = tpu.memref_squeeze %dma_start3A_255 : memref<1x128xf32, #tpu.memory_space<hbm>> -> memref<128xf32, #tpu.memory_space<hbm>>
          %dma_start3A_257 = tpu.memref_slice %arg8[%mul3A_253] : memref<102400xf32, #tpu.memory_space<vmem>> -> memref<128xf32, #tpu.memory_space<vmem>>
          %dma_start3A_258 = tpu.memref_slice %arg2[%add3A_5, %mul3A_251] : memref<64x102400xf32, #tpu.memory_space<hbm>> -> memref<1x128xf32, #tpu.memory_space<hbm>>
          %dma_start3A_259 = tpu.memref_squeeze %dma_start3A_258 : memref<1x128xf32, #tpu.memory_space<hbm>> -> memref<128xf32, #tpu.memory_space<hbm>>
          tpu.enqueue_dma source(%dma_start3A_259 : memref<128xf32, #tpu.memory_space<hbm>>) target(%dma_start3A_257 : memref<128xf32, #tpu.memory_space<vmem>>) target_semaphore(%arg14 : memref<!tpu.dma_semaphore, #tpu.memory_space<semaphore_mem>>)
          %add3A_260 = arith.constant 1 : i32
          %add3A_261 = arith.addi %cond3A_194, %add3A_260 : i32
          scf.yield %add3A_261 : i32
        } else {
          scf.yield %cond3A_194 : i32
        }
        %slice3A_202 = vector.extract_strided_slice %get3A_120 {offsets = [10], sizes = [1], strides = [1]} : vector<16xf32> to vector<1xf32>
        %squeeze3A_203 = vector.extract %slice3A_202[0] : f32 from vector<1xf32>
        %ge3A_204 = arith.cmpf oge, %squeeze3A_203, %scan3A_12#1 : f32
        %convert_element_type3A_205 = arith.extui %ge3A_204 : i1 to i32
        %cond3A_206 = arith.constant 0 : i32
        %cond3A_207 = arith.cmpi ne, %convert_element_type3A_205, %cond3A_206 : i32
        %cond3A_208 = scf.if %cond3A_207 -> (i32) {
          %mul3A_244 = arith.constant 16 : i32
          %mul3A_245 = arith.muli %scan3A_116, %mul3A_244 : i32
          %add3A_246 = arith.constant 10 : i32
          %add3A_247 = arith.addi %mul3A_245, %add3A_246 : i32
          %swap3A_248 = arith.index_cast %cond3A_201 : i32 to index
          %swap3A_249 = memref.load %arg10[%swap3A_248] : memref<800xi32, #tpu.memory_space<smem>>
          memref.store %add3A_247, %arg10[%swap3A_248] : memref<800xi32, #tpu.memory_space<smem>>
          %mul3A_250 = arith.constant 128 : i32
          %mul3A_251 = arith.muli %add3A_247, %mul3A_250 : i32
          %mul3A_252 = arith.constant 128 : i32
          %mul3A_253 = arith.muli %cond3A_201, %mul3A_252 : i32
          %dma_start3A_254 = tpu.memref_slice %arg8[%mul3A_253] : memref<102400xf32, #tpu.memory_space<vmem>> -> memref<128xf32, #tpu.memory_space<vmem>>
          %dma_start3A_255 = tpu.memref_slice %arg2[%add3A_5, %mul3A_251] : memref<64x102400xf32, #tpu.memory_space<hbm>> -> memref<1x128xf32, #tpu.memory_space<hbm>>
          %dma_start3A_256 = tpu.memref_squeeze %dma_start3A_255 : memref<1x128xf32, #tpu.memory_space<hbm>> -> memref<128xf32, #tpu.memory_space<hbm>>
          %dma_start3A_257 = tpu.memref_slice %arg8[%mul3A_253] : memref<102400xf32, #tpu.memory_space<vmem>> -> memref<128xf32, #tpu.memory_space<vmem>>
          %dma_start3A_258 = tpu.memref_slice %arg2[%add3A_5, %mul3A_251] : memref<64x102400xf32, #tpu.memory_space<hbm>> -> memref<1x128xf32, #tpu.memory_space<hbm>>
          %dma_start3A_259 = tpu.memref_squeeze %dma_start3A_258 : memref<1x128xf32, #tpu.memory_space<hbm>> -> memref<128xf32, #tpu.memory_space<hbm>>
          tpu.enqueue_dma source(%dma_start3A_259 : memref<128xf32, #tpu.memory_space<hbm>>) target(%dma_start3A_257 : memref<128xf32, #tpu.memory_space<vmem>>) target_semaphore(%arg14 : memref<!tpu.dma_semaphore, #tpu.memory_space<semaphore_mem>>)
          %add3A_260 = arith.constant 1 : i32
          %add3A_261 = arith.addi %cond3A_201, %add3A_260 : i32
          scf.yield %add3A_261 : i32
        } else {
          scf.yield %cond3A_201 : i32
        }
        %slice3A_209 = vector.extract_strided_slice %get3A_120 {offsets = [11], sizes = [1], strides = [1]} : vector<16xf32> to vector<1xf32>
        %squeeze3A_210 = vector.extract %slice3A_209[0] : f32 from vector<1xf32>
        %ge3A_211 = arith.cmpf oge, %squeeze3A_210, %scan3A_12#1 : f32
        %convert_element_type3A_212 = arith.extui %ge3A_211 : i1 to i32
        %cond3A_213 = arith.constant 0 : i32
        %cond3A_214 = arith.cmpi ne, %convert_element_type3A_212, %cond3A_213 : i32
        %cond3A_215 = scf.if %cond3A_214 -> (i32) {
          %mul3A_244 = arith.constant 16 : i32
          %mul3A_245 = arith.muli %scan3A_116, %mul3A_244 : i32
          %add3A_246 = arith.constant 11 : i32
          %add3A_247 = arith.addi %mul3A_245, %add3A_246 : i32
          %swap3A_248 = arith.index_cast %cond3A_208 : i32 to index
          %swap3A_249 = memref.load %arg10[%swap3A_248] : memref<800xi32, #tpu.memory_space<smem>>
          memref.store %add3A_247, %arg10[%swap3A_248] : memref<800xi32, #tpu.memory_space<smem>>
          %mul3A_250 = arith.constant 128 : i32
          %mul3A_251 = arith.muli %add3A_247, %mul3A_250 : i32
          %mul3A_252 = arith.constant 128 : i32
          %mul3A_253 = arith.muli %cond3A_208, %mul3A_252 : i32
          %dma_start3A_254 = tpu.memref_slice %arg8[%mul3A_253] : memref<102400xf32, #tpu.memory_space<vmem>> -> memref<128xf32, #tpu.memory_space<vmem>>
          %dma_start3A_255 = tpu.memref_slice %arg2[%add3A_5, %mul3A_251] : memref<64x102400xf32, #tpu.memory_space<hbm>> -> memref<1x128xf32, #tpu.memory_space<hbm>>
          %dma_start3A_256 = tpu.memref_squeeze %dma_start3A_255 : memref<1x128xf32, #tpu.memory_space<hbm>> -> memref<128xf32, #tpu.memory_space<hbm>>
          %dma_start3A_257 = tpu.memref_slice %arg8[%mul3A_253] : memref<102400xf32, #tpu.memory_space<vmem>> -> memref<128xf32, #tpu.memory_space<vmem>>
          %dma_start3A_258 = tpu.memref_slice %arg2[%add3A_5, %mul3A_251] : memref<64x102400xf32, #tpu.memory_space<hbm>> -> memref<1x128xf32, #tpu.memory_space<hbm>>
          %dma_start3A_259 = tpu.memref_squeeze %dma_start3A_258 : memref<1x128xf32, #tpu.memory_space<hbm>> -> memref<128xf32, #tpu.memory_space<hbm>>
          tpu.enqueue_dma source(%dma_start3A_259 : memref<128xf32, #tpu.memory_space<hbm>>) target(%dma_start3A_257 : memref<128xf32, #tpu.memory_space<vmem>>) target_semaphore(%arg14 : memref<!tpu.dma_semaphore, #tpu.memory_space<semaphore_mem>>)
          %add3A_260 = arith.constant 1 : i32
          %add3A_261 = arith.addi %cond3A_208, %add3A_260 : i32
          scf.yield %add3A_261 : i32
        } else {
          scf.yield %cond3A_208 : i32
        }
        %slice3A_216 = vector.extract_strided_slice %get3A_120 {offsets = [12], sizes = [1], strides = [1]} : vector<16xf32> to vector<1xf32>
        %squeeze3A_217 = vector.extract %slice3A_216[0] : f32 from vector<1xf32>
        %ge3A_218 = arith.cmpf oge, %squeeze3A_217, %scan3A_12#1 : f32
        %convert_element_type3A_219 = arith.extui %ge3A_218 : i1 to i32
        %cond3A_220 = arith.constant 0 : i32
        %cond3A_221 = arith.cmpi ne, %convert_element_type3A_219, %cond3A_220 : i32
        %cond3A_222 = scf.if %cond3A_221 -> (i32) {
          %mul3A_244 = arith.constant 16 : i32
          %mul3A_245 = arith.muli %scan3A_116, %mul3A_244 : i32
          %add3A_246 = arith.constant 12 : i32
          %add3A_247 = arith.addi %mul3A_245, %add3A_246 : i32
          %swap3A_248 = arith.index_cast %cond3A_215 : i32 to index
          %swap3A_249 = memref.load %arg10[%swap3A_248] : memref<800xi32, #tpu.memory_space<smem>>
          memref.store %add3A_247, %arg10[%swap3A_248] : memref<800xi32, #tpu.memory_space<smem>>
          %mul3A_250 = arith.constant 128 : i32
          %mul3A_251 = arith.muli %add3A_247, %mul3A_250 : i32
          %mul3A_252 = arith.constant 128 : i32
          %mul3A_253 = arith.muli %cond3A_215, %mul3A_252 : i32
          %dma_start3A_254 = tpu.memref_slice %arg8[%mul3A_253] : memref<102400xf32, #tpu.memory_space<vmem>> -> memref<128xf32, #tpu.memory_space<vmem>>
          %dma_start3A_255 = tpu.memref_slice %arg2[%add3A_5, %mul3A_251] : memref<64x102400xf32, #tpu.memory_space<hbm>> -> memref<1x128xf32, #tpu.memory_space<hbm>>
          %dma_start3A_256 = tpu.memref_squeeze %dma_start3A_255 : memref<1x128xf32, #tpu.memory_space<hbm>> -> memref<128xf32, #tpu.memory_space<hbm>>
          %dma_start3A_257 = tpu.memref_slice %arg8[%mul3A_253] : memref<102400xf32, #tpu.memory_space<vmem>> -> memref<128xf32, #tpu.memory_space<vmem>>
          %dma_start3A_258 = tpu.memref_slice %arg2[%add3A_5, %mul3A_251] : memref<64x102400xf32, #tpu.memory_space<hbm>> -> memref<1x128xf32, #tpu.memory_space<hbm>>
          %dma_start3A_259 = tpu.memref_squeeze %dma_start3A_258 : memref<1x128xf32, #tpu.memory_space<hbm>> -> memref<128xf32, #tpu.memory_space<hbm>>
          tpu.enqueue_dma source(%dma_start3A_259 : memref<128xf32, #tpu.memory_space<hbm>>) target(%dma_start3A_257 : memref<128xf32, #tpu.memory_space<vmem>>) target_semaphore(%arg14 : memref<!tpu.dma_semaphore, #tpu.memory_space<semaphore_mem>>)
          %add3A_260 = arith.constant 1 : i32
          %add3A_261 = arith.addi %cond3A_215, %add3A_260 : i32
          scf.yield %add3A_261 : i32
        } else {
          scf.yield %cond3A_215 : i32
        }
        %slice3A_223 = vector.extract_strided_slice %get3A_120 {offsets = [13], sizes = [1], strides = [1]} : vector<16xf32> to vector<1xf32>
        %squeeze3A_224 = vector.extract %slice3A_223[0] : f32 from vector<1xf32>
        %ge3A_225 = arith.cmpf oge, %squeeze3A_224, %scan3A_12#1 : f32
        %convert_element_type3A_226 = arith.extui %ge3A_225 : i1 to i32
        %cond3A_227 = arith.constant 0 : i32
        %cond3A_228 = arith.cmpi ne, %convert_element_type3A_226, %cond3A_227 : i32
        %cond3A_229 = scf.if %cond3A_228 -> (i32) {
          %mul3A_244 = arith.constant 16 : i32
          %mul3A_245 = arith.muli %scan3A_116, %mul3A_244 : i32
          %add3A_246 = arith.constant 13 : i32
          %add3A_247 = arith.addi %mul3A_245, %add3A_246 : i32
          %swap3A_248 = arith.index_cast %cond3A_222 : i32 to index
          %swap3A_249 = memref.load %arg10[%swap3A_248] : memref<800xi32, #tpu.memory_space<smem>>
          memref.store %add3A_247, %arg10[%swap3A_248] : memref<800xi32, #tpu.memory_space<smem>>
          %mul3A_250 = arith.constant 128 : i32
          %mul3A_251 = arith.muli %add3A_247, %mul3A_250 : i32
          %mul3A_252 = arith.constant 128 : i32
          %mul3A_253 = arith.muli %cond3A_222, %mul3A_252 : i32
          %dma_start3A_254 = tpu.memref_slice %arg8[%mul3A_253] : memref<102400xf32, #tpu.memory_space<vmem>> -> memref<128xf32, #tpu.memory_space<vmem>>
          %dma_start3A_255 = tpu.memref_slice %arg2[%add3A_5, %mul3A_251] : memref<64x102400xf32, #tpu.memory_space<hbm>> -> memref<1x128xf32, #tpu.memory_space<hbm>>
          %dma_start3A_256 = tpu.memref_squeeze %dma_start3A_255 : memref<1x128xf32, #tpu.memory_space<hbm>> -> memref<128xf32, #tpu.memory_space<hbm>>
          %dma_start3A_257 = tpu.memref_slice %arg8[%mul3A_253] : memref<102400xf32, #tpu.memory_space<vmem>> -> memref<128xf32, #tpu.memory_space<vmem>>
          %dma_start3A_258 = tpu.memref_slice %arg2[%add3A_5, %mul3A_251] : memref<64x102400xf32, #tpu.memory_space<hbm>> -> memref<1x128xf32, #tpu.memory_space<hbm>>
          %dma_start3A_259 = tpu.memref_squeeze %dma_start3A_258 : memref<1x128xf32, #tpu.memory_space<hbm>> -> memref<128xf32, #tpu.memory_space<hbm>>
          tpu.enqueue_dma source(%dma_start3A_259 : memref<128xf32, #tpu.memory_space<hbm>>) target(%dma_start3A_257 : memref<128xf32, #tpu.memory_space<vmem>>) target_semaphore(%arg14 : memref<!tpu.dma_semaphore, #tpu.memory_space<semaphore_mem>>)
          %add3A_260 = arith.constant 1 : i32
          %add3A_261 = arith.addi %cond3A_222, %add3A_260 : i32
          scf.yield %add3A_261 : i32
        } else {
          scf.yield %cond3A_222 : i32
        }
        %slice3A_230 = vector.extract_strided_slice %get3A_120 {offsets = [14], sizes = [1], strides = [1]} : vector<16xf32> to vector<1xf32>
        %squeeze3A_231 = vector.extract %slice3A_230[0] : f32 from vector<1xf32>
        %ge3A_232 = arith.cmpf oge, %squeeze3A_231, %scan3A_12#1 : f32
        %convert_element_type3A_233 = arith.extui %ge3A_232 : i1 to i32
        %cond3A_234 = arith.constant 0 : i32
        %cond3A_235 = arith.cmpi ne, %convert_element_type3A_233, %cond3A_234 : i32
        %cond3A_236 = scf.if %cond3A_235 -> (i32) {
          %mul3A_244 = arith.constant 16 : i32
          %mul3A_245 = arith.muli %scan3A_116, %mul3A_244 : i32
          %add3A_246 = arith.constant 14 : i32
          %add3A_247 = arith.addi %mul3A_245, %add3A_246 : i32
          %swap3A_248 = arith.index_cast %cond3A_229 : i32 to index
          %swap3A_249 = memref.load %arg10[%swap3A_248] : memref<800xi32, #tpu.memory_space<smem>>
          memref.store %add3A_247, %arg10[%swap3A_248] : memref<800xi32, #tpu.memory_space<smem>>
          %mul3A_250 = arith.constant 128 : i32
          %mul3A_251 = arith.muli %add3A_247, %mul3A_250 : i32
          %mul3A_252 = arith.constant 128 : i32
          %mul3A_253 = arith.muli %cond3A_229, %mul3A_252 : i32
          %dma_start3A_254 = tpu.memref_slice %arg8[%mul3A_253] : memref<102400xf32, #tpu.memory_space<vmem>> -> memref<128xf32, #tpu.memory_space<vmem>>
          %dma_start3A_255 = tpu.memref_slice %arg2[%add3A_5, %mul3A_251] : memref<64x102400xf32, #tpu.memory_space<hbm>> -> memref<1x128xf32, #tpu.memory_space<hbm>>
          %dma_start3A_256 = tpu.memref_squeeze %dma_start3A_255 : memref<1x128xf32, #tpu.memory_space<hbm>> -> memref<128xf32, #tpu.memory_space<hbm>>
          %dma_start3A_257 = tpu.memref_slice %arg8[%mul3A_253] : memref<102400xf32, #tpu.memory_space<vmem>> -> memref<128xf32, #tpu.memory_space<vmem>>
          %dma_start3A_258 = tpu.memref_slice %arg2[%add3A_5, %mul3A_251] : memref<64x102400xf32, #tpu.memory_space<hbm>> -> memref<1x128xf32, #tpu.memory_space<hbm>>
          %dma_start3A_259 = tpu.memref_squeeze %dma_start3A_258 : memref<1x128xf32, #tpu.memory_space<hbm>> -> memref<128xf32, #tpu.memory_space<hbm>>
          tpu.enqueue_dma source(%dma_start3A_259 : memref<128xf32, #tpu.memory_space<hbm>>) target(%dma_start3A_257 : memref<128xf32, #tpu.memory_space<vmem>>) target_semaphore(%arg14 : memref<!tpu.dma_semaphore, #tpu.memory_space<semaphore_mem>>)
          %add3A_260 = arith.constant 1 : i32
          %add3A_261 = arith.addi %cond3A_229, %add3A_260 : i32
          scf.yield %add3A_261 : i32
        } else {
          scf.yield %cond3A_229 : i32
        }
        %slice3A_237 = vector.extract_strided_slice %get3A_120 {offsets = [15], sizes = [1], strides = [1]} : vector<16xf32> to vector<1xf32>
        %squeeze3A_238 = vector.extract %slice3A_237[0] : f32 from vector<1xf32>
        %ge3A_239 = arith.cmpf oge, %squeeze3A_238, %scan3A_12#1 : f32
        %convert_element_type3A_240 = arith.extui %ge3A_239 : i1 to i32
        %cond3A_241 = arith.constant 0 : i32
        %cond3A_242 = arith.cmpi ne, %convert_element_type3A_240, %cond3A_241 : i32
        %cond3A_243 = scf.if %cond3A_242 -> (i32) {
          %mul3A_244 = arith.constant 16 : i32
          %mul3A_245 = arith.muli %scan3A_116, %mul3A_244 : i32
          %add3A_246 = arith.constant 15 : i32
          %add3A_247 = arith.addi %mul3A_245, %add3A_246 : i32
          %swap3A_248 = arith.index_cast %cond3A_236 : i32 to index
          %swap3A_249 = memref.load %arg10[%swap3A_248] : memref<800xi32, #tpu.memory_space<smem>>
          memref.store %add3A_247, %arg10[%swap3A_248] : memref<800xi32, #tpu.memory_space<smem>>
          %mul3A_250 = arith.constant 128 : i32
          %mul3A_251 = arith.muli %add3A_247, %mul3A_250 : i32
          %mul3A_252 = arith.constant 128 : i32
          %mul3A_253 = arith.muli %cond3A_236, %mul3A_252 : i32
          %dma_start3A_254 = tpu.memref_slice %arg8[%mul3A_253] : memref<102400xf32, #tpu.memory_space<vmem>> -> memref<128xf32, #tpu.memory_space<vmem>>
          %dma_start3A_255 = tpu.memref_slice %arg2[%add3A_5, %mul3A_251] : memref<64x102400xf32, #tpu.memory_space<hbm>> -> memref<1x128xf32, #tpu.memory_space<hbm>>
          %dma_start3A_256 = tpu.memref_squeeze %dma_start3A_255 : memref<1x128xf32, #tpu.memory_space<hbm>> -> memref<128xf32, #tpu.memory_space<hbm>>
          %dma_start3A_257 = tpu.memref_slice %arg8[%mul3A_253] : memref<102400xf32, #tpu.memory_space<vmem>> -> memref<128xf32, #tpu.memory_space<vmem>>
          %dma_start3A_258 = tpu.memref_slice %arg2[%add3A_5, %mul3A_251] : memref<64x102400xf32, #tpu.memory_space<hbm>> -> memref<1x128xf32, #tpu.memory_space<hbm>>
          %dma_start3A_259 = tpu.memref_squeeze %dma_start3A_258 : memref<1x128xf32, #tpu.memory_space<hbm>> -> memref<128xf32, #tpu.memory_space<hbm>>
          tpu.enqueue_dma source(%dma_start3A_259 : memref<128xf32, #tpu.memory_space<hbm>>) target(%dma_start3A_257 : memref<128xf32, #tpu.memory_space<vmem>>) target_semaphore(%arg14 : memref<!tpu.dma_semaphore, #tpu.memory_space<semaphore_mem>>)
          %add3A_260 = arith.constant 1 : i32
          %add3A_261 = arith.addi %cond3A_236, %add3A_260 : i32
          scf.yield %add3A_261 : i32
        } else {
          scf.yield %cond3A_236 : i32
        }
        scf.yield %cond3A_243 : i32
      } else {
        scf.yield %scan3A_117 : i32
      }
      scf.yield %cond3A_133 : i32
    }
    %scan3A_20 = arith.constant 50 : i32
    %while3A = arith.constant 0 : i32
    %while3A_21 = arith.constant 0 : i32
    %while3A_22 = arith.subi %scan3A_19, %while3A_21 : i32
    %while3A_23 = arith.addi %while3A_21, %while3A_22 : i32
    %while3A_24 = arith.constant 1 : i32
    %while3A_25 = arith.divsi %while3A_22, %while3A_24 : i32
    %while3A_26 = arith.muli %while3A_25, %while3A_24 : i32
    %while3A_27 = arith.addi %while3A_21, %while3A_26 : i32
    %while3A_28 = arith.constant 1 : i32
    scf.for %while3A_116 = %while3A_21 to %while3A_27 step %while3A_28  : i32 {
      %dma_wait3A_117 = arith.constant 0 : i32
      %dma_wait3A_118 = tpu.memref_slice %arg8[%dma_wait3A_117] : memref<102400xf32, #tpu.memory_space<vmem>> -> memref<128xf32, #tpu.memory_space<vmem>>
      %dma_wait3A_119 = arith.constant 0 : i32
      %dma_wait3A_120 = tpu.memref_slice %arg2[%add3A_5, %dma_wait3A_119] : memref<64x102400xf32, #tpu.memory_space<hbm>> -> memref<1x128xf32, #tpu.memory_space<hbm>>
      %dma_wait3A_121 = tpu.memref_squeeze %dma_wait3A_120 : memref<1x128xf32, #tpu.memory_space<hbm>> -> memref<128xf32, #tpu.memory_space<hbm>>
      %dma_wait3A_122 = arith.constant 0 : i32
      %dma_wait3A_123 = tpu.memref_slice %arg8[%dma_wait3A_122] : memref<102400xf32, #tpu.memory_space<vmem>> -> memref<128xf32, #tpu.memory_space<vmem>>
      %dma_wait3A_124 = arith.constant 0 : i32
      %dma_wait3A_125 = tpu.memref_slice %arg2[%add3A_5, %dma_wait3A_124] : memref<64x102400xf32, #tpu.memory_space<hbm>> -> memref<1x128xf32, #tpu.memory_space<hbm>>
      %dma_wait3A_126 = tpu.memref_squeeze %dma_wait3A_125 : memref<1x128xf32, #tpu.memory_space<hbm>> -> memref<128xf32, #tpu.memory_space<hbm>>
      tpu.wait_dma2 semaphore(%arg14 : memref<!tpu.dma_semaphore, #tpu.memory_space<semaphore_mem>>) src(%dma_wait3A_126 : memref<128xf32, #tpu.memory_space<hbm>>) dst(%dma_wait3A_123 : memref<128xf32, #tpu.memory_space<vmem>>)
    }
    %while3A_29 = arith.constant 1 : i32
    scf.for %while3A_116 = %while3A_27 to %while3A_23 step %while3A_29  : i32 {
      %dma_wait3A_117 = arith.constant 0 : i32
      %dma_wait3A_118 = tpu.memref_slice %arg8[%dma_wait3A_117] : memref<102400xf32, #tpu.memory_space<vmem>> -> memref<128xf32, #tpu.memory_space<vmem>>
      %dma_wait3A_119 = arith.constant 0 : i32
      %dma_wait3A_120 = tpu.memref_slice %arg2[%add3A_5, %dma_wait3A_119] : memref<64x102400xf32, #tpu.memory_space<hbm>> -> memref<1x128xf32, #tpu.memory_space<hbm>>
      %dma_wait3A_121 = tpu.memref_squeeze %dma_wait3A_120 : memref<1x128xf32, #tpu.memory_space<hbm>> -> memref<128xf32, #tpu.memory_space<hbm>>
      %dma_wait3A_122 = arith.constant 0 : i32
      %dma_wait3A_123 = tpu.memref_slice %arg8[%dma_wait3A_122] : memref<102400xf32, #tpu.memory_space<vmem>> -> memref<128xf32, #tpu.memory_space<vmem>>
      %dma_wait3A_124 = arith.constant 0 : i32
      %dma_wait3A_125 = tpu.memref_slice %arg2[%add3A_5, %dma_wait3A_124] : memref<64x102400xf32, #tpu.memory_space<hbm>> -> memref<1x128xf32, #tpu.memory_space<hbm>>
      %dma_wait3A_126 = tpu.memref_squeeze %dma_wait3A_125 : memref<1x128xf32, #tpu.memory_space<hbm>> -> memref<128xf32, #tpu.memory_space<hbm>>
      tpu.wait_dma2 semaphore(%arg14 : memref<!tpu.dma_semaphore, #tpu.memory_space<semaphore_mem>>) src(%dma_wait3A_126 : memref<128xf32, #tpu.memory_space<hbm>>) dst(%dma_wait3A_123 : memref<128xf32, #tpu.memory_space<vmem>>)
    }
    %broadcast_in_dim3A_30 = arith.constant 0 : i32
    %broadcast_in_dim3A_31 = vector.broadcast %broadcast_in_dim3A_30 : i32 to vector<16xi32>
    %reduce_min3A_32 = arith.constant true
    %reduce_min3A_33 = vector.broadcast %reduce_min3A_32 : i1 to vector<16xi1>
    %reduce_min3A_34 = tpu.scan <min>, %broadcast_in_dim3A_1 masked %reduce_min3A_33 : vector<16xf32>, vector<16xi1> -> vector<16xf32>
    %reduce_min3A_35 = vector.extract %reduce_min3A_34[15] : f32 from vector<16xf32>
    %while3A_36 = arith.constant 0 : i32
    %while3A_37 = arith.subi %scan3A_19, %while3A_36 : i32
    %while3A_38 = arith.addi %while3A_36, %while3A_37 : i32
    %while3A_39 = arith.constant 1 : i32
    %while3A_40 = arith.divsi %while3A_37, %while3A_39 : i32
    %while3A_41 = arith.muli %while3A_40, %while3A_39 : i32
    %while3A_42 = arith.addi %while3A_36, %while3A_41 : i32
    %while3A_43 = arith.constant 1 : i32
    %while3A_44:3 = scf.for %while3A_116 = %while3A_36 to %while3A_42 step %while3A_43 iter_args(%while3A_117 = %broadcast_in_dim3A_1, %while3A_118 = %broadcast_in_dim3A_31, %while3A_119 = %reduce_min3A_35) -> (vector<16xf32>, vector<16xi32>, f32)  : i32 {
      %get3A = arith.index_cast %while3A_116 : i32 to index
      %get3A_120 = memref.load %arg10[%get3A] : memref<800xi32, #tpu.memory_space<smem>>
      %mul3A_121 = arith.constant 128 : i32
      %mul3A_122 = arith.muli %while3A_116, %mul3A_121 : i32
      %add3A_123 = arith.constant 0 : i32
      %add3A_124 = arith.addi %mul3A_122, %add3A_123 : i32
      %get3A_125 = arith.index_cast %add3A_124 : i32 to index
      %get3A_126 = tpu.vector_load %arg8[%get3A_125] {strides = array<i32>} : memref<102400xf32, #tpu.memory_space<vmem>>, vector<16xf32>,
      %mul3A_127 = arith.constant 128 : i32
      %mul3A_128 = arith.muli %get3A_120, %mul3A_127 : i32
      %add3A_129 = arith.constant 0 : i32
      %add3A_130 = arith.addi %mul3A_128, %add3A_129 : i32
      %add3A_131 = vector.broadcast %add3A_130 : i32 to vector<16xi32>
      %add3A_132 = arith.addi %add3A_131, %iota3A : vector<16xi32>
      %gt3A = vector.broadcast %while3A_119 : f32 to vector<16xf32>
      %gt3A_133 = arith.cmpf ogt, %get3A_126, %gt3A : vector<16xf32>
      %reduce_or3A = arith.constant 1.000000e+00 : f32
      %reduce_or3A_134 = arith.constant 0.000000e+00 : f32
      %reduce_or3A_135 = vector.broadcast %reduce_or3A : f32 to vector<16xf32>
      %reduce_or3A_136 = vector.broadcast %reduce_or3A_134 : f32 to vector<16xf32>
      %reduce_or3A_137 = arith.select %gt3A_133, %reduce_or3A_135, %reduce_or3A_136 : vector<16xi1>, vector<16xf32>
      %reduce_or3A_138 = arith.constant true
      %reduce_or3A_139 = vector.broadcast %reduce_or3A_138 : i1 to vector<16xi1>
      %reduce_or3A_140 = tpu.scan <max>, %reduce_or3A_137 masked %reduce_or3A_139 : vector<16xf32>, vector<16xi1> -> vector<16xf32>
      %reduce_or3A_141 = vector.extract %reduce_or3A_140[15] : f32 from vector<16xf32>
      %reduce_or3A_142 = arith.constant 0.000000e+00 : f32
      %reduce_or3A_143 = arith.cmpf ogt, %reduce_or3A_141, %reduce_or3A_142 : f32
      %convert_element_type3A = arith.extui %reduce_or3A_143 : i1 to i32
      %cond3A = arith.constant 0 : i32
      %cond3A_144 = arith.cmpi ne, %convert_element_type3A, %cond3A : i32
      %cond3A_145:3 = scf.if %cond3A_144 -> (vector<16xf32>, vector<16xi32>, f32) {
        %masked_sort3A = arith.constant dense<true> : vector<16xi1>
        %masked_sort3A_335, %masked_sort3A_336, %masked_sort3A_337 = tpu.sort %get3A_126, %add3A_132 masked %masked_sort3A {descending = true} : (vector<16xf32>, vector<16xi32>, vector<16xi1>) -> (vector<16xi1>, vector<16xf32>, vector<16xi32>)
        %rev3A = arith.constant 15 : i32
        %rev3A_338 = vector.broadcast %rev3A : i32 to vector<16xi32>
        %rev3A_339 = tpu.iota {dimensions = array<i32: 0>} : vector<16xi32>
        %rev3A_340 = arith.subi %rev3A_338, %rev3A_339 : vector<16xi32>
        %rev3A_341 = tpu.dynamic_gather %masked_sort3A_336[%rev3A_340] in [0] : vector<16xf32>, vector<16xi32> -> vector<16xf32>
        %rev3A_342 = arith.constant 15 : i32
        %rev3A_343 = vector.broadcast %rev3A_342 : i32 to vector<16xi32>
        %rev3A_344 = tpu.iota {dimensions = array<i32: 0>} : vector<16xi32>
        %rev3A_345 = arith.subi %rev3A_343, %rev3A_344 : vector<16xi32>
        %rev3A_346 = tpu.dynamic_gather %masked_sort3A_337[%rev3A_345] in [0] : vector<16xi32>, vector<16xi32> -> vector<16xi32>
        %gt3A_347 = arith.cmpf ogt, %while3A_117, %rev3A_341 : vector<16xf32>
        %eq3A = arith.cmpf oeq, %while3A_117, %rev3A_341 : vector<16xf32>
        %lt3A = arith.cmpi slt, %while3A_118, %rev3A_346 : vector<16xi32>
        %and3A = arith.andi %eq3A, %lt3A : vector<16xi1>
        %or3A = arith.ori %gt3A_347, %and3A : vector<16xi1>
        %select_n3A = arith.select %or3A, %while3A_117, %rev3A_341 : vector<16xi1>, vector<16xf32>
        %select_n3A_348 = arith.select %or3A, %while3A_118, %rev3A_346 : vector<16xi1>, vector<16xi32>
        %masked_sort3A_349 = arith.constant dense<true> : vector<16xi1>
        %masked_sort3A_350, %masked_sort3A_351, %masked_sort3A_352 = tpu.sort %select_n3A, %select_n3A_348 masked %masked_sort3A_349 {descending = true} : (vector<16xf32>, vector<16xi32>, vector<16xi1>) -> (vector<16xi1>, vector<16xf32>, vector<16xi32>)
        %reduce_min3A_353 = arith.constant true
        %reduce_min3A_354 = vector.broadcast %reduce_min3A_353 : i1 to vector<16xi1>
        %reduce_min3A_355 = tpu.scan <min>, %masked_sort3A_351 masked %reduce_min3A_354 : vector<16xf32>, vector<16xi1> -> vector<16xf32>
        %reduce_min3A_356 = vector.extract %reduce_min3A_355[15] : f32 from vector<16xf32>
        scf.yield %masked_sort3A_351, %masked_sort3A_352, %reduce_min3A_356 : vector<16xf32>, vector<16xi32>, f32
      } else {
        scf.yield %while3A_117, %while3A_118, %while3A_119 : vector<16xf32>, vector<16xi32>, f32
      }
      %add3A_146 = arith.constant 16 : i32
      %add3A_147 = arith.addi %mul3A_122, %add3A_146 : i32
      %get3A_148 = arith.index_cast %add3A_147 : i32 to index
      %get3A_149 = tpu.vector_load %arg8[%get3A_148] {strides = array<i32>} : memref<102400xf32, #tpu.memory_space<vmem>>, vector<16xf32>,
      %mul3A_150 = arith.constant 128 : i32
      %mul3A_151 = arith.muli %get3A_120, %mul3A_150 : i32
      %add3A_152 = arith.constant 16 : i32
      %add3A_153 = arith.addi %mul3A_151, %add3A_152 : i32
      %add3A_154 = vector.broadcast %add3A_153 : i32 to vector<16xi32>
      %add3A_155 = arith.addi %add3A_154, %iota3A : vector<16xi32>
      %gt3A_156 = vector.broadcast %cond3A_145#2 : f32 to vector<16xf32>
      %gt3A_157 = arith.cmpf ogt, %get3A_149, %gt3A_156 : vector<16xf32>
      %reduce_or3A_158 = arith.constant 1.000000e+00 : f32
      %reduce_or3A_159 = arith.constant 0.000000e+00 : f32
      %reduce_or3A_160 = vector.broadcast %reduce_or3A_158 : f32 to vector<16xf32>
      %reduce_or3A_161 = vector.broadcast %reduce_or3A_159 : f32 to vector<16xf32>
      %reduce_or3A_162 = arith.select %gt3A_157, %reduce_or3A_160, %reduce_or3A_161 : vector<16xi1>, vector<16xf32>
      %reduce_or3A_163 = arith.constant true
      %reduce_or3A_164 = vector.broadcast %reduce_or3A_163 : i1 to vector<16xi1>
      %reduce_or3A_165 = tpu.scan <max>, %reduce_or3A_162 masked %reduce_or3A_164 : vector<16xf32>, vector<16xi1> -> vector<16xf32>
      %reduce_or3A_166 = vector.extract %reduce_or3A_165[15] : f32 from vector<16xf32>
      %reduce_or3A_167 = arith.constant 0.000000e+00 : f32
      %reduce_or3A_168 = arith.cmpf ogt, %reduce_or3A_166, %reduce_or3A_167 : f32
      %convert_element_type3A_169 = arith.extui %reduce_or3A_168 : i1 to i32
      %cond3A_170 = arith.constant 0 : i32
      %cond3A_171 = arith.cmpi ne, %convert_element_type3A_169, %cond3A_170 : i32
      %cond3A_172:3 = scf.if %cond3A_171 -> (vector<16xf32>, vector<16xi32>, f32) {
        %masked_sort3A = arith.constant dense<true> : vector<16xi1>
        %masked_sort3A_335, %masked_sort3A_336, %masked_sort3A_337 = tpu.sort %get3A_149, %add3A_155 masked %masked_sort3A {descending = true} : (vector<16xf32>, vector<16xi32>, vector<16xi1>) -> (vector<16xi1>, vector<16xf32>, vector<16xi32>)
        %rev3A = arith.constant 15 : i32
        %rev3A_338 = vector.broadcast %rev3A : i32 to vector<16xi32>
        %rev3A_339 = tpu.iota {dimensions = array<i32: 0>} : vector<16xi32>
        %rev3A_340 = arith.subi %rev3A_338, %rev3A_339 : vector<16xi32>
        %rev3A_341 = tpu.dynamic_gather %masked_sort3A_336[%rev3A_340] in [0] : vector<16xf32>, vector<16xi32> -> vector<16xf32>
        %rev3A_342 = arith.constant 15 : i32
        %rev3A_343 = vector.broadcast %rev3A_342 : i32 to vector<16xi32>
        %rev3A_344 = tpu.iota {dimensions = array<i32: 0>} : vector<16xi32>
        %rev3A_345 = arith.subi %rev3A_343, %rev3A_344 : vector<16xi32>
        %rev3A_346 = tpu.dynamic_gather %masked_sort3A_337[%rev3A_345] in [0] : vector<16xi32>, vector<16xi32> -> vector<16xi32>
        %gt3A_347 = arith.cmpf ogt, %cond3A_145#0, %rev3A_341 : vector<16xf32>
        %eq3A = arith.cmpf oeq, %cond3A_145#0, %rev3A_341 : vector<16xf32>
        %lt3A = arith.cmpi slt, %cond3A_145#1, %rev3A_346 : vector<16xi32>
        %and3A = arith.andi %eq3A, %lt3A : vector<16xi1>
        %or3A = arith.ori %gt3A_347, %and3A : vector<16xi1>
        %select_n3A = arith.select %or3A, %cond3A_145#0, %rev3A_341 : vector<16xi1>, vector<16xf32>
        %select_n3A_348 = arith.select %or3A, %cond3A_145#1, %rev3A_346 : vector<16xi1>, vector<16xi32>
        %masked_sort3A_349 = arith.constant dense<true> : vector<16xi1>
        %masked_sort3A_350, %masked_sort3A_351, %masked_sort3A_352 = tpu.sort %select_n3A, %select_n3A_348 masked %masked_sort3A_349 {descending = true} : (vector<16xf32>, vector<16xi32>, vector<16xi1>) -> (vector<16xi1>, vector<16xf32>, vector<16xi32>)
        %reduce_min3A_353 = arith.constant true
        %reduce_min3A_354 = vector.broadcast %reduce_min3A_353 : i1 to vector<16xi1>
        %reduce_min3A_355 = tpu.scan <min>, %masked_sort3A_351 masked %reduce_min3A_354 : vector<16xf32>, vector<16xi1> -> vector<16xf32>
        %reduce_min3A_356 = vector.extract %reduce_min3A_355[15] : f32 from vector<16xf32>
        scf.yield %masked_sort3A_351, %masked_sort3A_352, %reduce_min3A_356 : vector<16xf32>, vector<16xi32>, f32
      } else {
        scf.yield %cond3A_145#0, %cond3A_145#1, %cond3A_145#2 : vector<16xf32>, vector<16xi32>, f32
      }
      %add3A_173 = arith.constant 32 : i32
      %add3A_174 = arith.addi %mul3A_122, %add3A_173 : i32
      %get3A_175 = arith.index_cast %add3A_174 : i32 to index
      %get3A_176 = tpu.vector_load %arg8[%get3A_175] {strides = array<i32>} : memref<102400xf32, #tpu.memory_space<vmem>>, vector<16xf32>,
      %mul3A_177 = arith.constant 128 : i32
      %mul3A_178 = arith.muli %get3A_120, %mul3A_177 : i32
      %add3A_179 = arith.constant 32 : i32
      %add3A_180 = arith.addi %mul3A_178, %add3A_179 : i32
      %add3A_181 = vector.broadcast %add3A_180 : i32 to vector<16xi32>
      %add3A_182 = arith.addi %add3A_181, %iota3A : vector<16xi32>
      %gt3A_183 = vector.broadcast %cond3A_172#2 : f32 to vector<16xf32>
      %gt3A_184 = arith.cmpf ogt, %get3A_176, %gt3A_183 : vector<16xf32>
      %reduce_or3A_185 = arith.constant 1.000000e+00 : f32
      %reduce_or3A_186 = arith.constant 0.000000e+00 : f32
      %reduce_or3A_187 = vector.broadcast %reduce_or3A_185 : f32 to vector<16xf32>
      %reduce_or3A_188 = vector.broadcast %reduce_or3A_186 : f32 to vector<16xf32>
      %reduce_or3A_189 = arith.select %gt3A_184, %reduce_or3A_187, %reduce_or3A_188 : vector<16xi1>, vector<16xf32>
      %reduce_or3A_190 = arith.constant true
      %reduce_or3A_191 = vector.broadcast %reduce_or3A_190 : i1 to vector<16xi1>
      %reduce_or3A_192 = tpu.scan <max>, %reduce_or3A_189 masked %reduce_or3A_191 : vector<16xf32>, vector<16xi1> -> vector<16xf32>
      %reduce_or3A_193 = vector.extract %reduce_or3A_192[15] : f32 from vector<16xf32>
      %reduce_or3A_194 = arith.constant 0.000000e+00 : f32
      %reduce_or3A_195 = arith.cmpf ogt, %reduce_or3A_193, %reduce_or3A_194 : f32
      %convert_element_type3A_196 = arith.extui %reduce_or3A_195 : i1 to i32
      %cond3A_197 = arith.constant 0 : i32
      %cond3A_198 = arith.cmpi ne, %convert_element_type3A_196, %cond3A_197 : i32
      %cond3A_199:3 = scf.if %cond3A_198 -> (vector<16xf32>, vector<16xi32>, f32) {
        %masked_sort3A = arith.constant dense<true> : vector<16xi1>
        %masked_sort3A_335, %masked_sort3A_336, %masked_sort3A_337 = tpu.sort %get3A_176, %add3A_182 masked %masked_sort3A {descending = true} : (vector<16xf32>, vector<16xi32>, vector<16xi1>) -> (vector<16xi1>, vector<16xf32>, vector<16xi32>)
        %rev3A = arith.constant 15 : i32
        %rev3A_338 = vector.broadcast %rev3A : i32 to vector<16xi32>
        %rev3A_339 = tpu.iota {dimensions = array<i32: 0>} : vector<16xi32>
        %rev3A_340 = arith.subi %rev3A_338, %rev3A_339 : vector<16xi32>
        %rev3A_341 = tpu.dynamic_gather %masked_sort3A_336[%rev3A_340] in [0] : vector<16xf32>, vector<16xi32> -> vector<16xf32>
        %rev3A_342 = arith.constant 15 : i32
        %rev3A_343 = vector.broadcast %rev3A_342 : i32 to vector<16xi32>
        %rev3A_344 = tpu.iota {dimensions = array<i32: 0>} : vector<16xi32>
        %rev3A_345 = arith.subi %rev3A_343, %rev3A_344 : vector<16xi32>
        %rev3A_346 = tpu.dynamic_gather %masked_sort3A_337[%rev3A_345] in [0] : vector<16xi32>, vector<16xi32> -> vector<16xi32>
        %gt3A_347 = arith.cmpf ogt, %cond3A_172#0, %rev3A_341 : vector<16xf32>
        %eq3A = arith.cmpf oeq, %cond3A_172#0, %rev3A_341 : vector<16xf32>
        %lt3A = arith.cmpi slt, %cond3A_172#1, %rev3A_346 : vector<16xi32>
        %and3A = arith.andi %eq3A, %lt3A : vector<16xi1>
        %or3A = arith.ori %gt3A_347, %and3A : vector<16xi1>
        %select_n3A = arith.select %or3A, %cond3A_172#0, %rev3A_341 : vector<16xi1>, vector<16xf32>
        %select_n3A_348 = arith.select %or3A, %cond3A_172#1, %rev3A_346 : vector<16xi1>, vector<16xi32>
        %masked_sort3A_349 = arith.constant dense<true> : vector<16xi1>
        %masked_sort3A_350, %masked_sort3A_351, %masked_sort3A_352 = tpu.sort %select_n3A, %select_n3A_348 masked %masked_sort3A_349 {descending = true} : (vector<16xf32>, vector<16xi32>, vector<16xi1>) -> (vector<16xi1>, vector<16xf32>, vector<16xi32>)
        %reduce_min3A_353 = arith.constant true
        %reduce_min3A_354 = vector.broadcast %reduce_min3A_353 : i1 to vector<16xi1>
        %reduce_min3A_355 = tpu.scan <min>, %masked_sort3A_351 masked %reduce_min3A_354 : vector<16xf32>, vector<16xi1> -> vector<16xf32>
        %reduce_min3A_356 = vector.extract %reduce_min3A_355[15] : f32 from vector<16xf32>
        scf.yield %masked_sort3A_351, %masked_sort3A_352, %reduce_min3A_356 : vector<16xf32>, vector<16xi32>, f32
      } else {
        scf.yield %cond3A_172#0, %cond3A_172#1, %cond3A_172#2 : vector<16xf32>, vector<16xi32>, f32
      }
      %add3A_200 = arith.constant 48 : i32
      %add3A_201 = arith.addi %mul3A_122, %add3A_200 : i32
      %get3A_202 = arith.index_cast %add3A_201 : i32 to index
      %get3A_203 = tpu.vector_load %arg8[%get3A_202] {strides = array<i32>} : memref<102400xf32, #tpu.memory_space<vmem>>, vector<16xf32>,
      %mul3A_204 = arith.constant 128 : i32
      %mul3A_205 = arith.muli %get3A_120, %mul3A_204 : i32
      %add3A_206 = arith.constant 48 : i32
      %add3A_207 = arith.addi %mul3A_205, %add3A_206 : i32
      %add3A_208 = vector.broadcast %add3A_207 : i32 to vector<16xi32>
      %add3A_209 = arith.addi %add3A_208, %iota3A : vector<16xi32>
      %gt3A_210 = vector.broadcast %cond3A_199#2 : f32 to vector<16xf32>
      %gt3A_211 = arith.cmpf ogt, %get3A_203, %gt3A_210 : vector<16xf32>
      %reduce_or3A_212 = arith.constant 1.000000e+00 : f32
      %reduce_or3A_213 = arith.constant 0.000000e+00 : f32
      %reduce_or3A_214 = vector.broadcast %reduce_or3A_212 : f32 to vector<16xf32>
      %reduce_or3A_215 = vector.broadcast %reduce_or3A_213 : f32 to vector<16xf32>
      %reduce_or3A_216 = arith.select %gt3A_211, %reduce_or3A_214, %reduce_or3A_215 : vector<16xi1>, vector<16xf32>
      %reduce_or3A_217 = arith.constant true
      %reduce_or3A_218 = vector.broadcast %reduce_or3A_217 : i1 to vector<16xi1>
      %reduce_or3A_219 = tpu.scan <max>, %reduce_or3A_216 masked %reduce_or3A_218 : vector<16xf32>, vector<16xi1> -> vector<16xf32>
      %reduce_or3A_220 = vector.extract %reduce_or3A_219[15] : f32 from vector<16xf32>
      %reduce_or3A_221 = arith.constant 0.000000e+00 : f32
      %reduce_or3A_222 = arith.cmpf ogt, %reduce_or3A_220, %reduce_or3A_221 : f32
      %convert_element_type3A_223 = arith.extui %reduce_or3A_222 : i1 to i32
      %cond3A_224 = arith.constant 0 : i32
      %cond3A_225 = arith.cmpi ne, %convert_element_type3A_223, %cond3A_224 : i32
      %cond3A_226:3 = scf.if %cond3A_225 -> (vector<16xf32>, vector<16xi32>, f32) {
        %masked_sort3A = arith.constant dense<true> : vector<16xi1>
        %masked_sort3A_335, %masked_sort3A_336, %masked_sort3A_337 = tpu.sort %get3A_203, %add3A_209 masked %masked_sort3A {descending = true} : (vector<16xf32>, vector<16xi32>, vector<16xi1>) -> (vector<16xi1>, vector<16xf32>, vector<16xi32>)
        %rev3A = arith.constant 15 : i32
        %rev3A_338 = vector.broadcast %rev3A : i32 to vector<16xi32>
        %rev3A_339 = tpu.iota {dimensions = array<i32: 0>} : vector<16xi32>
        %rev3A_340 = arith.subi %rev3A_338, %rev3A_339 : vector<16xi32>
        %rev3A_341 = tpu.dynamic_gather %masked_sort3A_336[%rev3A_340] in [0] : vector<16xf32>, vector<16xi32> -> vector<16xf32>
        %rev3A_342 = arith.constant 15 : i32
        %rev3A_343 = vector.broadcast %rev3A_342 : i32 to vector<16xi32>
        %rev3A_344 = tpu.iota {dimensions = array<i32: 0>} : vector<16xi32>
        %rev3A_345 = arith.subi %rev3A_343, %rev3A_344 : vector<16xi32>
        %rev3A_346 = tpu.dynamic_gather %masked_sort3A_337[%rev3A_345] in [0] : vector<16xi32>, vector<16xi32> -> vector<16xi32>
        %gt3A_347 = arith.cmpf ogt, %cond3A_199#0, %rev3A_341 : vector<16xf32>
        %eq3A = arith.cmpf oeq, %cond3A_199#0, %rev3A_341 : vector<16xf32>
        %lt3A = arith.cmpi slt, %cond3A_199#1, %rev3A_346 : vector<16xi32>
        %and3A = arith.andi %eq3A, %lt3A : vector<16xi1>
        %or3A = arith.ori %gt3A_347, %and3A : vector<16xi1>
        %select_n3A = arith.select %or3A, %cond3A_199#0, %rev3A_341 : vector<16xi1>, vector<16xf32>
        %select_n3A_348 = arith.select %or3A, %cond3A_199#1, %rev3A_346 : vector<16xi1>, vector<16xi32>
        %masked_sort3A_349 = arith.constant dense<true> : vector<16xi1>
        %masked_sort3A_350, %masked_sort3A_351, %masked_sort3A_352 = tpu.sort %select_n3A, %select_n3A_348 masked %masked_sort3A_349 {descending = true} : (vector<16xf32>, vector<16xi32>, vector<16xi1>) -> (vector<16xi1>, vector<16xf32>, vector<16xi32>)
        %reduce_min3A_353 = arith.constant true
        %reduce_min3A_354 = vector.broadcast %reduce_min3A_353 : i1 to vector<16xi1>
        %reduce_min3A_355 = tpu.scan <min>, %masked_sort3A_351 masked %reduce_min3A_354 : vector<16xf32>, vector<16xi1> -> vector<16xf32>
        %reduce_min3A_356 = vector.extract %reduce_min3A_355[15] : f32 from vector<16xf32>
        scf.yield %masked_sort3A_351, %masked_sort3A_352, %reduce_min3A_356 : vector<16xf32>, vector<16xi32>, f32
      } else {
        scf.yield %cond3A_199#0, %cond3A_199#1, %cond3A_199#2 : vector<16xf32>, vector<16xi32>, f32
      }
      %add3A_227 = arith.constant 64 : i32
      %add3A_228 = arith.addi %mul3A_122, %add3A_227 : i32
      %get3A_229 = arith.index_cast %add3A_228 : i32 to index
      %get3A_230 = tpu.vector_load %arg8[%get3A_229] {strides = array<i32>} : memref<102400xf32, #tpu.memory_space<vmem>>, vector<16xf32>,
      %mul3A_231 = arith.constant 128 : i32
      %mul3A_232 = arith.muli %get3A_120, %mul3A_231 : i32
      %add3A_233 = arith.constant 64 : i32
      %add3A_234 = arith.addi %mul3A_232, %add3A_233 : i32
      %add3A_235 = vector.broadcast %add3A_234 : i32 to vector<16xi32>
      %add3A_236 = arith.addi %add3A_235, %iota3A : vector<16xi32>
      %gt3A_237 = vector.broadcast %cond3A_226#2 : f32 to vector<16xf32>
      %gt3A_238 = arith.cmpf ogt, %get3A_230, %gt3A_237 : vector<16xf32>
      %reduce_or3A_239 = arith.constant 1.000000e+00 : f32
      %reduce_or3A_240 = arith.constant 0.000000e+00 : f32
      %reduce_or3A_241 = vector.broadcast %reduce_or3A_239 : f32 to vector<16xf32>
      %reduce_or3A_242 = vector.broadcast %reduce_or3A_240 : f32 to vector<16xf32>
      %reduce_or3A_243 = arith.select %gt3A_238, %reduce_or3A_241, %reduce_or3A_242 : vector<16xi1>, vector<16xf32>
      %reduce_or3A_244 = arith.constant true
      %reduce_or3A_245 = vector.broadcast %reduce_or3A_244 : i1 to vector<16xi1>
      %reduce_or3A_246 = tpu.scan <max>, %reduce_or3A_243 masked %reduce_or3A_245 : vector<16xf32>, vector<16xi1> -> vector<16xf32>
      %reduce_or3A_247 = vector.extract %reduce_or3A_246[15] : f32 from vector<16xf32>
      %reduce_or3A_248 = arith.constant 0.000000e+00 : f32
      %reduce_or3A_249 = arith.cmpf ogt, %reduce_or3A_247, %reduce_or3A_248 : f32
      %convert_element_type3A_250 = arith.extui %reduce_or3A_249 : i1 to i32
      %cond3A_251 = arith.constant 0 : i32
      %cond3A_252 = arith.cmpi ne, %convert_element_type3A_250, %cond3A_251 : i32
      %cond3A_253:3 = scf.if %cond3A_252 -> (vector<16xf32>, vector<16xi32>, f32) {
        %masked_sort3A = arith.constant dense<true> : vector<16xi1>
        %masked_sort3A_335, %masked_sort3A_336, %masked_sort3A_337 = tpu.sort %get3A_230, %add3A_236 masked %masked_sort3A {descending = true} : (vector<16xf32>, vector<16xi32>, vector<16xi1>) -> (vector<16xi1>, vector<16xf32>, vector<16xi32>)
        %rev3A = arith.constant 15 : i32
        %rev3A_338 = vector.broadcast %rev3A : i32 to vector<16xi32>
        %rev3A_339 = tpu.iota {dimensions = array<i32: 0>} : vector<16xi32>
        %rev3A_340 = arith.subi %rev3A_338, %rev3A_339 : vector<16xi32>
        %rev3A_341 = tpu.dynamic_gather %masked_sort3A_336[%rev3A_340] in [0] : vector<16xf32>, vector<16xi32> -> vector<16xf32>
        %rev3A_342 = arith.constant 15 : i32
        %rev3A_343 = vector.broadcast %rev3A_342 : i32 to vector<16xi32>
        %rev3A_344 = tpu.iota {dimensions = array<i32: 0>} : vector<16xi32>
        %rev3A_345 = arith.subi %rev3A_343, %rev3A_344 : vector<16xi32>
        %rev3A_346 = tpu.dynamic_gather %masked_sort3A_337[%rev3A_345] in [0] : vector<16xi32>, vector<16xi32> -> vector<16xi32>
        %gt3A_347 = arith.cmpf ogt, %cond3A_226#0, %rev3A_341 : vector<16xf32>
        %eq3A = arith.cmpf oeq, %cond3A_226#0, %rev3A_341 : vector<16xf32>
        %lt3A = arith.cmpi slt, %cond3A_226#1, %rev3A_346 : vector<16xi32>
        %and3A = arith.andi %eq3A, %lt3A : vector<16xi1>
        %or3A = arith.ori %gt3A_347, %and3A : vector<16xi1>
        %select_n3A = arith.select %or3A, %cond3A_226#0, %rev3A_341 : vector<16xi1>, vector<16xf32>
        %select_n3A_348 = arith.select %or3A, %cond3A_226#1, %rev3A_346 : vector<16xi1>, vector<16xi32>
        %masked_sort3A_349 = arith.constant dense<true> : vector<16xi1>
        %masked_sort3A_350, %masked_sort3A_351, %masked_sort3A_352 = tpu.sort %select_n3A, %select_n3A_348 masked %masked_sort3A_349 {descending = true} : (vector<16xf32>, vector<16xi32>, vector<16xi1>) -> (vector<16xi1>, vector<16xf32>, vector<16xi32>)
        %reduce_min3A_353 = arith.constant true
        %reduce_min3A_354 = vector.broadcast %reduce_min3A_353 : i1 to vector<16xi1>
        %reduce_min3A_355 = tpu.scan <min>, %masked_sort3A_351 masked %reduce_min3A_354 : vector<16xf32>, vector<16xi1> -> vector<16xf32>
        %reduce_min3A_356 = vector.extract %reduce_min3A_355[15] : f32 from vector<16xf32>
        scf.yield %masked_sort3A_351, %masked_sort3A_352, %reduce_min3A_356 : vector<16xf32>, vector<16xi32>, f32
      } else {
        scf.yield %cond3A_226#0, %cond3A_226#1, %cond3A_226#2 : vector<16xf32>, vector<16xi32>, f32
      }
      %add3A_254 = arith.constant 80 : i32
      %add3A_255 = arith.addi %mul3A_122, %add3A_254 : i32
      %get3A_256 = arith.index_cast %add3A_255 : i32 to index
      %get3A_257 = tpu.vector_load %arg8[%get3A_256] {strides = array<i32>} : memref<102400xf32, #tpu.memory_space<vmem>>, vector<16xf32>,
      %mul3A_258 = arith.constant 128 : i32
      %mul3A_259 = arith.muli %get3A_120, %mul3A_258 : i32
      %add3A_260 = arith.constant 80 : i32
      %add3A_261 = arith.addi %mul3A_259, %add3A_260 : i32
      %add3A_262 = vector.broadcast %add3A_261 : i32 to vector<16xi32>
      %add3A_263 = arith.addi %add3A_262, %iota3A : vector<16xi32>
      %gt3A_264 = vector.broadcast %cond3A_253#2 : f32 to vector<16xf32>
      %gt3A_265 = arith.cmpf ogt, %get3A_257, %gt3A_264 : vector<16xf32>
      %reduce_or3A_266 = arith.constant 1.000000e+00 : f32
      %reduce_or3A_267 = arith.constant 0.000000e+00 : f32
      %reduce_or3A_268 = vector.broadcast %reduce_or3A_266 : f32 to vector<16xf32>
      %reduce_or3A_269 = vector.broadcast %reduce_or3A_267 : f32 to vector<16xf32>
      %reduce_or3A_270 = arith.select %gt3A_265, %reduce_or3A_268, %reduce_or3A_269 : vector<16xi1>, vector<16xf32>
      %reduce_or3A_271 = arith.constant true
      %reduce_or3A_272 = vector.broadcast %reduce_or3A_271 : i1 to vector<16xi1>
      %reduce_or3A_273 = tpu.scan <max>, %reduce_or3A_270 masked %reduce_or3A_272 : vector<16xf32>, vector<16xi1> -> vector<16xf32>
      %reduce_or3A_274 = vector.extract %reduce_or3A_273[15] : f32 from vector<16xf32>
      %reduce_or3A_275 = arith.constant 0.000000e+00 : f32
      %reduce_or3A_276 = arith.cmpf ogt, %reduce_or3A_274, %reduce_or3A_275 : f32
      %convert_element_type3A_277 = arith.extui %reduce_or3A_276 : i1 to i32
      %cond3A_278 = arith.constant 0 : i32
      %cond3A_279 = arith.cmpi ne, %convert_element_type3A_277, %cond3A_278 : i32
      %cond3A_280:3 = scf.if %cond3A_279 -> (vector<16xf32>, vector<16xi32>, f32) {
        %masked_sort3A = arith.constant dense<true> : vector<16xi1>
        %masked_sort3A_335, %masked_sort3A_336, %masked_sort3A_337 = tpu.sort %get3A_257, %add3A_263 masked %masked_sort3A {descending = true} : (vector<16xf32>, vector<16xi32>, vector<16xi1>) -> (vector<16xi1>, vector<16xf32>, vector<16xi32>)
        %rev3A = arith.constant 15 : i32
        %rev3A_338 = vector.broadcast %rev3A : i32 to vector<16xi32>
        %rev3A_339 = tpu.iota {dimensions = array<i32: 0>} : vector<16xi32>
        %rev3A_340 = arith.subi %rev3A_338, %rev3A_339 : vector<16xi32>
        %rev3A_341 = tpu.dynamic_gather %masked_sort3A_336[%rev3A_340] in [0] : vector<16xf32>, vector<16xi32> -> vector<16xf32>
        %rev3A_342 = arith.constant 15 : i32
        %rev3A_343 = vector.broadcast %rev3A_342 : i32 to vector<16xi32>
        %rev3A_344 = tpu.iota {dimensions = array<i32: 0>} : vector<16xi32>
        %rev3A_345 = arith.subi %rev3A_343, %rev3A_344 : vector<16xi32>
        %rev3A_346 = tpu.dynamic_gather %masked_sort3A_337[%rev3A_345] in [0] : vector<16xi32>, vector<16xi32> -> vector<16xi32>
        %gt3A_347 = arith.cmpf ogt, %cond3A_253#0, %rev3A_341 : vector<16xf32>
        %eq3A = arith.cmpf oeq, %cond3A_253#0, %rev3A_341 : vector<16xf32>
        %lt3A = arith.cmpi slt, %cond3A_253#1, %rev3A_346 : vector<16xi32>
        %and3A = arith.andi %eq3A, %lt3A : vector<16xi1>
        %or3A = arith.ori %gt3A_347, %and3A : vector<16xi1>
        %select_n3A = arith.select %or3A, %cond3A_253#0, %rev3A_341 : vector<16xi1>, vector<16xf32>
        %select_n3A_348 = arith.select %or3A, %cond3A_253#1, %rev3A_346 : vector<16xi1>, vector<16xi32>
        %masked_sort3A_349 = arith.constant dense<true> : vector<16xi1>
        %masked_sort3A_350, %masked_sort3A_351, %masked_sort3A_352 = tpu.sort %select_n3A, %select_n3A_348 masked %masked_sort3A_349 {descending = true} : (vector<16xf32>, vector<16xi32>, vector<16xi1>) -> (vector<16xi1>, vector<16xf32>, vector<16xi32>)
        %reduce_min3A_353 = arith.constant true
        %reduce_min3A_354 = vector.broadcast %reduce_min3A_353 : i1 to vector<16xi1>
        %reduce_min3A_355 = tpu.scan <min>, %masked_sort3A_351 masked %reduce_min3A_354 : vector<16xf32>, vector<16xi1> -> vector<16xf32>
        %reduce_min3A_356 = vector.extract %reduce_min3A_355[15] : f32 from vector<16xf32>
        scf.yield %masked_sort3A_351, %masked_sort3A_352, %reduce_min3A_356 : vector<16xf32>, vector<16xi32>, f32
      } else {
        scf.yield %cond3A_253#0, %cond3A_253#1, %cond3A_253#2 : vector<16xf32>, vector<16xi32>, f32
      }
      %add3A_281 = arith.constant 96 : i32
      %add3A_282 = arith.addi %mul3A_122, %add3A_281 : i32
      %get3A_283 = arith.index_cast %add3A_282 : i32 to index
      %get3A_284 = tpu.vector_load %arg8[%get3A_283] {strides = array<i32>} : memref<102400xf32, #tpu.memory_space<vmem>>, vector<16xf32>,
      %mul3A_285 = arith.constant 128 : i32
      %mul3A_286 = arith.muli %get3A_120, %mul3A_285 : i32
      %add3A_287 = arith.constant 96 : i32
      %add3A_288 = arith.addi %mul3A_286, %add3A_287 : i32
      %add3A_289 = vector.broadcast %add3A_288 : i32 to vector<16xi32>
      %add3A_290 = arith.addi %add3A_289, %iota3A : vector<16xi32>
      %gt3A_291 = vector.broadcast %cond3A_280#2 : f32 to vector<16xf32>
      %gt3A_292 = arith.cmpf ogt, %get3A_284, %gt3A_291 : vector<16xf32>
      %reduce_or3A_293 = arith.constant 1.000000e+00 : f32
      %reduce_or3A_294 = arith.constant 0.000000e+00 : f32
      %reduce_or3A_295 = vector.broadcast %reduce_or3A_293 : f32 to vector<16xf32>
      %reduce_or3A_296 = vector.broadcast %reduce_or3A_294 : f32 to vector<16xf32>
      %reduce_or3A_297 = arith.select %gt3A_292, %reduce_or3A_295, %reduce_or3A_296 : vector<16xi1>, vector<16xf32>
      %reduce_or3A_298 = arith.constant true
      %reduce_or3A_299 = vector.broadcast %reduce_or3A_298 : i1 to vector<16xi1>
      %reduce_or3A_300 = tpu.scan <max>, %reduce_or3A_297 masked %reduce_or3A_299 : vector<16xf32>, vector<16xi1> -> vector<16xf32>
      %reduce_or3A_301 = vector.extract %reduce_or3A_300[15] : f32 from vector<16xf32>
      %reduce_or3A_302 = arith.constant 0.000000e+00 : f32
      %reduce_or3A_303 = arith.cmpf ogt, %reduce_or3A_301, %reduce_or3A_302 : f32
      %convert_element_type3A_304 = arith.extui %reduce_or3A_303 : i1 to i32
      %cond3A_305 = arith.constant 0 : i32
      %cond3A_306 = arith.cmpi ne, %convert_element_type3A_304, %cond3A_305 : i32
      %cond3A_307:3 = scf.if %cond3A_306 -> (vector<16xf32>, vector<16xi32>, f32) {
        %masked_sort3A = arith.constant dense<true> : vector<16xi1>
        %masked_sort3A_335, %masked_sort3A_336, %masked_sort3A_337 = tpu.sort %get3A_284, %add3A_290 masked %masked_sort3A {descending = true} : (vector<16xf32>, vector<16xi32>, vector<16xi1>) -> (vector<16xi1>, vector<16xf32>, vector<16xi32>)
        %rev3A = arith.constant 15 : i32
        %rev3A_338 = vector.broadcast %rev3A : i32 to vector<16xi32>
        %rev3A_339 = tpu.iota {dimensions = array<i32: 0>} : vector<16xi32>
        %rev3A_340 = arith.subi %rev3A_338, %rev3A_339 : vector<16xi32>
        %rev3A_341 = tpu.dynamic_gather %masked_sort3A_336[%rev3A_340] in [0] : vector<16xf32>, vector<16xi32> -> vector<16xf32>
        %rev3A_342 = arith.constant 15 : i32
        %rev3A_343 = vector.broadcast %rev3A_342 : i32 to vector<16xi32>
        %rev3A_344 = tpu.iota {dimensions = array<i32: 0>} : vector<16xi32>
        %rev3A_345 = arith.subi %rev3A_343, %rev3A_344 : vector<16xi32>
        %rev3A_346 = tpu.dynamic_gather %masked_sort3A_337[%rev3A_345] in [0] : vector<16xi32>, vector<16xi32> -> vector<16xi32>
        %gt3A_347 = arith.cmpf ogt, %cond3A_280#0, %rev3A_341 : vector<16xf32>
        %eq3A = arith.cmpf oeq, %cond3A_280#0, %rev3A_341 : vector<16xf32>
        %lt3A = arith.cmpi slt, %cond3A_280#1, %rev3A_346 : vector<16xi32>
        %and3A = arith.andi %eq3A, %lt3A : vector<16xi1>
        %or3A = arith.ori %gt3A_347, %and3A : vector<16xi1>
        %select_n3A = arith.select %or3A, %cond3A_280#0, %rev3A_341 : vector<16xi1>, vector<16xf32>
        %select_n3A_348 = arith.select %or3A, %cond3A_280#1, %rev3A_346 : vector<16xi1>, vector<16xi32>
        %masked_sort3A_349 = arith.constant dense<true> : vector<16xi1>
        %masked_sort3A_350, %masked_sort3A_351, %masked_sort3A_352 = tpu.sort %select_n3A, %select_n3A_348 masked %masked_sort3A_349 {descending = true} : (vector<16xf32>, vector<16xi32>, vector<16xi1>) -> (vector<16xi1>, vector<16xf32>, vector<16xi32>)
        %reduce_min3A_353 = arith.constant true
        %reduce_min3A_354 = vector.broadcast %reduce_min3A_353 : i1 to vector<16xi1>
        %reduce_min3A_355 = tpu.scan <min>, %masked_sort3A_351 masked %reduce_min3A_354 : vector<16xf32>, vector<16xi1> -> vector<16xf32>
        %reduce_min3A_356 = vector.extract %reduce_min3A_355[15] : f32 from vector<16xf32>
        scf.yield %masked_sort3A_351, %masked_sort3A_352, %reduce_min3A_356 : vector<16xf32>, vector<16xi32>, f32
      } else {
        scf.yield %cond3A_280#0, %cond3A_280#1, %cond3A_280#2 : vector<16xf32>, vector<16xi32>, f32
      }
      %add3A_308 = arith.constant 112 : i32
      %add3A_309 = arith.addi %mul3A_122, %add3A_308 : i32
      %get3A_310 = arith.index_cast %add3A_309 : i32 to index
      %get3A_311 = tpu.vector_load %arg8[%get3A_310] {strides = array<i32>} : memref<102400xf32, #tpu.memory_space<vmem>>, vector<16xf32>,
      %mul3A_312 = arith.constant 128 : i32
      %mul3A_313 = arith.muli %get3A_120, %mul3A_312 : i32
      %add3A_314 = arith.constant 112 : i32
      %add3A_315 = arith.addi %mul3A_313, %add3A_314 : i32
      %add3A_316 = vector.broadcast %add3A_315 : i32 to vector<16xi32>
      %add3A_317 = arith.addi %add3A_316, %iota3A : vector<16xi32>
      %gt3A_318 = vector.broadcast %cond3A_307#2 : f32 to vector<16xf32>
      %gt3A_319 = arith.cmpf ogt, %get3A_311, %gt3A_318 : vector<16xf32>
      %reduce_or3A_320 = arith.constant 1.000000e+00 : f32
      %reduce_or3A_321 = arith.constant 0.000000e+00 : f32
      %reduce_or3A_322 = vector.broadcast %reduce_or3A_320 : f32 to vector<16xf32>
      %reduce_or3A_323 = vector.broadcast %reduce_or3A_321 : f32 to vector<16xf32>
      %reduce_or3A_324 = arith.select %gt3A_319, %reduce_or3A_322, %reduce_or3A_323 : vector<16xi1>, vector<16xf32>
      %reduce_or3A_325 = arith.constant true
      %reduce_or3A_326 = vector.broadcast %reduce_or3A_325 : i1 to vector<16xi1>
      %reduce_or3A_327 = tpu.scan <max>, %reduce_or3A_324 masked %reduce_or3A_326 : vector<16xf32>, vector<16xi1> -> vector<16xf32>
      %reduce_or3A_328 = vector.extract %reduce_or3A_327[15] : f32 from vector<16xf32>
      %reduce_or3A_329 = arith.constant 0.000000e+00 : f32
      %reduce_or3A_330 = arith.cmpf ogt, %reduce_or3A_328, %reduce_or3A_329 : f32
      %convert_element_type3A_331 = arith.extui %reduce_or3A_330 : i1 to i32
      %cond3A_332 = arith.constant 0 : i32
      %cond3A_333 = arith.cmpi ne, %convert_element_type3A_331, %cond3A_332 : i32
      %cond3A_334:3 = scf.if %cond3A_333 -> (vector<16xf32>, vector<16xi32>, f32) {
        %masked_sort3A = arith.constant dense<true> : vector<16xi1>
        %masked_sort3A_335, %masked_sort3A_336, %masked_sort3A_337 = tpu.sort %get3A_311, %add3A_317 masked %masked_sort3A {descending = true} : (vector<16xf32>, vector<16xi32>, vector<16xi1>) -> (vector<16xi1>, vector<16xf32>, vector<16xi32>)
        %rev3A = arith.constant 15 : i32
        %rev3A_338 = vector.broadcast %rev3A : i32 to vector<16xi32>
        %rev3A_339 = tpu.iota {dimensions = array<i32: 0>} : vector<16xi32>
        %rev3A_340 = arith.subi %rev3A_338, %rev3A_339 : vector<16xi32>
        %rev3A_341 = tpu.dynamic_gather %masked_sort3A_336[%rev3A_340] in [0] : vector<16xf32>, vector<16xi32> -> vector<16xf32>
        %rev3A_342 = arith.constant 15 : i32
        %rev3A_343 = vector.broadcast %rev3A_342 : i32 to vector<16xi32>
        %rev3A_344 = tpu.iota {dimensions = array<i32: 0>} : vector<16xi32>
        %rev3A_345 = arith.subi %rev3A_343, %rev3A_344 : vector<16xi32>
        %rev3A_346 = tpu.dynamic_gather %masked_sort3A_337[%rev3A_345] in [0] : vector<16xi32>, vector<16xi32> -> vector<16xi32>
        %gt3A_347 = arith.cmpf ogt, %cond3A_307#0, %rev3A_341 : vector<16xf32>
        %eq3A = arith.cmpf oeq, %cond3A_307#0, %rev3A_341 : vector<16xf32>
        %lt3A = arith.cmpi slt, %cond3A_307#1, %rev3A_346 : vector<16xi32>
        %and3A = arith.andi %eq3A, %lt3A : vector<16xi1>
        %or3A = arith.ori %gt3A_347, %and3A : vector<16xi1>
        %select_n3A = arith.select %or3A, %cond3A_307#0, %rev3A_341 : vector<16xi1>, vector<16xf32>
        %select_n3A_348 = arith.select %or3A, %cond3A_307#1, %rev3A_346 : vector<16xi1>, vector<16xi32>
        %masked_sort3A_349 = arith.constant dense<true> : vector<16xi1>
        %masked_sort3A_350, %masked_sort3A_351, %masked_sort3A_352 = tpu.sort %select_n3A, %select_n3A_348 masked %masked_sort3A_349 {descending = true} : (vector<16xf32>, vector<16xi32>, vector<16xi1>) -> (vector<16xi1>, vector<16xf32>, vector<16xi32>)
        %reduce_min3A_353 = arith.constant true
        %reduce_min3A_354 = vector.broadcast %reduce_min3A_353 : i1 to vector<16xi1>
        %reduce_min3A_355 = tpu.scan <min>, %masked_sort3A_351 masked %reduce_min3A_354 : vector<16xf32>, vector<16xi1> -> vector<16xf32>
        %reduce_min3A_356 = vector.extract %reduce_min3A_355[15] : f32 from vector<16xf32>
        scf.yield %masked_sort3A_351, %masked_sort3A_352, %reduce_min3A_356 : vector<16xf32>, vector<16xi32>, f32
      } else {
        scf.yield %cond3A_307#0, %cond3A_307#1, %cond3A_307#2 : vector<16xf32>, vector<16xi32>, f32
      }
      scf.yield %cond3A_334#0, %cond3A_334#1, %cond3A_334#2 : vector<16xf32>, vector<16xi32>, f32
    }
    %while3A_45 = arith.constant 1 : i32
    %while3A_46:3 = scf.for %while3A_116 = %while3A_42 to %while3A_38 step %while3A_45 iter_args(%while3A_117 = %while3A_44#0, %while3A_118 = %while3A_44#1, %while3A_119 = %while3A_44#2) -> (vector<16xf32>, vector<16xi32>, f32)  : i32 {
      %get3A = arith.index_cast %while3A_116 : i32 to index
      %get3A_120 = memref.load %arg10[%get3A] : memref<800xi32, #tpu.memory_space<smem>>
      %mul3A_121 = arith.constant 128 : i32
      %mul3A_122 = arith.muli %while3A_116, %mul3A_121 : i32
      %add3A_123 = arith.constant 0 : i32
      %add3A_124 = arith.addi %mul3A_122, %add3A_123 : i32
      %get3A_125 = arith.index_cast %add3A_124 : i32 to index
      %get3A_126 = tpu.vector_load %arg8[%get3A_125] {strides = array<i32>} : memref<102400xf32, #tpu.memory_space<vmem>>, vector<16xf32>,
      %mul3A_127 = arith.constant 128 : i32
      %mul3A_128 = arith.muli %get3A_120, %mul3A_127 : i32
      %add3A_129 = arith.constant 0 : i32
      %add3A_130 = arith.addi %mul3A_128, %add3A_129 : i32
      %add3A_131 = vector.broadcast %add3A_130 : i32 to vector<16xi32>
      %add3A_132 = arith.addi %add3A_131, %iota3A : vector<16xi32>
      %gt3A = vector.broadcast %while3A_119 : f32 to vector<16xf32>
      %gt3A_133 = arith.cmpf ogt, %get3A_126, %gt3A : vector<16xf32>
      %reduce_or3A = arith.constant 1.000000e+00 : f32
      %reduce_or3A_134 = arith.constant 0.000000e+00 : f32
      %reduce_or3A_135 = vector.broadcast %reduce_or3A : f32 to vector<16xf32>
      %reduce_or3A_136 = vector.broadcast %reduce_or3A_134 : f32 to vector<16xf32>
      %reduce_or3A_137 = arith.select %gt3A_133, %reduce_or3A_135, %reduce_or3A_136 : vector<16xi1>, vector<16xf32>
      %reduce_or3A_138 = arith.constant true
      %reduce_or3A_139 = vector.broadcast %reduce_or3A_138 : i1 to vector<16xi1>
      %reduce_or3A_140 = tpu.scan <max>, %reduce_or3A_137 masked %reduce_or3A_139 : vector<16xf32>, vector<16xi1> -> vector<16xf32>
      %reduce_or3A_141 = vector.extract %reduce_or3A_140[15] : f32 from vector<16xf32>
      %reduce_or3A_142 = arith.constant 0.000000e+00 : f32
      %reduce_or3A_143 = arith.cmpf ogt, %reduce_or3A_141, %reduce_or3A_142 : f32
      %convert_element_type3A = arith.extui %reduce_or3A_143 : i1 to i32
      %cond3A = arith.constant 0 : i32
      %cond3A_144 = arith.cmpi ne, %convert_element_type3A, %cond3A : i32
      %cond3A_145:3 = scf.if %cond3A_144 -> (vector<16xf32>, vector<16xi32>, f32) {
        %masked_sort3A = arith.constant dense<true> : vector<16xi1>
        %masked_sort3A_335, %masked_sort3A_336, %masked_sort3A_337 = tpu.sort %get3A_126, %add3A_132 masked %masked_sort3A {descending = true} : (vector<16xf32>, vector<16xi32>, vector<16xi1>) -> (vector<16xi1>, vector<16xf32>, vector<16xi32>)
        %rev3A = arith.constant 15 : i32
        %rev3A_338 = vector.broadcast %rev3A : i32 to vector<16xi32>
        %rev3A_339 = tpu.iota {dimensions = array<i32: 0>} : vector<16xi32>
        %rev3A_340 = arith.subi %rev3A_338, %rev3A_339 : vector<16xi32>
        %rev3A_341 = tpu.dynamic_gather %masked_sort3A_336[%rev3A_340] in [0] : vector<16xf32>, vector<16xi32> -> vector<16xf32>
        %rev3A_342 = arith.constant 15 : i32
        %rev3A_343 = vector.broadcast %rev3A_342 : i32 to vector<16xi32>
        %rev3A_344 = tpu.iota {dimensions = array<i32: 0>} : vector<16xi32>
        %rev3A_345 = arith.subi %rev3A_343, %rev3A_344 : vector<16xi32>
        %rev3A_346 = tpu.dynamic_gather %masked_sort3A_337[%rev3A_345] in [0] : vector<16xi32>, vector<16xi32> -> vector<16xi32>
        %gt3A_347 = arith.cmpf ogt, %while3A_117, %rev3A_341 : vector<16xf32>
        %eq3A = arith.cmpf oeq, %while3A_117, %rev3A_341 : vector<16xf32>
        %lt3A = arith.cmpi slt, %while3A_118, %rev3A_346 : vector<16xi32>
        %and3A = arith.andi %eq3A, %lt3A : vector<16xi1>
        %or3A = arith.ori %gt3A_347, %and3A : vector<16xi1>
        %select_n3A = arith.select %or3A, %while3A_117, %rev3A_341 : vector<16xi1>, vector<16xf32>
        %select_n3A_348 = arith.select %or3A, %while3A_118, %rev3A_346 : vector<16xi1>, vector<16xi32>
        %masked_sort3A_349 = arith.constant dense<true> : vector<16xi1>
        %masked_sort3A_350, %masked_sort3A_351, %masked_sort3A_352 = tpu.sort %select_n3A, %select_n3A_348 masked %masked_sort3A_349 {descending = true} : (vector<16xf32>, vector<16xi32>, vector<16xi1>) -> (vector<16xi1>, vector<16xf32>, vector<16xi32>)
        %reduce_min3A_353 = arith.constant true
        %reduce_min3A_354 = vector.broadcast %reduce_min3A_353 : i1 to vector<16xi1>
        %reduce_min3A_355 = tpu.scan <min>, %masked_sort3A_351 masked %reduce_min3A_354 : vector<16xf32>, vector<16xi1> -> vector<16xf32>
        %reduce_min3A_356 = vector.extract %reduce_min3A_355[15] : f32 from vector<16xf32>
        scf.yield %masked_sort3A_351, %masked_sort3A_352, %reduce_min3A_356 : vector<16xf32>, vector<16xi32>, f32
      } else {
        scf.yield %while3A_117, %while3A_118, %while3A_119 : vector<16xf32>, vector<16xi32>, f32
      }
      %add3A_146 = arith.constant 16 : i32
      %add3A_147 = arith.addi %mul3A_122, %add3A_146 : i32
      %get3A_148 = arith.index_cast %add3A_147 : i32 to index
      %get3A_149 = tpu.vector_load %arg8[%get3A_148] {strides = array<i32>} : memref<102400xf32, #tpu.memory_space<vmem>>, vector<16xf32>,
      %mul3A_150 = arith.constant 128 : i32
      %mul3A_151 = arith.muli %get3A_120, %mul3A_150 : i32
      %add3A_152 = arith.constant 16 : i32
      %add3A_153 = arith.addi %mul3A_151, %add3A_152 : i32
      %add3A_154 = vector.broadcast %add3A_153 : i32 to vector<16xi32>
      %add3A_155 = arith.addi %add3A_154, %iota3A : vector<16xi32>
      %gt3A_156 = vector.broadcast %cond3A_145#2 : f32 to vector<16xf32>
      %gt3A_157 = arith.cmpf ogt, %get3A_149, %gt3A_156 : vector<16xf32>
      %reduce_or3A_158 = arith.constant 1.000000e+00 : f32
      %reduce_or3A_159 = arith.constant 0.000000e+00 : f32
      %reduce_or3A_160 = vector.broadcast %reduce_or3A_158 : f32 to vector<16xf32>
      %reduce_or3A_161 = vector.broadcast %reduce_or3A_159 : f32 to vector<16xf32>
      %reduce_or3A_162 = arith.select %gt3A_157, %reduce_or3A_160, %reduce_or3A_161 : vector<16xi1>, vector<16xf32>
      %reduce_or3A_163 = arith.constant true
      %reduce_or3A_164 = vector.broadcast %reduce_or3A_163 : i1 to vector<16xi1>
      %reduce_or3A_165 = tpu.scan <max>, %reduce_or3A_162 masked %reduce_or3A_164 : vector<16xf32>, vector<16xi1> -> vector<16xf32>
      %reduce_or3A_166 = vector.extract %reduce_or3A_165[15] : f32 from vector<16xf32>
      %reduce_or3A_167 = arith.constant 0.000000e+00 : f32
      %reduce_or3A_168 = arith.cmpf ogt, %reduce_or3A_166, %reduce_or3A_167 : f32
      %convert_element_type3A_169 = arith.extui %reduce_or3A_168 : i1 to i32
      %cond3A_170 = arith.constant 0 : i32
      %cond3A_171 = arith.cmpi ne, %convert_element_type3A_169, %cond3A_170 : i32
      %cond3A_172:3 = scf.if %cond3A_171 -> (vector<16xf32>, vector<16xi32>, f32) {
        %masked_sort3A = arith.constant dense<true> : vector<16xi1>
        %masked_sort3A_335, %masked_sort3A_336, %masked_sort3A_337 = tpu.sort %get3A_149, %add3A_155 masked %masked_sort3A {descending = true} : (vector<16xf32>, vector<16xi32>, vector<16xi1>) -> (vector<16xi1>, vector<16xf32>, vector<16xi32>)
        %rev3A = arith.constant 15 : i32
        %rev3A_338 = vector.broadcast %rev3A : i32 to vector<16xi32>
        %rev3A_339 = tpu.iota {dimensions = array<i32: 0>} : vector<16xi32>
        %rev3A_340 = arith.subi %rev3A_338, %rev3A_339 : vector<16xi32>
        %rev3A_341 = tpu.dynamic_gather %masked_sort3A_336[%rev3A_340] in [0] : vector<16xf32>, vector<16xi32> -> vector<16xf32>
        %rev3A_342 = arith.constant 15 : i32
        %rev3A_343 = vector.broadcast %rev3A_342 : i32 to vector<16xi32>
        %rev3A_344 = tpu.iota {dimensions = array<i32: 0>} : vector<16xi32>
        %rev3A_345 = arith.subi %rev3A_343, %rev3A_344 : vector<16xi32>
        %rev3A_346 = tpu.dynamic_gather %masked_sort3A_337[%rev3A_345] in [0] : vector<16xi32>, vector<16xi32> -> vector<16xi32>
        %gt3A_347 = arith.cmpf ogt, %cond3A_145#0, %rev3A_341 : vector<16xf32>
        %eq3A = arith.cmpf oeq, %cond3A_145#0, %rev3A_341 : vector<16xf32>
        %lt3A = arith.cmpi slt, %cond3A_145#1, %rev3A_346 : vector<16xi32>
        %and3A = arith.andi %eq3A, %lt3A : vector<16xi1>
        %or3A = arith.ori %gt3A_347, %and3A : vector<16xi1>
        %select_n3A = arith.select %or3A, %cond3A_145#0, %rev3A_341 : vector<16xi1>, vector<16xf32>
        %select_n3A_348 = arith.select %or3A, %cond3A_145#1, %rev3A_346 : vector<16xi1>, vector<16xi32>
        %masked_sort3A_349 = arith.constant dense<true> : vector<16xi1>
        %masked_sort3A_350, %masked_sort3A_351, %masked_sort3A_352 = tpu.sort %select_n3A, %select_n3A_348 masked %masked_sort3A_349 {descending = true} : (vector<16xf32>, vector<16xi32>, vector<16xi1>) -> (vector<16xi1>, vector<16xf32>, vector<16xi32>)
        %reduce_min3A_353 = arith.constant true
        %reduce_min3A_354 = vector.broadcast %reduce_min3A_353 : i1 to vector<16xi1>
        %reduce_min3A_355 = tpu.scan <min>, %masked_sort3A_351 masked %reduce_min3A_354 : vector<16xf32>, vector<16xi1> -> vector<16xf32>
        %reduce_min3A_356 = vector.extract %reduce_min3A_355[15] : f32 from vector<16xf32>
        scf.yield %masked_sort3A_351, %masked_sort3A_352, %reduce_min3A_356 : vector<16xf32>, vector<16xi32>, f32
      } else {
        scf.yield %cond3A_145#0, %cond3A_145#1, %cond3A_145#2 : vector<16xf32>, vector<16xi32>, f32
      }
      %add3A_173 = arith.constant 32 : i32
      %add3A_174 = arith.addi %mul3A_122, %add3A_173 : i32
      %get3A_175 = arith.index_cast %add3A_174 : i32 to index
      %get3A_176 = tpu.vector_load %arg8[%get3A_175] {strides = array<i32>} : memref<102400xf32, #tpu.memory_space<vmem>>, vector<16xf32>,
      %mul3A_177 = arith.constant 128 : i32
      %mul3A_178 = arith.muli %get3A_120, %mul3A_177 : i32
      %add3A_179 = arith.constant 32 : i32
      %add3A_180 = arith.addi %mul3A_178, %add3A_179 : i32
      %add3A_181 = vector.broadcast %add3A_180 : i32 to vector<16xi32>
      %add3A_182 = arith.addi %add3A_181, %iota3A : vector<16xi32>
      %gt3A_183 = vector.broadcast %cond3A_172#2 : f32 to vector<16xf32>
      %gt3A_184 = arith.cmpf ogt, %get3A_176, %gt3A_183 : vector<16xf32>
      %reduce_or3A_185 = arith.constant 1.000000e+00 : f32
      %reduce_or3A_186 = arith.constant 0.000000e+00 : f32
      %reduce_or3A_187 = vector.broadcast %reduce_or3A_185 : f32 to vector<16xf32>
      %reduce_or3A_188 = vector.broadcast %reduce_or3A_186 : f32 to vector<16xf32>
      %reduce_or3A_189 = arith.select %gt3A_184, %reduce_or3A_187, %reduce_or3A_188 : vector<16xi1>, vector<16xf32>
      %reduce_or3A_190 = arith.constant true
      %reduce_or3A_191 = vector.broadcast %reduce_or3A_190 : i1 to vector<16xi1>
      %reduce_or3A_192 = tpu.scan <max>, %reduce_or3A_189 masked %reduce_or3A_191 : vector<16xf32>, vector<16xi1> -> vector<16xf32>
      %reduce_or3A_193 = vector.extract %reduce_or3A_192[15] : f32 from vector<16xf32>
      %reduce_or3A_194 = arith.constant 0.000000e+00 : f32
      %reduce_or3A_195 = arith.cmpf ogt, %reduce_or3A_193, %reduce_or3A_194 : f32
      %convert_element_type3A_196 = arith.extui %reduce_or3A_195 : i1 to i32
      %cond3A_197 = arith.constant 0 : i32
      %cond3A_198 = arith.cmpi ne, %convert_element_type3A_196, %cond3A_197 : i32
      %cond3A_199:3 = scf.if %cond3A_198 -> (vector<16xf32>, vector<16xi32>, f32) {
        %masked_sort3A = arith.constant dense<true> : vector<16xi1>
        %masked_sort3A_335, %masked_sort3A_336, %masked_sort3A_337 = tpu.sort %get3A_176, %add3A_182 masked %masked_sort3A {descending = true} : (vector<16xf32>, vector<16xi32>, vector<16xi1>) -> (vector<16xi1>, vector<16xf32>, vector<16xi32>)
        %rev3A = arith.constant 15 : i32
        %rev3A_338 = vector.broadcast %rev3A : i32 to vector<16xi32>
        %rev3A_339 = tpu.iota {dimensions = array<i32: 0>} : vector<16xi32>
        %rev3A_340 = arith.subi %rev3A_338, %rev3A_339 : vector<16xi32>
        %rev3A_341 = tpu.dynamic_gather %masked_sort3A_336[%rev3A_340] in [0] : vector<16xf32>, vector<16xi32> -> vector<16xf32>
        %rev3A_342 = arith.constant 15 : i32
        %rev3A_343 = vector.broadcast %rev3A_342 : i32 to vector<16xi32>
        %rev3A_344 = tpu.iota {dimensions = array<i32: 0>} : vector<16xi32>
        %rev3A_345 = arith.subi %rev3A_343, %rev3A_344 : vector<16xi32>
        %rev3A_346 = tpu.dynamic_gather %masked_sort3A_337[%rev3A_345] in [0] : vector<16xi32>, vector<16xi32> -> vector<16xi32>
        %gt3A_347 = arith.cmpf ogt, %cond3A_172#0, %rev3A_341 : vector<16xf32>
        %eq3A = arith.cmpf oeq, %cond3A_172#0, %rev3A_341 : vector<16xf32>
        %lt3A = arith.cmpi slt, %cond3A_172#1, %rev3A_346 : vector<16xi32>
        %and3A = arith.andi %eq3A, %lt3A : vector<16xi1>
        %or3A = arith.ori %gt3A_347, %and3A : vector<16xi1>
        %select_n3A = arith.select %or3A, %cond3A_172#0, %rev3A_341 : vector<16xi1>, vector<16xf32>
        %select_n3A_348 = arith.select %or3A, %cond3A_172#1, %rev3A_346 : vector<16xi1>, vector<16xi32>
        %masked_sort3A_349 = arith.constant dense<true> : vector<16xi1>
        %masked_sort3A_350, %masked_sort3A_351, %masked_sort3A_352 = tpu.sort %select_n3A, %select_n3A_348 masked %masked_sort3A_349 {descending = true} : (vector<16xf32>, vector<16xi32>, vector<16xi1>) -> (vector<16xi1>, vector<16xf32>, vector<16xi32>)
        %reduce_min3A_353 = arith.constant true
        %reduce_min3A_354 = vector.broadcast %reduce_min3A_353 : i1 to vector<16xi1>
        %reduce_min3A_355 = tpu.scan <min>, %masked_sort3A_351 masked %reduce_min3A_354 : vector<16xf32>, vector<16xi1> -> vector<16xf32>
        %reduce_min3A_356 = vector.extract %reduce_min3A_355[15] : f32 from vector<16xf32>
        scf.yield %masked_sort3A_351, %masked_sort3A_352, %reduce_min3A_356 : vector<16xf32>, vector<16xi32>, f32
      } else {
        scf.yield %cond3A_172#0, %cond3A_172#1, %cond3A_172#2 : vector<16xf32>, vector<16xi32>, f32
      }
      %add3A_200 = arith.constant 48 : i32
      %add3A_201 = arith.addi %mul3A_122, %add3A_200 : i32
      %get3A_202 = arith.index_cast %add3A_201 : i32 to index
      %get3A_203 = tpu.vector_load %arg8[%get3A_202] {strides = array<i32>} : memref<102400xf32, #tpu.memory_space<vmem>>, vector<16xf32>,
      %mul3A_204 = arith.constant 128 : i32
      %mul3A_205 = arith.muli %get3A_120, %mul3A_204 : i32
      %add3A_206 = arith.constant 48 : i32
      %add3A_207 = arith.addi %mul3A_205, %add3A_206 : i32
      %add3A_208 = vector.broadcast %add3A_207 : i32 to vector<16xi32>
      %add3A_209 = arith.addi %add3A_208, %iota3A : vector<16xi32>
      %gt3A_210 = vector.broadcast %cond3A_199#2 : f32 to vector<16xf32>
      %gt3A_211 = arith.cmpf ogt, %get3A_203, %gt3A_210 : vector<16xf32>
      %reduce_or3A_212 = arith.constant 1.000000e+00 : f32
      %reduce_or3A_213 = arith.constant 0.000000e+00 : f32
      %reduce_or3A_214 = vector.broadcast %reduce_or3A_212 : f32 to vector<16xf32>
      %reduce_or3A_215 = vector.broadcast %reduce_or3A_213 : f32 to vector<16xf32>
      %reduce_or3A_216 = arith.select %gt3A_211, %reduce_or3A_214, %reduce_or3A_215 : vector<16xi1>, vector<16xf32>
      %reduce_or3A_217 = arith.constant true
      %reduce_or3A_218 = vector.broadcast %reduce_or3A_217 : i1 to vector<16xi1>
      %reduce_or3A_219 = tpu.scan <max>, %reduce_or3A_216 masked %reduce_or3A_218 : vector<16xf32>, vector<16xi1> -> vector<16xf32>
      %reduce_or3A_220 = vector.extract %reduce_or3A_219[15] : f32 from vector<16xf32>
      %reduce_or3A_221 = arith.constant 0.000000e+00 : f32
      %reduce_or3A_222 = arith.cmpf ogt, %reduce_or3A_220, %reduce_or3A_221 : f32
      %convert_element_type3A_223 = arith.extui %reduce_or3A_222 : i1 to i32
      %cond3A_224 = arith.constant 0 : i32
      %cond3A_225 = arith.cmpi ne, %convert_element_type3A_223, %cond3A_224 : i32
      %cond3A_226:3 = scf.if %cond3A_225 -> (vector<16xf32>, vector<16xi32>, f32) {
        %masked_sort3A = arith.constant dense<true> : vector<16xi1>
        %masked_sort3A_335, %masked_sort3A_336, %masked_sort3A_337 = tpu.sort %get3A_203, %add3A_209 masked %masked_sort3A {descending = true} : (vector<16xf32>, vector<16xi32>, vector<16xi1>) -> (vector<16xi1>, vector<16xf32>, vector<16xi32>)
        %rev3A = arith.constant 15 : i32
        %rev3A_338 = vector.broadcast %rev3A : i32 to vector<16xi32>
        %rev3A_339 = tpu.iota {dimensions = array<i32: 0>} : vector<16xi32>
        %rev3A_340 = arith.subi %rev3A_338, %rev3A_339 : vector<16xi32>
        %rev3A_341 = tpu.dynamic_gather %masked_sort3A_336[%rev3A_340] in [0] : vector<16xf32>, vector<16xi32> -> vector<16xf32>
        %rev3A_342 = arith.constant 15 : i32
        %rev3A_343 = vector.broadcast %rev3A_342 : i32 to vector<16xi32>
        %rev3A_344 = tpu.iota {dimensions = array<i32: 0>} : vector<16xi32>
        %rev3A_345 = arith.subi %rev3A_343, %rev3A_344 : vector<16xi32>
        %rev3A_346 = tpu.dynamic_gather %masked_sort3A_337[%rev3A_345] in [0] : vector<16xi32>, vector<16xi32> -> vector<16xi32>
        %gt3A_347 = arith.cmpf ogt, %cond3A_199#0, %rev3A_341 : vector<16xf32>
        %eq3A = arith.cmpf oeq, %cond3A_199#0, %rev3A_341 : vector<16xf32>
        %lt3A = arith.cmpi slt, %cond3A_199#1, %rev3A_346 : vector<16xi32>
        %and3A = arith.andi %eq3A, %lt3A : vector<16xi1>
        %or3A = arith.ori %gt3A_347, %and3A : vector<16xi1>
        %select_n3A = arith.select %or3A, %cond3A_199#0, %rev3A_341 : vector<16xi1>, vector<16xf32>
        %select_n3A_348 = arith.select %or3A, %cond3A_199#1, %rev3A_346 : vector<16xi1>, vector<16xi32>
        %masked_sort3A_349 = arith.constant dense<true> : vector<16xi1>
        %masked_sort3A_350, %masked_sort3A_351, %masked_sort3A_352 = tpu.sort %select_n3A, %select_n3A_348 masked %masked_sort3A_349 {descending = true} : (vector<16xf32>, vector<16xi32>, vector<16xi1>) -> (vector<16xi1>, vector<16xf32>, vector<16xi32>)
        %reduce_min3A_353 = arith.constant true
        %reduce_min3A_354 = vector.broadcast %reduce_min3A_353 : i1 to vector<16xi1>
        %reduce_min3A_355 = tpu.scan <min>, %masked_sort3A_351 masked %reduce_min3A_354 : vector<16xf32>, vector<16xi1> -> vector<16xf32>
        %reduce_min3A_356 = vector.extract %reduce_min3A_355[15] : f32 from vector<16xf32>
        scf.yield %masked_sort3A_351, %masked_sort3A_352, %reduce_min3A_356 : vector<16xf32>, vector<16xi32>, f32
      } else {
        scf.yield %cond3A_199#0, %cond3A_199#1, %cond3A_199#2 : vector<16xf32>, vector<16xi32>, f32
      }
      %add3A_227 = arith.constant 64 : i32
      %add3A_228 = arith.addi %mul3A_122, %add3A_227 : i32
      %get3A_229 = arith.index_cast %add3A_228 : i32 to index
      %get3A_230 = tpu.vector_load %arg8[%get3A_229] {strides = array<i32>} : memref<102400xf32, #tpu.memory_space<vmem>>, vector<16xf32>,
      %mul3A_231 = arith.constant 128 : i32
      %mul3A_232 = arith.muli %get3A_120, %mul3A_231 : i32
      %add3A_233 = arith.constant 64 : i32
      %add3A_234 = arith.addi %mul3A_232, %add3A_233 : i32
      %add3A_235 = vector.broadcast %add3A_234 : i32 to vector<16xi32>
      %add3A_236 = arith.addi %add3A_235, %iota3A : vector<16xi32>
      %gt3A_237 = vector.broadcast %cond3A_226#2 : f32 to vector<16xf32>
      %gt3A_238 = arith.cmpf ogt, %get3A_230, %gt3A_237 : vector<16xf32>
      %reduce_or3A_239 = arith.constant 1.000000e+00 : f32
      %reduce_or3A_240 = arith.constant 0.000000e+00 : f32
      %reduce_or3A_241 = vector.broadcast %reduce_or3A_239 : f32 to vector<16xf32>
      %reduce_or3A_242 = vector.broadcast %reduce_or3A_240 : f32 to vector<16xf32>
      %reduce_or3A_243 = arith.select %gt3A_238, %reduce_or3A_241, %reduce_or3A_242 : vector<16xi1>, vector<16xf32>
      %reduce_or3A_244 = arith.constant true
      %reduce_or3A_245 = vector.broadcast %reduce_or3A_244 : i1 to vector<16xi1>
      %reduce_or3A_246 = tpu.scan <max>, %reduce_or3A_243 masked %reduce_or3A_245 : vector<16xf32>, vector<16xi1> -> vector<16xf32>
      %reduce_or3A_247 = vector.extract %reduce_or3A_246[15] : f32 from vector<16xf32>
      %reduce_or3A_248 = arith.constant 0.000000e+00 : f32
      %reduce_or3A_249 = arith.cmpf ogt, %reduce_or3A_247, %reduce_or3A_248 : f32
      %convert_element_type3A_250 = arith.extui %reduce_or3A_249 : i1 to i32
      %cond3A_251 = arith.constant 0 : i32
      %cond3A_252 = arith.cmpi ne, %convert_element_type3A_250, %cond3A_251 : i32
      %cond3A_253:3 = scf.if %cond3A_252 -> (vector<16xf32>, vector<16xi32>, f32) {
        %masked_sort3A = arith.constant dense<true> : vector<16xi1>
        %masked_sort3A_335, %masked_sort3A_336, %masked_sort3A_337 = tpu.sort %get3A_230, %add3A_236 masked %masked_sort3A {descending = true} : (vector<16xf32>, vector<16xi32>, vector<16xi1>) -> (vector<16xi1>, vector<16xf32>, vector<16xi32>)
        %rev3A = arith.constant 15 : i32
        %rev3A_338 = vector.broadcast %rev3A : i32 to vector<16xi32>
        %rev3A_339 = tpu.iota {dimensions = array<i32: 0>} : vector<16xi32>
        %rev3A_340 = arith.subi %rev3A_338, %rev3A_339 : vector<16xi32>
        %rev3A_341 = tpu.dynamic_gather %masked_sort3A_336[%rev3A_340] in [0] : vector<16xf32>, vector<16xi32> -> vector<16xf32>
        %rev3A_342 = arith.constant 15 : i32
        %rev3A_343 = vector.broadcast %rev3A_342 : i32 to vector<16xi32>
        %rev3A_344 = tpu.iota {dimensions = array<i32: 0>} : vector<16xi32>
        %rev3A_345 = arith.subi %rev3A_343, %rev3A_344 : vector<16xi32>
        %rev3A_346 = tpu.dynamic_gather %masked_sort3A_337[%rev3A_345] in [0] : vector<16xi32>, vector<16xi32> -> vector<16xi32>
        %gt3A_347 = arith.cmpf ogt, %cond3A_226#0, %rev3A_341 : vector<16xf32>
        %eq3A = arith.cmpf oeq, %cond3A_226#0, %rev3A_341 : vector<16xf32>
        %lt3A = arith.cmpi slt, %cond3A_226#1, %rev3A_346 : vector<16xi32>
        %and3A = arith.andi %eq3A, %lt3A : vector<16xi1>
        %or3A = arith.ori %gt3A_347, %and3A : vector<16xi1>
        %select_n3A = arith.select %or3A, %cond3A_226#0, %rev3A_341 : vector<16xi1>, vector<16xf32>
        %select_n3A_348 = arith.select %or3A, %cond3A_226#1, %rev3A_346 : vector<16xi1>, vector<16xi32>
        %masked_sort3A_349 = arith.constant dense<true> : vector<16xi1>
        %masked_sort3A_350, %masked_sort3A_351, %masked_sort3A_352 = tpu.sort %select_n3A, %select_n3A_348 masked %masked_sort3A_349 {descending = true} : (vector<16xf32>, vector<16xi32>, vector<16xi1>) -> (vector<16xi1>, vector<16xf32>, vector<16xi32>)
        %reduce_min3A_353 = arith.constant true
        %reduce_min3A_354 = vector.broadcast %reduce_min3A_353 : i1 to vector<16xi1>
        %reduce_min3A_355 = tpu.scan <min>, %masked_sort3A_351 masked %reduce_min3A_354 : vector<16xf32>, vector<16xi1> -> vector<16xf32>
        %reduce_min3A_356 = vector.extract %reduce_min3A_355[15] : f32 from vector<16xf32>
        scf.yield %masked_sort3A_351, %masked_sort3A_352, %reduce_min3A_356 : vector<16xf32>, vector<16xi32>, f32
      } else {
        scf.yield %cond3A_226#0, %cond3A_226#1, %cond3A_226#2 : vector<16xf32>, vector<16xi32>, f32
      }
      %add3A_254 = arith.constant 80 : i32
      %add3A_255 = arith.addi %mul3A_122, %add3A_254 : i32
      %get3A_256 = arith.index_cast %add3A_255 : i32 to index
      %get3A_257 = tpu.vector_load %arg8[%get3A_256] {strides = array<i32>} : memref<102400xf32, #tpu.memory_space<vmem>>, vector<16xf32>,
      %mul3A_258 = arith.constant 128 : i32
      %mul3A_259 = arith.muli %get3A_120, %mul3A_258 : i32
      %add3A_260 = arith.constant 80 : i32
      %add3A_261 = arith.addi %mul3A_259, %add3A_260 : i32
      %add3A_262 = vector.broadcast %add3A_261 : i32 to vector<16xi32>
      %add3A_263 = arith.addi %add3A_262, %iota3A : vector<16xi32>
      %gt3A_264 = vector.broadcast %cond3A_253#2 : f32 to vector<16xf32>
      %gt3A_265 = arith.cmpf ogt, %get3A_257, %gt3A_264 : vector<16xf32>
      %reduce_or3A_266 = arith.constant 1.000000e+00 : f32
      %reduce_or3A_267 = arith.constant 0.000000e+00 : f32
      %reduce_or3A_268 = vector.broadcast %reduce_or3A_266 : f32 to vector<16xf32>
      %reduce_or3A_269 = vector.broadcast %reduce_or3A_267 : f32 to vector<16xf32>
      %reduce_or3A_270 = arith.select %gt3A_265, %reduce_or3A_268, %reduce_or3A_269 : vector<16xi1>, vector<16xf32>
      %reduce_or3A_271 = arith.constant true
      %reduce_or3A_272 = vector.broadcast %reduce_or3A_271 : i1 to vector<16xi1>
      %reduce_or3A_273 = tpu.scan <max>, %reduce_or3A_270 masked %reduce_or3A_272 : vector<16xf32>, vector<16xi1> -> vector<16xf32>
      %reduce_or3A_274 = vector.extract %reduce_or3A_273[15] : f32 from vector<16xf32>
      %reduce_or3A_275 = arith.constant 0.000000e+00 : f32
      %reduce_or3A_276 = arith.cmpf ogt, %reduce_or3A_274, %reduce_or3A_275 : f32
      %convert_element_type3A_277 = arith.extui %reduce_or3A_276 : i1 to i32
      %cond3A_278 = arith.constant 0 : i32
      %cond3A_279 = arith.cmpi ne, %convert_element_type3A_277, %cond3A_278 : i32
      %cond3A_280:3 = scf.if %cond3A_279 -> (vector<16xf32>, vector<16xi32>, f32) {
        %masked_sort3A = arith.constant dense<true> : vector<16xi1>
        %masked_sort3A_335, %masked_sort3A_336, %masked_sort3A_337 = tpu.sort %get3A_257, %add3A_263 masked %masked_sort3A {descending = true} : (vector<16xf32>, vector<16xi32>, vector<16xi1>) -> (vector<16xi1>, vector<16xf32>, vector<16xi32>)
        %rev3A = arith.constant 15 : i32
        %rev3A_338 = vector.broadcast %rev3A : i32 to vector<16xi32>
        %rev3A_339 = tpu.iota {dimensions = array<i32: 0>} : vector<16xi32>
        %rev3A_340 = arith.subi %rev3A_338, %rev3A_339 : vector<16xi32>
        %rev3A_341 = tpu.dynamic_gather %masked_sort3A_336[%rev3A_340] in [0] : vector<16xf32>, vector<16xi32> -> vector<16xf32>
        %rev3A_342 = arith.constant 15 : i32
        %rev3A_343 = vector.broadcast %rev3A_342 : i32 to vector<16xi32>
        %rev3A_344 = tpu.iota {dimensions = array<i32: 0>} : vector<16xi32>
        %rev3A_345 = arith.subi %rev3A_343, %rev3A_344 : vector<16xi32>
        %rev3A_346 = tpu.dynamic_gather %masked_sort3A_337[%rev3A_345] in [0] : vector<16xi32>, vector<16xi32> -> vector<16xi32>
        %gt3A_347 = arith.cmpf ogt, %cond3A_253#0, %rev3A_341 : vector<16xf32>
        %eq3A = arith.cmpf oeq, %cond3A_253#0, %rev3A_341 : vector<16xf32>
        %lt3A = arith.cmpi slt, %cond3A_253#1, %rev3A_346 : vector<16xi32>
        %and3A = arith.andi %eq3A, %lt3A : vector<16xi1>
        %or3A = arith.ori %gt3A_347, %and3A : vector<16xi1>
        %select_n3A = arith.select %or3A, %cond3A_253#0, %rev3A_341 : vector<16xi1>, vector<16xf32>
        %select_n3A_348 = arith.select %or3A, %cond3A_253#1, %rev3A_346 : vector<16xi1>, vector<16xi32>
        %masked_sort3A_349 = arith.constant dense<true> : vector<16xi1>
        %masked_sort3A_350, %masked_sort3A_351, %masked_sort3A_352 = tpu.sort %select_n3A, %select_n3A_348 masked %masked_sort3A_349 {descending = true} : (vector<16xf32>, vector<16xi32>, vector<16xi1>) -> (vector<16xi1>, vector<16xf32>, vector<16xi32>)
        %reduce_min3A_353 = arith.constant true
        %reduce_min3A_354 = vector.broadcast %reduce_min3A_353 : i1 to vector<16xi1>
        %reduce_min3A_355 = tpu.scan <min>, %masked_sort3A_351 masked %reduce_min3A_354 : vector<16xf32>, vector<16xi1> -> vector<16xf32>
        %reduce_min3A_356 = vector.extract %reduce_min3A_355[15] : f32 from vector<16xf32>
        scf.yield %masked_sort3A_351, %masked_sort3A_352, %reduce_min3A_356 : vector<16xf32>, vector<16xi32>, f32
      } else {
        scf.yield %cond3A_253#0, %cond3A_253#1, %cond3A_253#2 : vector<16xf32>, vector<16xi32>, f32
      }
      %add3A_281 = arith.constant 96 : i32
      %add3A_282 = arith.addi %mul3A_122, %add3A_281 : i32
      %get3A_283 = arith.index_cast %add3A_282 : i32 to index
      %get3A_284 = tpu.vector_load %arg8[%get3A_283] {strides = array<i32>} : memref<102400xf32, #tpu.memory_space<vmem>>, vector<16xf32>,
      %mul3A_285 = arith.constant 128 : i32
      %mul3A_286 = arith.muli %get3A_120, %mul3A_285 : i32
      %add3A_287 = arith.constant 96 : i32
      %add3A_288 = arith.addi %mul3A_286, %add3A_287 : i32
      %add3A_289 = vector.broadcast %add3A_288 : i32 to vector<16xi32>
      %add3A_290 = arith.addi %add3A_289, %iota3A : vector<16xi32>
      %gt3A_291 = vector.broadcast %cond3A_280#2 : f32 to vector<16xf32>
      %gt3A_292 = arith.cmpf ogt, %get3A_284, %gt3A_291 : vector<16xf32>
      %reduce_or3A_293 = arith.constant 1.000000e+00 : f32
      %reduce_or3A_294 = arith.constant 0.000000e+00 : f32
      %reduce_or3A_295 = vector.broadcast %reduce_or3A_293 : f32 to vector<16xf32>
      %reduce_or3A_296 = vector.broadcast %reduce_or3A_294 : f32 to vector<16xf32>
      %reduce_or3A_297 = arith.select %gt3A_292, %reduce_or3A_295, %reduce_or3A_296 : vector<16xi1>, vector<16xf32>
      %reduce_or3A_298 = arith.constant true
      %reduce_or3A_299 = vector.broadcast %reduce_or3A_298 : i1 to vector<16xi1>
      %reduce_or3A_300 = tpu.scan <max>, %reduce_or3A_297 masked %reduce_or3A_299 : vector<16xf32>, vector<16xi1> -> vector<16xf32>
      %reduce_or3A_301 = vector.extract %reduce_or3A_300[15] : f32 from vector<16xf32>
      %reduce_or3A_302 = arith.constant 0.000000e+00 : f32
      %reduce_or3A_303 = arith.cmpf ogt, %reduce_or3A_301, %reduce_or3A_302 : f32
      %convert_element_type3A_304 = arith.extui %reduce_or3A_303 : i1 to i32
      %cond3A_305 = arith.constant 0 : i32
      %cond3A_306 = arith.cmpi ne, %convert_element_type3A_304, %cond3A_305 : i32
      %cond3A_307:3 = scf.if %cond3A_306 -> (vector<16xf32>, vector<16xi32>, f32) {
        %masked_sort3A = arith.constant dense<true> : vector<16xi1>
        %masked_sort3A_335, %masked_sort3A_336, %masked_sort3A_337 = tpu.sort %get3A_284, %add3A_290 masked %masked_sort3A {descending = true} : (vector<16xf32>, vector<16xi32>, vector<16xi1>) -> (vector<16xi1>, vector<16xf32>, vector<16xi32>)
        %rev3A = arith.constant 15 : i32
        %rev3A_338 = vector.broadcast %rev3A : i32 to vector<16xi32>
        %rev3A_339 = tpu.iota {dimensions = array<i32: 0>} : vector<16xi32>
        %rev3A_340 = arith.subi %rev3A_338, %rev3A_339 : vector<16xi32>
        %rev3A_341 = tpu.dynamic_gather %masked_sort3A_336[%rev3A_340] in [0] : vector<16xf32>, vector<16xi32> -> vector<16xf32>
        %rev3A_342 = arith.constant 15 : i32
        %rev3A_343 = vector.broadcast %rev3A_342 : i32 to vector<16xi32>
        %rev3A_344 = tpu.iota {dimensions = array<i32: 0>} : vector<16xi32>
        %rev3A_345 = arith.subi %rev3A_343, %rev3A_344 : vector<16xi32>
        %rev3A_346 = tpu.dynamic_gather %masked_sort3A_337[%rev3A_345] in [0] : vector<16xi32>, vector<16xi32> -> vector<16xi32>
        %gt3A_347 = arith.cmpf ogt, %cond3A_280#0, %rev3A_341 : vector<16xf32>
        %eq3A = arith.cmpf oeq, %cond3A_280#0, %rev3A_341 : vector<16xf32>
        %lt3A = arith.cmpi slt, %cond3A_280#1, %rev3A_346 : vector<16xi32>
        %and3A = arith.andi %eq3A, %lt3A : vector<16xi1>
        %or3A = arith.ori %gt3A_347, %and3A : vector<16xi1>
        %select_n3A = arith.select %or3A, %cond3A_280#0, %rev3A_341 : vector<16xi1>, vector<16xf32>
        %select_n3A_348 = arith.select %or3A, %cond3A_280#1, %rev3A_346 : vector<16xi1>, vector<16xi32>
        %masked_sort3A_349 = arith.constant dense<true> : vector<16xi1>
        %masked_sort3A_350, %masked_sort3A_351, %masked_sort3A_352 = tpu.sort %select_n3A, %select_n3A_348 masked %masked_sort3A_349 {descending = true} : (vector<16xf32>, vector<16xi32>, vector<16xi1>) -> (vector<16xi1>, vector<16xf32>, vector<16xi32>)
        %reduce_min3A_353 = arith.constant true
        %reduce_min3A_354 = vector.broadcast %reduce_min3A_353 : i1 to vector<16xi1>
        %reduce_min3A_355 = tpu.scan <min>, %masked_sort3A_351 masked %reduce_min3A_354 : vector<16xf32>, vector<16xi1> -> vector<16xf32>
        %reduce_min3A_356 = vector.extract %reduce_min3A_355[15] : f32 from vector<16xf32>
        scf.yield %masked_sort3A_351, %masked_sort3A_352, %reduce_min3A_356 : vector<16xf32>, vector<16xi32>, f32
      } else {
        scf.yield %cond3A_280#0, %cond3A_280#1, %cond3A_280#2 : vector<16xf32>, vector<16xi32>, f32
      }
      %add3A_308 = arith.constant 112 : i32
      %add3A_309 = arith.addi %mul3A_122, %add3A_308 : i32
      %get3A_310 = arith.index_cast %add3A_309 : i32 to index
      %get3A_311 = tpu.vector_load %arg8[%get3A_310] {strides = array<i32>} : memref<102400xf32, #tpu.memory_space<vmem>>, vector<16xf32>,
      %mul3A_312 = arith.constant 128 : i32
      %mul3A_313 = arith.muli %get3A_120, %mul3A_312 : i32
      %add3A_314 = arith.constant 112 : i32
      %add3A_315 = arith.addi %mul3A_313, %add3A_314 : i32
      %add3A_316 = vector.broadcast %add3A_315 : i32 to vector<16xi32>
      %add3A_317 = arith.addi %add3A_316, %iota3A : vector<16xi32>
      %gt3A_318 = vector.broadcast %cond3A_307#2 : f32 to vector<16xf32>
      %gt3A_319 = arith.cmpf ogt, %get3A_311, %gt3A_318 : vector<16xf32>
      %reduce_or3A_320 = arith.constant 1.000000e+00 : f32
      %reduce_or3A_321 = arith.constant 0.000000e+00 : f32
      %reduce_or3A_322 = vector.broadcast %reduce_or3A_320 : f32 to vector<16xf32>
      %reduce_or3A_323 = vector.broadcast %reduce_or3A_321 : f32 to vector<16xf32>
      %reduce_or3A_324 = arith.select %gt3A_319, %reduce_or3A_322, %reduce_or3A_323 : vector<16xi1>, vector<16xf32>
      %reduce_or3A_325 = arith.constant true
      %reduce_or3A_326 = vector.broadcast %reduce_or3A_325 : i1 to vector<16xi1>
      %reduce_or3A_327 = tpu.scan <max>, %reduce_or3A_324 masked %reduce_or3A_326 : vector<16xf32>, vector<16xi1> -> vector<16xf32>
      %reduce_or3A_328 = vector.extract %reduce_or3A_327[15] : f32 from vector<16xf32>
      %reduce_or3A_329 = arith.constant 0.000000e+00 : f32
      %reduce_or3A_330 = arith.cmpf ogt, %reduce_or3A_328, %reduce_or3A_329 : f32
      %convert_element_type3A_331 = arith.extui %reduce_or3A_330 : i1 to i32
      %cond3A_332 = arith.constant 0 : i32
      %cond3A_333 = arith.cmpi ne, %convert_element_type3A_331, %cond3A_332 : i32
      %cond3A_334:3 = scf.if %cond3A_333 -> (vector<16xf32>, vector<16xi32>, f32) {
        %masked_sort3A = arith.constant dense<true> : vector<16xi1>
        %masked_sort3A_335, %masked_sort3A_336, %masked_sort3A_337 = tpu.sort %get3A_311, %add3A_317 masked %masked_sort3A {descending = true} : (vector<16xf32>, vector<16xi32>, vector<16xi1>) -> (vector<16xi1>, vector<16xf32>, vector<16xi32>)
        %rev3A = arith.constant 15 : i32
        %rev3A_338 = vector.broadcast %rev3A : i32 to vector<16xi32>
        %rev3A_339 = tpu.iota {dimensions = array<i32: 0>} : vector<16xi32>
        %rev3A_340 = arith.subi %rev3A_338, %rev3A_339 : vector<16xi32>
        %rev3A_341 = tpu.dynamic_gather %masked_sort3A_336[%rev3A_340] in [0] : vector<16xf32>, vector<16xi32> -> vector<16xf32>
        %rev3A_342 = arith.constant 15 : i32
        %rev3A_343 = vector.broadcast %rev3A_342 : i32 to vector<16xi32>
        %rev3A_344 = tpu.iota {dimensions = array<i32: 0>} : vector<16xi32>
        %rev3A_345 = arith.subi %rev3A_343, %rev3A_344 : vector<16xi32>
        %rev3A_346 = tpu.dynamic_gather %masked_sort3A_337[%rev3A_345] in [0] : vector<16xi32>, vector<16xi32> -> vector<16xi32>
        %gt3A_347 = arith.cmpf ogt, %cond3A_307#0, %rev3A_341 : vector<16xf32>
        %eq3A = arith.cmpf oeq, %cond3A_307#0, %rev3A_341 : vector<16xf32>
        %lt3A = arith.cmpi slt, %cond3A_307#1, %rev3A_346 : vector<16xi32>
        %and3A = arith.andi %eq3A, %lt3A : vector<16xi1>
        %or3A = arith.ori %gt3A_347, %and3A : vector<16xi1>
        %select_n3A = arith.select %or3A, %cond3A_307#0, %rev3A_341 : vector<16xi1>, vector<16xf32>
        %select_n3A_348 = arith.select %or3A, %cond3A_307#1, %rev3A_346 : vector<16xi1>, vector<16xi32>
        %masked_sort3A_349 = arith.constant dense<true> : vector<16xi1>
        %masked_sort3A_350, %masked_sort3A_351, %masked_sort3A_352 = tpu.sort %select_n3A, %select_n3A_348 masked %masked_sort3A_349 {descending = true} : (vector<16xf32>, vector<16xi32>, vector<16xi1>) -> (vector<16xi1>, vector<16xf32>, vector<16xi32>)
        %reduce_min3A_353 = arith.constant true
        %reduce_min3A_354 = vector.broadcast %reduce_min3A_353 : i1 to vector<16xi1>
        %reduce_min3A_355 = tpu.scan <min>, %masked_sort3A_351 masked %reduce_min3A_354 : vector<16xf32>, vector<16xi1> -> vector<16xf32>
        %reduce_min3A_356 = vector.extract %reduce_min3A_355[15] : f32 from vector<16xf32>
        scf.yield %masked_sort3A_351, %masked_sort3A_352, %reduce_min3A_356 : vector<16xf32>, vector<16xi32>, f32
      } else {
        scf.yield %cond3A_307#0, %cond3A_307#1, %cond3A_307#2 : vector<16xf32>, vector<16xi32>, f32
      }
      scf.yield %cond3A_334#0, %cond3A_334#1, %cond3A_334#2 : vector<16xf32>, vector<16xi32>, f32
    }
    %swap3A = arith.constant 0 : index
    %swap3A_47 = tpu.vector_load %arg11[%swap3A] {strides = array<i32>} : memref<16xf32, #tpu.memory_space<vmem>>, vector<16xf32>,
    tpu.vector_store %arg11[%swap3A], %while3A_46#0 {strides = array<i32>} : memref<16xf32, #tpu.memory_space<vmem>>, vector<16xf32>,
    %swap3A_48 = arith.constant 0 : index
    %swap3A_49 = tpu.vector_load %arg12[%swap3A_48] {strides = array<i32>} : memref<16xi32, #tpu.memory_space<vmem>>, vector<16xi32>,
    tpu.vector_store %arg12[%swap3A_48], %while3A_46#1 {strides = array<i32>} : memref<16xi32, #tpu.memory_space<vmem>>, vector<16xi32>,
    "tpu.region"() ({
      %run_scoped3A = tpu.sem_alloc : memref<!tpu.dma_semaphore, #tpu.memory_space<semaphore_mem>>
      %dma_start3A_116 = arith.constant 0 : i32
      %dma_start3A_117 = tpu.memref_slice %arg5[%add3A_5, %dma_start3A_116] : memref<64x16xf32, #tpu.memory_space<hbm>> -> memref<1x16xf32, #tpu.memory_space<hbm>>
      %dma_start3A_118 = tpu.memref_squeeze %dma_start3A_117 : memref<1x16xf32, #tpu.memory_space<hbm>> -> memref<16xf32, #tpu.memory_space<hbm>>
      %dma_start3A_119 = arith.constant 0 : i32
      %dma_start3A_120 = tpu.memref_slice %arg5[%add3A_5, %dma_start3A_119] : memref<64x16xf32, #tpu.memory_space<hbm>> -> memref<1x16xf32, #tpu.memory_space<hbm>>
      %dma_start3A_121 = tpu.memref_squeeze %dma_start3A_120 : memref<1x16xf32, #tpu.memory_space<hbm>> -> memref<16xf32, #tpu.memory_space<hbm>>
      tpu.enqueue_dma source(%arg11 : memref<16xf32, #tpu.memory_space<vmem>>) target(%dma_start3A_121 : memref<16xf32, #tpu.memory_space<hbm>>) target_semaphore(%run_scoped3A : memref<!tpu.dma_semaphore, #tpu.memory_space<semaphore_mem>>)
      %dma_wait3A_122 = arith.constant 0 : i32
      %dma_wait3A_123 = tpu.memref_slice %arg5[%add3A_5, %dma_wait3A_122] : memref<64x16xf32, #tpu.memory_space<hbm>> -> memref<1x16xf32, #tpu.memory_space<hbm>>
      %dma_wait3A_124 = tpu.memref_squeeze %dma_wait3A_123 : memref<1x16xf32, #tpu.memory_space<hbm>> -> memref<16xf32, #tpu.memory_space<hbm>>
      %dma_wait3A_125 = arith.constant 0 : i32
      %dma_wait3A_126 = tpu.memref_slice %arg5[%add3A_5, %dma_wait3A_125] : memref<64x16xf32, #tpu.memory_space<hbm>> -> memref<1x16xf32, #tpu.memory_space<hbm>>
      %dma_wait3A_127 = tpu.memref_squeeze %dma_wait3A_126 : memref<1x16xf32, #tpu.memory_space<hbm>> -> memref<16xf32, #tpu.memory_space<hbm>>
      tpu.wait_dma2 semaphore(%run_scoped3A : memref<!tpu.dma_semaphore, #tpu.memory_space<semaphore_mem>>) src(%arg11 : memref<16xf32, #tpu.memory_space<vmem>>) dst(%dma_wait3A_127 : memref<16xf32, #tpu.memory_space<hbm>>)
      tpu.yield
    }) : () -> ()
    "tpu.region"() ({
      %run_scoped3A = tpu.sem_alloc : memref<!tpu.dma_semaphore, #tpu.memory_space<semaphore_mem>>
      %dma_start3A_116 = arith.constant 0 : i32
      %dma_start3A_117 = tpu.memref_slice %arg6[%add3A_5, %dma_start3A_116] : memref<64x16xi32, #tpu.memory_space<hbm>> -> memref<1x16xi32, #tpu.memory_space<hbm>>
      %dma_start3A_118 = tpu.memref_squeeze %dma_start3A_117 : memref<1x16xi32, #tpu.memory_space<hbm>> -> memref<16xi32, #tpu.memory_space<hbm>>
      %dma_start3A_119 = arith.constant 0 : i32
      %dma_start3A_120 = tpu.memref_slice %arg6[%add3A_5, %dma_start3A_119] : memref<64x16xi32, #tpu.memory_space<hbm>> -> memref<1x16xi32, #tpu.memory_space<hbm>>
      %dma_start3A_121 = tpu.memref_squeeze %dma_start3A_120 : memref<1x16xi32, #tpu.memory_space<hbm>> -> memref<16xi32, #tpu.memory_space<hbm>>
      tpu.enqueue_dma source(%arg12 : memref<16xi32, #tpu.memory_space<vmem>>) target(%dma_start3A_121 : memref<16xi32, #tpu.memory_space<hbm>>) target_semaphore(%run_scoped3A : memref<!tpu.dma_semaphore, #tpu.memory_space<semaphore_mem>>)
      %dma_wait3A_122 = arith.constant 0 : i32
      %dma_wait3A_123 = tpu.memref_slice %arg6[%add3A_5, %dma_wait3A_122] : memref<64x16xi32, #tpu.memory_space<hbm>> -> memref<1x16xi32, #tpu.memory_space<hbm>>
      %dma_wait3A_124 = tpu.memref_squeeze %dma_wait3A_123 : memref<1x16xi32, #tpu.memory_space<hbm>> -> memref<16xi32, #tpu.memory_space<hbm>>
      %dma_wait3A_125 = arith.constant 0 : i32
      %dma_wait3A_126 = tpu.memref_slice %arg6[%add3A_5, %dma_wait3A_125] : memref<64x16xi32, #tpu.memory_space<hbm>> -> memref<1x16xi32, #tpu.memory_space<hbm>>
      %dma_wait3A_127 = tpu.memref_squeeze %dma_wait3A_126 : memref<1x16xi32, #tpu.memory_space<hbm>> -> memref<16xi32, #tpu.memory_space<hbm>>
      tpu.wait_dma2 semaphore(%run_scoped3A : memref<!tpu.dma_semaphore, #tpu.memory_space<semaphore_mem>>) src(%arg12 : memref<16xi32, #tpu.memory_space<vmem>>) dst(%dma_wait3A_127 : memref<16xi32, #tpu.memory_space<hbm>>)
      tpu.yield
    }) : () -> ()
    %dma_start3A = arith.constant 0 : i32
    %dma_start3A_50 = arith.constant 0 : i32
    %dma_start3A_51 = tpu.memref_slice %arg4[%dma_start3A, %dma_start3A_50] : memref<100000x128xf32, #tpu.memory_space<hbm>> -> memref<100000x128xf32, #tpu.memory_space<hbm>>
    tpu.enqueue_indirect_dma source(%dma_start3A_51 : memref<100000x128xf32, #tpu.memory_space<hbm>>) target(%arg13 : memref<16x128xf32, #tpu.memory_space<vmem>>) offsets(%arg12 : memref<16xi32, #tpu.memory_space<vmem>>) semaphore(%arg14 : memref<!tpu.dma_semaphore, #tpu.memory_space<semaphore_mem>>)
    %dma_wait3A = arith.constant 0 : i32
    %dma_wait3A_52 = arith.constant 0 : i32
    %dma_wait3A_53 = tpu.memref_slice %arg4[%dma_wait3A, %dma_wait3A_52] : memref<100000x128xf32, #tpu.memory_space<hbm>> -> memref<100000x128xf32, #tpu.memory_space<hbm>>
    tpu.wait_indirect_dma semaphore(%arg14 : memref<!tpu.dma_semaphore, #tpu.memory_space<semaphore_mem>>) src(%dma_wait3A_53 : memref<100000x128xf32, #tpu.memory_space<hbm>>) dst(%arg13 : memref<16x128xf32, #tpu.memory_space<vmem>>)
    %mul3A_54 = arith.constant 16 : i32
    %mul3A_55 = arith.muli %add3A_5, %mul3A_54 : i32
    "tpu.region"() ({
      %run_scoped3A = tpu.sem_alloc : memref<!tpu.dma_semaphore, #tpu.memory_space<semaphore_mem>>
      %dma_start3A_116 = arith.constant 0 : i32
      %dma_start3A_117 = tpu.memref_slice %arg7[%mul3A_55, %dma_start3A_116] : memref<1024x128xf32, #tpu.memory_space<hbm>> -> memref<16x128xf32, #tpu.memory_space<hbm>>
      %dma_start3A_118 = arith.constant 0 : i32
      %dma_start3A_119 = tpu.memref_slice %arg7[%mul3A_55, %dma_start3A_118] : memref<1024x128xf32, #tpu.memory_space<hbm>> -> memref<16x128xf32, #tpu.memory_space<hbm>>
      tpu.enqueue_dma source(%arg13 : memref<16x128xf32, #tpu.memory_space<vmem>>) target(%dma_start3A_119 : memref<16x128xf32, #tpu.memory_space<hbm>>) target_semaphore(%run_scoped3A : memref<!tpu.dma_semaphore, #tpu.memory_space<semaphore_mem>>)
      %dma_wait3A_120 = arith.constant 0 : i32
      %dma_wait3A_121 = tpu.memref_slice %arg7[%mul3A_55, %dma_wait3A_120] : memref<1024x128xf32, #tpu.memory_space<hbm>> -> memref<16x128xf32, #tpu.memory_space<hbm>>
      %dma_wait3A_122 = arith.constant 0 : i32
      %dma_wait3A_123 = tpu.memref_slice %arg7[%mul3A_55, %dma_wait3A_122] : memref<1024x128xf32, #tpu.memory_space<hbm>> -> memref<16x128xf32, #tpu.memory_space<hbm>>
      tpu.wait_dma2 semaphore(%run_scoped3A : memref<!tpu.dma_semaphore, #tpu.memory_space<semaphore_mem>>) src(%arg13 : memref<16x128xf32, #tpu.memory_space<vmem>>) dst(%dma_wait3A_123 : memref<16x128xf32, #tpu.memory_space<hbm>>)
      tpu.yield
    }) : () -> ()
    %mul3A_56 = arith.constant 2 : i32
    %mul3A_57 = arith.muli %add3A, %mul3A_56 : i32
    %add3A_58 = arith.constant 1 : i32
    %add3A_59 = arith.addi %mul3A_57, %add3A_58 : i32
    "tpu.region"() ({
      %run_scoped3A = tpu.sem_alloc : memref<!tpu.dma_semaphore, #tpu.memory_space<semaphore_mem>>
      %dma_start3A_116 = arith.constant 0 : i32
      %dma_start3A_117 = tpu.memref_slice %arg3[%add3A_59, %dma_start3A_116] : memref<64x800xf32, #tpu.memory_space<hbm>> -> memref<1x800xf32, #tpu.memory_space<hbm>>
      %dma_start3A_118 = tpu.memref_squeeze %dma_start3A_117 : memref<1x800xf32, #tpu.memory_space<hbm>> -> memref<800xf32, #tpu.memory_space<hbm>>
      %dma_start3A_119 = arith.constant 0 : i32
      %dma_start3A_120 = tpu.memref_slice %arg3[%add3A_59, %dma_start3A_119] : memref<64x800xf32, #tpu.memory_space<hbm>> -> memref<1x800xf32, #tpu.memory_space<hbm>>
      %dma_start3A_121 = tpu.memref_squeeze %dma_start3A_120 : memref<1x800xf32, #tpu.memory_space<hbm>> -> memref<800xf32, #tpu.memory_space<hbm>>
      tpu.enqueue_dma source(%dma_start3A_121 : memref<800xf32, #tpu.memory_space<hbm>>) target(%arg9 : memref<800xf32, #tpu.memory_space<vmem>>) target_semaphore(%run_scoped3A : memref<!tpu.dma_semaphore, #tpu.memory_space<semaphore_mem>>)
      %dma_wait3A_122 = arith.constant 0 : i32
      %dma_wait3A_123 = tpu.memref_slice %arg3[%add3A_59, %dma_wait3A_122] : memref<64x800xf32, #tpu.memory_space<hbm>> -> memref<1x800xf32, #tpu.memory_space<hbm>>
      %dma_wait3A_124 = tpu.memref_squeeze %dma_wait3A_123 : memref<1x800xf32, #tpu.memory_space<hbm>> -> memref<800xf32, #tpu.memory_space<hbm>>
      %dma_wait3A_125 = arith.constant 0 : i32
      %dma_wait3A_126 = tpu.memref_slice %arg3[%add3A_59, %dma_wait3A_125] : memref<64x800xf32, #tpu.memory_space<hbm>> -> memref<1x800xf32, #tpu.memory_space<hbm>>
      %dma_wait3A_127 = tpu.memref_squeeze %dma_wait3A_126 : memref<1x800xf32, #tpu.memory_space<hbm>> -> memref<800xf32, #tpu.memory_space<hbm>>
      tpu.wait_dma2 semaphore(%run_scoped3A : memref<!tpu.dma_semaphore, #tpu.memory_space<semaphore_mem>>) src(%dma_wait3A_127 : memref<800xf32, #tpu.memory_space<hbm>>) dst(%arg9 : memref<800xf32, #tpu.memory_space<vmem>>)
      tpu.yield
    }) : () -> ()
    %reduce_min3A_60 = arith.constant true
    %reduce_min3A_61 = vector.broadcast %reduce_min3A_60 : i1 to vector<16xi1>
    %reduce_min3A_62 = tpu.scan <min>, %broadcast_in_dim3A_1 masked %reduce_min3A_61 : vector<16xf32>, vector<16xi1> -> vector<16xf32>
    %reduce_min3A_63 = vector.extract %reduce_min3A_62[15] : f32 from vector<16xf32>
    %scan3A_64 = arith.constant 0 : i32
    %scan3A_65 = arith.constant 50 : i32
    %scan3A_66 = arith.addi %scan3A_64, %scan3A_65 : i32
    %scan3A_67 = arith.constant 1 : i32
    %scan3A_68:2 = scf.for %scan3A_116 = %scan3A_64 to %scan3A_66 step %scan3A_67 iter_args(%scan3A_117 = %broadcast_in_dim3A_1, %scan3A_118 = %reduce_min3A_63) -> (vector<16xf32>, f32)  : i32 {
      %mul3A_119 = arith.constant 16 : i32
      %mul3A_120 = arith.muli %scan3A_116, %mul3A_119 : i32
      %get3A = arith.index_cast %mul3A_120 : i32 to index
      %get3A_121 = tpu.vector_load %arg9[%get3A] {strides = array<i32>} : memref<800xf32, #tpu.memory_space<vmem>>, vector<16xf32>,
      %gt3A = vector.broadcast %scan3A_118 : f32 to vector<16xf32>
      %gt3A_122 = arith.cmpf ogt, %get3A_121, %gt3A : vector<16xf32>
      %reduce_or3A = arith.constant 1.000000e+00 : f32
      %reduce_or3A_123 = arith.constant 0.000000e+00 : f32
      %reduce_or3A_124 = vector.broadcast %reduce_or3A : f32 to vector<16xf32>
      %reduce_or3A_125 = vector.broadcast %reduce_or3A_123 : f32 to vector<16xf32>
      %reduce_or3A_126 = arith.select %gt3A_122, %reduce_or3A_124, %reduce_or3A_125 : vector<16xi1>, vector<16xf32>
      %reduce_or3A_127 = arith.constant true
      %reduce_or3A_128 = vector.broadcast %reduce_or3A_127 : i1 to vector<16xi1>
      %reduce_or3A_129 = tpu.scan <max>, %reduce_or3A_126 masked %reduce_or3A_128 : vector<16xf32>, vector<16xi1> -> vector<16xf32>
      %reduce_or3A_130 = vector.extract %reduce_or3A_129[15] : f32 from vector<16xf32>
      %reduce_or3A_131 = arith.constant 0.000000e+00 : f32
      %reduce_or3A_132 = arith.cmpf ogt, %reduce_or3A_130, %reduce_or3A_131 : f32
      %convert_element_type3A = arith.extui %reduce_or3A_132 : i1 to i32
      %cond3A = arith.constant 0 : i32
      %cond3A_133 = arith.cmpi ne, %convert_element_type3A, %cond3A : i32
      %cond3A_134:2 = scf.if %cond3A_133 -> (vector<16xf32>, f32) {
        %masked_sort3A = arith.constant dense<true> : vector<16xi1>
        %masked_sort3A_135, %masked_sort3A_136, %masked_sort3A_137 = tpu.sort %get3A_121, %iota3A masked %masked_sort3A {descending = true} : (vector<16xf32>, vector<16xi32>, vector<16xi1>) -> (vector<16xi1>, vector<16xf32>, vector<16xi32>)
        %rev3A = arith.constant 15 : i32
        %rev3A_138 = vector.broadcast %rev3A : i32 to vector<16xi32>
        %rev3A_139 = tpu.iota {dimensions = array<i32: 0>} : vector<16xi32>
        %rev3A_140 = arith.subi %rev3A_138, %rev3A_139 : vector<16xi32>
        %rev3A_141 = tpu.dynamic_gather %masked_sort3A_136[%rev3A_140] in [0] : vector<16xf32>, vector<16xi32> -> vector<16xf32>
        %max3A = arith.maximumf %scan3A_117, %rev3A_141 : vector<16xf32>
        %masked_sort3A_142 = arith.constant dense<true> : vector<16xi1>
        %masked_sort3A_143, %masked_sort3A_144, %masked_sort3A_145 = tpu.sort %max3A, %iota3A masked %masked_sort3A_142 {descending = true} : (vector<16xf32>, vector<16xi32>, vector<16xi1>) -> (vector<16xi1>, vector<16xf32>, vector<16xi32>)
        %reduce_min3A_146 = arith.constant true
        %reduce_min3A_147 = vector.broadcast %reduce_min3A_146 : i1 to vector<16xi1>
        %reduce_min3A_148 = tpu.scan <min>, %masked_sort3A_144 masked %reduce_min3A_147 : vector<16xf32>, vector<16xi1> -> vector<16xf32>
        %reduce_min3A_149 = vector.extract %reduce_min3A_148[15] : f32 from vector<16xf32>
        scf.yield %masked_sort3A_144, %reduce_min3A_149 : vector<16xf32>, f32
      } else {
        scf.yield %scan3A_117, %scan3A_118 : vector<16xf32>, f32
      }
      scf.yield %cond3A_134#0, %cond3A_134#1 : vector<16xf32>, f32
    }
    %scan3A_69 = arith.constant 50 : i32
    %scan3A_70 = arith.constant 0 : i32
    %scan3A_71 = arith.constant 0 : i32
    %scan3A_72 = arith.constant 50 : i32
    %scan3A_73 = arith.addi %scan3A_71, %scan3A_72 : i32
    %scan3A_74 = arith.constant 1 : i32
    %scan3A_75 = scf.for %scan3A_116 = %scan3A_71 to %scan3A_73 step %scan3A_74 iter_args(%scan3A_117 = %scan3A_70) -> (i32)  : i32 {
      %mul3A_118 = arith.constant 16 : i32
      %mul3A_119 = arith.muli %scan3A_116, %mul3A_118 : i32
      %get3A = arith.index_cast %mul3A_119 : i32 to index
      %get3A_120 = tpu.vector_load %arg9[%get3A] {strides = array<i32>} : memref<800xf32, #tpu.memory_space<vmem>>, vector<16xf32>,
      %ge3A = vector.broadcast %scan3A_68#1 : f32 to vector<16xf32>
      %ge3A_121 = arith.cmpf oge, %get3A_120, %ge3A : vector<16xf32>
      %reduce_or3A = arith.constant 1.000000e+00 : f32
      %reduce_or3A_122 = arith.constant 0.000000e+00 : f32
      %reduce_or3A_123 = vector.broadcast %reduce_or3A : f32 to vector<16xf32>
      %reduce_or3A_124 = vector.broadcast %reduce_or3A_122 : f32 to vector<16xf32>
      %reduce_or3A_125 = arith.select %ge3A_121, %reduce_or3A_123, %reduce_or3A_124 : vector<16xi1>, vector<16xf32>
      %reduce_or3A_126 = arith.constant true
      %reduce_or3A_127 = vector.broadcast %reduce_or3A_126 : i1 to vector<16xi1>
      %reduce_or3A_128 = tpu.scan <max>, %reduce_or3A_125 masked %reduce_or3A_127 : vector<16xf32>, vector<16xi1> -> vector<16xf32>
      %reduce_or3A_129 = vector.extract %reduce_or3A_128[15] : f32 from vector<16xf32>
      %reduce_or3A_130 = arith.constant 0.000000e+00 : f32
      %reduce_or3A_131 = arith.cmpf ogt, %reduce_or3A_129, %reduce_or3A_130 : f32
      %convert_element_type3A = arith.extui %reduce_or3A_131 : i1 to i32
      %cond3A = arith.constant 0 : i32
      %cond3A_132 = arith.cmpi ne, %convert_element_type3A, %cond3A : i32
      %cond3A_133 = scf.if %cond3A_132 -> (i32) {
        %slice3A = vector.extract_strided_slice %get3A_120 {offsets = [0], sizes = [1], strides = [1]} : vector<16xf32> to vector<1xf32>
        %squeeze3A = vector.extract %slice3A[0] : f32 from vector<1xf32>
        %ge3A_134 = arith.cmpf oge, %squeeze3A, %scan3A_68#1 : f32
        %convert_element_type3A_135 = arith.extui %ge3A_134 : i1 to i32
        %cond3A_136 = arith.constant 0 : i32
        %cond3A_137 = arith.cmpi ne, %convert_element_type3A_135, %cond3A_136 : i32
        %cond3A_138 = scf.if %cond3A_137 -> (i32) {
          %mul3A_244 = arith.constant 16 : i32
          %mul3A_245 = arith.muli %scan3A_116, %mul3A_244 : i32
          %add3A_246 = arith.constant 0 : i32
          %add3A_247 = arith.addi %mul3A_245, %add3A_246 : i32
          %swap3A_248 = arith.index_cast %scan3A_117 : i32 to index
          %swap3A_249 = memref.load %arg10[%swap3A_248] : memref<800xi32, #tpu.memory_space<smem>>
          memref.store %add3A_247, %arg10[%swap3A_248] : memref<800xi32, #tpu.memory_space<smem>>
          %mul3A_250 = arith.constant 128 : i32
          %mul3A_251 = arith.muli %add3A_247, %mul3A_250 : i32
          %mul3A_252 = arith.constant 128 : i32
          %mul3A_253 = arith.muli %scan3A_117, %mul3A_252 : i32
          %dma_start3A_254 = tpu.memref_slice %arg8[%mul3A_253] : memref<102400xf32, #tpu.memory_space<vmem>> -> memref<128xf32, #tpu.memory_space<vmem>>
          %dma_start3A_255 = tpu.memref_slice %arg2[%add3A_59, %mul3A_251] : memref<64x102400xf32, #tpu.memory_space<hbm>> -> memref<1x128xf32, #tpu.memory_space<hbm>>
          %dma_start3A_256 = tpu.memref_squeeze %dma_start3A_255 : memref<1x128xf32, #tpu.memory_space<hbm>> -> memref<128xf32, #tpu.memory_space<hbm>>
          %dma_start3A_257 = tpu.memref_slice %arg8[%mul3A_253] : memref<102400xf32, #tpu.memory_space<vmem>> -> memref<128xf32, #tpu.memory_space<vmem>>
          %dma_start3A_258 = tpu.memref_slice %arg2[%add3A_59, %mul3A_251] : memref<64x102400xf32, #tpu.memory_space<hbm>> -> memref<1x128xf32, #tpu.memory_space<hbm>>
          %dma_start3A_259 = tpu.memref_squeeze %dma_start3A_258 : memref<1x128xf32, #tpu.memory_space<hbm>> -> memref<128xf32, #tpu.memory_space<hbm>>
          tpu.enqueue_dma source(%dma_start3A_259 : memref<128xf32, #tpu.memory_space<hbm>>) target(%dma_start3A_257 : memref<128xf32, #tpu.memory_space<vmem>>) target_semaphore(%arg14 : memref<!tpu.dma_semaphore, #tpu.memory_space<semaphore_mem>>)
          %add3A_260 = arith.constant 1 : i32
          %add3A_261 = arith.addi %scan3A_117, %add3A_260 : i32
          scf.yield %add3A_261 : i32
        } else {
          scf.yield %scan3A_117 : i32
        }
        %slice3A_139 = vector.extract_strided_slice %get3A_120 {offsets = [1], sizes = [1], strides = [1]} : vector<16xf32> to vector<1xf32>
        %squeeze3A_140 = vector.extract %slice3A_139[0] : f32 from vector<1xf32>
        %ge3A_141 = arith.cmpf oge, %squeeze3A_140, %scan3A_68#1 : f32
        %convert_element_type3A_142 = arith.extui %ge3A_141 : i1 to i32
        %cond3A_143 = arith.constant 0 : i32
        %cond3A_144 = arith.cmpi ne, %convert_element_type3A_142, %cond3A_143 : i32
        %cond3A_145 = scf.if %cond3A_144 -> (i32) {
          %mul3A_244 = arith.constant 16 : i32
          %mul3A_245 = arith.muli %scan3A_116, %mul3A_244 : i32
          %add3A_246 = arith.constant 1 : i32
          %add3A_247 = arith.addi %mul3A_245, %add3A_246 : i32
          %swap3A_248 = arith.index_cast %cond3A_138 : i32 to index
          %swap3A_249 = memref.load %arg10[%swap3A_248] : memref<800xi32, #tpu.memory_space<smem>>
          memref.store %add3A_247, %arg10[%swap3A_248] : memref<800xi32, #tpu.memory_space<smem>>
          %mul3A_250 = arith.constant 128 : i32
          %mul3A_251 = arith.muli %add3A_247, %mul3A_250 : i32
          %mul3A_252 = arith.constant 128 : i32
          %mul3A_253 = arith.muli %cond3A_138, %mul3A_252 : i32
          %dma_start3A_254 = tpu.memref_slice %arg8[%mul3A_253] : memref<102400xf32, #tpu.memory_space<vmem>> -> memref<128xf32, #tpu.memory_space<vmem>>
          %dma_start3A_255 = tpu.memref_slice %arg2[%add3A_59, %mul3A_251] : memref<64x102400xf32, #tpu.memory_space<hbm>> -> memref<1x128xf32, #tpu.memory_space<hbm>>
          %dma_start3A_256 = tpu.memref_squeeze %dma_start3A_255 : memref<1x128xf32, #tpu.memory_space<hbm>> -> memref<128xf32, #tpu.memory_space<hbm>>
          %dma_start3A_257 = tpu.memref_slice %arg8[%mul3A_253] : memref<102400xf32, #tpu.memory_space<vmem>> -> memref<128xf32, #tpu.memory_space<vmem>>
          %dma_start3A_258 = tpu.memref_slice %arg2[%add3A_59, %mul3A_251] : memref<64x102400xf32, #tpu.memory_space<hbm>> -> memref<1x128xf32, #tpu.memory_space<hbm>>
          %dma_start3A_259 = tpu.memref_squeeze %dma_start3A_258 : memref<1x128xf32, #tpu.memory_space<hbm>> -> memref<128xf32, #tpu.memory_space<hbm>>
          tpu.enqueue_dma source(%dma_start3A_259 : memref<128xf32, #tpu.memory_space<hbm>>) target(%dma_start3A_257 : memref<128xf32, #tpu.memory_space<vmem>>) target_semaphore(%arg14 : memref<!tpu.dma_semaphore, #tpu.memory_space<semaphore_mem>>)
          %add3A_260 = arith.constant 1 : i32
          %add3A_261 = arith.addi %cond3A_138, %add3A_260 : i32
          scf.yield %add3A_261 : i32
        } else {
          scf.yield %cond3A_138 : i32
        }
        %slice3A_146 = vector.extract_strided_slice %get3A_120 {offsets = [2], sizes = [1], strides = [1]} : vector<16xf32> to vector<1xf32>
        %squeeze3A_147 = vector.extract %slice3A_146[0] : f32 from vector<1xf32>
        %ge3A_148 = arith.cmpf oge, %squeeze3A_147, %scan3A_68#1 : f32
        %convert_element_type3A_149 = arith.extui %ge3A_148 : i1 to i32
        %cond3A_150 = arith.constant 0 : i32
        %cond3A_151 = arith.cmpi ne, %convert_element_type3A_149, %cond3A_150 : i32
        %cond3A_152 = scf.if %cond3A_151 -> (i32) {
          %mul3A_244 = arith.constant 16 : i32
          %mul3A_245 = arith.muli %scan3A_116, %mul3A_244 : i32
          %add3A_246 = arith.constant 2 : i32
          %add3A_247 = arith.addi %mul3A_245, %add3A_246 : i32
          %swap3A_248 = arith.index_cast %cond3A_145 : i32 to index
          %swap3A_249 = memref.load %arg10[%swap3A_248] : memref<800xi32, #tpu.memory_space<smem>>
          memref.store %add3A_247, %arg10[%swap3A_248] : memref<800xi32, #tpu.memory_space<smem>>
          %mul3A_250 = arith.constant 128 : i32
          %mul3A_251 = arith.muli %add3A_247, %mul3A_250 : i32
          %mul3A_252 = arith.constant 128 : i32
          %mul3A_253 = arith.muli %cond3A_145, %mul3A_252 : i32
          %dma_start3A_254 = tpu.memref_slice %arg8[%mul3A_253] : memref<102400xf32, #tpu.memory_space<vmem>> -> memref<128xf32, #tpu.memory_space<vmem>>
          %dma_start3A_255 = tpu.memref_slice %arg2[%add3A_59, %mul3A_251] : memref<64x102400xf32, #tpu.memory_space<hbm>> -> memref<1x128xf32, #tpu.memory_space<hbm>>
          %dma_start3A_256 = tpu.memref_squeeze %dma_start3A_255 : memref<1x128xf32, #tpu.memory_space<hbm>> -> memref<128xf32, #tpu.memory_space<hbm>>
          %dma_start3A_257 = tpu.memref_slice %arg8[%mul3A_253] : memref<102400xf32, #tpu.memory_space<vmem>> -> memref<128xf32, #tpu.memory_space<vmem>>
          %dma_start3A_258 = tpu.memref_slice %arg2[%add3A_59, %mul3A_251] : memref<64x102400xf32, #tpu.memory_space<hbm>> -> memref<1x128xf32, #tpu.memory_space<hbm>>
          %dma_start3A_259 = tpu.memref_squeeze %dma_start3A_258 : memref<1x128xf32, #tpu.memory_space<hbm>> -> memref<128xf32, #tpu.memory_space<hbm>>
          tpu.enqueue_dma source(%dma_start3A_259 : memref<128xf32, #tpu.memory_space<hbm>>) target(%dma_start3A_257 : memref<128xf32, #tpu.memory_space<vmem>>) target_semaphore(%arg14 : memref<!tpu.dma_semaphore, #tpu.memory_space<semaphore_mem>>)
          %add3A_260 = arith.constant 1 : i32
          %add3A_261 = arith.addi %cond3A_145, %add3A_260 : i32
          scf.yield %add3A_261 : i32
        } else {
          scf.yield %cond3A_145 : i32
        }
        %slice3A_153 = vector.extract_strided_slice %get3A_120 {offsets = [3], sizes = [1], strides = [1]} : vector<16xf32> to vector<1xf32>
        %squeeze3A_154 = vector.extract %slice3A_153[0] : f32 from vector<1xf32>
        %ge3A_155 = arith.cmpf oge, %squeeze3A_154, %scan3A_68#1 : f32
        %convert_element_type3A_156 = arith.extui %ge3A_155 : i1 to i32
        %cond3A_157 = arith.constant 0 : i32
        %cond3A_158 = arith.cmpi ne, %convert_element_type3A_156, %cond3A_157 : i32
        %cond3A_159 = scf.if %cond3A_158 -> (i32) {
          %mul3A_244 = arith.constant 16 : i32
          %mul3A_245 = arith.muli %scan3A_116, %mul3A_244 : i32
          %add3A_246 = arith.constant 3 : i32
          %add3A_247 = arith.addi %mul3A_245, %add3A_246 : i32
          %swap3A_248 = arith.index_cast %cond3A_152 : i32 to index
          %swap3A_249 = memref.load %arg10[%swap3A_248] : memref<800xi32, #tpu.memory_space<smem>>
          memref.store %add3A_247, %arg10[%swap3A_248] : memref<800xi32, #tpu.memory_space<smem>>
          %mul3A_250 = arith.constant 128 : i32
          %mul3A_251 = arith.muli %add3A_247, %mul3A_250 : i32
          %mul3A_252 = arith.constant 128 : i32
          %mul3A_253 = arith.muli %cond3A_152, %mul3A_252 : i32
          %dma_start3A_254 = tpu.memref_slice %arg8[%mul3A_253] : memref<102400xf32, #tpu.memory_space<vmem>> -> memref<128xf32, #tpu.memory_space<vmem>>
          %dma_start3A_255 = tpu.memref_slice %arg2[%add3A_59, %mul3A_251] : memref<64x102400xf32, #tpu.memory_space<hbm>> -> memref<1x128xf32, #tpu.memory_space<hbm>>
          %dma_start3A_256 = tpu.memref_squeeze %dma_start3A_255 : memref<1x128xf32, #tpu.memory_space<hbm>> -> memref<128xf32, #tpu.memory_space<hbm>>
          %dma_start3A_257 = tpu.memref_slice %arg8[%mul3A_253] : memref<102400xf32, #tpu.memory_space<vmem>> -> memref<128xf32, #tpu.memory_space<vmem>>
          %dma_start3A_258 = tpu.memref_slice %arg2[%add3A_59, %mul3A_251] : memref<64x102400xf32, #tpu.memory_space<hbm>> -> memref<1x128xf32, #tpu.memory_space<hbm>>
          %dma_start3A_259 = tpu.memref_squeeze %dma_start3A_258 : memref<1x128xf32, #tpu.memory_space<hbm>> -> memref<128xf32, #tpu.memory_space<hbm>>
          tpu.enqueue_dma source(%dma_start3A_259 : memref<128xf32, #tpu.memory_space<hbm>>) target(%dma_start3A_257 : memref<128xf32, #tpu.memory_space<vmem>>) target_semaphore(%arg14 : memref<!tpu.dma_semaphore, #tpu.memory_space<semaphore_mem>>)
          %add3A_260 = arith.constant 1 : i32
          %add3A_261 = arith.addi %cond3A_152, %add3A_260 : i32
          scf.yield %add3A_261 : i32
        } else {
          scf.yield %cond3A_152 : i32
        }
        %slice3A_160 = vector.extract_strided_slice %get3A_120 {offsets = [4], sizes = [1], strides = [1]} : vector<16xf32> to vector<1xf32>
        %squeeze3A_161 = vector.extract %slice3A_160[0] : f32 from vector<1xf32>
        %ge3A_162 = arith.cmpf oge, %squeeze3A_161, %scan3A_68#1 : f32
        %convert_element_type3A_163 = arith.extui %ge3A_162 : i1 to i32
        %cond3A_164 = arith.constant 0 : i32
        %cond3A_165 = arith.cmpi ne, %convert_element_type3A_163, %cond3A_164 : i32
        %cond3A_166 = scf.if %cond3A_165 -> (i32) {
          %mul3A_244 = arith.constant 16 : i32
          %mul3A_245 = arith.muli %scan3A_116, %mul3A_244 : i32
          %add3A_246 = arith.constant 4 : i32
          %add3A_247 = arith.addi %mul3A_245, %add3A_246 : i32
          %swap3A_248 = arith.index_cast %cond3A_159 : i32 to index
          %swap3A_249 = memref.load %arg10[%swap3A_248] : memref<800xi32, #tpu.memory_space<smem>>
          memref.store %add3A_247, %arg10[%swap3A_248] : memref<800xi32, #tpu.memory_space<smem>>
          %mul3A_250 = arith.constant 128 : i32
          %mul3A_251 = arith.muli %add3A_247, %mul3A_250 : i32
          %mul3A_252 = arith.constant 128 : i32
          %mul3A_253 = arith.muli %cond3A_159, %mul3A_252 : i32
          %dma_start3A_254 = tpu.memref_slice %arg8[%mul3A_253] : memref<102400xf32, #tpu.memory_space<vmem>> -> memref<128xf32, #tpu.memory_space<vmem>>
          %dma_start3A_255 = tpu.memref_slice %arg2[%add3A_59, %mul3A_251] : memref<64x102400xf32, #tpu.memory_space<hbm>> -> memref<1x128xf32, #tpu.memory_space<hbm>>
          %dma_start3A_256 = tpu.memref_squeeze %dma_start3A_255 : memref<1x128xf32, #tpu.memory_space<hbm>> -> memref<128xf32, #tpu.memory_space<hbm>>
          %dma_start3A_257 = tpu.memref_slice %arg8[%mul3A_253] : memref<102400xf32, #tpu.memory_space<vmem>> -> memref<128xf32, #tpu.memory_space<vmem>>
          %dma_start3A_258 = tpu.memref_slice %arg2[%add3A_59, %mul3A_251] : memref<64x102400xf32, #tpu.memory_space<hbm>> -> memref<1x128xf32, #tpu.memory_space<hbm>>
          %dma_start3A_259 = tpu.memref_squeeze %dma_start3A_258 : memref<1x128xf32, #tpu.memory_space<hbm>> -> memref<128xf32, #tpu.memory_space<hbm>>
          tpu.enqueue_dma source(%dma_start3A_259 : memref<128xf32, #tpu.memory_space<hbm>>) target(%dma_start3A_257 : memref<128xf32, #tpu.memory_space<vmem>>) target_semaphore(%arg14 : memref<!tpu.dma_semaphore, #tpu.memory_space<semaphore_mem>>)
          %add3A_260 = arith.constant 1 : i32
          %add3A_261 = arith.addi %cond3A_159, %add3A_260 : i32
          scf.yield %add3A_261 : i32
        } else {
          scf.yield %cond3A_159 : i32
        }
        %slice3A_167 = vector.extract_strided_slice %get3A_120 {offsets = [5], sizes = [1], strides = [1]} : vector<16xf32> to vector<1xf32>
        %squeeze3A_168 = vector.extract %slice3A_167[0] : f32 from vector<1xf32>
        %ge3A_169 = arith.cmpf oge, %squeeze3A_168, %scan3A_68#1 : f32
        %convert_element_type3A_170 = arith.extui %ge3A_169 : i1 to i32
        %cond3A_171 = arith.constant 0 : i32
        %cond3A_172 = arith.cmpi ne, %convert_element_type3A_170, %cond3A_171 : i32
        %cond3A_173 = scf.if %cond3A_172 -> (i32) {
          %mul3A_244 = arith.constant 16 : i32
          %mul3A_245 = arith.muli %scan3A_116, %mul3A_244 : i32
          %add3A_246 = arith.constant 5 : i32
          %add3A_247 = arith.addi %mul3A_245, %add3A_246 : i32
          %swap3A_248 = arith.index_cast %cond3A_166 : i32 to index
          %swap3A_249 = memref.load %arg10[%swap3A_248] : memref<800xi32, #tpu.memory_space<smem>>
          memref.store %add3A_247, %arg10[%swap3A_248] : memref<800xi32, #tpu.memory_space<smem>>
          %mul3A_250 = arith.constant 128 : i32
          %mul3A_251 = arith.muli %add3A_247, %mul3A_250 : i32
          %mul3A_252 = arith.constant 128 : i32
          %mul3A_253 = arith.muli %cond3A_166, %mul3A_252 : i32
          %dma_start3A_254 = tpu.memref_slice %arg8[%mul3A_253] : memref<102400xf32, #tpu.memory_space<vmem>> -> memref<128xf32, #tpu.memory_space<vmem>>
          %dma_start3A_255 = tpu.memref_slice %arg2[%add3A_59, %mul3A_251] : memref<64x102400xf32, #tpu.memory_space<hbm>> -> memref<1x128xf32, #tpu.memory_space<hbm>>
          %dma_start3A_256 = tpu.memref_squeeze %dma_start3A_255 : memref<1x128xf32, #tpu.memory_space<hbm>> -> memref<128xf32, #tpu.memory_space<hbm>>
          %dma_start3A_257 = tpu.memref_slice %arg8[%mul3A_253] : memref<102400xf32, #tpu.memory_space<vmem>> -> memref<128xf32, #tpu.memory_space<vmem>>
          %dma_start3A_258 = tpu.memref_slice %arg2[%add3A_59, %mul3A_251] : memref<64x102400xf32, #tpu.memory_space<hbm>> -> memref<1x128xf32, #tpu.memory_space<hbm>>
          %dma_start3A_259 = tpu.memref_squeeze %dma_start3A_258 : memref<1x128xf32, #tpu.memory_space<hbm>> -> memref<128xf32, #tpu.memory_space<hbm>>
          tpu.enqueue_dma source(%dma_start3A_259 : memref<128xf32, #tpu.memory_space<hbm>>) target(%dma_start3A_257 : memref<128xf32, #tpu.memory_space<vmem>>) target_semaphore(%arg14 : memref<!tpu.dma_semaphore, #tpu.memory_space<semaphore_mem>>)
          %add3A_260 = arith.constant 1 : i32
          %add3A_261 = arith.addi %cond3A_166, %add3A_260 : i32
          scf.yield %add3A_261 : i32
        } else {
          scf.yield %cond3A_166 : i32
        }
        %slice3A_174 = vector.extract_strided_slice %get3A_120 {offsets = [6], sizes = [1], strides = [1]} : vector<16xf32> to vector<1xf32>
        %squeeze3A_175 = vector.extract %slice3A_174[0] : f32 from vector<1xf32>
        %ge3A_176 = arith.cmpf oge, %squeeze3A_175, %scan3A_68#1 : f32
        %convert_element_type3A_177 = arith.extui %ge3A_176 : i1 to i32
        %cond3A_178 = arith.constant 0 : i32
        %cond3A_179 = arith.cmpi ne, %convert_element_type3A_177, %cond3A_178 : i32
        %cond3A_180 = scf.if %cond3A_179 -> (i32) {
          %mul3A_244 = arith.constant 16 : i32
          %mul3A_245 = arith.muli %scan3A_116, %mul3A_244 : i32
          %add3A_246 = arith.constant 6 : i32
          %add3A_247 = arith.addi %mul3A_245, %add3A_246 : i32
          %swap3A_248 = arith.index_cast %cond3A_173 : i32 to index
          %swap3A_249 = memref.load %arg10[%swap3A_248] : memref<800xi32, #tpu.memory_space<smem>>
          memref.store %add3A_247, %arg10[%swap3A_248] : memref<800xi32, #tpu.memory_space<smem>>
          %mul3A_250 = arith.constant 128 : i32
          %mul3A_251 = arith.muli %add3A_247, %mul3A_250 : i32
          %mul3A_252 = arith.constant 128 : i32
          %mul3A_253 = arith.muli %cond3A_173, %mul3A_252 : i32
          %dma_start3A_254 = tpu.memref_slice %arg8[%mul3A_253] : memref<102400xf32, #tpu.memory_space<vmem>> -> memref<128xf32, #tpu.memory_space<vmem>>
          %dma_start3A_255 = tpu.memref_slice %arg2[%add3A_59, %mul3A_251] : memref<64x102400xf32, #tpu.memory_space<hbm>> -> memref<1x128xf32, #tpu.memory_space<hbm>>
          %dma_start3A_256 = tpu.memref_squeeze %dma_start3A_255 : memref<1x128xf32, #tpu.memory_space<hbm>> -> memref<128xf32, #tpu.memory_space<hbm>>
          %dma_start3A_257 = tpu.memref_slice %arg8[%mul3A_253] : memref<102400xf32, #tpu.memory_space<vmem>> -> memref<128xf32, #tpu.memory_space<vmem>>
          %dma_start3A_258 = tpu.memref_slice %arg2[%add3A_59, %mul3A_251] : memref<64x102400xf32, #tpu.memory_space<hbm>> -> memref<1x128xf32, #tpu.memory_space<hbm>>
          %dma_start3A_259 = tpu.memref_squeeze %dma_start3A_258 : memref<1x128xf32, #tpu.memory_space<hbm>> -> memref<128xf32, #tpu.memory_space<hbm>>
          tpu.enqueue_dma source(%dma_start3A_259 : memref<128xf32, #tpu.memory_space<hbm>>) target(%dma_start3A_257 : memref<128xf32, #tpu.memory_space<vmem>>) target_semaphore(%arg14 : memref<!tpu.dma_semaphore, #tpu.memory_space<semaphore_mem>>)
          %add3A_260 = arith.constant 1 : i32
          %add3A_261 = arith.addi %cond3A_173, %add3A_260 : i32
          scf.yield %add3A_261 : i32
        } else {
          scf.yield %cond3A_173 : i32
        }
        %slice3A_181 = vector.extract_strided_slice %get3A_120 {offsets = [7], sizes = [1], strides = [1]} : vector<16xf32> to vector<1xf32>
        %squeeze3A_182 = vector.extract %slice3A_181[0] : f32 from vector<1xf32>
        %ge3A_183 = arith.cmpf oge, %squeeze3A_182, %scan3A_68#1 : f32
        %convert_element_type3A_184 = arith.extui %ge3A_183 : i1 to i32
        %cond3A_185 = arith.constant 0 : i32
        %cond3A_186 = arith.cmpi ne, %convert_element_type3A_184, %cond3A_185 : i32
        %cond3A_187 = scf.if %cond3A_186 -> (i32) {
          %mul3A_244 = arith.constant 16 : i32
          %mul3A_245 = arith.muli %scan3A_116, %mul3A_244 : i32
          %add3A_246 = arith.constant 7 : i32
          %add3A_247 = arith.addi %mul3A_245, %add3A_246 : i32
          %swap3A_248 = arith.index_cast %cond3A_180 : i32 to index
          %swap3A_249 = memref.load %arg10[%swap3A_248] : memref<800xi32, #tpu.memory_space<smem>>
          memref.store %add3A_247, %arg10[%swap3A_248] : memref<800xi32, #tpu.memory_space<smem>>
          %mul3A_250 = arith.constant 128 : i32
          %mul3A_251 = arith.muli %add3A_247, %mul3A_250 : i32
          %mul3A_252 = arith.constant 128 : i32
          %mul3A_253 = arith.muli %cond3A_180, %mul3A_252 : i32
          %dma_start3A_254 = tpu.memref_slice %arg8[%mul3A_253] : memref<102400xf32, #tpu.memory_space<vmem>> -> memref<128xf32, #tpu.memory_space<vmem>>
          %dma_start3A_255 = tpu.memref_slice %arg2[%add3A_59, %mul3A_251] : memref<64x102400xf32, #tpu.memory_space<hbm>> -> memref<1x128xf32, #tpu.memory_space<hbm>>
          %dma_start3A_256 = tpu.memref_squeeze %dma_start3A_255 : memref<1x128xf32, #tpu.memory_space<hbm>> -> memref<128xf32, #tpu.memory_space<hbm>>
          %dma_start3A_257 = tpu.memref_slice %arg8[%mul3A_253] : memref<102400xf32, #tpu.memory_space<vmem>> -> memref<128xf32, #tpu.memory_space<vmem>>
          %dma_start3A_258 = tpu.memref_slice %arg2[%add3A_59, %mul3A_251] : memref<64x102400xf32, #tpu.memory_space<hbm>> -> memref<1x128xf32, #tpu.memory_space<hbm>>
          %dma_start3A_259 = tpu.memref_squeeze %dma_start3A_258 : memref<1x128xf32, #tpu.memory_space<hbm>> -> memref<128xf32, #tpu.memory_space<hbm>>
          tpu.enqueue_dma source(%dma_start3A_259 : memref<128xf32, #tpu.memory_space<hbm>>) target(%dma_start3A_257 : memref<128xf32, #tpu.memory_space<vmem>>) target_semaphore(%arg14 : memref<!tpu.dma_semaphore, #tpu.memory_space<semaphore_mem>>)
          %add3A_260 = arith.constant 1 : i32
          %add3A_261 = arith.addi %cond3A_180, %add3A_260 : i32
          scf.yield %add3A_261 : i32
        } else {
          scf.yield %cond3A_180 : i32
        }
        %slice3A_188 = vector.extract_strided_slice %get3A_120 {offsets = [8], sizes = [1], strides = [1]} : vector<16xf32> to vector<1xf32>
        %squeeze3A_189 = vector.extract %slice3A_188[0] : f32 from vector<1xf32>
        %ge3A_190 = arith.cmpf oge, %squeeze3A_189, %scan3A_68#1 : f32
        %convert_element_type3A_191 = arith.extui %ge3A_190 : i1 to i32
        %cond3A_192 = arith.constant 0 : i32
        %cond3A_193 = arith.cmpi ne, %convert_element_type3A_191, %cond3A_192 : i32
        %cond3A_194 = scf.if %cond3A_193 -> (i32) {
          %mul3A_244 = arith.constant 16 : i32
          %mul3A_245 = arith.muli %scan3A_116, %mul3A_244 : i32
          %add3A_246 = arith.constant 8 : i32
          %add3A_247 = arith.addi %mul3A_245, %add3A_246 : i32
          %swap3A_248 = arith.index_cast %cond3A_187 : i32 to index
          %swap3A_249 = memref.load %arg10[%swap3A_248] : memref<800xi32, #tpu.memory_space<smem>>
          memref.store %add3A_247, %arg10[%swap3A_248] : memref<800xi32, #tpu.memory_space<smem>>
          %mul3A_250 = arith.constant 128 : i32
          %mul3A_251 = arith.muli %add3A_247, %mul3A_250 : i32
          %mul3A_252 = arith.constant 128 : i32
          %mul3A_253 = arith.muli %cond3A_187, %mul3A_252 : i32
          %dma_start3A_254 = tpu.memref_slice %arg8[%mul3A_253] : memref<102400xf32, #tpu.memory_space<vmem>> -> memref<128xf32, #tpu.memory_space<vmem>>
          %dma_start3A_255 = tpu.memref_slice %arg2[%add3A_59, %mul3A_251] : memref<64x102400xf32, #tpu.memory_space<hbm>> -> memref<1x128xf32, #tpu.memory_space<hbm>>
          %dma_start3A_256 = tpu.memref_squeeze %dma_start3A_255 : memref<1x128xf32, #tpu.memory_space<hbm>> -> memref<128xf32, #tpu.memory_space<hbm>>
          %dma_start3A_257 = tpu.memref_slice %arg8[%mul3A_253] : memref<102400xf32, #tpu.memory_space<vmem>> -> memref<128xf32, #tpu.memory_space<vmem>>
          %dma_start3A_258 = tpu.memref_slice %arg2[%add3A_59, %mul3A_251] : memref<64x102400xf32, #tpu.memory_space<hbm>> -> memref<1x128xf32, #tpu.memory_space<hbm>>
          %dma_start3A_259 = tpu.memref_squeeze %dma_start3A_258 : memref<1x128xf32, #tpu.memory_space<hbm>> -> memref<128xf32, #tpu.memory_space<hbm>>
          tpu.enqueue_dma source(%dma_start3A_259 : memref<128xf32, #tpu.memory_space<hbm>>) target(%dma_start3A_257 : memref<128xf32, #tpu.memory_space<vmem>>) target_semaphore(%arg14 : memref<!tpu.dma_semaphore, #tpu.memory_space<semaphore_mem>>)
          %add3A_260 = arith.constant 1 : i32
          %add3A_261 = arith.addi %cond3A_187, %add3A_260 : i32
          scf.yield %add3A_261 : i32
        } else {
          scf.yield %cond3A_187 : i32
        }
        %slice3A_195 = vector.extract_strided_slice %get3A_120 {offsets = [9], sizes = [1], strides = [1]} : vector<16xf32> to vector<1xf32>
        %squeeze3A_196 = vector.extract %slice3A_195[0] : f32 from vector<1xf32>
        %ge3A_197 = arith.cmpf oge, %squeeze3A_196, %scan3A_68#1 : f32
        %convert_element_type3A_198 = arith.extui %ge3A_197 : i1 to i32
        %cond3A_199 = arith.constant 0 : i32
        %cond3A_200 = arith.cmpi ne, %convert_element_type3A_198, %cond3A_199 : i32
        %cond3A_201 = scf.if %cond3A_200 -> (i32) {
          %mul3A_244 = arith.constant 16 : i32
          %mul3A_245 = arith.muli %scan3A_116, %mul3A_244 : i32
          %add3A_246 = arith.constant 9 : i32
          %add3A_247 = arith.addi %mul3A_245, %add3A_246 : i32
          %swap3A_248 = arith.index_cast %cond3A_194 : i32 to index
          %swap3A_249 = memref.load %arg10[%swap3A_248] : memref<800xi32, #tpu.memory_space<smem>>
          memref.store %add3A_247, %arg10[%swap3A_248] : memref<800xi32, #tpu.memory_space<smem>>
          %mul3A_250 = arith.constant 128 : i32
          %mul3A_251 = arith.muli %add3A_247, %mul3A_250 : i32
          %mul3A_252 = arith.constant 128 : i32
          %mul3A_253 = arith.muli %cond3A_194, %mul3A_252 : i32
          %dma_start3A_254 = tpu.memref_slice %arg8[%mul3A_253] : memref<102400xf32, #tpu.memory_space<vmem>> -> memref<128xf32, #tpu.memory_space<vmem>>
          %dma_start3A_255 = tpu.memref_slice %arg2[%add3A_59, %mul3A_251] : memref<64x102400xf32, #tpu.memory_space<hbm>> -> memref<1x128xf32, #tpu.memory_space<hbm>>
          %dma_start3A_256 = tpu.memref_squeeze %dma_start3A_255 : memref<1x128xf32, #tpu.memory_space<hbm>> -> memref<128xf32, #tpu.memory_space<hbm>>
          %dma_start3A_257 = tpu.memref_slice %arg8[%mul3A_253] : memref<102400xf32, #tpu.memory_space<vmem>> -> memref<128xf32, #tpu.memory_space<vmem>>
          %dma_start3A_258 = tpu.memref_slice %arg2[%add3A_59, %mul3A_251] : memref<64x102400xf32, #tpu.memory_space<hbm>> -> memref<1x128xf32, #tpu.memory_space<hbm>>
          %dma_start3A_259 = tpu.memref_squeeze %dma_start3A_258 : memref<1x128xf32, #tpu.memory_space<hbm>> -> memref<128xf32, #tpu.memory_space<hbm>>
          tpu.enqueue_dma source(%dma_start3A_259 : memref<128xf32, #tpu.memory_space<hbm>>) target(%dma_start3A_257 : memref<128xf32, #tpu.memory_space<vmem>>) target_semaphore(%arg14 : memref<!tpu.dma_semaphore, #tpu.memory_space<semaphore_mem>>)
          %add3A_260 = arith.constant 1 : i32
          %add3A_261 = arith.addi %cond3A_194, %add3A_260 : i32
          scf.yield %add3A_261 : i32
        } else {
          scf.yield %cond3A_194 : i32
        }
        %slice3A_202 = vector.extract_strided_slice %get3A_120 {offsets = [10], sizes = [1], strides = [1]} : vector<16xf32> to vector<1xf32>
        %squeeze3A_203 = vector.extract %slice3A_202[0] : f32 from vector<1xf32>
        %ge3A_204 = arith.cmpf oge, %squeeze3A_203, %scan3A_68#1 : f32
        %convert_element_type3A_205 = arith.extui %ge3A_204 : i1 to i32
        %cond3A_206 = arith.constant 0 : i32
        %cond3A_207 = arith.cmpi ne, %convert_element_type3A_205, %cond3A_206 : i32
        %cond3A_208 = scf.if %cond3A_207 -> (i32) {
          %mul3A_244 = arith.constant 16 : i32
          %mul3A_245 = arith.muli %scan3A_116, %mul3A_244 : i32
          %add3A_246 = arith.constant 10 : i32
          %add3A_247 = arith.addi %mul3A_245, %add3A_246 : i32
          %swap3A_248 = arith.index_cast %cond3A_201 : i32 to index
          %swap3A_249 = memref.load %arg10[%swap3A_248] : memref<800xi32, #tpu.memory_space<smem>>
          memref.store %add3A_247, %arg10[%swap3A_248] : memref<800xi32, #tpu.memory_space<smem>>
          %mul3A_250 = arith.constant 128 : i32
          %mul3A_251 = arith.muli %add3A_247, %mul3A_250 : i32
          %mul3A_252 = arith.constant 128 : i32
          %mul3A_253 = arith.muli %cond3A_201, %mul3A_252 : i32
          %dma_start3A_254 = tpu.memref_slice %arg8[%mul3A_253] : memref<102400xf32, #tpu.memory_space<vmem>> -> memref<128xf32, #tpu.memory_space<vmem>>
          %dma_start3A_255 = tpu.memref_slice %arg2[%add3A_59, %mul3A_251] : memref<64x102400xf32, #tpu.memory_space<hbm>> -> memref<1x128xf32, #tpu.memory_space<hbm>>
          %dma_start3A_256 = tpu.memref_squeeze %dma_start3A_255 : memref<1x128xf32, #tpu.memory_space<hbm>> -> memref<128xf32, #tpu.memory_space<hbm>>
          %dma_start3A_257 = tpu.memref_slice %arg8[%mul3A_253] : memref<102400xf32, #tpu.memory_space<vmem>> -> memref<128xf32, #tpu.memory_space<vmem>>
          %dma_start3A_258 = tpu.memref_slice %arg2[%add3A_59, %mul3A_251] : memref<64x102400xf32, #tpu.memory_space<hbm>> -> memref<1x128xf32, #tpu.memory_space<hbm>>
          %dma_start3A_259 = tpu.memref_squeeze %dma_start3A_258 : memref<1x128xf32, #tpu.memory_space<hbm>> -> memref<128xf32, #tpu.memory_space<hbm>>
          tpu.enqueue_dma source(%dma_start3A_259 : memref<128xf32, #tpu.memory_space<hbm>>) target(%dma_start3A_257 : memref<128xf32, #tpu.memory_space<vmem>>) target_semaphore(%arg14 : memref<!tpu.dma_semaphore, #tpu.memory_space<semaphore_mem>>)
          %add3A_260 = arith.constant 1 : i32
          %add3A_261 = arith.addi %cond3A_201, %add3A_260 : i32
          scf.yield %add3A_261 : i32
        } else {
          scf.yield %cond3A_201 : i32
        }
        %slice3A_209 = vector.extract_strided_slice %get3A_120 {offsets = [11], sizes = [1], strides = [1]} : vector<16xf32> to vector<1xf32>
        %squeeze3A_210 = vector.extract %slice3A_209[0] : f32 from vector<1xf32>
        %ge3A_211 = arith.cmpf oge, %squeeze3A_210, %scan3A_68#1 : f32
        %convert_element_type3A_212 = arith.extui %ge3A_211 : i1 to i32
        %cond3A_213 = arith.constant 0 : i32
        %cond3A_214 = arith.cmpi ne, %convert_element_type3A_212, %cond3A_213 : i32
        %cond3A_215 = scf.if %cond3A_214 -> (i32) {
          %mul3A_244 = arith.constant 16 : i32
          %mul3A_245 = arith.muli %scan3A_116, %mul3A_244 : i32
          %add3A_246 = arith.constant 11 : i32
          %add3A_247 = arith.addi %mul3A_245, %add3A_246 : i32
          %swap3A_248 = arith.index_cast %cond3A_208 : i32 to index
          %swap3A_249 = memref.load %arg10[%swap3A_248] : memref<800xi32, #tpu.memory_space<smem>>
          memref.store %add3A_247, %arg10[%swap3A_248] : memref<800xi32, #tpu.memory_space<smem>>
          %mul3A_250 = arith.constant 128 : i32
          %mul3A_251 = arith.muli %add3A_247, %mul3A_250 : i32
          %mul3A_252 = arith.constant 128 : i32
          %mul3A_253 = arith.muli %cond3A_208, %mul3A_252 : i32
          %dma_start3A_254 = tpu.memref_slice %arg8[%mul3A_253] : memref<102400xf32, #tpu.memory_space<vmem>> -> memref<128xf32, #tpu.memory_space<vmem>>
          %dma_start3A_255 = tpu.memref_slice %arg2[%add3A_59, %mul3A_251] : memref<64x102400xf32, #tpu.memory_space<hbm>> -> memref<1x128xf32, #tpu.memory_space<hbm>>
          %dma_start3A_256 = tpu.memref_squeeze %dma_start3A_255 : memref<1x128xf32, #tpu.memory_space<hbm>> -> memref<128xf32, #tpu.memory_space<hbm>>
          %dma_start3A_257 = tpu.memref_slice %arg8[%mul3A_253] : memref<102400xf32, #tpu.memory_space<vmem>> -> memref<128xf32, #tpu.memory_space<vmem>>
          %dma_start3A_258 = tpu.memref_slice %arg2[%add3A_59, %mul3A_251] : memref<64x102400xf32, #tpu.memory_space<hbm>> -> memref<1x128xf32, #tpu.memory_space<hbm>>
          %dma_start3A_259 = tpu.memref_squeeze %dma_start3A_258 : memref<1x128xf32, #tpu.memory_space<hbm>> -> memref<128xf32, #tpu.memory_space<hbm>>
          tpu.enqueue_dma source(%dma_start3A_259 : memref<128xf32, #tpu.memory_space<hbm>>) target(%dma_start3A_257 : memref<128xf32, #tpu.memory_space<vmem>>) target_semaphore(%arg14 : memref<!tpu.dma_semaphore, #tpu.memory_space<semaphore_mem>>)
          %add3A_260 = arith.constant 1 : i32
          %add3A_261 = arith.addi %cond3A_208, %add3A_260 : i32
          scf.yield %add3A_261 : i32
        } else {
          scf.yield %cond3A_208 : i32
        }
        %slice3A_216 = vector.extract_strided_slice %get3A_120 {offsets = [12], sizes = [1], strides = [1]} : vector<16xf32> to vector<1xf32>
        %squeeze3A_217 = vector.extract %slice3A_216[0] : f32 from vector<1xf32>
        %ge3A_218 = arith.cmpf oge, %squeeze3A_217, %scan3A_68#1 : f32
        %convert_element_type3A_219 = arith.extui %ge3A_218 : i1 to i32
        %cond3A_220 = arith.constant 0 : i32
        %cond3A_221 = arith.cmpi ne, %convert_element_type3A_219, %cond3A_220 : i32
        %cond3A_222 = scf.if %cond3A_221 -> (i32) {
          %mul3A_244 = arith.constant 16 : i32
          %mul3A_245 = arith.muli %scan3A_116, %mul3A_244 : i32
          %add3A_246 = arith.constant 12 : i32
          %add3A_247 = arith.addi %mul3A_245, %add3A_246 : i32
          %swap3A_248 = arith.index_cast %cond3A_215 : i32 to index
          %swap3A_249 = memref.load %arg10[%swap3A_248] : memref<800xi32, #tpu.memory_space<smem>>
          memref.store %add3A_247, %arg10[%swap3A_248] : memref<800xi32, #tpu.memory_space<smem>>
          %mul3A_250 = arith.constant 128 : i32
          %mul3A_251 = arith.muli %add3A_247, %mul3A_250 : i32
          %mul3A_252 = arith.constant 128 : i32
          %mul3A_253 = arith.muli %cond3A_215, %mul3A_252 : i32
          %dma_start3A_254 = tpu.memref_slice %arg8[%mul3A_253] : memref<102400xf32, #tpu.memory_space<vmem>> -> memref<128xf32, #tpu.memory_space<vmem>>
          %dma_start3A_255 = tpu.memref_slice %arg2[%add3A_59, %mul3A_251] : memref<64x102400xf32, #tpu.memory_space<hbm>> -> memref<1x128xf32, #tpu.memory_space<hbm>>
          %dma_start3A_256 = tpu.memref_squeeze %dma_start3A_255 : memref<1x128xf32, #tpu.memory_space<hbm>> -> memref<128xf32, #tpu.memory_space<hbm>>
          %dma_start3A_257 = tpu.memref_slice %arg8[%mul3A_253] : memref<102400xf32, #tpu.memory_space<vmem>> -> memref<128xf32, #tpu.memory_space<vmem>>
          %dma_start3A_258 = tpu.memref_slice %arg2[%add3A_59, %mul3A_251] : memref<64x102400xf32, #tpu.memory_space<hbm>> -> memref<1x128xf32, #tpu.memory_space<hbm>>
          %dma_start3A_259 = tpu.memref_squeeze %dma_start3A_258 : memref<1x128xf32, #tpu.memory_space<hbm>> -> memref<128xf32, #tpu.memory_space<hbm>>
          tpu.enqueue_dma source(%dma_start3A_259 : memref<128xf32, #tpu.memory_space<hbm>>) target(%dma_start3A_257 : memref<128xf32, #tpu.memory_space<vmem>>) target_semaphore(%arg14 : memref<!tpu.dma_semaphore, #tpu.memory_space<semaphore_mem>>)
          %add3A_260 = arith.constant 1 : i32
          %add3A_261 = arith.addi %cond3A_215, %add3A_260 : i32
          scf.yield %add3A_261 : i32
        } else {
          scf.yield %cond3A_215 : i32
        }
        %slice3A_223 = vector.extract_strided_slice %get3A_120 {offsets = [13], sizes = [1], strides = [1]} : vector<16xf32> to vector<1xf32>
        %squeeze3A_224 = vector.extract %slice3A_223[0] : f32 from vector<1xf32>
        %ge3A_225 = arith.cmpf oge, %squeeze3A_224, %scan3A_68#1 : f32
        %convert_element_type3A_226 = arith.extui %ge3A_225 : i1 to i32
        %cond3A_227 = arith.constant 0 : i32
        %cond3A_228 = arith.cmpi ne, %convert_element_type3A_226, %cond3A_227 : i32
        %cond3A_229 = scf.if %cond3A_228 -> (i32) {
          %mul3A_244 = arith.constant 16 : i32
          %mul3A_245 = arith.muli %scan3A_116, %mul3A_244 : i32
          %add3A_246 = arith.constant 13 : i32
          %add3A_247 = arith.addi %mul3A_245, %add3A_246 : i32
          %swap3A_248 = arith.index_cast %cond3A_222 : i32 to index
          %swap3A_249 = memref.load %arg10[%swap3A_248] : memref<800xi32, #tpu.memory_space<smem>>
          memref.store %add3A_247, %arg10[%swap3A_248] : memref<800xi32, #tpu.memory_space<smem>>
          %mul3A_250 = arith.constant 128 : i32
          %mul3A_251 = arith.muli %add3A_247, %mul3A_250 : i32
          %mul3A_252 = arith.constant 128 : i32
          %mul3A_253 = arith.muli %cond3A_222, %mul3A_252 : i32
          %dma_start3A_254 = tpu.memref_slice %arg8[%mul3A_253] : memref<102400xf32, #tpu.memory_space<vmem>> -> memref<128xf32, #tpu.memory_space<vmem>>
          %dma_start3A_255 = tpu.memref_slice %arg2[%add3A_59, %mul3A_251] : memref<64x102400xf32, #tpu.memory_space<hbm>> -> memref<1x128xf32, #tpu.memory_space<hbm>>
          %dma_start3A_256 = tpu.memref_squeeze %dma_start3A_255 : memref<1x128xf32, #tpu.memory_space<hbm>> -> memref<128xf32, #tpu.memory_space<hbm>>
          %dma_start3A_257 = tpu.memref_slice %arg8[%mul3A_253] : memref<102400xf32, #tpu.memory_space<vmem>> -> memref<128xf32, #tpu.memory_space<vmem>>
          %dma_start3A_258 = tpu.memref_slice %arg2[%add3A_59, %mul3A_251] : memref<64x102400xf32, #tpu.memory_space<hbm>> -> memref<1x128xf32, #tpu.memory_space<hbm>>
          %dma_start3A_259 = tpu.memref_squeeze %dma_start3A_258 : memref<1x128xf32, #tpu.memory_space<hbm>> -> memref<128xf32, #tpu.memory_space<hbm>>
          tpu.enqueue_dma source(%dma_start3A_259 : memref<128xf32, #tpu.memory_space<hbm>>) target(%dma_start3A_257 : memref<128xf32, #tpu.memory_space<vmem>>) target_semaphore(%arg14 : memref<!tpu.dma_semaphore, #tpu.memory_space<semaphore_mem>>)
          %add3A_260 = arith.constant 1 : i32
          %add3A_261 = arith.addi %cond3A_222, %add3A_260 : i32
          scf.yield %add3A_261 : i32
        } else {
          scf.yield %cond3A_222 : i32
        }
        %slice3A_230 = vector.extract_strided_slice %get3A_120 {offsets = [14], sizes = [1], strides = [1]} : vector<16xf32> to vector<1xf32>
        %squeeze3A_231 = vector.extract %slice3A_230[0] : f32 from vector<1xf32>
        %ge3A_232 = arith.cmpf oge, %squeeze3A_231, %scan3A_68#1 : f32
        %convert_element_type3A_233 = arith.extui %ge3A_232 : i1 to i32
        %cond3A_234 = arith.constant 0 : i32
        %cond3A_235 = arith.cmpi ne, %convert_element_type3A_233, %cond3A_234 : i32
        %cond3A_236 = scf.if %cond3A_235 -> (i32) {
          %mul3A_244 = arith.constant 16 : i32
          %mul3A_245 = arith.muli %scan3A_116, %mul3A_244 : i32
          %add3A_246 = arith.constant 14 : i32
          %add3A_247 = arith.addi %mul3A_245, %add3A_246 : i32
          %swap3A_248 = arith.index_cast %cond3A_229 : i32 to index
          %swap3A_249 = memref.load %arg10[%swap3A_248] : memref<800xi32, #tpu.memory_space<smem>>
          memref.store %add3A_247, %arg10[%swap3A_248] : memref<800xi32, #tpu.memory_space<smem>>
          %mul3A_250 = arith.constant 128 : i32
          %mul3A_251 = arith.muli %add3A_247, %mul3A_250 : i32
          %mul3A_252 = arith.constant 128 : i32
          %mul3A_253 = arith.muli %cond3A_229, %mul3A_252 : i32
          %dma_start3A_254 = tpu.memref_slice %arg8[%mul3A_253] : memref<102400xf32, #tpu.memory_space<vmem>> -> memref<128xf32, #tpu.memory_space<vmem>>
          %dma_start3A_255 = tpu.memref_slice %arg2[%add3A_59, %mul3A_251] : memref<64x102400xf32, #tpu.memory_space<hbm>> -> memref<1x128xf32, #tpu.memory_space<hbm>>
          %dma_start3A_256 = tpu.memref_squeeze %dma_start3A_255 : memref<1x128xf32, #tpu.memory_space<hbm>> -> memref<128xf32, #tpu.memory_space<hbm>>
          %dma_start3A_257 = tpu.memref_slice %arg8[%mul3A_253] : memref<102400xf32, #tpu.memory_space<vmem>> -> memref<128xf32, #tpu.memory_space<vmem>>
          %dma_start3A_258 = tpu.memref_slice %arg2[%add3A_59, %mul3A_251] : memref<64x102400xf32, #tpu.memory_space<hbm>> -> memref<1x128xf32, #tpu.memory_space<hbm>>
          %dma_start3A_259 = tpu.memref_squeeze %dma_start3A_258 : memref<1x128xf32, #tpu.memory_space<hbm>> -> memref<128xf32, #tpu.memory_space<hbm>>
          tpu.enqueue_dma source(%dma_start3A_259 : memref<128xf32, #tpu.memory_space<hbm>>) target(%dma_start3A_257 : memref<128xf32, #tpu.memory_space<vmem>>) target_semaphore(%arg14 : memref<!tpu.dma_semaphore, #tpu.memory_space<semaphore_mem>>)
          %add3A_260 = arith.constant 1 : i32
          %add3A_261 = arith.addi %cond3A_229, %add3A_260 : i32
          scf.yield %add3A_261 : i32
        } else {
          scf.yield %cond3A_229 : i32
        }
        %slice3A_237 = vector.extract_strided_slice %get3A_120 {offsets = [15], sizes = [1], strides = [1]} : vector<16xf32> to vector<1xf32>
        %squeeze3A_238 = vector.extract %slice3A_237[0] : f32 from vector<1xf32>
        %ge3A_239 = arith.cmpf oge, %squeeze3A_238, %scan3A_68#1 : f32
        %convert_element_type3A_240 = arith.extui %ge3A_239 : i1 to i32
        %cond3A_241 = arith.constant 0 : i32
        %cond3A_242 = arith.cmpi ne, %convert_element_type3A_240, %cond3A_241 : i32
        %cond3A_243 = scf.if %cond3A_242 -> (i32) {
          %mul3A_244 = arith.constant 16 : i32
          %mul3A_245 = arith.muli %scan3A_116, %mul3A_244 : i32
          %add3A_246 = arith.constant 15 : i32
          %add3A_247 = arith.addi %mul3A_245, %add3A_246 : i32
          %swap3A_248 = arith.index_cast %cond3A_236 : i32 to index
          %swap3A_249 = memref.load %arg10[%swap3A_248] : memref<800xi32, #tpu.memory_space<smem>>
          memref.store %add3A_247, %arg10[%swap3A_248] : memref<800xi32, #tpu.memory_space<smem>>
          %mul3A_250 = arith.constant 128 : i32
          %mul3A_251 = arith.muli %add3A_247, %mul3A_250 : i32
          %mul3A_252 = arith.constant 128 : i32
          %mul3A_253 = arith.muli %cond3A_236, %mul3A_252 : i32
          %dma_start3A_254 = tpu.memref_slice %arg8[%mul3A_253] : memref<102400xf32, #tpu.memory_space<vmem>> -> memref<128xf32, #tpu.memory_space<vmem>>
          %dma_start3A_255 = tpu.memref_slice %arg2[%add3A_59, %mul3A_251] : memref<64x102400xf32, #tpu.memory_space<hbm>> -> memref<1x128xf32, #tpu.memory_space<hbm>>
          %dma_start3A_256 = tpu.memref_squeeze %dma_start3A_255 : memref<1x128xf32, #tpu.memory_space<hbm>> -> memref<128xf32, #tpu.memory_space<hbm>>
          %dma_start3A_257 = tpu.memref_slice %arg8[%mul3A_253] : memref<102400xf32, #tpu.memory_space<vmem>> -> memref<128xf32, #tpu.memory_space<vmem>>
          %dma_start3A_258 = tpu.memref_slice %arg2[%add3A_59, %mul3A_251] : memref<64x102400xf32, #tpu.memory_space<hbm>> -> memref<1x128xf32, #tpu.memory_space<hbm>>
          %dma_start3A_259 = tpu.memref_squeeze %dma_start3A_258 : memref<1x128xf32, #tpu.memory_space<hbm>> -> memref<128xf32, #tpu.memory_space<hbm>>
          tpu.enqueue_dma source(%dma_start3A_259 : memref<128xf32, #tpu.memory_space<hbm>>) target(%dma_start3A_257 : memref<128xf32, #tpu.memory_space<vmem>>) target_semaphore(%arg14 : memref<!tpu.dma_semaphore, #tpu.memory_space<semaphore_mem>>)
          %add3A_260 = arith.constant 1 : i32
          %add3A_261 = arith.addi %cond3A_236, %add3A_260 : i32
          scf.yield %add3A_261 : i32
        } else {
          scf.yield %cond3A_236 : i32
        }
        scf.yield %cond3A_243 : i32
      } else {
        scf.yield %scan3A_117 : i32
      }
      scf.yield %cond3A_133 : i32
    }
    %scan3A_76 = arith.constant 50 : i32
    %while3A_77 = arith.constant 0 : i32
    %while3A_78 = arith.constant 0 : i32
    %while3A_79 = arith.subi %scan3A_75, %while3A_78 : i32
    %while3A_80 = arith.addi %while3A_78, %while3A_79 : i32
    %while3A_81 = arith.constant 1 : i32
    %while3A_82 = arith.divsi %while3A_79, %while3A_81 : i32
    %while3A_83 = arith.muli %while3A_82, %while3A_81 : i32
    %while3A_84 = arith.addi %while3A_78, %while3A_83 : i32
    %while3A_85 = arith.constant 1 : i32
    scf.for %while3A_116 = %while3A_78 to %while3A_84 step %while3A_85  : i32 {
      %dma_wait3A_117 = arith.constant 0 : i32
      %dma_wait3A_118 = tpu.memref_slice %arg8[%dma_wait3A_117] : memref<102400xf32, #tpu.memory_space<vmem>> -> memref<128xf32, #tpu.memory_space<vmem>>
      %dma_wait3A_119 = arith.constant 0 : i32
      %dma_wait3A_120 = tpu.memref_slice %arg2[%add3A_59, %dma_wait3A_119] : memref<64x102400xf32, #tpu.memory_space<hbm>> -> memref<1x128xf32, #tpu.memory_space<hbm>>
      %dma_wait3A_121 = tpu.memref_squeeze %dma_wait3A_120 : memref<1x128xf32, #tpu.memory_space<hbm>> -> memref<128xf32, #tpu.memory_space<hbm>>
      %dma_wait3A_122 = arith.constant 0 : i32
      %dma_wait3A_123 = tpu.memref_slice %arg8[%dma_wait3A_122] : memref<102400xf32, #tpu.memory_space<vmem>> -> memref<128xf32, #tpu.memory_space<vmem>>
      %dma_wait3A_124 = arith.constant 0 : i32
      %dma_wait3A_125 = tpu.memref_slice %arg2[%add3A_59, %dma_wait3A_124] : memref<64x102400xf32, #tpu.memory_space<hbm>> -> memref<1x128xf32, #tpu.memory_space<hbm>>
      %dma_wait3A_126 = tpu.memref_squeeze %dma_wait3A_125 : memref<1x128xf32, #tpu.memory_space<hbm>> -> memref<128xf32, #tpu.memory_space<hbm>>
      tpu.wait_dma2 semaphore(%arg14 : memref<!tpu.dma_semaphore, #tpu.memory_space<semaphore_mem>>) src(%dma_wait3A_126 : memref<128xf32, #tpu.memory_space<hbm>>) dst(%dma_wait3A_123 : memref<128xf32, #tpu.memory_space<vmem>>)
    }
    %while3A_86 = arith.constant 1 : i32
    scf.for %while3A_116 = %while3A_84 to %while3A_80 step %while3A_86  : i32 {
      %dma_wait3A_117 = arith.constant 0 : i32
      %dma_wait3A_118 = tpu.memref_slice %arg8[%dma_wait3A_117] : memref<102400xf32, #tpu.memory_space<vmem>> -> memref<128xf32, #tpu.memory_space<vmem>>
      %dma_wait3A_119 = arith.constant 0 : i32
      %dma_wait3A_120 = tpu.memref_slice %arg2[%add3A_59, %dma_wait3A_119] : memref<64x102400xf32, #tpu.memory_space<hbm>> -> memref<1x128xf32, #tpu.memory_space<hbm>>
      %dma_wait3A_121 = tpu.memref_squeeze %dma_wait3A_120 : memref<1x128xf32, #tpu.memory_space<hbm>> -> memref<128xf32, #tpu.memory_space<hbm>>
      %dma_wait3A_122 = arith.constant 0 : i32
      %dma_wait3A_123 = tpu.memref_slice %arg8[%dma_wait3A_122] : memref<102400xf32, #tpu.memory_space<vmem>> -> memref<128xf32, #tpu.memory_space<vmem>>
      %dma_wait3A_124 = arith.constant 0 : i32
      %dma_wait3A_125 = tpu.memref_slice %arg2[%add3A_59, %dma_wait3A_124] : memref<64x102400xf32, #tpu.memory_space<hbm>> -> memref<1x128xf32, #tpu.memory_space<hbm>>
      %dma_wait3A_126 = tpu.memref_squeeze %dma_wait3A_125 : memref<1x128xf32, #tpu.memory_space<hbm>> -> memref<128xf32, #tpu.memory_space<hbm>>
      tpu.wait_dma2 semaphore(%arg14 : memref<!tpu.dma_semaphore, #tpu.memory_space<semaphore_mem>>) src(%dma_wait3A_126 : memref<128xf32, #tpu.memory_space<hbm>>) dst(%dma_wait3A_123 : memref<128xf32, #tpu.memory_space<vmem>>)
    }
    %broadcast_in_dim3A_87 = arith.constant 0 : i32
    %broadcast_in_dim3A_88 = vector.broadcast %broadcast_in_dim3A_87 : i32 to vector<16xi32>
    %reduce_min3A_89 = arith.constant true
    %reduce_min3A_90 = vector.broadcast %reduce_min3A_89 : i1 to vector<16xi1>
    %reduce_min3A_91 = tpu.scan <min>, %broadcast_in_dim3A_1 masked %reduce_min3A_90 : vector<16xf32>, vector<16xi1> -> vector<16xf32>
    %reduce_min3A_92 = vector.extract %reduce_min3A_91[15] : f32 from vector<16xf32>
    %while3A_93 = arith.constant 0 : i32
    %while3A_94 = arith.subi %scan3A_75, %while3A_93 : i32
    %while3A_95 = arith.addi %while3A_93, %while3A_94 : i32
    %while3A_96 = arith.constant 1 : i32
    %while3A_97 = arith.divsi %while3A_94, %while3A_96 : i32
    %while3A_98 = arith.muli %while3A_97, %while3A_96 : i32
    %while3A_99 = arith.addi %while3A_93, %while3A_98 : i32
    %while3A_100 = arith.constant 1 : i32
    %while3A_101:3 = scf.for %while3A_116 = %while3A_93 to %while3A_99 step %while3A_100 iter_args(%while3A_117 = %broadcast_in_dim3A_1, %while3A_118 = %broadcast_in_dim3A_88, %while3A_119 = %reduce_min3A_92) -> (vector<16xf32>, vector<16xi32>, f32)  : i32 {
      %get3A = arith.index_cast %while3A_116 : i32 to index
      %get3A_120 = memref.load %arg10[%get3A] : memref<800xi32, #tpu.memory_space<smem>>
      %mul3A_121 = arith.constant 128 : i32
      %mul3A_122 = arith.muli %while3A_116, %mul3A_121 : i32
      %add3A_123 = arith.constant 0 : i32
      %add3A_124 = arith.addi %mul3A_122, %add3A_123 : i32
      %get3A_125 = arith.index_cast %add3A_124 : i32 to index
      %get3A_126 = tpu.vector_load %arg8[%get3A_125] {strides = array<i32>} : memref<102400xf32, #tpu.memory_space<vmem>>, vector<16xf32>,
      %mul3A_127 = arith.constant 128 : i32
      %mul3A_128 = arith.muli %get3A_120, %mul3A_127 : i32
      %add3A_129 = arith.constant 0 : i32
      %add3A_130 = arith.addi %mul3A_128, %add3A_129 : i32
      %add3A_131 = vector.broadcast %add3A_130 : i32 to vector<16xi32>
      %add3A_132 = arith.addi %add3A_131, %iota3A : vector<16xi32>
      %gt3A = vector.broadcast %while3A_119 : f32 to vector<16xf32>
      %gt3A_133 = arith.cmpf ogt, %get3A_126, %gt3A : vector<16xf32>
      %reduce_or3A = arith.constant 1.000000e+00 : f32
      %reduce_or3A_134 = arith.constant 0.000000e+00 : f32
      %reduce_or3A_135 = vector.broadcast %reduce_or3A : f32 to vector<16xf32>
      %reduce_or3A_136 = vector.broadcast %reduce_or3A_134 : f32 to vector<16xf32>
      %reduce_or3A_137 = arith.select %gt3A_133, %reduce_or3A_135, %reduce_or3A_136 : vector<16xi1>, vector<16xf32>
      %reduce_or3A_138 = arith.constant true
      %reduce_or3A_139 = vector.broadcast %reduce_or3A_138 : i1 to vector<16xi1>
      %reduce_or3A_140 = tpu.scan <max>, %reduce_or3A_137 masked %reduce_or3A_139 : vector<16xf32>, vector<16xi1> -> vector<16xf32>
      %reduce_or3A_141 = vector.extract %reduce_or3A_140[15] : f32 from vector<16xf32>
      %reduce_or3A_142 = arith.constant 0.000000e+00 : f32
      %reduce_or3A_143 = arith.cmpf ogt, %reduce_or3A_141, %reduce_or3A_142 : f32
      %convert_element_type3A = arith.extui %reduce_or3A_143 : i1 to i32
      %cond3A = arith.constant 0 : i32
      %cond3A_144 = arith.cmpi ne, %convert_element_type3A, %cond3A : i32
      %cond3A_145:3 = scf.if %cond3A_144 -> (vector<16xf32>, vector<16xi32>, f32) {
        %masked_sort3A = arith.constant dense<true> : vector<16xi1>
        %masked_sort3A_335, %masked_sort3A_336, %masked_sort3A_337 = tpu.sort %get3A_126, %add3A_132 masked %masked_sort3A {descending = true} : (vector<16xf32>, vector<16xi32>, vector<16xi1>) -> (vector<16xi1>, vector<16xf32>, vector<16xi32>)
        %rev3A = arith.constant 15 : i32
        %rev3A_338 = vector.broadcast %rev3A : i32 to vector<16xi32>
        %rev3A_339 = tpu.iota {dimensions = array<i32: 0>} : vector<16xi32>
        %rev3A_340 = arith.subi %rev3A_338, %rev3A_339 : vector<16xi32>
        %rev3A_341 = tpu.dynamic_gather %masked_sort3A_336[%rev3A_340] in [0] : vector<16xf32>, vector<16xi32> -> vector<16xf32>
        %rev3A_342 = arith.constant 15 : i32
        %rev3A_343 = vector.broadcast %rev3A_342 : i32 to vector<16xi32>
        %rev3A_344 = tpu.iota {dimensions = array<i32: 0>} : vector<16xi32>
        %rev3A_345 = arith.subi %rev3A_343, %rev3A_344 : vector<16xi32>
        %rev3A_346 = tpu.dynamic_gather %masked_sort3A_337[%rev3A_345] in [0] : vector<16xi32>, vector<16xi32> -> vector<16xi32>
        %gt3A_347 = arith.cmpf ogt, %while3A_117, %rev3A_341 : vector<16xf32>
        %eq3A = arith.cmpf oeq, %while3A_117, %rev3A_341 : vector<16xf32>
        %lt3A = arith.cmpi slt, %while3A_118, %rev3A_346 : vector<16xi32>
        %and3A = arith.andi %eq3A, %lt3A : vector<16xi1>
        %or3A = arith.ori %gt3A_347, %and3A : vector<16xi1>
        %select_n3A = arith.select %or3A, %while3A_117, %rev3A_341 : vector<16xi1>, vector<16xf32>
        %select_n3A_348 = arith.select %or3A, %while3A_118, %rev3A_346 : vector<16xi1>, vector<16xi32>
        %masked_sort3A_349 = arith.constant dense<true> : vector<16xi1>
        %masked_sort3A_350, %masked_sort3A_351, %masked_sort3A_352 = tpu.sort %select_n3A, %select_n3A_348 masked %masked_sort3A_349 {descending = true} : (vector<16xf32>, vector<16xi32>, vector<16xi1>) -> (vector<16xi1>, vector<16xf32>, vector<16xi32>)
        %reduce_min3A_353 = arith.constant true
        %reduce_min3A_354 = vector.broadcast %reduce_min3A_353 : i1 to vector<16xi1>
        %reduce_min3A_355 = tpu.scan <min>, %masked_sort3A_351 masked %reduce_min3A_354 : vector<16xf32>, vector<16xi1> -> vector<16xf32>
        %reduce_min3A_356 = vector.extract %reduce_min3A_355[15] : f32 from vector<16xf32>
        scf.yield %masked_sort3A_351, %masked_sort3A_352, %reduce_min3A_356 : vector<16xf32>, vector<16xi32>, f32
      } else {
        scf.yield %while3A_117, %while3A_118, %while3A_119 : vector<16xf32>, vector<16xi32>, f32
      }
      %add3A_146 = arith.constant 16 : i32
      %add3A_147 = arith.addi %mul3A_122, %add3A_146 : i32
      %get3A_148 = arith.index_cast %add3A_147 : i32 to index
      %get3A_149 = tpu.vector_load %arg8[%get3A_148] {strides = array<i32>} : memref<102400xf32, #tpu.memory_space<vmem>>, vector<16xf32>,
      %mul3A_150 = arith.constant 128 : i32
      %mul3A_151 = arith.muli %get3A_120, %mul3A_150 : i32
      %add3A_152 = arith.constant 16 : i32
      %add3A_153 = arith.addi %mul3A_151, %add3A_152 : i32
      %add3A_154 = vector.broadcast %add3A_153 : i32 to vector<16xi32>
      %add3A_155 = arith.addi %add3A_154, %iota3A : vector<16xi32>
      %gt3A_156 = vector.broadcast %cond3A_145#2 : f32 to vector<16xf32>
      %gt3A_157 = arith.cmpf ogt, %get3A_149, %gt3A_156 : vector<16xf32>
      %reduce_or3A_158 = arith.constant 1.000000e+00 : f32
      %reduce_or3A_159 = arith.constant 0.000000e+00 : f32
      %reduce_or3A_160 = vector.broadcast %reduce_or3A_158 : f32 to vector<16xf32>
      %reduce_or3A_161 = vector.broadcast %reduce_or3A_159 : f32 to vector<16xf32>
      %reduce_or3A_162 = arith.select %gt3A_157, %reduce_or3A_160, %reduce_or3A_161 : vector<16xi1>, vector<16xf32>
      %reduce_or3A_163 = arith.constant true
      %reduce_or3A_164 = vector.broadcast %reduce_or3A_163 : i1 to vector<16xi1>
      %reduce_or3A_165 = tpu.scan <max>, %reduce_or3A_162 masked %reduce_or3A_164 : vector<16xf32>, vector<16xi1> -> vector<16xf32>
      %reduce_or3A_166 = vector.extract %reduce_or3A_165[15] : f32 from vector<16xf32>
      %reduce_or3A_167 = arith.constant 0.000000e+00 : f32
      %reduce_or3A_168 = arith.cmpf ogt, %reduce_or3A_166, %reduce_or3A_167 : f32
      %convert_element_type3A_169 = arith.extui %reduce_or3A_168 : i1 to i32
      %cond3A_170 = arith.constant 0 : i32
      %cond3A_171 = arith.cmpi ne, %convert_element_type3A_169, %cond3A_170 : i32
      %cond3A_172:3 = scf.if %cond3A_171 -> (vector<16xf32>, vector<16xi32>, f32) {
        %masked_sort3A = arith.constant dense<true> : vector<16xi1>
        %masked_sort3A_335, %masked_sort3A_336, %masked_sort3A_337 = tpu.sort %get3A_149, %add3A_155 masked %masked_sort3A {descending = true} : (vector<16xf32>, vector<16xi32>, vector<16xi1>) -> (vector<16xi1>, vector<16xf32>, vector<16xi32>)
        %rev3A = arith.constant 15 : i32
        %rev3A_338 = vector.broadcast %rev3A : i32 to vector<16xi32>
        %rev3A_339 = tpu.iota {dimensions = array<i32: 0>} : vector<16xi32>
        %rev3A_340 = arith.subi %rev3A_338, %rev3A_339 : vector<16xi32>
        %rev3A_341 = tpu.dynamic_gather %masked_sort3A_336[%rev3A_340] in [0] : vector<16xf32>, vector<16xi32> -> vector<16xf32>
        %rev3A_342 = arith.constant 15 : i32
        %rev3A_343 = vector.broadcast %rev3A_342 : i32 to vector<16xi32>
        %rev3A_344 = tpu.iota {dimensions = array<i32: 0>} : vector<16xi32>
        %rev3A_345 = arith.subi %rev3A_343, %rev3A_344 : vector<16xi32>
        %rev3A_346 = tpu.dynamic_gather %masked_sort3A_337[%rev3A_345] in [0] : vector<16xi32>, vector<16xi32> -> vector<16xi32>
        %gt3A_347 = arith.cmpf ogt, %cond3A_145#0, %rev3A_341 : vector<16xf32>
        %eq3A = arith.cmpf oeq, %cond3A_145#0, %rev3A_341 : vector<16xf32>
        %lt3A = arith.cmpi slt, %cond3A_145#1, %rev3A_346 : vector<16xi32>
        %and3A = arith.andi %eq3A, %lt3A : vector<16xi1>
        %or3A = arith.ori %gt3A_347, %and3A : vector<16xi1>
        %select_n3A = arith.select %or3A, %cond3A_145#0, %rev3A_341 : vector<16xi1>, vector<16xf32>
        %select_n3A_348 = arith.select %or3A, %cond3A_145#1, %rev3A_346 : vector<16xi1>, vector<16xi32>
        %masked_sort3A_349 = arith.constant dense<true> : vector<16xi1>
        %masked_sort3A_350, %masked_sort3A_351, %masked_sort3A_352 = tpu.sort %select_n3A, %select_n3A_348 masked %masked_sort3A_349 {descending = true} : (vector<16xf32>, vector<16xi32>, vector<16xi1>) -> (vector<16xi1>, vector<16xf32>, vector<16xi32>)
        %reduce_min3A_353 = arith.constant true
        %reduce_min3A_354 = vector.broadcast %reduce_min3A_353 : i1 to vector<16xi1>
        %reduce_min3A_355 = tpu.scan <min>, %masked_sort3A_351 masked %reduce_min3A_354 : vector<16xf32>, vector<16xi1> -> vector<16xf32>
        %reduce_min3A_356 = vector.extract %reduce_min3A_355[15] : f32 from vector<16xf32>
        scf.yield %masked_sort3A_351, %masked_sort3A_352, %reduce_min3A_356 : vector<16xf32>, vector<16xi32>, f32
      } else {
        scf.yield %cond3A_145#0, %cond3A_145#1, %cond3A_145#2 : vector<16xf32>, vector<16xi32>, f32
      }
      %add3A_173 = arith.constant 32 : i32
      %add3A_174 = arith.addi %mul3A_122, %add3A_173 : i32
      %get3A_175 = arith.index_cast %add3A_174 : i32 to index
      %get3A_176 = tpu.vector_load %arg8[%get3A_175] {strides = array<i32>} : memref<102400xf32, #tpu.memory_space<vmem>>, vector<16xf32>,
      %mul3A_177 = arith.constant 128 : i32
      %mul3A_178 = arith.muli %get3A_120, %mul3A_177 : i32
      %add3A_179 = arith.constant 32 : i32
      %add3A_180 = arith.addi %mul3A_178, %add3A_179 : i32
      %add3A_181 = vector.broadcast %add3A_180 : i32 to vector<16xi32>
      %add3A_182 = arith.addi %add3A_181, %iota3A : vector<16xi32>
      %gt3A_183 = vector.broadcast %cond3A_172#2 : f32 to vector<16xf32>
      %gt3A_184 = arith.cmpf ogt, %get3A_176, %gt3A_183 : vector<16xf32>
      %reduce_or3A_185 = arith.constant 1.000000e+00 : f32
      %reduce_or3A_186 = arith.constant 0.000000e+00 : f32
      %reduce_or3A_187 = vector.broadcast %reduce_or3A_185 : f32 to vector<16xf32>
      %reduce_or3A_188 = vector.broadcast %reduce_or3A_186 : f32 to vector<16xf32>
      %reduce_or3A_189 = arith.select %gt3A_184, %reduce_or3A_187, %reduce_or3A_188 : vector<16xi1>, vector<16xf32>
      %reduce_or3A_190 = arith.constant true
      %reduce_or3A_191 = vector.broadcast %reduce_or3A_190 : i1 to vector<16xi1>
      %reduce_or3A_192 = tpu.scan <max>, %reduce_or3A_189 masked %reduce_or3A_191 : vector<16xf32>, vector<16xi1> -> vector<16xf32>
      %reduce_or3A_193 = vector.extract %reduce_or3A_192[15] : f32 from vector<16xf32>
      %reduce_or3A_194 = arith.constant 0.000000e+00 : f32
      %reduce_or3A_195 = arith.cmpf ogt, %reduce_or3A_193, %reduce_or3A_194 : f32
      %convert_element_type3A_196 = arith.extui %reduce_or3A_195 : i1 to i32
      %cond3A_197 = arith.constant 0 : i32
      %cond3A_198 = arith.cmpi ne, %convert_element_type3A_196, %cond3A_197 : i32
      %cond3A_199:3 = scf.if %cond3A_198 -> (vector<16xf32>, vector<16xi32>, f32) {
        %masked_sort3A = arith.constant dense<true> : vector<16xi1>
        %masked_sort3A_335, %masked_sort3A_336, %masked_sort3A_337 = tpu.sort %get3A_176, %add3A_182 masked %masked_sort3A {descending = true} : (vector<16xf32>, vector<16xi32>, vector<16xi1>) -> (vector<16xi1>, vector<16xf32>, vector<16xi32>)
        %rev3A = arith.constant 15 : i32
        %rev3A_338 = vector.broadcast %rev3A : i32 to vector<16xi32>
        %rev3A_339 = tpu.iota {dimensions = array<i32: 0>} : vector<16xi32>
        %rev3A_340 = arith.subi %rev3A_338, %rev3A_339 : vector<16xi32>
        %rev3A_341 = tpu.dynamic_gather %masked_sort3A_336[%rev3A_340] in [0] : vector<16xf32>, vector<16xi32> -> vector<16xf32>
        %rev3A_342 = arith.constant 15 : i32
        %rev3A_343 = vector.broadcast %rev3A_342 : i32 to vector<16xi32>
        %rev3A_344 = tpu.iota {dimensions = array<i32: 0>} : vector<16xi32>
        %rev3A_345 = arith.subi %rev3A_343, %rev3A_344 : vector<16xi32>
        %rev3A_346 = tpu.dynamic_gather %masked_sort3A_337[%rev3A_345] in [0] : vector<16xi32>, vector<16xi32> -> vector<16xi32>
        %gt3A_347 = arith.cmpf ogt, %cond3A_172#0, %rev3A_341 : vector<16xf32>
        %eq3A = arith.cmpf oeq, %cond3A_172#0, %rev3A_341 : vector<16xf32>
        %lt3A = arith.cmpi slt, %cond3A_172#1, %rev3A_346 : vector<16xi32>
        %and3A = arith.andi %eq3A, %lt3A : vector<16xi1>
        %or3A = arith.ori %gt3A_347, %and3A : vector<16xi1>
        %select_n3A = arith.select %or3A, %cond3A_172#0, %rev3A_341 : vector<16xi1>, vector<16xf32>
        %select_n3A_348 = arith.select %or3A, %cond3A_172#1, %rev3A_346 : vector<16xi1>, vector<16xi32>
        %masked_sort3A_349 = arith.constant dense<true> : vector<16xi1>
        %masked_sort3A_350, %masked_sort3A_351, %masked_sort3A_352 = tpu.sort %select_n3A, %select_n3A_348 masked %masked_sort3A_349 {descending = true} : (vector<16xf32>, vector<16xi32>, vector<16xi1>) -> (vector<16xi1>, vector<16xf32>, vector<16xi32>)
        %reduce_min3A_353 = arith.constant true
        %reduce_min3A_354 = vector.broadcast %reduce_min3A_353 : i1 to vector<16xi1>
        %reduce_min3A_355 = tpu.scan <min>, %masked_sort3A_351 masked %reduce_min3A_354 : vector<16xf32>, vector<16xi1> -> vector<16xf32>
        %reduce_min3A_356 = vector.extract %reduce_min3A_355[15] : f32 from vector<16xf32>
        scf.yield %masked_sort3A_351, %masked_sort3A_352, %reduce_min3A_356 : vector<16xf32>, vector<16xi32>, f32
      } else {
        scf.yield %cond3A_172#0, %cond3A_172#1, %cond3A_172#2 : vector<16xf32>, vector<16xi32>, f32
      }
      %add3A_200 = arith.constant 48 : i32
      %add3A_201 = arith.addi %mul3A_122, %add3A_200 : i32
      %get3A_202 = arith.index_cast %add3A_201 : i32 to index
      %get3A_203 = tpu.vector_load %arg8[%get3A_202] {strides = array<i32>} : memref<102400xf32, #tpu.memory_space<vmem>>, vector<16xf32>,
      %mul3A_204 = arith.constant 128 : i32
      %mul3A_205 = arith.muli %get3A_120, %mul3A_204 : i32
      %add3A_206 = arith.constant 48 : i32
      %add3A_207 = arith.addi %mul3A_205, %add3A_206 : i32
      %add3A_208 = vector.broadcast %add3A_207 : i32 to vector<16xi32>
      %add3A_209 = arith.addi %add3A_208, %iota3A : vector<16xi32>
      %gt3A_210 = vector.broadcast %cond3A_199#2 : f32 to vector<16xf32>
      %gt3A_211 = arith.cmpf ogt, %get3A_203, %gt3A_210 : vector<16xf32>
      %reduce_or3A_212 = arith.constant 1.000000e+00 : f32
      %reduce_or3A_213 = arith.constant 0.000000e+00 : f32
      %reduce_or3A_214 = vector.broadcast %reduce_or3A_212 : f32 to vector<16xf32>
      %reduce_or3A_215 = vector.broadcast %reduce_or3A_213 : f32 to vector<16xf32>
      %reduce_or3A_216 = arith.select %gt3A_211, %reduce_or3A_214, %reduce_or3A_215 : vector<16xi1>, vector<16xf32>
      %reduce_or3A_217 = arith.constant true
      %reduce_or3A_218 = vector.broadcast %reduce_or3A_217 : i1 to vector<16xi1>
      %reduce_or3A_219 = tpu.scan <max>, %reduce_or3A_216 masked %reduce_or3A_218 : vector<16xf32>, vector<16xi1> -> vector<16xf32>
      %reduce_or3A_220 = vector.extract %reduce_or3A_219[15] : f32 from vector<16xf32>
      %reduce_or3A_221 = arith.constant 0.000000e+00 : f32
      %reduce_or3A_222 = arith.cmpf ogt, %reduce_or3A_220, %reduce_or3A_221 : f32
      %convert_element_type3A_223 = arith.extui %reduce_or3A_222 : i1 to i32
      %cond3A_224 = arith.constant 0 : i32
      %cond3A_225 = arith.cmpi ne, %convert_element_type3A_223, %cond3A_224 : i32
      %cond3A_226:3 = scf.if %cond3A_225 -> (vector<16xf32>, vector<16xi32>, f32) {
        %masked_sort3A = arith.constant dense<true> : vector<16xi1>
        %masked_sort3A_335, %masked_sort3A_336, %masked_sort3A_337 = tpu.sort %get3A_203, %add3A_209 masked %masked_sort3A {descending = true} : (vector<16xf32>, vector<16xi32>, vector<16xi1>) -> (vector<16xi1>, vector<16xf32>, vector<16xi32>)
        %rev3A = arith.constant 15 : i32
        %rev3A_338 = vector.broadcast %rev3A : i32 to vector<16xi32>
        %rev3A_339 = tpu.iota {dimensions = array<i32: 0>} : vector<16xi32>
        %rev3A_340 = arith.subi %rev3A_338, %rev3A_339 : vector<16xi32>
        %rev3A_341 = tpu.dynamic_gather %masked_sort3A_336[%rev3A_340] in [0] : vector<16xf32>, vector<16xi32> -> vector<16xf32>
        %rev3A_342 = arith.constant 15 : i32
        %rev3A_343 = vector.broadcast %rev3A_342 : i32 to vector<16xi32>
        %rev3A_344 = tpu.iota {dimensions = array<i32: 0>} : vector<16xi32>
        %rev3A_345 = arith.subi %rev3A_343, %rev3A_344 : vector<16xi32>
        %rev3A_346 = tpu.dynamic_gather %masked_sort3A_337[%rev3A_345] in [0] : vector<16xi32>, vector<16xi32> -> vector<16xi32>
        %gt3A_347 = arith.cmpf ogt, %cond3A_199#0, %rev3A_341 : vector<16xf32>
        %eq3A = arith.cmpf oeq, %cond3A_199#0, %rev3A_341 : vector<16xf32>
        %lt3A = arith.cmpi slt, %cond3A_199#1, %rev3A_346 : vector<16xi32>
        %and3A = arith.andi %eq3A, %lt3A : vector<16xi1>
        %or3A = arith.ori %gt3A_347, %and3A : vector<16xi1>
        %select_n3A = arith.select %or3A, %cond3A_199#0, %rev3A_341 : vector<16xi1>, vector<16xf32>
        %select_n3A_348 = arith.select %or3A, %cond3A_199#1, %rev3A_346 : vector<16xi1>, vector<16xi32>
        %masked_sort3A_349 = arith.constant dense<true> : vector<16xi1>
        %masked_sort3A_350, %masked_sort3A_351, %masked_sort3A_352 = tpu.sort %select_n3A, %select_n3A_348 masked %masked_sort3A_349 {descending = true} : (vector<16xf32>, vector<16xi32>, vector<16xi1>) -> (vector<16xi1>, vector<16xf32>, vector<16xi32>)
        %reduce_min3A_353 = arith.constant true
        %reduce_min3A_354 = vector.broadcast %reduce_min3A_353 : i1 to vector<16xi1>
        %reduce_min3A_355 = tpu.scan <min>, %masked_sort3A_351 masked %reduce_min3A_354 : vector<16xf32>, vector<16xi1> -> vector<16xf32>
        %reduce_min3A_356 = vector.extract %reduce_min3A_355[15] : f32 from vector<16xf32>
        scf.yield %masked_sort3A_351, %masked_sort3A_352, %reduce_min3A_356 : vector<16xf32>, vector<16xi32>, f32
      } else {
        scf.yield %cond3A_199#0, %cond3A_199#1, %cond3A_199#2 : vector<16xf32>, vector<16xi32>, f32
      }
      %add3A_227 = arith.constant 64 : i32
      %add3A_228 = arith.addi %mul3A_122, %add3A_227 : i32
      %get3A_229 = arith.index_cast %add3A_228 : i32 to index
      %get3A_230 = tpu.vector_load %arg8[%get3A_229] {strides = array<i32>} : memref<102400xf32, #tpu.memory_space<vmem>>, vector<16xf32>,
      %mul3A_231 = arith.constant 128 : i32
      %mul3A_232 = arith.muli %get3A_120, %mul3A_231 : i32
      %add3A_233 = arith.constant 64 : i32
      %add3A_234 = arith.addi %mul3A_232, %add3A_233 : i32
      %add3A_235 = vector.broadcast %add3A_234 : i32 to vector<16xi32>
      %add3A_236 = arith.addi %add3A_235, %iota3A : vector<16xi32>
      %gt3A_237 = vector.broadcast %cond3A_226#2 : f32 to vector<16xf32>
      %gt3A_238 = arith.cmpf ogt, %get3A_230, %gt3A_237 : vector<16xf32>
      %reduce_or3A_239 = arith.constant 1.000000e+00 : f32
      %reduce_or3A_240 = arith.constant 0.000000e+00 : f32
      %reduce_or3A_241 = vector.broadcast %reduce_or3A_239 : f32 to vector<16xf32>
      %reduce_or3A_242 = vector.broadcast %reduce_or3A_240 : f32 to vector<16xf32>
      %reduce_or3A_243 = arith.select %gt3A_238, %reduce_or3A_241, %reduce_or3A_242 : vector<16xi1>, vector<16xf32>
      %reduce_or3A_244 = arith.constant true
      %reduce_or3A_245 = vector.broadcast %reduce_or3A_244 : i1 to vector<16xi1>
      %reduce_or3A_246 = tpu.scan <max>, %reduce_or3A_243 masked %reduce_or3A_245 : vector<16xf32>, vector<16xi1> -> vector<16xf32>
      %reduce_or3A_247 = vector.extract %reduce_or3A_246[15] : f32 from vector<16xf32>
      %reduce_or3A_248 = arith.constant 0.000000e+00 : f32
      %reduce_or3A_249 = arith.cmpf ogt, %reduce_or3A_247, %reduce_or3A_248 : f32
      %convert_element_type3A_250 = arith.extui %reduce_or3A_249 : i1 to i32
      %cond3A_251 = arith.constant 0 : i32
      %cond3A_252 = arith.cmpi ne, %convert_element_type3A_250, %cond3A_251 : i32
      %cond3A_253:3 = scf.if %cond3A_252 -> (vector<16xf32>, vector<16xi32>, f32) {
        %masked_sort3A = arith.constant dense<true> : vector<16xi1>
        %masked_sort3A_335, %masked_sort3A_336, %masked_sort3A_337 = tpu.sort %get3A_230, %add3A_236 masked %masked_sort3A {descending = true} : (vector<16xf32>, vector<16xi32>, vector<16xi1>) -> (vector<16xi1>, vector<16xf32>, vector<16xi32>)
        %rev3A = arith.constant 15 : i32
        %rev3A_338 = vector.broadcast %rev3A : i32 to vector<16xi32>
        %rev3A_339 = tpu.iota {dimensions = array<i32: 0>} : vector<16xi32>
        %rev3A_340 = arith.subi %rev3A_338, %rev3A_339 : vector<16xi32>
        %rev3A_341 = tpu.dynamic_gather %masked_sort3A_336[%rev3A_340] in [0] : vector<16xf32>, vector<16xi32> -> vector<16xf32>
        %rev3A_342 = arith.constant 15 : i32
        %rev3A_343 = vector.broadcast %rev3A_342 : i32 to vector<16xi32>
        %rev3A_344 = tpu.iota {dimensions = array<i32: 0>} : vector<16xi32>
        %rev3A_345 = arith.subi %rev3A_343, %rev3A_344 : vector<16xi32>
        %rev3A_346 = tpu.dynamic_gather %masked_sort3A_337[%rev3A_345] in [0] : vector<16xi32>, vector<16xi32> -> vector<16xi32>
        %gt3A_347 = arith.cmpf ogt, %cond3A_226#0, %rev3A_341 : vector<16xf32>
        %eq3A = arith.cmpf oeq, %cond3A_226#0, %rev3A_341 : vector<16xf32>
        %lt3A = arith.cmpi slt, %cond3A_226#1, %rev3A_346 : vector<16xi32>
        %and3A = arith.andi %eq3A, %lt3A : vector<16xi1>
        %or3A = arith.ori %gt3A_347, %and3A : vector<16xi1>
        %select_n3A = arith.select %or3A, %cond3A_226#0, %rev3A_341 : vector<16xi1>, vector<16xf32>
        %select_n3A_348 = arith.select %or3A, %cond3A_226#1, %rev3A_346 : vector<16xi1>, vector<16xi32>
        %masked_sort3A_349 = arith.constant dense<true> : vector<16xi1>
        %masked_sort3A_350, %masked_sort3A_351, %masked_sort3A_352 = tpu.sort %select_n3A, %select_n3A_348 masked %masked_sort3A_349 {descending = true} : (vector<16xf32>, vector<16xi32>, vector<16xi1>) -> (vector<16xi1>, vector<16xf32>, vector<16xi32>)
        %reduce_min3A_353 = arith.constant true
        %reduce_min3A_354 = vector.broadcast %reduce_min3A_353 : i1 to vector<16xi1>
        %reduce_min3A_355 = tpu.scan <min>, %masked_sort3A_351 masked %reduce_min3A_354 : vector<16xf32>, vector<16xi1> -> vector<16xf32>
        %reduce_min3A_356 = vector.extract %reduce_min3A_355[15] : f32 from vector<16xf32>
        scf.yield %masked_sort3A_351, %masked_sort3A_352, %reduce_min3A_356 : vector<16xf32>, vector<16xi32>, f32
      } else {
        scf.yield %cond3A_226#0, %cond3A_226#1, %cond3A_226#2 : vector<16xf32>, vector<16xi32>, f32
      }
      %add3A_254 = arith.constant 80 : i32
      %add3A_255 = arith.addi %mul3A_122, %add3A_254 : i32
      %get3A_256 = arith.index_cast %add3A_255 : i32 to index
      %get3A_257 = tpu.vector_load %arg8[%get3A_256] {strides = array<i32>} : memref<102400xf32, #tpu.memory_space<vmem>>, vector<16xf32>,
      %mul3A_258 = arith.constant 128 : i32
      %mul3A_259 = arith.muli %get3A_120, %mul3A_258 : i32
      %add3A_260 = arith.constant 80 : i32
      %add3A_261 = arith.addi %mul3A_259, %add3A_260 : i32
      %add3A_262 = vector.broadcast %add3A_261 : i32 to vector<16xi32>
      %add3A_263 = arith.addi %add3A_262, %iota3A : vector<16xi32>
      %gt3A_264 = vector.broadcast %cond3A_253#2 : f32 to vector<16xf32>
      %gt3A_265 = arith.cmpf ogt, %get3A_257, %gt3A_264 : vector<16xf32>
      %reduce_or3A_266 = arith.constant 1.000000e+00 : f32
      %reduce_or3A_267 = arith.constant 0.000000e+00 : f32
      %reduce_or3A_268 = vector.broadcast %reduce_or3A_266 : f32 to vector<16xf32>
      %reduce_or3A_269 = vector.broadcast %reduce_or3A_267 : f32 to vector<16xf32>
      %reduce_or3A_270 = arith.select %gt3A_265, %reduce_or3A_268, %reduce_or3A_269 : vector<16xi1>, vector<16xf32>
      %reduce_or3A_271 = arith.constant true
      %reduce_or3A_272 = vector.broadcast %reduce_or3A_271 : i1 to vector<16xi1>
      %reduce_or3A_273 = tpu.scan <max>, %reduce_or3A_270 masked %reduce_or3A_272 : vector<16xf32>, vector<16xi1> -> vector<16xf32>
      %reduce_or3A_274 = vector.extract %reduce_or3A_273[15] : f32 from vector<16xf32>
      %reduce_or3A_275 = arith.constant 0.000000e+00 : f32
      %reduce_or3A_276 = arith.cmpf ogt, %reduce_or3A_274, %reduce_or3A_275 : f32
      %convert_element_type3A_277 = arith.extui %reduce_or3A_276 : i1 to i32
      %cond3A_278 = arith.constant 0 : i32
      %cond3A_279 = arith.cmpi ne, %convert_element_type3A_277, %cond3A_278 : i32
      %cond3A_280:3 = scf.if %cond3A_279 -> (vector<16xf32>, vector<16xi32>, f32) {
        %masked_sort3A = arith.constant dense<true> : vector<16xi1>
        %masked_sort3A_335, %masked_sort3A_336, %masked_sort3A_337 = tpu.sort %get3A_257, %add3A_263 masked %masked_sort3A {descending = true} : (vector<16xf32>, vector<16xi32>, vector<16xi1>) -> (vector<16xi1>, vector<16xf32>, vector<16xi32>)
        %rev3A = arith.constant 15 : i32
        %rev3A_338 = vector.broadcast %rev3A : i32 to vector<16xi32>
        %rev3A_339 = tpu.iota {dimensions = array<i32: 0>} : vector<16xi32>
        %rev3A_340 = arith.subi %rev3A_338, %rev3A_339 : vector<16xi32>
        %rev3A_341 = tpu.dynamic_gather %masked_sort3A_336[%rev3A_340] in [0] : vector<16xf32>, vector<16xi32> -> vector<16xf32>
        %rev3A_342 = arith.constant 15 : i32
        %rev3A_343 = vector.broadcast %rev3A_342 : i32 to vector<16xi32>
        %rev3A_344 = tpu.iota {dimensions = array<i32: 0>} : vector<16xi32>
        %rev3A_345 = arith.subi %rev3A_343, %rev3A_344 : vector<16xi32>
        %rev3A_346 = tpu.dynamic_gather %masked_sort3A_337[%rev3A_345] in [0] : vector<16xi32>, vector<16xi32> -> vector<16xi32>
        %gt3A_347 = arith.cmpf ogt, %cond3A_253#0, %rev3A_341 : vector<16xf32>
        %eq3A = arith.cmpf oeq, %cond3A_253#0, %rev3A_341 : vector<16xf32>
        %lt3A = arith.cmpi slt, %cond3A_253#1, %rev3A_346 : vector<16xi32>
        %and3A = arith.andi %eq3A, %lt3A : vector<16xi1>
        %or3A = arith.ori %gt3A_347, %and3A : vector<16xi1>
        %select_n3A = arith.select %or3A, %cond3A_253#0, %rev3A_341 : vector<16xi1>, vector<16xf32>
        %select_n3A_348 = arith.select %or3A, %cond3A_253#1, %rev3A_346 : vector<16xi1>, vector<16xi32>
        %masked_sort3A_349 = arith.constant dense<true> : vector<16xi1>
        %masked_sort3A_350, %masked_sort3A_351, %masked_sort3A_352 = tpu.sort %select_n3A, %select_n3A_348 masked %masked_sort3A_349 {descending = true} : (vector<16xf32>, vector<16xi32>, vector<16xi1>) -> (vector<16xi1>, vector<16xf32>, vector<16xi32>)
        %reduce_min3A_353 = arith.constant true
        %reduce_min3A_354 = vector.broadcast %reduce_min3A_353 : i1 to vector<16xi1>
        %reduce_min3A_355 = tpu.scan <min>, %masked_sort3A_351 masked %reduce_min3A_354 : vector<16xf32>, vector<16xi1> -> vector<16xf32>
        %reduce_min3A_356 = vector.extract %reduce_min3A_355[15] : f32 from vector<16xf32>
        scf.yield %masked_sort3A_351, %masked_sort3A_352, %reduce_min3A_356 : vector<16xf32>, vector<16xi32>, f32
      } else {
        scf.yield %cond3A_253#0, %cond3A_253#1, %cond3A_253#2 : vector<16xf32>, vector<16xi32>, f32
      }
      %add3A_281 = arith.constant 96 : i32
      %add3A_282 = arith.addi %mul3A_122, %add3A_281 : i32
      %get3A_283 = arith.index_cast %add3A_282 : i32 to index
      %get3A_284 = tpu.vector_load %arg8[%get3A_283] {strides = array<i32>} : memref<102400xf32, #tpu.memory_space<vmem>>, vector<16xf32>,
      %mul3A_285 = arith.constant 128 : i32
      %mul3A_286 = arith.muli %get3A_120, %mul3A_285 : i32
      %add3A_287 = arith.constant 96 : i32
      %add3A_288 = arith.addi %mul3A_286, %add3A_287 : i32
      %add3A_289 = vector.broadcast %add3A_288 : i32 to vector<16xi32>
      %add3A_290 = arith.addi %add3A_289, %iota3A : vector<16xi32>
      %gt3A_291 = vector.broadcast %cond3A_280#2 : f32 to vector<16xf32>
      %gt3A_292 = arith.cmpf ogt, %get3A_284, %gt3A_291 : vector<16xf32>
      %reduce_or3A_293 = arith.constant 1.000000e+00 : f32
      %reduce_or3A_294 = arith.constant 0.000000e+00 : f32
      %reduce_or3A_295 = vector.broadcast %reduce_or3A_293 : f32 to vector<16xf32>
      %reduce_or3A_296 = vector.broadcast %reduce_or3A_294 : f32 to vector<16xf32>
      %reduce_or3A_297 = arith.select %gt3A_292, %reduce_or3A_295, %reduce_or3A_296 : vector<16xi1>, vector<16xf32>
      %reduce_or3A_298 = arith.constant true
      %reduce_or3A_299 = vector.broadcast %reduce_or3A_298 : i1 to vector<16xi1>
      %reduce_or3A_300 = tpu.scan <max>, %reduce_or3A_297 masked %reduce_or3A_299 : vector<16xf32>, vector<16xi1> -> vector<16xf32>
      %reduce_or3A_301 = vector.extract %reduce_or3A_300[15] : f32 from vector<16xf32>
      %reduce_or3A_302 = arith.constant 0.000000e+00 : f32
      %reduce_or3A_303 = arith.cmpf ogt, %reduce_or3A_301, %reduce_or3A_302 : f32
      %convert_element_type3A_304 = arith.extui %reduce_or3A_303 : i1 to i32
      %cond3A_305 = arith.constant 0 : i32
      %cond3A_306 = arith.cmpi ne, %convert_element_type3A_304, %cond3A_305 : i32
      %cond3A_307:3 = scf.if %cond3A_306 -> (vector<16xf32>, vector<16xi32>, f32) {
        %masked_sort3A = arith.constant dense<true> : vector<16xi1>
        %masked_sort3A_335, %masked_sort3A_336, %masked_sort3A_337 = tpu.sort %get3A_284, %add3A_290 masked %masked_sort3A {descending = true} : (vector<16xf32>, vector<16xi32>, vector<16xi1>) -> (vector<16xi1>, vector<16xf32>, vector<16xi32>)
        %rev3A = arith.constant 15 : i32
        %rev3A_338 = vector.broadcast %rev3A : i32 to vector<16xi32>
        %rev3A_339 = tpu.iota {dimensions = array<i32: 0>} : vector<16xi32>
        %rev3A_340 = arith.subi %rev3A_338, %rev3A_339 : vector<16xi32>
        %rev3A_341 = tpu.dynamic_gather %masked_sort3A_336[%rev3A_340] in [0] : vector<16xf32>, vector<16xi32> -> vector<16xf32>
        %rev3A_342 = arith.constant 15 : i32
        %rev3A_343 = vector.broadcast %rev3A_342 : i32 to vector<16xi32>
        %rev3A_344 = tpu.iota {dimensions = array<i32: 0>} : vector<16xi32>
        %rev3A_345 = arith.subi %rev3A_343, %rev3A_344 : vector<16xi32>
        %rev3A_346 = tpu.dynamic_gather %masked_sort3A_337[%rev3A_345] in [0] : vector<16xi32>, vector<16xi32> -> vector<16xi32>
        %gt3A_347 = arith.cmpf ogt, %cond3A_280#0, %rev3A_341 : vector<16xf32>
        %eq3A = arith.cmpf oeq, %cond3A_280#0, %rev3A_341 : vector<16xf32>
        %lt3A = arith.cmpi slt, %cond3A_280#1, %rev3A_346 : vector<16xi32>
        %and3A = arith.andi %eq3A, %lt3A : vector<16xi1>
        %or3A = arith.ori %gt3A_347, %and3A : vector<16xi1>
        %select_n3A = arith.select %or3A, %cond3A_280#0, %rev3A_341 : vector<16xi1>, vector<16xf32>
        %select_n3A_348 = arith.select %or3A, %cond3A_280#1, %rev3A_346 : vector<16xi1>, vector<16xi32>
        %masked_sort3A_349 = arith.constant dense<true> : vector<16xi1>
        %masked_sort3A_350, %masked_sort3A_351, %masked_sort3A_352 = tpu.sort %select_n3A, %select_n3A_348 masked %masked_sort3A_349 {descending = true} : (vector<16xf32>, vector<16xi32>, vector<16xi1>) -> (vector<16xi1>, vector<16xf32>, vector<16xi32>)
        %reduce_min3A_353 = arith.constant true
        %reduce_min3A_354 = vector.broadcast %reduce_min3A_353 : i1 to vector<16xi1>
        %reduce_min3A_355 = tpu.scan <min>, %masked_sort3A_351 masked %reduce_min3A_354 : vector<16xf32>, vector<16xi1> -> vector<16xf32>
        %reduce_min3A_356 = vector.extract %reduce_min3A_355[15] : f32 from vector<16xf32>
        scf.yield %masked_sort3A_351, %masked_sort3A_352, %reduce_min3A_356 : vector<16xf32>, vector<16xi32>, f32
      } else {
        scf.yield %cond3A_280#0, %cond3A_280#1, %cond3A_280#2 : vector<16xf32>, vector<16xi32>, f32
      }
      %add3A_308 = arith.constant 112 : i32
      %add3A_309 = arith.addi %mul3A_122, %add3A_308 : i32
      %get3A_310 = arith.index_cast %add3A_309 : i32 to index
      %get3A_311 = tpu.vector_load %arg8[%get3A_310] {strides = array<i32>} : memref<102400xf32, #tpu.memory_space<vmem>>, vector<16xf32>,
      %mul3A_312 = arith.constant 128 : i32
      %mul3A_313 = arith.muli %get3A_120, %mul3A_312 : i32
      %add3A_314 = arith.constant 112 : i32
      %add3A_315 = arith.addi %mul3A_313, %add3A_314 : i32
      %add3A_316 = vector.broadcast %add3A_315 : i32 to vector<16xi32>
      %add3A_317 = arith.addi %add3A_316, %iota3A : vector<16xi32>
      %gt3A_318 = vector.broadcast %cond3A_307#2 : f32 to vector<16xf32>
      %gt3A_319 = arith.cmpf ogt, %get3A_311, %gt3A_318 : vector<16xf32>
      %reduce_or3A_320 = arith.constant 1.000000e+00 : f32
      %reduce_or3A_321 = arith.constant 0.000000e+00 : f32
      %reduce_or3A_322 = vector.broadcast %reduce_or3A_320 : f32 to vector<16xf32>
      %reduce_or3A_323 = vector.broadcast %reduce_or3A_321 : f32 to vector<16xf32>
      %reduce_or3A_324 = arith.select %gt3A_319, %reduce_or3A_322, %reduce_or3A_323 : vector<16xi1>, vector<16xf32>
      %reduce_or3A_325 = arith.constant true
      %reduce_or3A_326 = vector.broadcast %reduce_or3A_325 : i1 to vector<16xi1>
      %reduce_or3A_327 = tpu.scan <max>, %reduce_or3A_324 masked %reduce_or3A_326 : vector<16xf32>, vector<16xi1> -> vector<16xf32>
      %reduce_or3A_328 = vector.extract %reduce_or3A_327[15] : f32 from vector<16xf32>
      %reduce_or3A_329 = arith.constant 0.000000e+00 : f32
      %reduce_or3A_330 = arith.cmpf ogt, %reduce_or3A_328, %reduce_or3A_329 : f32
      %convert_element_type3A_331 = arith.extui %reduce_or3A_330 : i1 to i32
      %cond3A_332 = arith.constant 0 : i32
      %cond3A_333 = arith.cmpi ne, %convert_element_type3A_331, %cond3A_332 : i32
      %cond3A_334:3 = scf.if %cond3A_333 -> (vector<16xf32>, vector<16xi32>, f32) {
        %masked_sort3A = arith.constant dense<true> : vector<16xi1>
        %masked_sort3A_335, %masked_sort3A_336, %masked_sort3A_337 = tpu.sort %get3A_311, %add3A_317 masked %masked_sort3A {descending = true} : (vector<16xf32>, vector<16xi32>, vector<16xi1>) -> (vector<16xi1>, vector<16xf32>, vector<16xi32>)
        %rev3A = arith.constant 15 : i32
        %rev3A_338 = vector.broadcast %rev3A : i32 to vector<16xi32>
        %rev3A_339 = tpu.iota {dimensions = array<i32: 0>} : vector<16xi32>
        %rev3A_340 = arith.subi %rev3A_338, %rev3A_339 : vector<16xi32>
        %rev3A_341 = tpu.dynamic_gather %masked_sort3A_336[%rev3A_340] in [0] : vector<16xf32>, vector<16xi32> -> vector<16xf32>
        %rev3A_342 = arith.constant 15 : i32
        %rev3A_343 = vector.broadcast %rev3A_342 : i32 to vector<16xi32>
        %rev3A_344 = tpu.iota {dimensions = array<i32: 0>} : vector<16xi32>
        %rev3A_345 = arith.subi %rev3A_343, %rev3A_344 : vector<16xi32>
        %rev3A_346 = tpu.dynamic_gather %masked_sort3A_337[%rev3A_345] in [0] : vector<16xi32>, vector<16xi32> -> vector<16xi32>
        %gt3A_347 = arith.cmpf ogt, %cond3A_307#0, %rev3A_341 : vector<16xf32>
        %eq3A = arith.cmpf oeq, %cond3A_307#0, %rev3A_341 : vector<16xf32>
        %lt3A = arith.cmpi slt, %cond3A_307#1, %rev3A_346 : vector<16xi32>
        %and3A = arith.andi %eq3A, %lt3A : vector<16xi1>
        %or3A = arith.ori %gt3A_347, %and3A : vector<16xi1>
        %select_n3A = arith.select %or3A, %cond3A_307#0, %rev3A_341 : vector<16xi1>, vector<16xf32>
        %select_n3A_348 = arith.select %or3A, %cond3A_307#1, %rev3A_346 : vector<16xi1>, vector<16xi32>
        %masked_sort3A_349 = arith.constant dense<true> : vector<16xi1>
        %masked_sort3A_350, %masked_sort3A_351, %masked_sort3A_352 = tpu.sort %select_n3A, %select_n3A_348 masked %masked_sort3A_349 {descending = true} : (vector<16xf32>, vector<16xi32>, vector<16xi1>) -> (vector<16xi1>, vector<16xf32>, vector<16xi32>)
        %reduce_min3A_353 = arith.constant true
        %reduce_min3A_354 = vector.broadcast %reduce_min3A_353 : i1 to vector<16xi1>
        %reduce_min3A_355 = tpu.scan <min>, %masked_sort3A_351 masked %reduce_min3A_354 : vector<16xf32>, vector<16xi1> -> vector<16xf32>
        %reduce_min3A_356 = vector.extract %reduce_min3A_355[15] : f32 from vector<16xf32>
        scf.yield %masked_sort3A_351, %masked_sort3A_352, %reduce_min3A_356 : vector<16xf32>, vector<16xi32>, f32
      } else {
        scf.yield %cond3A_307#0, %cond3A_307#1, %cond3A_307#2 : vector<16xf32>, vector<16xi32>, f32
      }
      scf.yield %cond3A_334#0, %cond3A_334#1, %cond3A_334#2 : vector<16xf32>, vector<16xi32>, f32
    }
    %while3A_102 = arith.constant 1 : i32
    %while3A_103:3 = scf.for %while3A_116 = %while3A_99 to %while3A_95 step %while3A_102 iter_args(%while3A_117 = %while3A_101#0, %while3A_118 = %while3A_101#1, %while3A_119 = %while3A_101#2) -> (vector<16xf32>, vector<16xi32>, f32)  : i32 {
      %get3A = arith.index_cast %while3A_116 : i32 to index
      %get3A_120 = memref.load %arg10[%get3A] : memref<800xi32, #tpu.memory_space<smem>>
      %mul3A_121 = arith.constant 128 : i32
      %mul3A_122 = arith.muli %while3A_116, %mul3A_121 : i32
      %add3A_123 = arith.constant 0 : i32
      %add3A_124 = arith.addi %mul3A_122, %add3A_123 : i32
      %get3A_125 = arith.index_cast %add3A_124 : i32 to index
      %get3A_126 = tpu.vector_load %arg8[%get3A_125] {strides = array<i32>} : memref<102400xf32, #tpu.memory_space<vmem>>, vector<16xf32>,
      %mul3A_127 = arith.constant 128 : i32
      %mul3A_128 = arith.muli %get3A_120, %mul3A_127 : i32
      %add3A_129 = arith.constant 0 : i32
      %add3A_130 = arith.addi %mul3A_128, %add3A_129 : i32
      %add3A_131 = vector.broadcast %add3A_130 : i32 to vector<16xi32>
      %add3A_132 = arith.addi %add3A_131, %iota3A : vector<16xi32>
      %gt3A = vector.broadcast %while3A_119 : f32 to vector<16xf32>
      %gt3A_133 = arith.cmpf ogt, %get3A_126, %gt3A : vector<16xf32>
      %reduce_or3A = arith.constant 1.000000e+00 : f32
      %reduce_or3A_134 = arith.constant 0.000000e+00 : f32
      %reduce_or3A_135 = vector.broadcast %reduce_or3A : f32 to vector<16xf32>
      %reduce_or3A_136 = vector.broadcast %reduce_or3A_134 : f32 to vector<16xf32>
      %reduce_or3A_137 = arith.select %gt3A_133, %reduce_or3A_135, %reduce_or3A_136 : vector<16xi1>, vector<16xf32>
      %reduce_or3A_138 = arith.constant true
      %reduce_or3A_139 = vector.broadcast %reduce_or3A_138 : i1 to vector<16xi1>
      %reduce_or3A_140 = tpu.scan <max>, %reduce_or3A_137 masked %reduce_or3A_139 : vector<16xf32>, vector<16xi1> -> vector<16xf32>
      %reduce_or3A_141 = vector.extract %reduce_or3A_140[15] : f32 from vector<16xf32>
      %reduce_or3A_142 = arith.constant 0.000000e+00 : f32
      %reduce_or3A_143 = arith.cmpf ogt, %reduce_or3A_141, %reduce_or3A_142 : f32
      %convert_element_type3A = arith.extui %reduce_or3A_143 : i1 to i32
      %cond3A = arith.constant 0 : i32
      %cond3A_144 = arith.cmpi ne, %convert_element_type3A, %cond3A : i32
      %cond3A_145:3 = scf.if %cond3A_144 -> (vector<16xf32>, vector<16xi32>, f32) {
        %masked_sort3A = arith.constant dense<true> : vector<16xi1>
        %masked_sort3A_335, %masked_sort3A_336, %masked_sort3A_337 = tpu.sort %get3A_126, %add3A_132 masked %masked_sort3A {descending = true} : (vector<16xf32>, vector<16xi32>, vector<16xi1>) -> (vector<16xi1>, vector<16xf32>, vector<16xi32>)
        %rev3A = arith.constant 15 : i32
        %rev3A_338 = vector.broadcast %rev3A : i32 to vector<16xi32>
        %rev3A_339 = tpu.iota {dimensions = array<i32: 0>} : vector<16xi32>
        %rev3A_340 = arith.subi %rev3A_338, %rev3A_339 : vector<16xi32>
        %rev3A_341 = tpu.dynamic_gather %masked_sort3A_336[%rev3A_340] in [0] : vector<16xf32>, vector<16xi32> -> vector<16xf32>
        %rev3A_342 = arith.constant 15 : i32
        %rev3A_343 = vector.broadcast %rev3A_342 : i32 to vector<16xi32>
        %rev3A_344 = tpu.iota {dimensions = array<i32: 0>} : vector<16xi32>
        %rev3A_345 = arith.subi %rev3A_343, %rev3A_344 : vector<16xi32>
        %rev3A_346 = tpu.dynamic_gather %masked_sort3A_337[%rev3A_345] in [0] : vector<16xi32>, vector<16xi32> -> vector<16xi32>
        %gt3A_347 = arith.cmpf ogt, %while3A_117, %rev3A_341 : vector<16xf32>
        %eq3A = arith.cmpf oeq, %while3A_117, %rev3A_341 : vector<16xf32>
        %lt3A = arith.cmpi slt, %while3A_118, %rev3A_346 : vector<16xi32>
        %and3A = arith.andi %eq3A, %lt3A : vector<16xi1>
        %or3A = arith.ori %gt3A_347, %and3A : vector<16xi1>
        %select_n3A = arith.select %or3A, %while3A_117, %rev3A_341 : vector<16xi1>, vector<16xf32>
        %select_n3A_348 = arith.select %or3A, %while3A_118, %rev3A_346 : vector<16xi1>, vector<16xi32>
        %masked_sort3A_349 = arith.constant dense<true> : vector<16xi1>
        %masked_sort3A_350, %masked_sort3A_351, %masked_sort3A_352 = tpu.sort %select_n3A, %select_n3A_348 masked %masked_sort3A_349 {descending = true} : (vector<16xf32>, vector<16xi32>, vector<16xi1>) -> (vector<16xi1>, vector<16xf32>, vector<16xi32>)
        %reduce_min3A_353 = arith.constant true
        %reduce_min3A_354 = vector.broadcast %reduce_min3A_353 : i1 to vector<16xi1>
        %reduce_min3A_355 = tpu.scan <min>, %masked_sort3A_351 masked %reduce_min3A_354 : vector<16xf32>, vector<16xi1> -> vector<16xf32>
        %reduce_min3A_356 = vector.extract %reduce_min3A_355[15] : f32 from vector<16xf32>
        scf.yield %masked_sort3A_351, %masked_sort3A_352, %reduce_min3A_356 : vector<16xf32>, vector<16xi32>, f32
      } else {
        scf.yield %while3A_117, %while3A_118, %while3A_119 : vector<16xf32>, vector<16xi32>, f32
      }
      %add3A_146 = arith.constant 16 : i32
      %add3A_147 = arith.addi %mul3A_122, %add3A_146 : i32
      %get3A_148 = arith.index_cast %add3A_147 : i32 to index
      %get3A_149 = tpu.vector_load %arg8[%get3A_148] {strides = array<i32>} : memref<102400xf32, #tpu.memory_space<vmem>>, vector<16xf32>,
      %mul3A_150 = arith.constant 128 : i32
      %mul3A_151 = arith.muli %get3A_120, %mul3A_150 : i32
      %add3A_152 = arith.constant 16 : i32
      %add3A_153 = arith.addi %mul3A_151, %add3A_152 : i32
      %add3A_154 = vector.broadcast %add3A_153 : i32 to vector<16xi32>
      %add3A_155 = arith.addi %add3A_154, %iota3A : vector<16xi32>
      %gt3A_156 = vector.broadcast %cond3A_145#2 : f32 to vector<16xf32>
      %gt3A_157 = arith.cmpf ogt, %get3A_149, %gt3A_156 : vector<16xf32>
      %reduce_or3A_158 = arith.constant 1.000000e+00 : f32
      %reduce_or3A_159 = arith.constant 0.000000e+00 : f32
      %reduce_or3A_160 = vector.broadcast %reduce_or3A_158 : f32 to vector<16xf32>
      %reduce_or3A_161 = vector.broadcast %reduce_or3A_159 : f32 to vector<16xf32>
      %reduce_or3A_162 = arith.select %gt3A_157, %reduce_or3A_160, %reduce_or3A_161 : vector<16xi1>, vector<16xf32>
      %reduce_or3A_163 = arith.constant true
      %reduce_or3A_164 = vector.broadcast %reduce_or3A_163 : i1 to vector<16xi1>
      %reduce_or3A_165 = tpu.scan <max>, %reduce_or3A_162 masked %reduce_or3A_164 : vector<16xf32>, vector<16xi1> -> vector<16xf32>
      %reduce_or3A_166 = vector.extract %reduce_or3A_165[15] : f32 from vector<16xf32>
      %reduce_or3A_167 = arith.constant 0.000000e+00 : f32
      %reduce_or3A_168 = arith.cmpf ogt, %reduce_or3A_166, %reduce_or3A_167 : f32
      %convert_element_type3A_169 = arith.extui %reduce_or3A_168 : i1 to i32
      %cond3A_170 = arith.constant 0 : i32
      %cond3A_171 = arith.cmpi ne, %convert_element_type3A_169, %cond3A_170 : i32
      %cond3A_172:3 = scf.if %cond3A_171 -> (vector<16xf32>, vector<16xi32>, f32) {
        %masked_sort3A = arith.constant dense<true> : vector<16xi1>
        %masked_sort3A_335, %masked_sort3A_336, %masked_sort3A_337 = tpu.sort %get3A_149, %add3A_155 masked %masked_sort3A {descending = true} : (vector<16xf32>, vector<16xi32>, vector<16xi1>) -> (vector<16xi1>, vector<16xf32>, vector<16xi32>)
        %rev3A = arith.constant 15 : i32
        %rev3A_338 = vector.broadcast %rev3A : i32 to vector<16xi32>
        %rev3A_339 = tpu.iota {dimensions = array<i32: 0>} : vector<16xi32>
        %rev3A_340 = arith.subi %rev3A_338, %rev3A_339 : vector<16xi32>
        %rev3A_341 = tpu.dynamic_gather %masked_sort3A_336[%rev3A_340] in [0] : vector<16xf32>, vector<16xi32> -> vector<16xf32>
        %rev3A_342 = arith.constant 15 : i32
        %rev3A_343 = vector.broadcast %rev3A_342 : i32 to vector<16xi32>
        %rev3A_344 = tpu.iota {dimensions = array<i32: 0>} : vector<16xi32>
        %rev3A_345 = arith.subi %rev3A_343, %rev3A_344 : vector<16xi32>
        %rev3A_346 = tpu.dynamic_gather %masked_sort3A_337[%rev3A_345] in [0] : vector<16xi32>, vector<16xi32> -> vector<16xi32>
        %gt3A_347 = arith.cmpf ogt, %cond3A_145#0, %rev3A_341 : vector<16xf32>
        %eq3A = arith.cmpf oeq, %cond3A_145#0, %rev3A_341 : vector<16xf32>
        %lt3A = arith.cmpi slt, %cond3A_145#1, %rev3A_346 : vector<16xi32>
        %and3A = arith.andi %eq3A, %lt3A : vector<16xi1>
        %or3A = arith.ori %gt3A_347, %and3A : vector<16xi1>
        %select_n3A = arith.select %or3A, %cond3A_145#0, %rev3A_341 : vector<16xi1>, vector<16xf32>
        %select_n3A_348 = arith.select %or3A, %cond3A_145#1, %rev3A_346 : vector<16xi1>, vector<16xi32>
        %masked_sort3A_349 = arith.constant dense<true> : vector<16xi1>
        %masked_sort3A_350, %masked_sort3A_351, %masked_sort3A_352 = tpu.sort %select_n3A, %select_n3A_348 masked %masked_sort3A_349 {descending = true} : (vector<16xf32>, vector<16xi32>, vector<16xi1>) -> (vector<16xi1>, vector<16xf32>, vector<16xi32>)
        %reduce_min3A_353 = arith.constant true
        %reduce_min3A_354 = vector.broadcast %reduce_min3A_353 : i1 to vector<16xi1>
        %reduce_min3A_355 = tpu.scan <min>, %masked_sort3A_351 masked %reduce_min3A_354 : vector<16xf32>, vector<16xi1> -> vector<16xf32>
        %reduce_min3A_356 = vector.extract %reduce_min3A_355[15] : f32 from vector<16xf32>
        scf.yield %masked_sort3A_351, %masked_sort3A_352, %reduce_min3A_356 : vector<16xf32>, vector<16xi32>, f32
      } else {
        scf.yield %cond3A_145#0, %cond3A_145#1, %cond3A_145#2 : vector<16xf32>, vector<16xi32>, f32
      }
      %add3A_173 = arith.constant 32 : i32
      %add3A_174 = arith.addi %mul3A_122, %add3A_173 : i32
      %get3A_175 = arith.index_cast %add3A_174 : i32 to index
      %get3A_176 = tpu.vector_load %arg8[%get3A_175] {strides = array<i32>} : memref<102400xf32, #tpu.memory_space<vmem>>, vector<16xf32>,
      %mul3A_177 = arith.constant 128 : i32
      %mul3A_178 = arith.muli %get3A_120, %mul3A_177 : i32
      %add3A_179 = arith.constant 32 : i32
      %add3A_180 = arith.addi %mul3A_178, %add3A_179 : i32
      %add3A_181 = vector.broadcast %add3A_180 : i32 to vector<16xi32>
      %add3A_182 = arith.addi %add3A_181, %iota3A : vector<16xi32>
      %gt3A_183 = vector.broadcast %cond3A_172#2 : f32 to vector<16xf32>
      %gt3A_184 = arith.cmpf ogt, %get3A_176, %gt3A_183 : vector<16xf32>
      %reduce_or3A_185 = arith.constant 1.000000e+00 : f32
      %reduce_or3A_186 = arith.constant 0.000000e+00 : f32
      %reduce_or3A_187 = vector.broadcast %reduce_or3A_185 : f32 to vector<16xf32>
      %reduce_or3A_188 = vector.broadcast %reduce_or3A_186 : f32 to vector<16xf32>
      %reduce_or3A_189 = arith.select %gt3A_184, %reduce_or3A_187, %reduce_or3A_188 : vector<16xi1>, vector<16xf32>
      %reduce_or3A_190 = arith.constant true
      %reduce_or3A_191 = vector.broadcast %reduce_or3A_190 : i1 to vector<16xi1>
      %reduce_or3A_192 = tpu.scan <max>, %reduce_or3A_189 masked %reduce_or3A_191 : vector<16xf32>, vector<16xi1> -> vector<16xf32>
      %reduce_or3A_193 = vector.extract %reduce_or3A_192[15] : f32 from vector<16xf32>
      %reduce_or3A_194 = arith.constant 0.000000e+00 : f32
      %reduce_or3A_195 = arith.cmpf ogt, %reduce_or3A_193, %reduce_or3A_194 : f32
      %convert_element_type3A_196 = arith.extui %reduce_or3A_195 : i1 to i32
      %cond3A_197 = arith.constant 0 : i32
      %cond3A_198 = arith.cmpi ne, %convert_element_type3A_196, %cond3A_197 : i32
      %cond3A_199:3 = scf.if %cond3A_198 -> (vector<16xf32>, vector<16xi32>, f32) {
        %masked_sort3A = arith.constant dense<true> : vector<16xi1>
        %masked_sort3A_335, %masked_sort3A_336, %masked_sort3A_337 = tpu.sort %get3A_176, %add3A_182 masked %masked_sort3A {descending = true} : (vector<16xf32>, vector<16xi32>, vector<16xi1>) -> (vector<16xi1>, vector<16xf32>, vector<16xi32>)
        %rev3A = arith.constant 15 : i32
        %rev3A_338 = vector.broadcast %rev3A : i32 to vector<16xi32>
        %rev3A_339 = tpu.iota {dimensions = array<i32: 0>} : vector<16xi32>
        %rev3A_340 = arith.subi %rev3A_338, %rev3A_339 : vector<16xi32>
        %rev3A_341 = tpu.dynamic_gather %masked_sort3A_336[%rev3A_340] in [0] : vector<16xf32>, vector<16xi32> -> vector<16xf32>
        %rev3A_342 = arith.constant 15 : i32
        %rev3A_343 = vector.broadcast %rev3A_342 : i32 to vector<16xi32>
        %rev3A_344 = tpu.iota {dimensions = array<i32: 0>} : vector<16xi32>
        %rev3A_345 = arith.subi %rev3A_343, %rev3A_344 : vector<16xi32>
        %rev3A_346 = tpu.dynamic_gather %masked_sort3A_337[%rev3A_345] in [0] : vector<16xi32>, vector<16xi32> -> vector<16xi32>
        %gt3A_347 = arith.cmpf ogt, %cond3A_172#0, %rev3A_341 : vector<16xf32>
        %eq3A = arith.cmpf oeq, %cond3A_172#0, %rev3A_341 : vector<16xf32>
        %lt3A = arith.cmpi slt, %cond3A_172#1, %rev3A_346 : vector<16xi32>
        %and3A = arith.andi %eq3A, %lt3A : vector<16xi1>
        %or3A = arith.ori %gt3A_347, %and3A : vector<16xi1>
        %select_n3A = arith.select %or3A, %cond3A_172#0, %rev3A_341 : vector<16xi1>, vector<16xf32>
        %select_n3A_348 = arith.select %or3A, %cond3A_172#1, %rev3A_346 : vector<16xi1>, vector<16xi32>
        %masked_sort3A_349 = arith.constant dense<true> : vector<16xi1>
        %masked_sort3A_350, %masked_sort3A_351, %masked_sort3A_352 = tpu.sort %select_n3A, %select_n3A_348 masked %masked_sort3A_349 {descending = true} : (vector<16xf32>, vector<16xi32>, vector<16xi1>) -> (vector<16xi1>, vector<16xf32>, vector<16xi32>)
        %reduce_min3A_353 = arith.constant true
        %reduce_min3A_354 = vector.broadcast %reduce_min3A_353 : i1 to vector<16xi1>
        %reduce_min3A_355 = tpu.scan <min>, %masked_sort3A_351 masked %reduce_min3A_354 : vector<16xf32>, vector<16xi1> -> vector<16xf32>
        %reduce_min3A_356 = vector.extract %reduce_min3A_355[15] : f32 from vector<16xf32>
        scf.yield %masked_sort3A_351, %masked_sort3A_352, %reduce_min3A_356 : vector<16xf32>, vector<16xi32>, f32
      } else {
        scf.yield %cond3A_172#0, %cond3A_172#1, %cond3A_172#2 : vector<16xf32>, vector<16xi32>, f32
      }
      %add3A_200 = arith.constant 48 : i32
      %add3A_201 = arith.addi %mul3A_122, %add3A_200 : i32
      %get3A_202 = arith.index_cast %add3A_201 : i32 to index
      %get3A_203 = tpu.vector_load %arg8[%get3A_202] {strides = array<i32>} : memref<102400xf32, #tpu.memory_space<vmem>>, vector<16xf32>,
      %mul3A_204 = arith.constant 128 : i32
      %mul3A_205 = arith.muli %get3A_120, %mul3A_204 : i32
      %add3A_206 = arith.constant 48 : i32
      %add3A_207 = arith.addi %mul3A_205, %add3A_206 : i32
      %add3A_208 = vector.broadcast %add3A_207 : i32 to vector<16xi32>
      %add3A_209 = arith.addi %add3A_208, %iota3A : vector<16xi32>
      %gt3A_210 = vector.broadcast %cond3A_199#2 : f32 to vector<16xf32>
      %gt3A_211 = arith.cmpf ogt, %get3A_203, %gt3A_210 : vector<16xf32>
      %reduce_or3A_212 = arith.constant 1.000000e+00 : f32
      %reduce_or3A_213 = arith.constant 0.000000e+00 : f32
      %reduce_or3A_214 = vector.broadcast %reduce_or3A_212 : f32 to vector<16xf32>
      %reduce_or3A_215 = vector.broadcast %reduce_or3A_213 : f32 to vector<16xf32>
      %reduce_or3A_216 = arith.select %gt3A_211, %reduce_or3A_214, %reduce_or3A_215 : vector<16xi1>, vector<16xf32>
      %reduce_or3A_217 = arith.constant true
      %reduce_or3A_218 = vector.broadcast %reduce_or3A_217 : i1 to vector<16xi1>
      %reduce_or3A_219 = tpu.scan <max>, %reduce_or3A_216 masked %reduce_or3A_218 : vector<16xf32>, vector<16xi1> -> vector<16xf32>
      %reduce_or3A_220 = vector.extract %reduce_or3A_219[15] : f32 from vector<16xf32>
      %reduce_or3A_221 = arith.constant 0.000000e+00 : f32
      %reduce_or3A_222 = arith.cmpf ogt, %reduce_or3A_220, %reduce_or3A_221 : f32
      %convert_element_type3A_223 = arith.extui %reduce_or3A_222 : i1 to i32
      %cond3A_224 = arith.constant 0 : i32
      %cond3A_225 = arith.cmpi ne, %convert_element_type3A_223, %cond3A_224 : i32
      %cond3A_226:3 = scf.if %cond3A_225 -> (vector<16xf32>, vector<16xi32>, f32) {
        %masked_sort3A = arith.constant dense<true> : vector<16xi1>
        %masked_sort3A_335, %masked_sort3A_336, %masked_sort3A_337 = tpu.sort %get3A_203, %add3A_209 masked %masked_sort3A {descending = true} : (vector<16xf32>, vector<16xi32>, vector<16xi1>) -> (vector<16xi1>, vector<16xf32>, vector<16xi32>)
        %rev3A = arith.constant 15 : i32
        %rev3A_338 = vector.broadcast %rev3A : i32 to vector<16xi32>
        %rev3A_339 = tpu.iota {dimensions = array<i32: 0>} : vector<16xi32>
        %rev3A_340 = arith.subi %rev3A_338, %rev3A_339 : vector<16xi32>
        %rev3A_341 = tpu.dynamic_gather %masked_sort3A_336[%rev3A_340] in [0] : vector<16xf32>, vector<16xi32> -> vector<16xf32>
        %rev3A_342 = arith.constant 15 : i32
        %rev3A_343 = vector.broadcast %rev3A_342 : i32 to vector<16xi32>
        %rev3A_344 = tpu.iota {dimensions = array<i32: 0>} : vector<16xi32>
        %rev3A_345 = arith.subi %rev3A_343, %rev3A_344 : vector<16xi32>
        %rev3A_346 = tpu.dynamic_gather %masked_sort3A_337[%rev3A_345] in [0] : vector<16xi32>, vector<16xi32> -> vector<16xi32>
        %gt3A_347 = arith.cmpf ogt, %cond3A_199#0, %rev3A_341 : vector<16xf32>
        %eq3A = arith.cmpf oeq, %cond3A_199#0, %rev3A_341 : vector<16xf32>
        %lt3A = arith.cmpi slt, %cond3A_199#1, %rev3A_346 : vector<16xi32>
        %and3A = arith.andi %eq3A, %lt3A : vector<16xi1>
        %or3A = arith.ori %gt3A_347, %and3A : vector<16xi1>
        %select_n3A = arith.select %or3A, %cond3A_199#0, %rev3A_341 : vector<16xi1>, vector<16xf32>
        %select_n3A_348 = arith.select %or3A, %cond3A_199#1, %rev3A_346 : vector<16xi1>, vector<16xi32>
        %masked_sort3A_349 = arith.constant dense<true> : vector<16xi1>
        %masked_sort3A_350, %masked_sort3A_351, %masked_sort3A_352 = tpu.sort %select_n3A, %select_n3A_348 masked %masked_sort3A_349 {descending = true} : (vector<16xf32>, vector<16xi32>, vector<16xi1>) -> (vector<16xi1>, vector<16xf32>, vector<16xi32>)
        %reduce_min3A_353 = arith.constant true
        %reduce_min3A_354 = vector.broadcast %reduce_min3A_353 : i1 to vector<16xi1>
        %reduce_min3A_355 = tpu.scan <min>, %masked_sort3A_351 masked %reduce_min3A_354 : vector<16xf32>, vector<16xi1> -> vector<16xf32>
        %reduce_min3A_356 = vector.extract %reduce_min3A_355[15] : f32 from vector<16xf32>
        scf.yield %masked_sort3A_351, %masked_sort3A_352, %reduce_min3A_356 : vector<16xf32>, vector<16xi32>, f32
      } else {
        scf.yield %cond3A_199#0, %cond3A_199#1, %cond3A_199#2 : vector<16xf32>, vector<16xi32>, f32
      }
      %add3A_227 = arith.constant 64 : i32
      %add3A_228 = arith.addi %mul3A_122, %add3A_227 : i32
      %get3A_229 = arith.index_cast %add3A_228 : i32 to index
      %get3A_230 = tpu.vector_load %arg8[%get3A_229] {strides = array<i32>} : memref<102400xf32, #tpu.memory_space<vmem>>, vector<16xf32>,
      %mul3A_231 = arith.constant 128 : i32
      %mul3A_232 = arith.muli %get3A_120, %mul3A_231 : i32
      %add3A_233 = arith.constant 64 : i32
      %add3A_234 = arith.addi %mul3A_232, %add3A_233 : i32
      %add3A_235 = vector.broadcast %add3A_234 : i32 to vector<16xi32>
      %add3A_236 = arith.addi %add3A_235, %iota3A : vector<16xi32>
      %gt3A_237 = vector.broadcast %cond3A_226#2 : f32 to vector<16xf32>
      %gt3A_238 = arith.cmpf ogt, %get3A_230, %gt3A_237 : vector<16xf32>
      %reduce_or3A_239 = arith.constant 1.000000e+00 : f32
      %reduce_or3A_240 = arith.constant 0.000000e+00 : f32
      %reduce_or3A_241 = vector.broadcast %reduce_or3A_239 : f32 to vector<16xf32>
      %reduce_or3A_242 = vector.broadcast %reduce_or3A_240 : f32 to vector<16xf32>
      %reduce_or3A_243 = arith.select %gt3A_238, %reduce_or3A_241, %reduce_or3A_242 : vector<16xi1>, vector<16xf32>
      %reduce_or3A_244 = arith.constant true
      %reduce_or3A_245 = vector.broadcast %reduce_or3A_244 : i1 to vector<16xi1>
      %reduce_or3A_246 = tpu.scan <max>, %reduce_or3A_243 masked %reduce_or3A_245 : vector<16xf32>, vector<16xi1> -> vector<16xf32>
      %reduce_or3A_247 = vector.extract %reduce_or3A_246[15] : f32 from vector<16xf32>
      %reduce_or3A_248 = arith.constant 0.000000e+00 : f32
      %reduce_or3A_249 = arith.cmpf ogt, %reduce_or3A_247, %reduce_or3A_248 : f32
      %convert_element_type3A_250 = arith.extui %reduce_or3A_249 : i1 to i32
      %cond3A_251 = arith.constant 0 : i32
      %cond3A_252 = arith.cmpi ne, %convert_element_type3A_250, %cond3A_251 : i32
      %cond3A_253:3 = scf.if %cond3A_252 -> (vector<16xf32>, vector<16xi32>, f32) {
        %masked_sort3A = arith.constant dense<true> : vector<16xi1>
        %masked_sort3A_335, %masked_sort3A_336, %masked_sort3A_337 = tpu.sort %get3A_230, %add3A_236 masked %masked_sort3A {descending = true} : (vector<16xf32>, vector<16xi32>, vector<16xi1>) -> (vector<16xi1>, vector<16xf32>, vector<16xi32>)
        %rev3A = arith.constant 15 : i32
        %rev3A_338 = vector.broadcast %rev3A : i32 to vector<16xi32>
        %rev3A_339 = tpu.iota {dimensions = array<i32: 0>} : vector<16xi32>
        %rev3A_340 = arith.subi %rev3A_338, %rev3A_339 : vector<16xi32>
        %rev3A_341 = tpu.dynamic_gather %masked_sort3A_336[%rev3A_340] in [0] : vector<16xf32>, vector<16xi32> -> vector<16xf32>
        %rev3A_342 = arith.constant 15 : i32
        %rev3A_343 = vector.broadcast %rev3A_342 : i32 to vector<16xi32>
        %rev3A_344 = tpu.iota {dimensions = array<i32: 0>} : vector<16xi32>
        %rev3A_345 = arith.subi %rev3A_343, %rev3A_344 : vector<16xi32>
        %rev3A_346 = tpu.dynamic_gather %masked_sort3A_337[%rev3A_345] in [0] : vector<16xi32>, vector<16xi32> -> vector<16xi32>
        %gt3A_347 = arith.cmpf ogt, %cond3A_226#0, %rev3A_341 : vector<16xf32>
        %eq3A = arith.cmpf oeq, %cond3A_226#0, %rev3A_341 : vector<16xf32>
        %lt3A = arith.cmpi slt, %cond3A_226#1, %rev3A_346 : vector<16xi32>
        %and3A = arith.andi %eq3A, %lt3A : vector<16xi1>
        %or3A = arith.ori %gt3A_347, %and3A : vector<16xi1>
        %select_n3A = arith.select %or3A, %cond3A_226#0, %rev3A_341 : vector<16xi1>, vector<16xf32>
        %select_n3A_348 = arith.select %or3A, %cond3A_226#1, %rev3A_346 : vector<16xi1>, vector<16xi32>
        %masked_sort3A_349 = arith.constant dense<true> : vector<16xi1>
        %masked_sort3A_350, %masked_sort3A_351, %masked_sort3A_352 = tpu.sort %select_n3A, %select_n3A_348 masked %masked_sort3A_349 {descending = true} : (vector<16xf32>, vector<16xi32>, vector<16xi1>) -> (vector<16xi1>, vector<16xf32>, vector<16xi32>)
        %reduce_min3A_353 = arith.constant true
        %reduce_min3A_354 = vector.broadcast %reduce_min3A_353 : i1 to vector<16xi1>
        %reduce_min3A_355 = tpu.scan <min>, %masked_sort3A_351 masked %reduce_min3A_354 : vector<16xf32>, vector<16xi1> -> vector<16xf32>
        %reduce_min3A_356 = vector.extract %reduce_min3A_355[15] : f32 from vector<16xf32>
        scf.yield %masked_sort3A_351, %masked_sort3A_352, %reduce_min3A_356 : vector<16xf32>, vector<16xi32>, f32
      } else {
        scf.yield %cond3A_226#0, %cond3A_226#1, %cond3A_226#2 : vector<16xf32>, vector<16xi32>, f32
      }
      %add3A_254 = arith.constant 80 : i32
      %add3A_255 = arith.addi %mul3A_122, %add3A_254 : i32
      %get3A_256 = arith.index_cast %add3A_255 : i32 to index
      %get3A_257 = tpu.vector_load %arg8[%get3A_256] {strides = array<i32>} : memref<102400xf32, #tpu.memory_space<vmem>>, vector<16xf32>,
      %mul3A_258 = arith.constant 128 : i32
      %mul3A_259 = arith.muli %get3A_120, %mul3A_258 : i32
      %add3A_260 = arith.constant 80 : i32
      %add3A_261 = arith.addi %mul3A_259, %add3A_260 : i32
      %add3A_262 = vector.broadcast %add3A_261 : i32 to vector<16xi32>
      %add3A_263 = arith.addi %add3A_262, %iota3A : vector<16xi32>
      %gt3A_264 = vector.broadcast %cond3A_253#2 : f32 to vector<16xf32>
      %gt3A_265 = arith.cmpf ogt, %get3A_257, %gt3A_264 : vector<16xf32>
      %reduce_or3A_266 = arith.constant 1.000000e+00 : f32
      %reduce_or3A_267 = arith.constant 0.000000e+00 : f32
      %reduce_or3A_268 = vector.broadcast %reduce_or3A_266 : f32 to vector<16xf32>
      %reduce_or3A_269 = vector.broadcast %reduce_or3A_267 : f32 to vector<16xf32>
      %reduce_or3A_270 = arith.select %gt3A_265, %reduce_or3A_268, %reduce_or3A_269 : vector<16xi1>, vector<16xf32>
      %reduce_or3A_271 = arith.constant true
      %reduce_or3A_272 = vector.broadcast %reduce_or3A_271 : i1 to vector<16xi1>
      %reduce_or3A_273 = tpu.scan <max>, %reduce_or3A_270 masked %reduce_or3A_272 : vector<16xf32>, vector<16xi1> -> vector<16xf32>
      %reduce_or3A_274 = vector.extract %reduce_or3A_273[15] : f32 from vector<16xf32>
      %reduce_or3A_275 = arith.constant 0.000000e+00 : f32
      %reduce_or3A_276 = arith.cmpf ogt, %reduce_or3A_274, %reduce_or3A_275 : f32
      %convert_element_type3A_277 = arith.extui %reduce_or3A_276 : i1 to i32
      %cond3A_278 = arith.constant 0 : i32
      %cond3A_279 = arith.cmpi ne, %convert_element_type3A_277, %cond3A_278 : i32
      %cond3A_280:3 = scf.if %cond3A_279 -> (vector<16xf32>, vector<16xi32>, f32) {
        %masked_sort3A = arith.constant dense<true> : vector<16xi1>
        %masked_sort3A_335, %masked_sort3A_336, %masked_sort3A_337 = tpu.sort %get3A_257, %add3A_263 masked %masked_sort3A {descending = true} : (vector<16xf32>, vector<16xi32>, vector<16xi1>) -> (vector<16xi1>, vector<16xf32>, vector<16xi32>)
        %rev3A = arith.constant 15 : i32
        %rev3A_338 = vector.broadcast %rev3A : i32 to vector<16xi32>
        %rev3A_339 = tpu.iota {dimensions = array<i32: 0>} : vector<16xi32>
        %rev3A_340 = arith.subi %rev3A_338, %rev3A_339 : vector<16xi32>
        %rev3A_341 = tpu.dynamic_gather %masked_sort3A_336[%rev3A_340] in [0] : vector<16xf32>, vector<16xi32> -> vector<16xf32>
        %rev3A_342 = arith.constant 15 : i32
        %rev3A_343 = vector.broadcast %rev3A_342 : i32 to vector<16xi32>
        %rev3A_344 = tpu.iota {dimensions = array<i32: 0>} : vector<16xi32>
        %rev3A_345 = arith.subi %rev3A_343, %rev3A_344 : vector<16xi32>
        %rev3A_346 = tpu.dynamic_gather %masked_sort3A_337[%rev3A_345] in [0] : vector<16xi32>, vector<16xi32> -> vector<16xi32>
        %gt3A_347 = arith.cmpf ogt, %cond3A_253#0, %rev3A_341 : vector<16xf32>
        %eq3A = arith.cmpf oeq, %cond3A_253#0, %rev3A_341 : vector<16xf32>
        %lt3A = arith.cmpi slt, %cond3A_253#1, %rev3A_346 : vector<16xi32>
        %and3A = arith.andi %eq3A, %lt3A : vector<16xi1>
        %or3A = arith.ori %gt3A_347, %and3A : vector<16xi1>
        %select_n3A = arith.select %or3A, %cond3A_253#0, %rev3A_341 : vector<16xi1>, vector<16xf32>
        %select_n3A_348 = arith.select %or3A, %cond3A_253#1, %rev3A_346 : vector<16xi1>, vector<16xi32>
        %masked_sort3A_349 = arith.constant dense<true> : vector<16xi1>
        %masked_sort3A_350, %masked_sort3A_351, %masked_sort3A_352 = tpu.sort %select_n3A, %select_n3A_348 masked %masked_sort3A_349 {descending = true} : (vector<16xf32>, vector<16xi32>, vector<16xi1>) -> (vector<16xi1>, vector<16xf32>, vector<16xi32>)
        %reduce_min3A_353 = arith.constant true
        %reduce_min3A_354 = vector.broadcast %reduce_min3A_353 : i1 to vector<16xi1>
        %reduce_min3A_355 = tpu.scan <min>, %masked_sort3A_351 masked %reduce_min3A_354 : vector<16xf32>, vector<16xi1> -> vector<16xf32>
        %reduce_min3A_356 = vector.extract %reduce_min3A_355[15] : f32 from vector<16xf32>
        scf.yield %masked_sort3A_351, %masked_sort3A_352, %reduce_min3A_356 : vector<16xf32>, vector<16xi32>, f32
      } else {
        scf.yield %cond3A_253#0, %cond3A_253#1, %cond3A_253#2 : vector<16xf32>, vector<16xi32>, f32
      }
      %add3A_281 = arith.constant 96 : i32
      %add3A_282 = arith.addi %mul3A_122, %add3A_281 : i32
      %get3A_283 = arith.index_cast %add3A_282 : i32 to index
      %get3A_284 = tpu.vector_load %arg8[%get3A_283] {strides = array<i32>} : memref<102400xf32, #tpu.memory_space<vmem>>, vector<16xf32>,
      %mul3A_285 = arith.constant 128 : i32
      %mul3A_286 = arith.muli %get3A_120, %mul3A_285 : i32
      %add3A_287 = arith.constant 96 : i32
      %add3A_288 = arith.addi %mul3A_286, %add3A_287 : i32
      %add3A_289 = vector.broadcast %add3A_288 : i32 to vector<16xi32>
      %add3A_290 = arith.addi %add3A_289, %iota3A : vector<16xi32>
      %gt3A_291 = vector.broadcast %cond3A_280#2 : f32 to vector<16xf32>
      %gt3A_292 = arith.cmpf ogt, %get3A_284, %gt3A_291 : vector<16xf32>
      %reduce_or3A_293 = arith.constant 1.000000e+00 : f32
      %reduce_or3A_294 = arith.constant 0.000000e+00 : f32
      %reduce_or3A_295 = vector.broadcast %reduce_or3A_293 : f32 to vector<16xf32>
      %reduce_or3A_296 = vector.broadcast %reduce_or3A_294 : f32 to vector<16xf32>
      %reduce_or3A_297 = arith.select %gt3A_292, %reduce_or3A_295, %reduce_or3A_296 : vector<16xi1>, vector<16xf32>
      %reduce_or3A_298 = arith.constant true
      %reduce_or3A_299 = vector.broadcast %reduce_or3A_298 : i1 to vector<16xi1>
      %reduce_or3A_300 = tpu.scan <max>, %reduce_or3A_297 masked %reduce_or3A_299 : vector<16xf32>, vector<16xi1> -> vector<16xf32>
      %reduce_or3A_301 = vector.extract %reduce_or3A_300[15] : f32 from vector<16xf32>
      %reduce_or3A_302 = arith.constant 0.000000e+00 : f32
      %reduce_or3A_303 = arith.cmpf ogt, %reduce_or3A_301, %reduce_or3A_302 : f32
      %convert_element_type3A_304 = arith.extui %reduce_or3A_303 : i1 to i32
      %cond3A_305 = arith.constant 0 : i32
      %cond3A_306 = arith.cmpi ne, %convert_element_type3A_304, %cond3A_305 : i32
      %cond3A_307:3 = scf.if %cond3A_306 -> (vector<16xf32>, vector<16xi32>, f32) {
        %masked_sort3A = arith.constant dense<true> : vector<16xi1>
        %masked_sort3A_335, %masked_sort3A_336, %masked_sort3A_337 = tpu.sort %get3A_284, %add3A_290 masked %masked_sort3A {descending = true} : (vector<16xf32>, vector<16xi32>, vector<16xi1>) -> (vector<16xi1>, vector<16xf32>, vector<16xi32>)
        %rev3A = arith.constant 15 : i32
        %rev3A_338 = vector.broadcast %rev3A : i32 to vector<16xi32>
        %rev3A_339 = tpu.iota {dimensions = array<i32: 0>} : vector<16xi32>
        %rev3A_340 = arith.subi %rev3A_338, %rev3A_339 : vector<16xi32>
        %rev3A_341 = tpu.dynamic_gather %masked_sort3A_336[%rev3A_340] in [0] : vector<16xf32>, vector<16xi32> -> vector<16xf32>
        %rev3A_342 = arith.constant 15 : i32
        %rev3A_343 = vector.broadcast %rev3A_342 : i32 to vector<16xi32>
        %rev3A_344 = tpu.iota {dimensions = array<i32: 0>} : vector<16xi32>
        %rev3A_345 = arith.subi %rev3A_343, %rev3A_344 : vector<16xi32>
        %rev3A_346 = tpu.dynamic_gather %masked_sort3A_337[%rev3A_345] in [0] : vector<16xi32>, vector<16xi32> -> vector<16xi32>
        %gt3A_347 = arith.cmpf ogt, %cond3A_280#0, %rev3A_341 : vector<16xf32>
        %eq3A = arith.cmpf oeq, %cond3A_280#0, %rev3A_341 : vector<16xf32>
        %lt3A = arith.cmpi slt, %cond3A_280#1, %rev3A_346 : vector<16xi32>
        %and3A = arith.andi %eq3A, %lt3A : vector<16xi1>
        %or3A = arith.ori %gt3A_347, %and3A : vector<16xi1>
        %select_n3A = arith.select %or3A, %cond3A_280#0, %rev3A_341 : vector<16xi1>, vector<16xf32>
        %select_n3A_348 = arith.select %or3A, %cond3A_280#1, %rev3A_346 : vector<16xi1>, vector<16xi32>
        %masked_sort3A_349 = arith.constant dense<true> : vector<16xi1>
        %masked_sort3A_350, %masked_sort3A_351, %masked_sort3A_352 = tpu.sort %select_n3A, %select_n3A_348 masked %masked_sort3A_349 {descending = true} : (vector<16xf32>, vector<16xi32>, vector<16xi1>) -> (vector<16xi1>, vector<16xf32>, vector<16xi32>)
        %reduce_min3A_353 = arith.constant true
        %reduce_min3A_354 = vector.broadcast %reduce_min3A_353 : i1 to vector<16xi1>
        %reduce_min3A_355 = tpu.scan <min>, %masked_sort3A_351 masked %reduce_min3A_354 : vector<16xf32>, vector<16xi1> -> vector<16xf32>
        %reduce_min3A_356 = vector.extract %reduce_min3A_355[15] : f32 from vector<16xf32>
        scf.yield %masked_sort3A_351, %masked_sort3A_352, %reduce_min3A_356 : vector<16xf32>, vector<16xi32>, f32
      } else {
        scf.yield %cond3A_280#0, %cond3A_280#1, %cond3A_280#2 : vector<16xf32>, vector<16xi32>, f32
      }
      %add3A_308 = arith.constant 112 : i32
      %add3A_309 = arith.addi %mul3A_122, %add3A_308 : i32
      %get3A_310 = arith.index_cast %add3A_309 : i32 to index
      %get3A_311 = tpu.vector_load %arg8[%get3A_310] {strides = array<i32>} : memref<102400xf32, #tpu.memory_space<vmem>>, vector<16xf32>,
      %mul3A_312 = arith.constant 128 : i32
      %mul3A_313 = arith.muli %get3A_120, %mul3A_312 : i32
      %add3A_314 = arith.constant 112 : i32
      %add3A_315 = arith.addi %mul3A_313, %add3A_314 : i32
      %add3A_316 = vector.broadcast %add3A_315 : i32 to vector<16xi32>
      %add3A_317 = arith.addi %add3A_316, %iota3A : vector<16xi32>
      %gt3A_318 = vector.broadcast %cond3A_307#2 : f32 to vector<16xf32>
      %gt3A_319 = arith.cmpf ogt, %get3A_311, %gt3A_318 : vector<16xf32>
      %reduce_or3A_320 = arith.constant 1.000000e+00 : f32
      %reduce_or3A_321 = arith.constant 0.000000e+00 : f32
      %reduce_or3A_322 = vector.broadcast %reduce_or3A_320 : f32 to vector<16xf32>
      %reduce_or3A_323 = vector.broadcast %reduce_or3A_321 : f32 to vector<16xf32>
      %reduce_or3A_324 = arith.select %gt3A_319, %reduce_or3A_322, %reduce_or3A_323 : vector<16xi1>, vector<16xf32>
      %reduce_or3A_325 = arith.constant true
      %reduce_or3A_326 = vector.broadcast %reduce_or3A_325 : i1 to vector<16xi1>
      %reduce_or3A_327 = tpu.scan <max>, %reduce_or3A_324 masked %reduce_or3A_326 : vector<16xf32>, vector<16xi1> -> vector<16xf32>
      %reduce_or3A_328 = vector.extract %reduce_or3A_327[15] : f32 from vector<16xf32>
      %reduce_or3A_329 = arith.constant 0.000000e+00 : f32
      %reduce_or3A_330 = arith.cmpf ogt, %reduce_or3A_328, %reduce_or3A_329 : f32
      %convert_element_type3A_331 = arith.extui %reduce_or3A_330 : i1 to i32
      %cond3A_332 = arith.constant 0 : i32
      %cond3A_333 = arith.cmpi ne, %convert_element_type3A_331, %cond3A_332 : i32
      %cond3A_334:3 = scf.if %cond3A_333 -> (vector<16xf32>, vector<16xi32>, f32) {
        %masked_sort3A = arith.constant dense<true> : vector<16xi1>
        %masked_sort3A_335, %masked_sort3A_336, %masked_sort3A_337 = tpu.sort %get3A_311, %add3A_317 masked %masked_sort3A {descending = true} : (vector<16xf32>, vector<16xi32>, vector<16xi1>) -> (vector<16xi1>, vector<16xf32>, vector<16xi32>)
        %rev3A = arith.constant 15 : i32
        %rev3A_338 = vector.broadcast %rev3A : i32 to vector<16xi32>
        %rev3A_339 = tpu.iota {dimensions = array<i32: 0>} : vector<16xi32>
        %rev3A_340 = arith.subi %rev3A_338, %rev3A_339 : vector<16xi32>
        %rev3A_341 = tpu.dynamic_gather %masked_sort3A_336[%rev3A_340] in [0] : vector<16xf32>, vector<16xi32> -> vector<16xf32>
        %rev3A_342 = arith.constant 15 : i32
        %rev3A_343 = vector.broadcast %rev3A_342 : i32 to vector<16xi32>
        %rev3A_344 = tpu.iota {dimensions = array<i32: 0>} : vector<16xi32>
        %rev3A_345 = arith.subi %rev3A_343, %rev3A_344 : vector<16xi32>
        %rev3A_346 = tpu.dynamic_gather %masked_sort3A_337[%rev3A_345] in [0] : vector<16xi32>, vector<16xi32> -> vector<16xi32>
        %gt3A_347 = arith.cmpf ogt, %cond3A_307#0, %rev3A_341 : vector<16xf32>
        %eq3A = arith.cmpf oeq, %cond3A_307#0, %rev3A_341 : vector<16xf32>
        %lt3A = arith.cmpi slt, %cond3A_307#1, %rev3A_346 : vector<16xi32>
        %and3A = arith.andi %eq3A, %lt3A : vector<16xi1>
        %or3A = arith.ori %gt3A_347, %and3A : vector<16xi1>
        %select_n3A = arith.select %or3A, %cond3A_307#0, %rev3A_341 : vector<16xi1>, vector<16xf32>
        %select_n3A_348 = arith.select %or3A, %cond3A_307#1, %rev3A_346 : vector<16xi1>, vector<16xi32>
        %masked_sort3A_349 = arith.constant dense<true> : vector<16xi1>
        %masked_sort3A_350, %masked_sort3A_351, %masked_sort3A_352 = tpu.sort %select_n3A, %select_n3A_348 masked %masked_sort3A_349 {descending = true} : (vector<16xf32>, vector<16xi32>, vector<16xi1>) -> (vector<16xi1>, vector<16xf32>, vector<16xi32>)
        %reduce_min3A_353 = arith.constant true
        %reduce_min3A_354 = vector.broadcast %reduce_min3A_353 : i1 to vector<16xi1>
        %reduce_min3A_355 = tpu.scan <min>, %masked_sort3A_351 masked %reduce_min3A_354 : vector<16xf32>, vector<16xi1> -> vector<16xf32>
        %reduce_min3A_356 = vector.extract %reduce_min3A_355[15] : f32 from vector<16xf32>
        scf.yield %masked_sort3A_351, %masked_sort3A_352, %reduce_min3A_356 : vector<16xf32>, vector<16xi32>, f32
      } else {
        scf.yield %cond3A_307#0, %cond3A_307#1, %cond3A_307#2 : vector<16xf32>, vector<16xi32>, f32
      }
      scf.yield %cond3A_334#0, %cond3A_334#1, %cond3A_334#2 : vector<16xf32>, vector<16xi32>, f32
    }
    %swap3A_104 = arith.constant 0 : index
    %swap3A_105 = tpu.vector_load %arg11[%swap3A_104] {strides = array<i32>} : memref<16xf32, #tpu.memory_space<vmem>>, vector<16xf32>,
    tpu.vector_store %arg11[%swap3A_104], %while3A_103#0 {strides = array<i32>} : memref<16xf32, #tpu.memory_space<vmem>>, vector<16xf32>,
    %swap3A_106 = arith.constant 0 : index
    %swap3A_107 = tpu.vector_load %arg12[%swap3A_106] {strides = array<i32>} : memref<16xi32, #tpu.memory_space<vmem>>, vector<16xi32>,
    tpu.vector_store %arg12[%swap3A_106], %while3A_103#1 {strides = array<i32>} : memref<16xi32, #tpu.memory_space<vmem>>, vector<16xi32>,
    "tpu.region"() ({
      %run_scoped3A = tpu.sem_alloc : memref<!tpu.dma_semaphore, #tpu.memory_space<semaphore_mem>>
      %dma_start3A_116 = arith.constant 0 : i32
      %dma_start3A_117 = tpu.memref_slice %arg5[%add3A_59, %dma_start3A_116] : memref<64x16xf32, #tpu.memory_space<hbm>> -> memref<1x16xf32, #tpu.memory_space<hbm>>
      %dma_start3A_118 = tpu.memref_squeeze %dma_start3A_117 : memref<1x16xf32, #tpu.memory_space<hbm>> -> memref<16xf32, #tpu.memory_space<hbm>>
      %dma_start3A_119 = arith.constant 0 : i32
      %dma_start3A_120 = tpu.memref_slice %arg5[%add3A_59, %dma_start3A_119] : memref<64x16xf32, #tpu.memory_space<hbm>> -> memref<1x16xf32, #tpu.memory_space<hbm>>
      %dma_start3A_121 = tpu.memref_squeeze %dma_start3A_120 : memref<1x16xf32, #tpu.memory_space<hbm>> -> memref<16xf32, #tpu.memory_space<hbm>>
      tpu.enqueue_dma source(%arg11 : memref<16xf32, #tpu.memory_space<vmem>>) target(%dma_start3A_121 : memref<16xf32, #tpu.memory_space<hbm>>) target_semaphore(%run_scoped3A : memref<!tpu.dma_semaphore, #tpu.memory_space<semaphore_mem>>)
      %dma_wait3A_122 = arith.constant 0 : i32
      %dma_wait3A_123 = tpu.memref_slice %arg5[%add3A_59, %dma_wait3A_122] : memref<64x16xf32, #tpu.memory_space<hbm>> -> memref<1x16xf32, #tpu.memory_space<hbm>>
      %dma_wait3A_124 = tpu.memref_squeeze %dma_wait3A_123 : memref<1x16xf32, #tpu.memory_space<hbm>> -> memref<16xf32, #tpu.memory_space<hbm>>
      %dma_wait3A_125 = arith.constant 0 : i32
      %dma_wait3A_126 = tpu.memref_slice %arg5[%add3A_59, %dma_wait3A_125] : memref<64x16xf32, #tpu.memory_space<hbm>> -> memref<1x16xf32, #tpu.memory_space<hbm>>
      %dma_wait3A_127 = tpu.memref_squeeze %dma_wait3A_126 : memref<1x16xf32, #tpu.memory_space<hbm>> -> memref<16xf32, #tpu.memory_space<hbm>>
      tpu.wait_dma2 semaphore(%run_scoped3A : memref<!tpu.dma_semaphore, #tpu.memory_space<semaphore_mem>>) src(%arg11 : memref<16xf32, #tpu.memory_space<vmem>>) dst(%dma_wait3A_127 : memref<16xf32, #tpu.memory_space<hbm>>)
      tpu.yield
    }) : () -> ()
    "tpu.region"() ({
      %run_scoped3A = tpu.sem_alloc : memref<!tpu.dma_semaphore, #tpu.memory_space<semaphore_mem>>
      %dma_start3A_116 = arith.constant 0 : i32
      %dma_start3A_117 = tpu.memref_slice %arg6[%add3A_59, %dma_start3A_116] : memref<64x16xi32, #tpu.memory_space<hbm>> -> memref<1x16xi32, #tpu.memory_space<hbm>>
      %dma_start3A_118 = tpu.memref_squeeze %dma_start3A_117 : memref<1x16xi32, #tpu.memory_space<hbm>> -> memref<16xi32, #tpu.memory_space<hbm>>
      %dma_start3A_119 = arith.constant 0 : i32
      %dma_start3A_120 = tpu.memref_slice %arg6[%add3A_59, %dma_start3A_119] : memref<64x16xi32, #tpu.memory_space<hbm>> -> memref<1x16xi32, #tpu.memory_space<hbm>>
      %dma_start3A_121 = tpu.memref_squeeze %dma_start3A_120 : memref<1x16xi32, #tpu.memory_space<hbm>> -> memref<16xi32, #tpu.memory_space<hbm>>
      tpu.enqueue_dma source(%arg12 : memref<16xi32, #tpu.memory_space<vmem>>) target(%dma_start3A_121 : memref<16xi32, #tpu.memory_space<hbm>>) target_semaphore(%run_scoped3A : memref<!tpu.dma_semaphore, #tpu.memory_space<semaphore_mem>>)
      %dma_wait3A_122 = arith.constant 0 : i32
      %dma_wait3A_123 = tpu.memref_slice %arg6[%add3A_59, %dma_wait3A_122] : memref<64x16xi32, #tpu.memory_space<hbm>> -> memref<1x16xi32, #tpu.memory_space<hbm>>
      %dma_wait3A_124 = tpu.memref_squeeze %dma_wait3A_123 : memref<1x16xi32, #tpu.memory_space<hbm>> -> memref<16xi32, #tpu.memory_space<hbm>>
      %dma_wait3A_125 = arith.constant 0 : i32
      %dma_wait3A_126 = tpu.memref_slice %arg6[%add3A_59, %dma_wait3A_125] : memref<64x16xi32, #tpu.memory_space<hbm>> -> memref<1x16xi32, #tpu.memory_space<hbm>>
      %dma_wait3A_127 = tpu.memref_squeeze %dma_wait3A_126 : memref<1x16xi32, #tpu.memory_space<hbm>> -> memref<16xi32, #tpu.memory_space<hbm>>
      tpu.wait_dma2 semaphore(%run_scoped3A : memref<!tpu.dma_semaphore, #tpu.memory_space<semaphore_mem>>) src(%arg12 : memref<16xi32, #tpu.memory_space<vmem>>) dst(%dma_wait3A_127 : memref<16xi32, #tpu.memory_space<hbm>>)
      tpu.yield
    }) : () -> ()
    %dma_start3A_108 = arith.constant 0 : i32
    %dma_start3A_109 = arith.constant 0 : i32
    %dma_start3A_110 = tpu.memref_slice %arg4[%dma_start3A_108, %dma_start3A_109] : memref<100000x128xf32, #tpu.memory_space<hbm>> -> memref<100000x128xf32, #tpu.memory_space<hbm>>
    tpu.enqueue_indirect_dma source(%dma_start3A_110 : memref<100000x128xf32, #tpu.memory_space<hbm>>) target(%arg13 : memref<16x128xf32, #tpu.memory_space<vmem>>) offsets(%arg12 : memref<16xi32, #tpu.memory_space<vmem>>) semaphore(%arg14 : memref<!tpu.dma_semaphore, #tpu.memory_space<semaphore_mem>>)
    %dma_wait3A_111 = arith.constant 0 : i32
    %dma_wait3A_112 = arith.constant 0 : i32
    %dma_wait3A_113 = tpu.memref_slice %arg4[%dma_wait3A_111, %dma_wait3A_112] : memref<100000x128xf32, #tpu.memory_space<hbm>> -> memref<100000x128xf32, #tpu.memory_space<hbm>>
    tpu.wait_indirect_dma semaphore(%arg14 : memref<!tpu.dma_semaphore, #tpu.memory_space<semaphore_mem>>) src(%dma_wait3A_113 : memref<100000x128xf32, #tpu.memory_space<hbm>>) dst(%arg13 : memref<16x128xf32, #tpu.memory_space<vmem>>)
    %mul3A_114 = arith.constant 16 : i32
    %mul3A_115 = arith.muli %add3A_59, %mul3A_114 : i32
    "tpu.region"() ({
      %run_scoped3A = tpu.sem_alloc : memref<!tpu.dma_semaphore, #tpu.memory_space<semaphore_mem>>
      %dma_start3A_116 = arith.constant 0 : i32
      %dma_start3A_117 = tpu.memref_slice %arg7[%mul3A_115, %dma_start3A_116] : memref<1024x128xf32, #tpu.memory_space<hbm>> -> memref<16x128xf32, #tpu.memory_space<hbm>>
      %dma_start3A_118 = arith.constant 0 : i32
      %dma_start3A_119 = tpu.memref_slice %arg7[%mul3A_115, %dma_start3A_118] : memref<1024x128xf32, #tpu.memory_space<hbm>> -> memref<16x128xf32, #tpu.memory_space<hbm>>
      tpu.enqueue_dma source(%arg13 : memref<16x128xf32, #tpu.memory_space<vmem>>) target(%dma_start3A_119 : memref<16x128xf32, #tpu.memory_space<hbm>>) target_semaphore(%run_scoped3A : memref<!tpu.dma_semaphore, #tpu.memory_space<semaphore_mem>>)
      %dma_wait3A_120 = arith.constant 0 : i32
      %dma_wait3A_121 = tpu.memref_slice %arg7[%mul3A_115, %dma_wait3A_120] : memref<1024x128xf32, #tpu.memory_space<hbm>> -> memref<16x128xf32, #tpu.memory_space<hbm>>
      %dma_wait3A_122 = arith.constant 0 : i32
      %dma_wait3A_123 = tpu.memref_slice %arg7[%mul3A_115, %dma_wait3A_122] : memref<1024x128xf32, #tpu.memory_space<hbm>> -> memref<16x128xf32, #tpu.memory_space<hbm>>
      tpu.wait_dma2 semaphore(%run_scoped3A : memref<!tpu.dma_semaphore, #tpu.memory_space<semaphore_mem>>) src(%arg13 : memref<16x128xf32, #tpu.memory_space<vmem>>) dst(%dma_wait3A_123 : memref<16x128xf32, #tpu.memory_space<hbm>>)
      tpu.yield
    }) : () -> ()
    return
  }
}

module attributes {stable_mosaic.version = 14 : i64} {
  func.func @_main_body(%arg0: i32, %arg1: memref<4096x128xf32, #tpu.memory_space<vmem>>, %arg2: memref<128x1024xf32, #tpu.memory_space<vmem>>, %arg3: memref<1x1024xf32, #tpu.memory_space<vmem>>, %arg4: memref<1x1024xf32, #tpu.memory_space<vmem>>, %arg5: memref<1x1xf32, #tpu.memory_space<vmem>>, %arg6: memref<64x128xf32, #tpu.memory_space<vmem>>, %arg7: memref<64x1xi32, #tpu.memory_space<vmem>>, %arg8: memref<4096x1xf32, #tpu.memory_space<vmem>>, %arg9: memref<64x4096xf32, #tpu.memory_space<vmem>>, %arg10: memref<1x64x32xf32, #tpu.memory_space<vmem>>) attributes {dimension_semantics = [#tpu.dimension_semantics<arbitrary>], iteration_bounds = array<i64: 25>, scalar_prefetch = 0 : i64, scratch_operands = 0 : i64, tpu.core_type = #tpu.core_type<tc>, window_params = [{transform_indices = @transform_0, window_bounds = array<i64: 4096, 128>}, {pipeline_mode = #tpu.pipeline_mode<synchronous>, transform_indices = @transform_1, window_bounds = array<i64: 128, 1024>}, {pipeline_mode = #tpu.pipeline_mode<synchronous>, transform_indices = @transform_2, window_bounds = array<i64: 1, 1024>}, {pipeline_mode = #tpu.pipeline_mode<synchronous>, transform_indices = @transform_3, window_bounds = array<i64: 1, 1024>}, {pipeline_mode = #tpu.pipeline_mode<synchronous>, transform_indices = @transform_4, window_bounds = array<i64: 1, 1>}, {pipeline_mode = #tpu.pipeline_mode<synchronous>, transform_indices = @transform_5, window_bounds = array<i64: 64, 128>}, {pipeline_mode = #tpu.pipeline_mode<synchronous>, transform_indices = @transform_6, window_bounds = array<i64: 64, 1>}, {transform_indices = @transform_7, window_bounds = array<i64: 4096, 1>}, {transform_indices = @transform_8, window_bounds = array<i64: 64, 4096>}, {transform_indices = @transform_9, window_bounds = array<i64: 1, 64, 32>}]} {
    %get3A = arith.constant 0 : index
    %get3A_0 = arith.constant 0 : index
    %get3A_1 = vector.load %arg1[%get3A, %get3A_0] : memref<4096x128xf32, #tpu.memory_space<vmem>>, vector<4096x128xf32>
    %convert_element_type3A = arith.truncf %get3A_1 : vector<4096x128xf32> to vector<4096x128xbf16>
    %get3A_2 = arith.constant 0 : index
    %get3A_3 = arith.constant 0 : index
    %get3A_4 = vector.load %arg2[%get3A_2, %get3A_3] : memref<128x1024xf32, #tpu.memory_space<vmem>>, vector<128x1024xf32>
    %convert_element_type3A_5 = arith.truncf %get3A_4 : vector<128x1024xf32> to vector<128x1024xbf16>
    %dot_general3A = arith.constant dense<0.000000e+00> : vector<4096x1024xf32>
    %dot_general3A_6 = tpu.matmul %convert_element_type3A, %convert_element_type3A_5, %dot_general3A {dimension_numbers = #tpu.dot_dimension_numbers<[1], [0], [0], [1], [0, 0, 1, 1], [], []>, transpose_lhs_hint = false} : vector<4096x128xbf16>, vector<128x1024xbf16>, vector<4096x1024xf32> -> vector<4096x1024xf32>
    %get3A_7 = arith.constant 0 : index
    %get3A_8 = arith.constant 0 : index
    %get3A_9 = vector.load %arg3[%get3A_7, %get3A_8] : memref<1x1024xf32, #tpu.memory_space<vmem>>, vector<1x1024xf32>
    %add3A = vector.broadcast %get3A_9 : vector<1x1024xf32> to vector<4096x1024xf32>
    %add3A_10 = arith.addf %dot_general3A_6, %add3A : vector<4096x1024xf32>
    %max3A = arith.constant 0.000000e+00 : f32
    %max3A_11 = vector.broadcast %max3A : f32 to vector<4096x1024xf32>
    %max3A_12 = arith.maximumf %add3A_10, %max3A_11 : vector<4096x1024xf32>
    %get3A_13 = arith.constant 0 : index
    %get3A_14 = arith.constant 0 : index
    %get3A_15 = vector.load %arg4[%get3A_13, %get3A_14] : memref<1x1024xf32, #tpu.memory_space<vmem>>, vector<1x1024xf32>
    %mul3A = vector.broadcast %get3A_15 : vector<1x1024xf32> to vector<4096x1024xf32>
    %mul3A_16 = arith.mulf %max3A_12, %mul3A : vector<4096x1024xf32>
    %reduce_sum3A = arith.constant dense<0.000000e+00> : vector<4096xf32>
    %reduce_sum3A_17 = vector.multi_reduction <add>, %mul3A_16, %reduce_sum3A [1] : vector<4096x1024xf32> to vector<4096xf32>
    %broadcast_in_dim3A = vector.shape_cast %reduce_sum3A_17 : vector<4096xf32> to vector<4096x1xf32>
    %get3A_18 = arith.constant 0 : index
    %get3A_19 = arith.constant 0 : index
    %get3A_20 = vector.load %arg5[%get3A_18, %get3A_19] : memref<1x1xf32, #tpu.memory_space<vmem>>, vector<1x1xf32>
    %get3A_21 = vector.extract %get3A_20[0, 0] : f32 from vector<1x1xf32>
    %add3A_22 = vector.broadcast %get3A_21 : f32 to vector<4096x1xf32>
    %add3A_23 = arith.addf %broadcast_in_dim3A, %add3A_22 : vector<4096x1xf32>
    %swap3A = arith.constant 0 : index
    %swap3A_24 = arith.constant 0 : index
    %swap3A_25 = vector.load %arg8[%swap3A, %swap3A_24] : memref<4096x1xf32, #tpu.memory_space<vmem>>, vector<4096x1xf32>
    tpu.vector_store %arg8[%swap3A, %swap3A_24], %add3A_23 {strides = array<i32>} : memref<4096x1xf32, #tpu.memory_space<vmem>>, vector<4096x1xf32>,
    %mul3A_26 = arith.mulf %get3A_1, %get3A_1 : vector<4096x128xf32>
    %reduce_sum3A_27 = arith.constant dense<0.000000e+00> : vector<4096xf32>
    %reduce_sum3A_28 = vector.multi_reduction <add>, %mul3A_26, %reduce_sum3A_27 [1] : vector<4096x128xf32> to vector<4096xf32>
    %broadcast_in_dim3A_29 = vector.shape_cast %reduce_sum3A_28 : vector<4096xf32> to vector<4096x1xf32>
    %sqrt3A = math.sqrt %broadcast_in_dim3A_29 : vector<4096x1xf32>
    %max3A_30 = arith.constant 9.99999993E-9 : f32
    %max3A_31 = vector.broadcast %max3A_30 : f32 to vector<4096x1xf32>
    %max3A_32 = arith.maximumf %sqrt3A, %max3A_31 : vector<4096x1xf32>
    %div3A = vector.broadcast %max3A_32 : vector<4096x1xf32> to vector<4096x128xf32>
    %div3A_33 = arith.divf %get3A_1, %div3A : vector<4096x128xf32>
    %get3A_34 = arith.constant 0 : index
    %get3A_35 = arith.constant 0 : index
    %get3A_36 = vector.load %arg6[%get3A_34, %get3A_35] : memref<64x128xf32, #tpu.memory_space<vmem>>, vector<64x128xf32>
    %mul3A_37 = arith.mulf %get3A_36, %get3A_36 : vector<64x128xf32>
    %reduce_sum3A_38 = arith.constant dense<0.000000e+00> : vector<64xf32>
    %reduce_sum3A_39 = vector.multi_reduction <add>, %mul3A_37, %reduce_sum3A_38 [1] : vector<64x128xf32> to vector<64xf32>
    %broadcast_in_dim3A_40 = vector.shape_cast %reduce_sum3A_39 : vector<64xf32> to vector<64x1xf32>
    %sqrt3A_41 = math.sqrt %broadcast_in_dim3A_40 : vector<64x1xf32>
    %max3A_42 = arith.constant 9.99999993E-9 : f32
    %max3A_43 = vector.broadcast %max3A_42 : f32 to vector<64x1xf32>
    %max3A_44 = arith.maximumf %sqrt3A_41, %max3A_43 : vector<64x1xf32>
    %div3A_45 = vector.broadcast %max3A_44 : vector<64x1xf32> to vector<64x128xf32>
    %div3A_46 = arith.divf %get3A_36, %div3A_45 : vector<64x128xf32>
    %dot_general3A_47 = arith.constant dense<0.000000e+00> : vector<64x4096xf32>
    %dot_general3A_48 = tpu.matmul %div3A_46, %div3A_33, %dot_general3A_47 {dimension_numbers = #tpu.dot_dimension_numbers<[1], [1], [0], [0], [0, 0, 1, 0], [], []>, transpose_lhs_hint = false} : vector<64x128xf32>, vector<4096x128xf32>, vector<64x4096xf32> -> vector<64x4096xf32>
    %mul3A_49 = arith.constant 4096 : i32
    %mul3A_50 = arith.muli %arg0, %mul3A_49 : i32
    %iota3A = tpu.iota {dimensions = array<i32: 1>} : vector<1x4096xi32>
    %add3A_51 = vector.broadcast %mul3A_50 : i32 to vector<1x4096xi32>
    %add3A_52 = arith.addi %add3A_51, %iota3A : vector<1x4096xi32>
    %get3A_53 = arith.constant 0 : index
    %get3A_54 = arith.constant 0 : index
    %get3A_55 = vector.load %arg7[%get3A_53, %get3A_54] : memref<64x1xi32, #tpu.memory_space<vmem>>, vector<64x1xi32>
    %eq3A = vector.broadcast %add3A_52 : vector<1x4096xi32> to vector<64x4096xi32>
    %eq3A_56 = vector.broadcast %get3A_55 : vector<64x1xi32> to vector<64x4096xi32>
    %eq3A_57 = arith.cmpi eq, %eq3A, %eq3A_56 : vector<64x4096xi32>
    %jit3A = arith.constant 0xFF800000 : f32
    %broadcast_in_dim3A_58 = vector.broadcast %jit3A : f32 to vector<64x4096xf32>
    %select_n3A = arith.select %eq3A_57, %broadcast_in_dim3A_58, %dot_general3A_48 : vector<64x4096xi1>, vector<64x4096xf32>
    %ge3A = arith.constant 100000 : i32
    %ge3A_59 = vector.broadcast %ge3A : i32 to vector<1x4096xi32>
    %ge3A_60 = arith.cmpi sge, %add3A_52, %ge3A_59 : vector<1x4096xi32>
    %jit3A_61 = arith.constant 0xFF800000 : f32
    %broadcast_in_dim3A_62 = vector.shape_cast %ge3A_60 : vector<1x4096xi1> to vector<1x4096xi1>
    %broadcast_in_dim3A_63 = vector.broadcast %broadcast_in_dim3A_62 : vector<1x4096xi1> to vector<64x4096xi1>
    %broadcast_in_dim3A_64 = vector.broadcast %jit3A_61 : f32 to vector<64x4096xf32>
    %select_n3A_65 = arith.select %broadcast_in_dim3A_63, %broadcast_in_dim3A_64, %select_n3A : vector<64x4096xi1>, vector<64x4096xf32>
    %swap3A_66 = arith.constant 0 : index
    %swap3A_67 = arith.constant 0 : index
    %swap3A_68 = vector.load %arg9[%swap3A_66, %swap3A_67] : memref<64x4096xf32, #tpu.memory_space<vmem>>, vector<64x4096xf32>
    tpu.vector_store %arg9[%swap3A_66, %swap3A_67], %select_n3A_65 {strides = array<i32>} : memref<64x4096xf32, #tpu.memory_space<vmem>>, vector<64x4096xf32>,
    %reshape3A = vector.shape_cast %select_n3A_65 : vector<64x4096xf32> to vector<64x32x128xf32>
    %reduce_max3A = arith.constant dense<0xFF800000> : vector<64x32xf32>
    %reduce_max3A_69 = vector.multi_reduction <maximumf>, %reshape3A, %reduce_max3A [2] : vector<64x32x128xf32> to vector<64x32xf32>
    %reshape3A_70 = vector.shape_cast %reduce_max3A_69 : vector<64x32xf32> to vector<1x64x32xf32>
    %swap3A_71 = arith.constant 0 : index
    %swap3A_72 = arith.constant 0 : index
    %swap3A_73 = arith.constant 0 : index
    %swap3A_74 = vector.load %arg10[%swap3A_71, %swap3A_72, %swap3A_73] : memref<1x64x32xf32, #tpu.memory_space<vmem>>, vector<1x64x32xf32>
    tpu.vector_store %arg10[%swap3A_71, %swap3A_72, %swap3A_73], %reshape3A_70 {strides = array<i32>} : memref<1x64x32xf32, #tpu.memory_space<vmem>>, vector<1x64x32xf32>,
    return
  }
  func.func @transform_0(%arg0: i32) -> (i32, i32) {
    %c0_i32 = arith.constant 0 : i32
    %c0_i32_0 = arith.constant 0 : i32
    return %arg0, %c0_i32 : i32, i32
  }
  func.func @transform_1(%arg0: i32) -> (i32, i32) {
    %c0_i32 = arith.constant 0 : i32
    %c0_i32_0 = arith.constant 0 : i32
    %c0_i32_1 = arith.constant 0 : i32
    return %c0_i32, %c0_i32_0 : i32, i32
  }
  func.func @transform_2(%arg0: i32) -> (i32, i32) {
    %c0_i32 = arith.constant 0 : i32
    %c0_i32_0 = arith.constant 0 : i32
    %c0_i32_1 = arith.constant 0 : i32
    return %c0_i32, %c0_i32_0 : i32, i32
  }
  func.func @transform_3(%arg0: i32) -> (i32, i32) {
    %c0_i32 = arith.constant 0 : i32
    %c0_i32_0 = arith.constant 0 : i32
    %c0_i32_1 = arith.constant 0 : i32
    return %c0_i32, %c0_i32_0 : i32, i32
  }
  func.func @transform_4(%arg0: i32) -> (i32, i32) {
    %c0_i32 = arith.constant 0 : i32
    %c0_i32_0 = arith.constant 0 : i32
    %c0_i32_1 = arith.constant 0 : i32
    return %c0_i32, %c0_i32_0 : i32, i32
  }
  func.func @transform_5(%arg0: i32) -> (i32, i32) {
    %c0_i32 = arith.constant 0 : i32
    %c0_i32_0 = arith.constant 0 : i32
    %c0_i32_1 = arith.constant 0 : i32
    return %c0_i32, %c0_i32_0 : i32, i32
  }
  func.func @transform_6(%arg0: i32) -> (i32, i32) {
    %c0_i32 = arith.constant 0 : i32
    %c0_i32_0 = arith.constant 0 : i32
    %c0_i32_1 = arith.constant 0 : i32
    return %c0_i32, %c0_i32_0 : i32, i32
  }
  func.func @transform_7(%arg0: i32) -> (i32, i32) {
    %c0_i32 = arith.constant 0 : i32
    %c0_i32_0 = arith.constant 0 : i32
    return %arg0, %c0_i32 : i32, i32
  }
  func.func @transform_8(%arg0: i32) -> (i32, i32) {
    %c0_i32 = arith.constant 0 : i32
    %c0_i32_0 = arith.constant 0 : i32
    return %c0_i32, %arg0 : i32, i32
  }
  func.func @transform_9(%arg0: i32) -> (i32, i32, i32) {
    %c0_i32 = arith.constant 0 : i32
    %c0_i32_0 = arith.constant 0 : i32
    %c0_i32_1 = arith.constant 0 : i32
    return %arg0, %c0_i32, %c0_i32_0 : i32, i32, i32
  }
}

module attributes {stable_mosaic.version = 14 : i64} {
  func.func @_stats_body(%arg0: memref<64x128xf32, #tpu.memory_space<vmem>>, %arg1: memref<1024x128xf32, #tpu.memory_space<vmem>>, %arg2: memref<1024x128xf32, #tpu.memory_space<vmem>>, %arg3: memref<64x1xf32, #tpu.memory_space<vmem>>, %arg4: memref<64x1xf32, #tpu.memory_space<vmem>>, %arg5: memref<1024x1xf32, #tpu.memory_space<vmem>>, %arg6: memref<1024x1xf32, #tpu.memory_space<vmem>>) attributes {dimension_semantics = [], scalar_prefetch = 0 : i64, scratch_operands = 0 : i64, tpu.core_type = #tpu.core_type<tc>} {
    %get3A = arith.constant 0 : index
    %get3A_0 = arith.constant 0 : index
    %get3A_1 = vector.load %arg0[%get3A, %get3A_0] : memref<64x128xf32, #tpu.memory_space<vmem>>, vector<64x128xf32>
    %mul3A = arith.mulf %get3A_1, %get3A_1 : vector<64x128xf32>
    %reduce_sum3A = arith.constant dense<0.000000e+00> : vector<64xf32>
    %reduce_sum3A_2 = vector.multi_reduction <add>, %mul3A, %reduce_sum3A [1] : vector<64x128xf32> to vector<64xf32>
    %broadcast_in_dim3A = vector.shape_cast %reduce_sum3A_2 : vector<64xf32> to vector<64x1xf32>
    %sqrt3A = math.sqrt %broadcast_in_dim3A : vector<64x1xf32>
    %max3A = arith.constant 9.99999993E-9 : f32
    %max3A_3 = vector.broadcast %max3A : f32 to vector<64x1xf32>
    %max3A_4 = arith.maximumf %sqrt3A, %max3A_3 : vector<64x1xf32>
    %div3A = vector.broadcast %max3A_4 : vector<64x1xf32> to vector<64x128xf32>
    %div3A_5 = arith.divf %get3A_1, %div3A : vector<64x128xf32>
    %get3A_6 = arith.constant 0 : index
    %get3A_7 = arith.constant 0 : index
    %get3A_8 = vector.load %arg1[%get3A_6, %get3A_7] : memref<1024x128xf32, #tpu.memory_space<vmem>>, vector<1024x128xf32>
    %mul3A_9 = arith.mulf %get3A_8, %get3A_8 : vector<1024x128xf32>
    %reduce_sum3A_10 = arith.constant dense<0.000000e+00> : vector<1024xf32>
    %reduce_sum3A_11 = vector.multi_reduction <add>, %mul3A_9, %reduce_sum3A_10 [1] : vector<1024x128xf32> to vector<1024xf32>
    %broadcast_in_dim3A_12 = vector.shape_cast %reduce_sum3A_11 : vector<1024xf32> to vector<1024x1xf32>
    %sqrt3A_13 = math.sqrt %broadcast_in_dim3A_12 : vector<1024x1xf32>
    %max3A_14 = arith.constant 9.99999993E-9 : f32
    %max3A_15 = vector.broadcast %max3A_14 : f32 to vector<1024x1xf32>
    %max3A_16 = arith.maximumf %sqrt3A_13, %max3A_15 : vector<1024x1xf32>
    %div3A_17 = vector.broadcast %max3A_16 : vector<1024x1xf32> to vector<1024x128xf32>
    %div3A_18 = arith.divf %get3A_8, %div3A_17 : vector<1024x128xf32>
    %get3A_19 = arith.constant 0 : index
    %get3A_20 = arith.constant 0 : index
    %get3A_21 = vector.load %arg2[%get3A_19, %get3A_20] : memref<1024x128xf32, #tpu.memory_space<vmem>>, vector<1024x128xf32>
    %mul3A_22 = arith.mulf %get3A_21, %get3A_21 : vector<1024x128xf32>
    %reduce_sum3A_23 = arith.constant dense<0.000000e+00> : vector<1024xf32>
    %reduce_sum3A_24 = vector.multi_reduction <add>, %mul3A_22, %reduce_sum3A_23 [1] : vector<1024x128xf32> to vector<1024xf32>
    %broadcast_in_dim3A_25 = vector.shape_cast %reduce_sum3A_24 : vector<1024xf32> to vector<1024x1xf32>
    %sqrt3A_26 = math.sqrt %broadcast_in_dim3A_25 : vector<1024x1xf32>
    %max3A_27 = arith.constant 9.99999993E-9 : f32
    %max3A_28 = vector.broadcast %max3A_27 : f32 to vector<1024x1xf32>
    %max3A_29 = arith.maximumf %sqrt3A_26, %max3A_28 : vector<1024x1xf32>
    %div3A_30 = vector.broadcast %max3A_29 : vector<1024x1xf32> to vector<1024x128xf32>
    %div3A_31 = arith.divf %get3A_21, %div3A_30 : vector<1024x128xf32>
    %dot_general3A = arith.constant dense<0.000000e+00> : vector<64x64xf32>
    %dot_general3A_32 = tpu.matmul %div3A_5, %div3A_5, %dot_general3A {dimension_numbers = #tpu.dot_dimension_numbers<[1], [1], [0], [0], [0, 0, 1, 0], [], []>, transpose_lhs_hint = false} : vector<64x128xf32>, vector<64x128xf32>, vector<64x64xf32> -> vector<64x64xf32>
    %reduce_sum3A_33 = arith.constant dense<0.000000e+00> : vector<64xf32>
    %reduce_sum3A_34 = vector.multi_reduction <add>, %dot_general3A_32, %reduce_sum3A_33 [1] : vector<64x64xf32> to vector<64xf32>
    %broadcast_in_dim3A_35 = vector.shape_cast %reduce_sum3A_34 : vector<64xf32> to vector<64x1xf32>
    %div3A_36 = arith.constant 6.400000e+01 : f32
    %div3A_37 = vector.broadcast %div3A_36 : f32 to vector<64x1xf32>
    %div3A_38 = arith.divf %broadcast_in_dim3A_35, %div3A_37 : vector<64x1xf32>
    %swap3A = arith.constant 0 : index
    %swap3A_39 = arith.constant 0 : index
    %swap3A_40 = vector.load %arg3[%swap3A, %swap3A_39] : memref<64x1xf32, #tpu.memory_space<vmem>>, vector<64x1xf32>
    tpu.vector_store %arg3[%swap3A, %swap3A_39], %div3A_38 {strides = array<i32>} : memref<64x1xf32, #tpu.memory_space<vmem>>, vector<64x1xf32>,
    %dot_general3A_41 = arith.constant dense<0.000000e+00> : vector<64x1024xf32>
    %dot_general3A_42 = tpu.matmul %div3A_5, %div3A_18, %dot_general3A_41 {dimension_numbers = #tpu.dot_dimension_numbers<[1], [1], [0], [0], [0, 0, 1, 0], [], []>, transpose_lhs_hint = false} : vector<64x128xf32>, vector<1024x128xf32>, vector<64x1024xf32> -> vector<64x1024xf32>
    %reduce_sum3A_43 = arith.constant dense<0.000000e+00> : vector<64xf32>
    %reduce_sum3A_44 = vector.multi_reduction <add>, %dot_general3A_42, %reduce_sum3A_43 [1] : vector<64x1024xf32> to vector<64xf32>
    %broadcast_in_dim3A_45 = vector.shape_cast %reduce_sum3A_44 : vector<64xf32> to vector<64x1xf32>
    %div3A_46 = arith.constant 1.024000e+03 : f32
    %div3A_47 = vector.broadcast %div3A_46 : f32 to vector<64x1xf32>
    %div3A_48 = arith.divf %broadcast_in_dim3A_45, %div3A_47 : vector<64x1xf32>
    %swap3A_49 = arith.constant 0 : index
    %swap3A_50 = arith.constant 0 : index
    %swap3A_51 = vector.load %arg4[%swap3A_49, %swap3A_50] : memref<64x1xf32, #tpu.memory_space<vmem>>, vector<64x1xf32>
    tpu.vector_store %arg4[%swap3A_49, %swap3A_50], %div3A_48 {strides = array<i32>} : memref<64x1xf32, #tpu.memory_space<vmem>>, vector<64x1xf32>,
    %dot_general3A_52 = arith.constant dense<0.000000e+00> : vector<1024x64xf32>
    %dot_general3A_53 = tpu.matmul %div3A_31, %div3A_5, %dot_general3A_52 {dimension_numbers = #tpu.dot_dimension_numbers<[1], [1], [0], [0], [0, 0, 1, 0], [], []>, transpose_lhs_hint = false} : vector<1024x128xf32>, vector<64x128xf32>, vector<1024x64xf32> -> vector<1024x64xf32>
    %reduce_sum3A_54 = arith.constant dense<0.000000e+00> : vector<1024xf32>
    %reduce_sum3A_55 = vector.multi_reduction <add>, %dot_general3A_53, %reduce_sum3A_54 [1] : vector<1024x64xf32> to vector<1024xf32>
    %broadcast_in_dim3A_56 = vector.shape_cast %reduce_sum3A_55 : vector<1024xf32> to vector<1024x1xf32>
    %div3A_57 = arith.constant 6.400000e+01 : f32
    %div3A_58 = vector.broadcast %div3A_57 : f32 to vector<1024x1xf32>
    %div3A_59 = arith.divf %broadcast_in_dim3A_56, %div3A_58 : vector<1024x1xf32>
    %swap3A_60 = arith.constant 0 : index
    %swap3A_61 = arith.constant 0 : index
    %swap3A_62 = vector.load %arg5[%swap3A_60, %swap3A_61] : memref<1024x1xf32, #tpu.memory_space<vmem>>, vector<1024x1xf32>
    tpu.vector_store %arg5[%swap3A_60, %swap3A_61], %div3A_59 {strides = array<i32>} : memref<1024x1xf32, #tpu.memory_space<vmem>>, vector<1024x1xf32>,
    %dot_general3A_63 = arith.constant dense<0.000000e+00> : vector<1024x1024xf32>
    %dot_general3A_64 = tpu.matmul %div3A_31, %div3A_18, %dot_general3A_63 {dimension_numbers = #tpu.dot_dimension_numbers<[1], [1], [0], [0], [0, 0, 1, 0], [], []>, transpose_lhs_hint = false} : vector<1024x128xf32>, vector<1024x128xf32>, vector<1024x1024xf32> -> vector<1024x1024xf32>
    %reduce_sum3A_65 = arith.constant dense<0.000000e+00> : vector<1024xf32>
    %reduce_sum3A_66 = vector.multi_reduction <add>, %dot_general3A_64, %reduce_sum3A_65 [1] : vector<1024x1024xf32> to vector<1024xf32>
    %broadcast_in_dim3A_67 = vector.shape_cast %reduce_sum3A_66 : vector<1024xf32> to vector<1024x1xf32>
    %div3A_68 = arith.constant 1.024000e+03 : f32
    %div3A_69 = vector.broadcast %div3A_68 : f32 to vector<1024x1xf32>
    %div3A_70 = arith.divf %broadcast_in_dim3A_67, %div3A_69 : vector<1024x1xf32>
    %swap3A_71 = arith.constant 0 : index
    %swap3A_72 = arith.constant 0 : index
    %swap3A_73 = vector.load %arg6[%swap3A_71, %swap3A_72] : memref<1024x1xf32, #tpu.memory_space<vmem>>, vector<1024x1xf32>
    tpu.vector_store %arg6[%swap3A_71, %swap3A_72], %div3A_70 {strides = array<i32>} : memref<1024x1xf32, #tpu.memory_space<vmem>>, vector<1024x1xf32>,
    return
  }
}

module attributes {stable_mosaic.version = 14 : i64} {
  func.func @_rl_body(%arg0: memref<64x16xf32, #tpu.memory_space<vmem>>, %arg1: memref<64x1xf32, #tpu.memory_space<vmem>>, %arg2: memref<64x1xf32, #tpu.memory_space<vmem>>, %arg3: memref<64x16xf32, #tpu.memory_space<vmem>>, %arg4: memref<64x16xf32, #tpu.memory_space<vmem>>, %arg5: memref<64x2xf32, #tpu.memory_space<vmem>>, %arg6: memref<64x1xf32, #tpu.memory_space<vmem>>, %arg7: memref<64x16xi32, #tpu.memory_space<vmem>>) attributes {dimension_semantics = [], scalar_prefetch = 0 : i64, scratch_operands = 0 : i64, tpu.core_type = #tpu.core_type<tc>} {
    %get3A = arith.constant 0 : index
    %get3A_0 = arith.constant 0 : index
    %get3A_1 = vector.load %arg0[%get3A, %get3A_0] : memref<64x16xf32, #tpu.memory_space<vmem>>, vector<64x16xf32>
    %get3A_2 = arith.constant 0 : index
    %get3A_3 = arith.constant 0 : index
    %get3A_4 = vector.load %arg1[%get3A_2, %get3A_3] : memref<64x1xf32, #tpu.memory_space<vmem>>, vector<64x1xf32>
    %get3A_5 = arith.constant 0 : index
    %get3A_6 = arith.constant 0 : index
    %get3A_7 = vector.load %arg2[%get3A_5, %get3A_6] : memref<64x1xf32, #tpu.memory_space<vmem>>, vector<64x1xf32>
    %get3A_8 = arith.constant 0 : index
    %get3A_9 = arith.constant 0 : index
    %get3A_10 = vector.load %arg3[%get3A_8, %get3A_9] : memref<64x16xf32, #tpu.memory_space<vmem>>, vector<64x16xf32>
    %get3A_11 = arith.constant 0 : index
    %get3A_12 = arith.constant 0 : index
    %get3A_13 = vector.load %arg4[%get3A_11, %get3A_12] : memref<64x16xf32, #tpu.memory_space<vmem>>, vector<64x16xf32>
    %broadcast_in_dim3A = arith.constant 5.000000e-01 : f32
    %broadcast_in_dim3A_14 = vector.broadcast %broadcast_in_dim3A : f32 to vector<64x1xf32>
    %ge3A = vector.broadcast %broadcast_in_dim3A_14 : vector<64x1xf32> to vector<64x16xf32>
    %ge3A_15 = arith.cmpf oge, %get3A_1, %ge3A : vector<64x16xf32>
    %ge3A_16 = vector.broadcast %get3A_4 : vector<64x1xf32> to vector<64x16xf32>
    %ge3A_17 = arith.cmpf oge, %get3A_10, %ge3A_16 : vector<64x16xf32>
    %convert_element_type3A = arith.extui %ge3A_17 : vector<64x16xi1> to vector<64x16xi32>
    %convert_element_type3A_18 = arith.sitofp %convert_element_type3A : vector<64x16xi32> to vector<64x16xf32>
    %le3A = vector.broadcast %get3A_7 : vector<64x1xf32> to vector<64x16xf32>
    %le3A_19 = arith.cmpf ole, %get3A_13, %le3A : vector<64x16xf32>
    %convert_element_type3A_20 = arith.extui %le3A_19 : vector<64x16xi1> to vector<64x16xi32>
    %convert_element_type3A_21 = arith.sitofp %convert_element_type3A_20 : vector<64x16xi32> to vector<64x16xf32>
    %select_n3A = arith.select %ge3A_15, %convert_element_type3A_18, %convert_element_type3A_21 : vector<64x16xi1>, vector<64x16xf32>
    %reduce_sum3A = arith.constant dense<0.000000e+00> : vector<64xf32>
    %reduce_sum3A_22 = vector.multi_reduction <add>, %select_n3A, %reduce_sum3A [1] : vector<64x16xf32> to vector<64xf32>
    %broadcast_in_dim3A_23 = vector.shape_cast %reduce_sum3A_22 : vector<64xf32> to vector<64x1xf32>
    %ge3A_24 = arith.constant 8.000000e+00 : f32
    %ge3A_25 = vector.broadcast %ge3A_24 : f32 to vector<64x1xf32>
    %ge3A_26 = arith.cmpf oge, %broadcast_in_dim3A_23, %ge3A_25 : vector<64x1xf32>
    %sub3A = arith.constant 2.000000e-02 : f32
    %sub3A_27 = vector.broadcast %sub3A : f32 to vector<64x1xf32>
    %sub3A_28 = arith.subf %broadcast_in_dim3A_14, %sub3A_27 : vector<64x1xf32>
    %add3A = arith.constant 2.000000e-02 : f32
    %add3A_29 = vector.broadcast %add3A : f32 to vector<64x1xf32>
    %add3A_30 = arith.addf %broadcast_in_dim3A_14, %add3A_29 : vector<64x1xf32>
    %select_n3A_31 = arith.select %ge3A_26, %sub3A_28, %add3A_30 : vector<64x1xi1>, vector<64x1xf32>
    %ge3A_32 = vector.broadcast %select_n3A_31 : vector<64x1xf32> to vector<64x16xf32>
    %ge3A_33 = arith.cmpf oge, %get3A_1, %ge3A_32 : vector<64x16xf32>
    %ge3A_34 = vector.broadcast %get3A_4 : vector<64x1xf32> to vector<64x16xf32>
    %ge3A_35 = arith.cmpf oge, %get3A_10, %ge3A_34 : vector<64x16xf32>
    %convert_element_type3A_36 = arith.extui %ge3A_35 : vector<64x16xi1> to vector<64x16xi32>
    %convert_element_type3A_37 = arith.sitofp %convert_element_type3A_36 : vector<64x16xi32> to vector<64x16xf32>
    %le3A_38 = vector.broadcast %get3A_7 : vector<64x1xf32> to vector<64x16xf32>
    %le3A_39 = arith.cmpf ole, %get3A_13, %le3A_38 : vector<64x16xf32>
    %convert_element_type3A_40 = arith.extui %le3A_39 : vector<64x16xi1> to vector<64x16xi32>
    %convert_element_type3A_41 = arith.sitofp %convert_element_type3A_40 : vector<64x16xi32> to vector<64x16xf32>
    %select_n3A_42 = arith.select %ge3A_33, %convert_element_type3A_37, %convert_element_type3A_41 : vector<64x16xi1>, vector<64x16xf32>
    %reduce_sum3A_43 = arith.constant dense<0.000000e+00> : vector<64xf32>
    %reduce_sum3A_44 = vector.multi_reduction <add>, %select_n3A_42, %reduce_sum3A_43 [1] : vector<64x16xf32> to vector<64xf32>
    %broadcast_in_dim3A_45 = vector.shape_cast %reduce_sum3A_44 : vector<64xf32> to vector<64x1xf32>
    %ge3A_46 = arith.constant 8.000000e+00 : f32
    %ge3A_47 = vector.broadcast %ge3A_46 : f32 to vector<64x1xf32>
    %ge3A_48 = arith.cmpf oge, %broadcast_in_dim3A_45, %ge3A_47 : vector<64x1xf32>
    %sub3A_49 = arith.constant 2.000000e-02 : f32
    %sub3A_50 = vector.broadcast %sub3A_49 : f32 to vector<64x1xf32>
    %sub3A_51 = arith.subf %select_n3A_31, %sub3A_50 : vector<64x1xf32>
    %add3A_52 = arith.constant 2.000000e-02 : f32
    %add3A_53 = vector.broadcast %add3A_52 : f32 to vector<64x1xf32>
    %add3A_54 = arith.addf %select_n3A_31, %add3A_53 : vector<64x1xf32>
    %select_n3A_55 = arith.select %ge3A_48, %sub3A_51, %add3A_54 : vector<64x1xi1>, vector<64x1xf32>
    %concatenate3A = tpu.concatenate %broadcast_in_dim3A_23, %broadcast_in_dim3A_45 in 1 : vector<64x1xf32>, vector<64x1xf32> -> vector<64x2xf32>
    %swap3A = arith.constant 0 : index
    %swap3A_56 = arith.constant 0 : index
    %swap3A_57 = vector.load %arg5[%swap3A, %swap3A_56] : memref<64x2xf32, #tpu.memory_space<vmem>>, vector<64x2xf32>
    tpu.vector_store %arg5[%swap3A, %swap3A_56], %concatenate3A {strides = array<i32>} : memref<64x2xf32, #tpu.memory_space<vmem>>, vector<64x2xf32>,
    %ge3A_58 = arith.constant 1.000000e+00 : f32
    %ge3A_59 = vector.broadcast %ge3A_58 : f32 to vector<64x1xf32>
    %ge3A_60 = arith.cmpf oge, %select_n3A_55, %ge3A_59 : vector<64x1xf32>
    %jit3A = arith.constant 9.990000e-01 : f32
    %broadcast_in_dim3A_61 = vector.broadcast %jit3A : f32 to vector<64x1xf32>
    %select_n3A_62 = arith.select %ge3A_60, %broadcast_in_dim3A_61, %select_n3A_55 : vector<64x1xi1>, vector<64x1xf32>
    %le3A_63 = arith.constant 0.000000e+00 : f32
    %le3A_64 = vector.broadcast %le3A_63 : f32 to vector<64x1xf32>
    %le3A_65 = arith.cmpf ole, %select_n3A_62, %le3A_64 : vector<64x1xf32>
    %jit3A_66 = arith.constant 1.000000e-03 : f32
    %broadcast_in_dim3A_67 = vector.broadcast %jit3A_66 : f32 to vector<64x1xf32>
    %select_n3A_68 = arith.select %le3A_65, %broadcast_in_dim3A_67, %select_n3A_62 : vector<64x1xi1>, vector<64x1xf32>
    %swap3A_69 = arith.constant 0 : index
    %swap3A_70 = arith.constant 0 : index
    %swap3A_71 = vector.load %arg6[%swap3A_69, %swap3A_70] : memref<64x1xf32, #tpu.memory_space<vmem>>, vector<64x1xf32>
    tpu.vector_store %arg6[%swap3A_69, %swap3A_70], %select_n3A_68 {strides = array<i32>} : memref<64x1xf32, #tpu.memory_space<vmem>>, vector<64x1xf32>,
    %gt3A = vector.broadcast %select_n3A_68 : vector<64x1xf32> to vector<64x16xf32>
    %gt3A_72 = arith.cmpf ogt, %get3A_1, %gt3A : vector<64x16xf32>
    %convert_element_type3A_73 = arith.extui %gt3A_72 : vector<64x16xi1> to vector<64x16xi32>
    %swap3A_74 = arith.constant 0 : index
    %swap3A_75 = arith.constant 0 : index
    %swap3A_76 = vector.load %arg7[%swap3A_74, %swap3A_75] : memref<64x16xi32, #tpu.memory_space<vmem>>, vector<64x16xi32>
    tpu.vector_store %arg7[%swap3A_74, %swap3A_75], %convert_element_type3A_73 {strides = array<i32>} : memref<64x16xi32, #tpu.memory_space<vmem>>, vector<64x16xi32>,
    return
  }
}

</mosaic_0001>

<sc_bundles>
// kernel: kernel.10.cloned.1.call-start
scs
__scs_entry_jumppad:
0x0: {  	(pc) =	sbr.rel $0x88, $3  }
0x1: {  	(tag) =	ssettag $0x0;
	lr =	simm.s32 $0x1  }
0x2: {  	[smem:$0x3F9A] =	sst lr;
	_ =	strace $0xD0000000  }
0x3: {  	_ = 	snop  }
0x4: {  	_ = 	snop  }
0x5: {  	_ = 	snop  }
0x6: {  	_ = 	snop  }
0x7: {  	_ = 	snop  }
__scs_overlays_trampoline_lowered:
0x8: {  	[smem:$0x3FA9] =	sst s0  }
0x9: {  	[smem:$0x3FAA] =	sst s1  }
0xa: {  	[smem:$0x3FAB] =	sst s2  }
0xb: {  	[smem:$0x3FAC] =	sst s3  }
0xc: {  	[smem:$0x3FAD] =	sst s4  }
0xd: {  	[smem:$0x3FAE] =	sst s5  }
0xe: {  	[smem:$0x3FAF] =	sst s6  }
0xf: {  	[smem:$0x3FB0] =	sst s7  }
0x10: {  	[smem:$0x3FB1] =	sst s8  }
0x11: {  	[smem:$0x3FB2] =	sst s9;
	s0 =	simm.s32 @!p0 $0x0  }
0x12: {  	s1 =	sld [smem:$0x3F98];
	s0 =	simm.s32 @p0 $0x1  }
0x13: {  	[smem:$0x3FB3] =	sst s0;
	s0 =	simm.s32 @!p1 $0x0  }
0x14: {  	s2 =	sld [smem:$0x3F97];
	s0 =	simm.s32 @p1 $0x1  }
0x15: {  	[smem:$0x3FB4] =	sst s0;
	s0 =	simm.s32 @!p2 $0x0  }
0x16: {  	s3 =	sld [smem:$0x3FDB];
	s0 =	simm.s32 @p2 $0x1  }
0x17: {  	s4 =	simm.s32 $0x1BF5;
	[smem:$0x3FB6] =	sst s0  }
0x18: {  	s0 =	sld [smem:$0x3F99];
	_ =	swait.ge [sflag:s4], $0x0  }
0x19: {  	s7 =	sld [smem:$0x3F9A]  }
0x1a: {  	s8 =	sadd.s32 $0xFFFFE003, lr  }
0x1b: {  	s9 =	sadd.s32 $0xFFFFFEF7, lr;
	s5 =	simm.s32 $0xFFFFFFFF;
	p2 =	slt.u32 s8, $0xFFFFF086  }
0x1c: {  	p1 =	slt.u32 s9, $0xF7A;
	s5 =	simm.s32 @!p2 $0x0  }
0x1d: {  	s5 =	simm.s32 @p1 $0x1;
	p0 =	seq.s32 s7, s2  }
0x1e: {  	s7 =	smul.u32 @!p0 $0xF7A, s2;
	p2 =	seq.s32 @!p0 s5, $0x0  }
0x1f: {  	s9 =	smul.u32 $0xF7A, s1;
	s8 =	simm.s32 @!p0 $0x1BF5;
	p2 =	por !p2, p0  }
0x20: {  	[sflag:s8] =	ssyncset.s32 @!p0 $0xFFFFF086;
	s6 =	sadd.s32 @!p0 s3, s7;
	s7 =	simm.s32 @!p0 $0x108  }
0x21: {  	s3 =	sadd.s32 s3, s9;
	s6 =	sadd.s32 @!p0 $0x88, s6;
	s7 =	simm.s32 @p2 $0x1082  }
0x22: {  	[simem:s7], [sflag:s8] =	dma.local @!p0 [hbm:s6], $0xF7A  }
0x23: {  	s9 =	sor.u32 $0xD0000000, s2;
	s6 =	simm.s32 $0x108;
	_ =	swait.ge @!p0 [sflag:s8], $0x0  }
0x24: {  	s3 =	sadd.s32 $0x88, s3;
	s6 =	simm.s32 @!p1 $0x1082;
	[sflag:s4] =	ssyncset.s32 $0xFFFFF086  }
0x25: {  	[simem:s6], [sflag:s4] =	dma.local [hbm:s3], $0xF7A  }
0x26: {  	[smem:$0x3F9A] =	sst s1;
	(tag) =	ssettag s2;
	_ =	strace s9  }
0x27: {  	s1 =	sld [smem:$0x3FAA]  }
0x28: {  	s2 =	sld [smem:$0x3FAB]  }
0x29: {  	s4 =	sld [smem:$0x3FAD]  }
0x2a: {  	p0 =	seq.s32 s5, $0x0;
	s5 =	sld [smem:$0x3FAE]  }
0x2b: {  	s6 =	sld [smem:$0x3FAF]  }
0x2c: {  	s7 =	sld [smem:$0x3FB0]  }
0x2d: {  	s3 =	simm.s32 $0x108;
	s8 =	sld [smem:$0x3FB1]  }
0x2e: {  	s3 =	simm.s32 @!p0 $0x1082;
	s9 =	sld [smem:$0x3FB2]  }
0x2f: {  	lr =	sadd.s32 s0, s3;
	s0 =	sld [smem:$0x3FA9]  }
0x30: {  	s3 =	sld [smem:$0x3FAC]  }
0x31: {  	[smem:$0x3FB5] =	sst s10  }
0x32: {  	s10 =	sld [smem:$0x3FB3];
	_ =	sdelay $0x3  }
0x33: {  	p0 =	seq.s32 s10, $0x1;
	s10 =	sld [smem:$0x3FB5];
	_ =	sdelay $0x3  }
0x34: {  	[smem:$0x3FB5] =	sst s10  }
0x35: {  	s10 =	sld [smem:$0x3FB4];
	_ =	sdelay $0x3  }
0x36: {  	p1 =	seq.s32 s10, $0x1;
	s10 =	sld [smem:$0x3FB5];
	_ =	sdelay $0x3  }
0x37: {  	[smem:$0x3FB5] =	sst s10  }
0x38: {  	s10 =	sld [smem:$0x3FB6]  }
0x39: {  	_ = 	snop;
	(pc) =	sbr.ind lr, $3  }
0x3a: {  	_ = 	snop  }
0x3b: {  	_ = 	snop  }
0x3c: {  	p2 =	seq.s32 s10, $0x1;
	s10 =	sld [smem:$0x3FB5]  }
0x3d: {  	_ =	shalt  }
0x3e: {  	_ =	shalt  }
0x3f: {  	_ =	shalt  }
0x40: {  	_ =	shalt  }
0x41: {  	_ =	shalt  }
0x42: {  	_ =	shalt  }
0x43: {  	_ =	shalt  }
0x44: {  	_ =	shalt  }
0x45: {  	_ =	shalt  }
0x46: {  	_ =	shalt  }
0x47: {  	_ =	shalt  }
0x48: {  	_ =	shalt  }
0x49: {  	_ =	shalt  }
0x4a: {  	_ =	shalt  }
0x4b: {  	_ =	shalt  }
0x4c: {  	_ =	shalt  }
0x4d: {  	_ =	shalt  }
0x4e: {  	_ =	shalt  }
0x4f: {  	_ =	shalt  }
0x50: {  	_ =	shalt  }
0x51: {  	_ =	shalt  }
0x52: {  	_ =	shalt  }
0x53: {  	_ =	shalt  }
0x54: {  	_ =	shalt  }
0x55: {  	_ =	shalt  }
0x56: {  	_ =	shalt  }
0x57: {  	_ =	shalt  }
0x58: {  	_ =	shalt  }
0x59: {  	_ =	shalt  }
0x5a: {  	_ =	shalt  }
0x5b: {  	_ =	shalt  }
0x5c: {  	_ =	shalt  }
0x5d: {  	_ =	shalt  }
0x5e: {  	_ =	shalt  }
0x5f: {  	_ =	shalt  }
0x60: {  	_ =	shalt  }
0x61: {  	_ =	shalt  }
0x62: {  	_ =	shalt  }
0x63: {  	_ =	shalt  }
0x64: {  	_ =	shalt  }
0x65: {  	_ =	shalt  }
0x66: {  	_ =	shalt  }
0x67: {  	_ =	shalt  }
0x68: {  	_ =	shalt  }
0x69: {  	_ =	shalt  }
0x6a: {  	_ =	shalt  }
0x6b: {  	_ =	shalt  }
0x6c: {  	_ =	shalt  }
0x6d: {  	_ =	shalt  }
0x6e: {  	_ =	shalt  }
0x6f: {  	_ =	shalt  }
0x70: {  	_ =	shalt  }
0x71: {  	_ =	shalt  }
0x72: {  	_ =	shalt  }
0x73: {  	_ =	shalt  }
0x74: {  	_ =	shalt  }
0x75: {  	_ =	shalt  }
0x76: {  	_ =	shalt  }
0x77: {  	_ =	shalt  }
0x78: {  	_ =	shalt  }
0x79: {  	_ =	shalt  }
0x7a: {  	_ =	shalt  }
0x7b: {  	_ =	shalt  }
0x7c: {  	_ =	shalt  }
0x7d: {  	_ =	shalt  }
0x7e: {  	_ =	shalt  }
0x7f: {  	_ =	shalt  }
0x80: {  	_ =	shalt  }
0x81: {  	_ =	shalt  }
0x82: {  	_ =	shalt  }
0x83: {  	_ =	shalt  }
0x84: {  	_ =	shalt  }
0x85: {  	_ =	shalt  }
0x86: {  	_ =	shalt  }
0x87: {  	_ =	shalt  }
.Lfunc_end0:
.L_simem_size_0:
called_computation.1_lowered:
.L_overlay_start_0:
0x88: {  	s2 =	sld [smem:$0x3FD9]  }
0x89: {  	s3 =	sld [smem:$0x3FFE];
	_ =	sdelay $0x1  }
0x8a: {  	s1 =	srdreg.scid  }
0x8b: {  	s0 =	sand.u32 $0x1, s1  }
0x8c: {  	s17 =	sshll.u32 s0, $0xA;
	s2 =	sadd.s32 s3, s2  }
0x8d: {  	s2 =	sadd.s32 s2, s17  }
0x8e: {  	[smem:$0x3FC1] =	sst s2  }
0x8f: {  	_ = 	snop  }
0x90: {  	s2 =	sld [smem:$0x3FC9];
	(tm) =	ssettm $0x1  }
0x91: {  	s18 =	sld [smem:$0x3FFB];
	_ =	sdelay $0x3  }
0x92: {  	_ =	strace s18  }
0x93: {  	s3 =	sld [smem:$0x3FFC];
	_ =	sdelay $0x3  }
0x94: {  	_ =	strace s3  }
0x95: {  	s3 =	sld [smem:$0x3FFD];
	_ =	sdelay $0x3  }
0x96: {  	_ =	strace s3  }
0x97: {  	_ =	strace $0x8FFFFFFF  }
0x98: {  	s19 =	sld [smem:$0x3FDB];
	_ =	sdelay $0x1  }
0x99: {  	s4 =	simm.s32 $_scs_section_size  }
0x9a: {  	s5 =	simm.s32 $_size__tile_overlayer_lowered;
	s6 =	simm.s32 $_tile_overlayer_lowered  }
0x9b: {  	s22 =	simm.s32 $0x1BFF;
	s21 =	sshll.u32 s6, $0x1;
	s3 =	sadd.s32 s4, s19  }
0x9c: {  	s7 =	simm.s32 $0x0;
	s20 =	sshll.u32 s5, $0x1;
	s5 =	sadd.s32 s21, s3  }
0x9d: {  	[timem:s7], [sflag:s22] =	dma.local [hbm:s5], s20  }
0x9e: {  	_ =	swait.ge [sflag:s22], s20  }
0x9f: {  	s4 =	ssub.s32 $0x0, s20;
	[sflag:s22] =	ssyncset.done $0x0  }
0xa0: {  	[sflag:s22] =	ssyncadd.s32 s4;
	_ =	sdelay $0x1  }
0xa1: {  	s23 =	simm.s32 $0x1B8B  }
0xa2: {  	_ =	swait.ge [sflag:s23], $0x1  }
0xa3: {  	[sflag:s23] =	ssyncset.done $0x0  }
0xa4: {  	s25 =	simm.s32 $0x1B8E;
	s24 =	sld [smem:$0x3FFE];
	[sflag:s23] =	ssyncadd.s32 $0xFFFFFFFF  }
0xa5: {  	s26 =	simm.s32 $execute0_lowered;
	[smem:$0x3FD2] =	sst s25  }
0xa6: {  	s5 =	sshll.u32 s26, $0x1;
	_ =	strace $0x80000049;
	[dreg:$0x1] =	wrdreg $0xFFFFFFFF  }
0xa7: {  	s28 =	simm.s32 $_size_execute0_lowered;
	s3 =	sadd.s32 s3, s5;
	[dreg:$0x0] =	wrdreg $0x0  }
0xa8: {  	s5 =	sshll.u32 s28, $0x1;
	[dreg:$0x2] =	wrdreg s3  }
0xa9: {  	[dreg:$0x3] =	wrdreg s5  }
0xaa: {  	[dreg:$0x4] =	wrdreg $0xC0  }
0xab: {  	_ =	task [dreg:s7], $0x5FFFF  }
0xac: {  	[dreg:$0x1] =	wrdreg $0xFFFFFFFF  }
0xad: {  	[dreg:$0x0] =	wrdreg $0x60  }
0xae: {  	[dreg:$0x2] =	wrdreg s24  }
0xaf: {  	[dreg:$0x3] =	wrdreg s2  }
0xb0: {  	[dreg:$0x4] =	wrdreg $0x9  }
0xb1: {  	_ =	task.clear_ibuf [dreg:s7], $0x5FFFF;
	_ =	strace $0x90000049  }
0xb2: {  	s29 =	simm.s32 $0x9;
	_ =	strace $0x8000004B  }
0xb3: {  	_ =	swait.ge [sflag:s29], $0x1  }
0xb4: {  	[sflag:s29] =	ssyncadd.s32 $0xFFFFFFFF  }
0xb5: {  	_ =	strace $0x9000004B  }
0xb6: {  	_ =	sfence  }
0xb7: {  	s30 =	sld [smem:$0x0];
	_ =	sdelay $0x2  }
0xb8: {  	s31 =	sshll.u32 s1, $0xD;
	s1 =	sshrl.u32 s1, $0x2  }
0xb9: {  	s3 =	sand.u32 $0x4000, s31;
	s1 =	sadd.s32 s1, s30  }
0xba: {  	s0 =	sor.u32 s3, s0;
	s1 =	sshll.u32 s1, $0x11  }
0xbb: {  	s0 =	sor.u32 s1, s0  }
0xbc: {  	s0 =	sadd.s32 $0x8F2B, s0  }
0xbd: {  	[sflag:s0] =	ssyncadd.remote.s32 $0x1  }
0xbe: {  	_ =	sfence.sel $0xFFFF  }
0xbf: {  	[dreg:$0x0] =	wrdreg $0xFFFFFFFF;
	(pc) =	sbr.abs _section_cstart, $3  }
0xc0: {  	[dreg:$0x1] =	wrdreg $0xFFFFFFFF  }
0xc1: {  	_ =	task.clear_ibuf [dreg:s7], $0x2FFFF;
	_ =	strace $0x9FFFFFFF  }
0xc2: {  	(tm) =	ssettm $0x7FFFFFFF  }
0xc3: {  	_ =	shalt  }
tec
execute0_lowered:
.L_overlay_start_1:
0x0: {  	(tag) =	ssettag $0x1  }
0x1: {  	s0 =	rddreg [dreg:$0x0];
	s1 =	simm.s32 $0x0;
	s19 =	srdreg.scid  }
0x2: {  	s13 =	stileid.u32;
	[smem:$0x7FF] =	sst s1;
	s18 =	sadd.s32 $0x326000, s0  }
0x3: {  	s2 =	sadd.s32 $0x6000, s0;
	s1 =	sand.u32 $0x1, s19;
	s3 =	sshll.u32 s13, $0x1  }
0x4: {  	s4 =	sadd.s32 $0xC000, s0;
	s5 =	sshrl.u32 s13, $0x1;
	s6 =	sadd.s32 $0x7C00, s0  }
0x5: {  	s0 =	sadd.s32 $0x8000, s0;
	s25 =	sshll.u32 s13, $0x9;
	s13 =	sshll.u32 s13, $0x2  }
0x6: {  	_ =	strace $0x8000004A;
	[dreg:$0x3] =	wrdreg s18;
	s3 =	sor.u32 s1, s3  }
0x7: {  	s8 =	smul.u32 $0x1C00, s5;
	s9 =	ssub.s32 $0x2, s1;
	s12 =	sshll.u32 s5, $0xA  }
0x8: {  	s5 =	smul.u32 $0xC8000, s5;
	s26 =	sshll.u32 s1, $0x8;
	s1 =	sshll.u32 s1, $0x1  }
0x9: {  	s7 =	sshll.u32 s3, $0x8;
	s10 =	sshrl.u32 s9, $0x1;
	s22 =	sshll.u32 s3, $0x9  }
0xa: {  	s3 =	sshllo.u32 s3, $0x1;
	s1 =	sor.u32 s1, s13;
	s7 =	sand.u32 $0x300, s7  }
0xb: {  	s9 =	ssub.s32 s9, s10;
	s23 =	sadd.s32 s0, s22;
	s24 =	sshll.u32 s3, $0x7  }
0xc: {  	s3 =	sshll.u32 s3, $0x8;
	s11 =	sor.u32 s8, s7;
	s7 =	sor.u32 s12, s7  }
0xd: {  	s1 =	sand.u32 $0x6, s1;
	[dreg:$0x7] =	wrdreg s23;
	s7 =	sshrl.u32 s7, $0x3  }
0xe: {  	s0 =	sadd.s32 s0, s3;
	s21 =	sadd.s32 s4, s7;
	s7 =	sadd.s32 s6, s7  }
0xf: {  	s20 =	sshrl.u32 s11, $0x3;
	[dreg:$0x6] =	wrdreg s7;
	s7 =	sand.u32 $0x380, s24  }
0x10: {  	[dreg:$0xb] =	wrdreg s0;
	s10 =	sadd.s32 s2, s20;
	s8 =	sor.u32 s8, s7  }
0x11: {  	[dreg:$0x4] =	wrdreg s10;
	s7 =	sor.u32 s12, s7;
	s8 =	sshrl.u32 s8, $0x3  }
0x12: {  	[dreg:$0x5] =	wrdreg s21;
	s7 =	sshrl.u32 s7, $0x3;
	s2 =	sadd.s32 s2, s8  }
0x13: {  	s10 =	sor.u32 s26, s25;
	s4 =	sadd.s32 s4, s7;
	[dreg:$0x8] =	wrdreg s2  }
0x14: {  	s10 =	sand.u32 $0x300, s10;
	s6 =	sadd.s32 s6, s7;
	[dreg:$0x9] =	wrdreg s4  }
0x15: {  	s8 =	smax.u32 s9, $0x1;
	s2 =	sor.u32 s10, s5;
	[dreg:$0xa] =	wrdreg s6  }
0x16: {  	s1 =	sshll.u32 s1, $0x7;
	[dreg:$0xc] =	wrdreg s8;
	s7 =	sor.u32 $0x3C00, s2  }
0x17: {  	s9 =	sor.u32 $0x3800, s2;
	s10 =	sor.u32 $0x3400, s2;
	s11 =	sor.u32 $0x3000, s2  }
0x18: {  	s12 =	sor.u32 $0x2C00, s2;
	s14 =	sor.u32 $0x2800, s2;
	s15 =	sor.u32 $0x2400, s2  }
0x19: {  	s16 =	sor.u32 $0x2000, s2;
	s17 =	sor.u32 $0x1C00, s2;
	s18 =	sor.u32 $0x1800, s2  }
0x1a: {  	v0 =	vimm.f32 $-Inf;
	s21 =	sor.u32 $0x1400, s2;
	s22 =	sor.u32 $0x1000, s2;
	s23 =	sor.u32 $0xC00, s2  }
0x1b: {  	(xrf0) =	vmin.scan.msk.f32 $0xffff, v0;
	s6 =	sor.u32 $0x800, s2;
	s24 =	sshrl.u32 s7, $0x3;
	s0 =	sshrl.u32 s14, $0x3  }
0x1c: {  	s25 =	sshrl.u32 s9, $0x3;
	s19 =	sshrl.u32 s17, $0x3;
	[dreg:$0x12] =	wrdreg s0  }
0x1d: {  	s26 =	sshrl.u32 s10, $0x3;
	s20 =	sshrl.u32 s18, $0x3;
	[dreg:$0x15] =	wrdreg s19  }
0x1e: {  	s14 =	sor.u32 s1, s5;
	s1 =	sshrl.u32 s22, $0x3;
	[dreg:$0x16] =	wrdreg s20  }
0x1f: {  	s28 =	sshrl.u32 s11, $0x3;
	s4 =	sshrl.u32 s23, $0x3;
	[dreg:$0x18] =	wrdreg s1  }
0x20: {  	s29 =	sshrl.u32 s12, $0x3;
	s5 =	sshrl.u32 s2, $0x3;
	[dreg:$0x19] =	wrdreg s4  }
0x21: {  	v1, _, _ =	vpop (xrf0);
	s7 =	sor.u32 $0x400, s2;
	s0 =	sshrl.u32 s15, $0x3;
	[dreg:$0x1a] =	wrdreg s5  }
0x22: {  	(v2sf) =	vpush v1, $0xF;
	s30 =	sshrl.u32 s7, $0x3;
	s8 =	sor.u32 $0x80, s14;
	s9 =	sor.u32 $0x3C80, s14  }
0x23: {  	s10 =	sor.u32 $0x3880, s14;
	s11 =	sor.u32 $0x3480, s14;
	[dreg:$0xd] =	wrdreg s24  }
0x24: {  	s12 =	sor.u32 $0x3080, s14;
	s13 =	sor.u32 $0x2C80, s14;
	[dreg:$0xe] =	wrdreg s25  }
0x25: {  	s15 =	sor.u32 $0x2880, s14;
	s17 =	sor.u32 $0x2080, s14;
	[dreg:$0xf] =	wrdreg s26  }
0x26: {  	s18 =	sor.u32 $0x1C80, s14;
	s19 =	sor.u32 $0x1880, s14;
	[dreg:$0x10] =	wrdreg s28  }
0x27: {  	s20 =	sor.u32 $0x1480, s14;
	s22 =	sor.u32 $0xC80, s14;
	[dreg:$0x11] =	wrdreg s29  }
0x28: {  	s23 =	sor.u32 $0x880, s14;
	[dreg:$0x13] =	wrdreg s0;
	s0 =	sshrl.u32 s16, $0x3  }
0x29: {  	s31 =	sshrl.u32 s8, $0x3;
	s3 =	sshrl.u32 s10, $0x3;
	s1 =	sshrl.u32 s11, $0x3  }
0x2a: {  	s5 =	sshrl.u32 s12, $0x3;
	s7 =	sshrl.u32 s15, $0x3;
	s16 =	sor.u32 $0x2480, s14  }
0x2b: {  	s10 =	sshrl.u32 s18, $0x3;
	s11 =	sshrl.u32 s19, $0x3;
	s12 =	sshrl.u32 s20, $0x3  }
0x2c: {  	s2 =	sshrl.u32 s22, $0x3;
	s4 =	sshrl.u32 s23, $0x3;
	s20 =	simm.s32 $0x2  }
0x2d: {  	[dreg:$0x14] =	wrdreg s0;
	s0 =	sshrl.u32 s21, $0x3;
	s8 =	sshrl.u32 s16, $0x3  }
.Ltmp0:
0x2e: {  	s21 =	sor.u32 $0x1080, s14;
	s14 =	sor.u32 $0x480, s14;
	(pc) =	sbr.rel .LBB2_1-.Ltmp0, $4  }
0x2f: {  	[dreg:$0x17] =	wrdreg s0;
	s0 =	sshrl.u32 s6, $0x3;
	s6 =	sshrl.u32 s13, $0x3  }
0x30: {  	s13 =	sshrl.u32 s21, $0x3;
	s14 =	sshrl.u32 s14, $0x3;
	[dreg:$0x1b] =	wrdreg s0  }
0x31: {  	s0 =	sshrl.u32 s9, $0x3;
	s9 =	sshrl.u32 s17, $0x3;
	s15 =	spop (v2sf)  }
0x32: {  	v1 =	vimm.f32 $0.0e+00;
	s17 =	simm.s32 $0x0;
	[dreg:$0x1c] =	wrdreg s15;
	s15 =	simm.s32 $0x1  }
.LBB2_19:
0x33: {  	v2 =	vimm.s32 $0x0;
	v3 =	vimm.f32 $-Inf  }
.LBB2_23:
0x34: {  	[tilespmem:$0x19380] =	vst v3;
	s17 =	simm.s32 $0x0  }
0x35: {  	[tilespmem:$0x19400] =	vst v2;
	s16 =	rddreg [dreg:$0x9];
	s18 =	simm.s32 $0x19380;
	s20 =	simm.s32 $0x2  }
0x36: {  	[hbm4b:s16+s17] =	stream.linear.scatter [tilespmem:s18], [sflag:$0x2], $0x80, $0x38;
	[tilespmem:$0x19C80] =	vst v63  }
0x37: {  	_ =	swait.ge [sflag:s20], $0x80  }
0x38: {  	[sflag:s20] =	ssyncset.done $0x0  }
0x39: {  	s22 =	simm.s32 $0x19400;
	s21 =	rddreg [dreg:$0xa];
	[sflag:s20] =	ssyncadd.s32 $0xFFFFFF80  }
0x3a: {  	[hbm4b:s21+s17] =	stream.linear.scatter [tilespmem:s22], [sflag:$0x2], $0x80, $0x38;
	[tilespmem:$0x19C80] =	vst v63  }
0x3b: {  	_ =	swait.ge [sflag:s20], $0x80  }
0x3c: {  	[sflag:s20] =	ssyncset.done $0x0  }
0x3d: {  	[sflag:s20] =	ssyncadd.s32 $0xFFFFFF80  }
0x3e: {  	s19 =	simm.s32 $0x10;
	s21 =	simm.s32 $0x19480;
	s23 =	rddreg [dreg:$0x1]  }
0x3f: {  	[tilespmem:s21], [sflag:$0x1] =	stream.indirect.gather [hbm4b:s23+s19], $0x80, s22, s19, $0xb8;
	[tilespmem:$0x19C80] =	vst v63  }
0x40: {  	_ =	swait.ge [sflag:s15], $0x800  }
0x41: {  	[sflag:s15] =	ssyncset.done $0x0  }
0x42: {  	s24 =	rddreg [dreg:$0xb];
	[sflag:s15] =	ssyncadd.s32 $0xFFFFF800  }
0x43: {  	[hbm4b:s24+s17] =	stream.linear.scatter [tilespmem:s21], [sflag:$0x2], $0x800, $0x38;
	[tilespmem:$0x19C80] =	vst v63  }
0x44: {  	_ =	swait.ge [sflag:s20], $0x800  }
0x45: {  	s25 =	rddreg [dreg:$0x1d]  }
0x46: {  	s26 =	rddreg [dreg:$0xc];
	s17 =	sadd.s32 $0x1, s25  }
0x47: {  	p0 =	sne.s32 s17, s26  }
.Ltmp1:
0x48: {  	s24 =	rddreg [dreg:$0xd];
	(pc) =	sbr.rel @!p0 .LBB2_24-.Ltmp1, $4  }
0x49: {  	s28 =	rddreg [dreg:$0x10]  }
0x4a: {  	s29 =	rddreg [dreg:$0x11]  }
0x4b: {  	[sflag:s20] =	ssyncset.done $0x0;
	s25 =	rddreg [dreg:$0xe]  }
0x4c: {  	[sflag:s20] =	ssyncadd.s32 $0xFFFFF800;
	s26 =	rddreg [dreg:$0xf]  }
.LBB2_1:
0x4d: {  	[dreg:$0x1d] =	wrdreg s17  }
0x4e: {  	s16 =	rddreg [dreg:$0x4]  }
0x4f: {  	s21 =	simm.s32 $0x80;
	s18 =	simm.s32 $0x400;
	s19 =	simm.s32 $0x19000  }
0x50: {  	[tilespmem:s19], [sflag:$0x2] =	stream.strided.gather [hbm4b:s16+s21], $0x380, s18, s21, $0x38;
	[tilespmem:$0x19C80] =	vst v63  }
0x51: {  	_ =	swait.ge [sflag:s20], $0x380  }
0x52: {  	[sflag:s20] =	ssyncset.done $0x0  }
0x53: {  	s22 =	simm.s32 $0x0;
	[sflag:s20] =	ssyncadd.s32 $0xFFFFFC80  }
0x54: {  	v2 =	vld [tilespmem:s22+$0x19000];
	_ =	sdelay $0x3  }
0x55: {  	s17 =	rddreg [dreg:$0x1c]  }
0x56: {  	vm0 =	vgt.f32 v2, s17  }
0x57: {  	v3 =	vsel vm0, $0x3F800000, v1  }
0x58: {  	(xrf0) =	vmax.scan.msk.f32 $0xffff, v3;
	_ =	sdelay $0x5  }
0x59: {  	v3, _, _ =	vpop (xrf0)  }
0x5a: {  	(v2sf) =	vpush v3, $0xF;
	_ =	sdelay $0xe  }
0x5b: {  	s23 =	spop (v2sf)  }
0x5c: {  	p1 =	sgt.f32 s23, $0.0e+00;
	_ =	sdelay $0x1  }
0x5d: {  	v3 =	vlaneseq.u32 @p1  }
0x5e: {  	(xrf1) =	vsort.dscd.msk.f32 @p1 $0xffff, v2, v3;
	_ =	sdelay $0xb  }
0x5f: {  	v2 =	vmul.u32 @p1 $0xFFFFFFFF, v3;
	_ =	sdelay $0x1  }
0x60: {  	v2 =	vadd.s32 @p1 $0xF, v2;
	v4, _, _ =	vpop @p1 (xrf1)  }
0x61: {  	v2 =	vperm.xlane @p1 v4, v2;
	_ =	sdelay $0x1  }
0x62: {  	v2 =	vmax.f32 @p1 v0, v2  }
0x63: {  	(xrf1) =	vsort.dscd.msk.f32 @p1 $0xffff, v2, v3;
	_ =	sdelay $0xd  }
0x64: {  	v2, _, _ =	vpop @p1 (xrf1)  }
0x65: {  	(xrf0) =	vmin.scan.msk.f32 @p1 $0xffff, v2;
	_ =	sdelay $0x5  }
0x66: {  	v3, _, _ =	vpop @p1 (xrf0)  }
0x67: {  	s16 =	simm.s32 $0x40;
	v2 =	vpsel p1, v2, v0;
	(v2sf) =	vpush @p1 v3, $0xF  }
.LBB2_2:
0x68: {  	_ =	sdelay $0x9  }
0x69: {  	s18 =	sshra.s32 s16, $0x2;
	s16 =	sadd.s32 $0x40, s16  }
0x6a: {  	v3 =	vld [tilespmem:s18+$0x19000];
	p0 =	seq.s32 s16, $0xC80;
	_ =	sdelay $0x2  }
0x6b: {  	s18 =	spop @p1 (v2sf)  }
0x6c: {  	s17 =	smov.u32 @p1 s18  }
0x6d: {  	vm0 =	vgt.f32 v3, s17  }
0x6e: {  	v4 =	vsel vm0, $0x3F800000, v1  }
0x6f: {  	(xrf0) =	vmax.scan.msk.f32 $0xffff, v4;
	_ =	sdelay $0x5  }
0x70: {  	v4, _, _ =	vpop (xrf0)  }
0x71: {  	(v2sf) =	vpush v4, $0xF;
	_ =	sdelay $0xe  }
0x72: {  	s18 =	spop (v2sf)  }
0x73: {  	p1 =	sgt.f32 s18, $0.0e+00;
	_ =	sdelay $0x1  }
0x74: {  	v4 =	vlaneseq.u32 @p1  }
0x75: {  	(xrf1) =	vsort.dscd.msk.f32 @p1 $0xffff, v3, v4;
	_ =	sdelay $0xb  }
0x76: {  	v3 =	vmul.u32 @p1 $0xFFFFFFFF, v4;
	_ =	sdelay $0x1  }
0x77: {  	v3 =	vadd.s32 @p1 $0xF, v3;
	v5, _, _ =	vpop @p1 (xrf1)  }
0x78: {  	v3 =	vperm.xlane @p1 v5, v3;
	_ =	sdelay $0x1  }
0x79: {  	v3 =	vmax.f32 @p1 v2, v3  }
0x7a: {  	(xrf1) =	vsort.dscd.msk.f32 @p1 $0xffff, v3, v4;
	_ =	sdelay $0xd  }
0x7b: {  	v3, _, _ =	vpop @p1 (xrf1)  }
0x7c: {  	v2 =	vpsel p1, v3, v2;
	(xrf0) =	vmin.scan.msk.f32 @p1 $0xffff, v3;
	_ =	sdelay $0x2  }
.Ltmp2:
0x7d: {  	(pc) =	sbr.rel @!p0 .LBB2_2-.Ltmp2, $3  }
0x7e: {  	_ =	sdelay $0x1  }
0x7f: {  	v3, _, _ =	vpop @p1 (xrf0)  }
0x80: {  	(v2sf) =	vpush @p1 v3, $0xF  }
0x81: {  	_ =	sdelay $0xb  }
.Ltmp3:
0x82: {  	_ = 	snop;
	(pc) =	sbr.rel .LBB2_4-.Ltmp3, $4  }
0x83: {  	_ = 	snop  }
0x84: {  	s16 =	spop @p1 (v2sf)  }
0x85: {  	s18 =	simm.s32 $0xF;
	s17 =	smov.u32 @p1 s16  }
0x86: {  	s19 =	simm.s32 $0x19000;
	s20 =	rddreg [dreg:$0x3];
	s16 =	simm.s32 $0x0;
	v2 =	vmov s17  }
.LBB2_6:
0x87: {  	s18 =	sadd.s32 $0x10, s18  }
0x88: {  	p0 =	seq.s32 s18, $0x32F  }
.Ltmp4:
0x89: {  	_ = 	snop;
	(pc) =	sbr.rel @p0 .LBB2_7-.Ltmp4, $2  }
0x8a: {  	_ =	sdelay $0x2  }
0x8b: {  	s20 =	sadd.s32 $0x800, s20;
	s19 =	sadd.s32 $0x10, s19  }
.LBB2_4:
0x8c: {  	v3 =	vld [tilespmem:s19+$0x0];
	_ =	sdelay $0x4  }
0x8d: {  	vm0 =	vge.f32 v3, v2  }
0x8e: {  	v4 =	vsel vm0, $0x3F800000, v1  }
0x8f: {  	(xrf0) =	vmax.scan.msk.f32 $0xffff, v4;
	_ =	sdelay $0x5  }
0x90: {  	v4, _, _ =	vpop (xrf0)  }
0x91: {  	(v2sf) =	vpush v4, $0xF;
	_ =	sdelay $0xe  }
0x92: {  	s21 =	spop (v2sf)  }
0x93: {  	p0 =	sgt.f32 s21, $0.0e+00  }
.Ltmp5:
0x94: {  	_ = 	snop;
	(pc) =	sbr.rel @!p0 .LBB2_6-.Ltmp5, $1  }
0x95: {  	_ =	sdelay $0x3  }
0x96: {  	(v2sf) =	vpush v3, $0x0;
	_ =	sdelay $0x5  }
0x97: {  	(v2sf) =	vpush v3, $0x1;
	_ =	sdelay $0x5  }
0x98: {  	(v2sf) =	vpush v3, $0x2;
	_ =	sdelay $0x2  }
0x99: {  	s21 =	spop (v2sf)  }
0x9a: {  	p0 =	sge.f32 s21, s17;
	_ =	sdelay $0x1  }
0x9b: {  	s22 =	rddreg [dreg:$0x1a];
	(v2sf) =	vpush v3, $0x3;
	s21 =	sshll.u32 @p0 s16, $0x9  }
0x9c: {  	s22 =	sadd.s32 @p0 s20, s22;
	s23 =	simm.s32 @p0 $0x0;
	s21 =	sshra.s32 @p0 s21, $0x2  }
0x9d: {  	[tilespmem:s21], [sflag:$0x1] =	stream.linear.gather @p0 [hbm4b:s22+s23], $0x80, $0x38;
	[tilespmem:$0x19C80] =	vst v63  }
0x9e: {  	s21 =	sadd.s32 $0xFFFFFFF1, s18;
	s23 =	spop (v2sf)  }
0x9f: {  	[smem:s16] =	sst @p0 s21;
	s21 =	sadd.s32 @p0 $0x1, s16;
	p1 =	sge.f32 s23, s17  }
0xa0: {  	s16 =	smov.u32 @p0 s21  }
0xa1: {  	(v2sf) =	vpush v3, $0x4;
	s21 =	sshll.u32 @p1 s16, $0x9  }
0xa2: {  	s22 =	sadd.s32 @p1 s20, s30;
	s23 =	simm.s32 @p1 $0x0;
	s21 =	sshra.s32 @p1 s21, $0x2  }
0xa3: {  	[tilespmem:s21], [sflag:$0x1] =	stream.linear.gather @p1 [hbm4b:s22+s23], $0x80, $0x38;
	[tilespmem:$0x19C80] =	vst v63  }
0xa4: {  	s21 =	sadd.s32 @p1 $0xFFFFFFF2, s18;
	s23 =	spop (v2sf)  }
0xa5: {  	[smem:s16] =	sst @p1 s21;
	s21 =	sadd.s32 @p1 $0x1, s16;
	p0 =	sge.f32 s23, s17  }
0xa6: {  	s16 =	smov.u32 @p1 s21  }
0xa7: {  	(v2sf) =	vpush v3, $0x5;
	s22 =	rddreg [dreg:$0x1b];
	s21 =	sshll.u32 @p0 s16, $0x9  }
0xa8: {  	s22 =	sadd.s32 @p0 s20, s22;
	s23 =	simm.s32 @p0 $0x0;
	s21 =	sshra.s32 @p0 s21, $0x2  }
0xa9: {  	[tilespmem:s21], [sflag:$0x1] =	stream.linear.gather @p0 [hbm4b:s22+s23], $0x80, $0x38;
	[tilespmem:$0x19C80] =	vst v63  }
0xaa: {  	s21 =	sadd.s32 @p0 $0xFFFFFFF3, s18;
	s23 =	spop (v2sf)  }
0xab: {  	[smem:s16] =	sst @p0 s21;
	s21 =	sadd.s32 @p0 $0x1, s16;
	p1 =	sge.f32 s23, s17  }
0xac: {  	s16 =	smov.u32 @p0 s21  }
0xad: {  	(v2sf) =	vpush v3, $0x6;
	s22 =	rddreg [dreg:$0x19];
	s21 =	sshll.u32 @p1 s16, $0x9  }
0xae: {  	s22 =	sadd.s32 @p1 s20, s22;
	s23 =	simm.s32 @p1 $0x0;
	s21 =	sshra.s32 @p1 s21, $0x2  }
0xaf: {  	[tilespmem:s21], [sflag:$0x1] =	stream.linear.gather @p1 [hbm4b:s22+s23], $0x80, $0x38;
	[tilespmem:$0x19C80] =	vst v63  }
0xb0: {  	s21 =	sadd.s32 @p1 $0xFFFFFFF4, s18;
	s23 =	spop (v2sf)  }
0xb1: {  	[smem:s16] =	sst @p1 s21;
	s21 =	sadd.s32 @p1 $0x1, s16;
	p0 =	sge.f32 s23, s17  }
0xb2: {  	s16 =	smov.u32 @p1 s21  }
0xb3: {  	(v2sf) =	vpush v3, $0x7;
	s22 =	rddreg [dreg:$0x18];
	s21 =	sshll.u32 @p0 s16, $0x9  }
0xb4: {  	s22 =	sadd.s32 @p0 s20, s22;
	s23 =	simm.s32 @p0 $0x0;
	s21 =	sshra.s32 @p0 s21, $0x2  }
0xb5: {  	[tilespmem:s21], [sflag:$0x1] =	stream.linear.gather @p0 [hbm4b:s22+s23], $0x80, $0x38;
	[tilespmem:$0x19C80] =	vst v63  }
0xb6: {  	s21 =	sadd.s32 @p0 $0xFFFFFFF5, s18;
	s23 =	spop (v2sf)  }
0xb7: {  	[smem:s16] =	sst @p0 s21;
	s21 =	sadd.s32 @p0 $0x1, s16;
	p1 =	sge.f32 s23, s17  }
0xb8: {  	s16 =	smov.u32 @p0 s21  }
0xb9: {  	(v2sf) =	vpush v3, $0x8;
	s22 =	rddreg [dreg:$0x17];
	s21 =	sshll.u32 @p1 s16, $0x9  }
0xba: {  	s22 =	sadd.s32 @p1 s20, s22;
	s23 =	simm.s32 @p1 $0x0;
	s21 =	sshra.s32 @p1 s21, $0x2  }
0xbb: {  	[tilespmem:s21], [sflag:$0x1] =	stream.linear.gather @p1 [hbm4b:s22+s23], $0x80, $0x38;
	[tilespmem:$0x19C80] =	vst v63  }
0xbc: {  	s21 =	sadd.s32 @p1 $0xFFFFFFF6, s18;
	s23 =	spop (v2sf)  }
0xbd: {  	[smem:s16] =	sst @p1 s21;
	s21 =	sadd.s32 @p1 $0x1, s16;
	p0 =	sge.f32 s23, s17  }
0xbe: {  	s16 =	smov.u32 @p1 s21  }
0xbf: {  	(v2sf) =	vpush v3, $0x9;
	s22 =	rddreg [dreg:$0x16];
	s21 =	sshll.u32 @p0 s16, $0x9  }
0xc0: {  	s22 =	sadd.s32 @p0 s20, s22;
	s23 =	simm.s32 @p0 $0x0;
	s21 =	sshra.s32 @p0 s21, $0x2  }
0xc1: {  	[tilespmem:s21], [sflag:$0x1] =	stream.linear.gather @p0 [hbm4b:s22+s23], $0x80, $0x38;
	[tilespmem:$0x19C80] =	vst v63  }
0xc2: {  	s21 =	sadd.s32 @p0 $0xFFFFFFF7, s18;
	s23 =	spop (v2sf)  }
0xc3: {  	[smem:s16] =	sst @p0 s21;
	s21 =	sadd.s32 @p0 $0x1, s16;
	p1 =	sge.f32 s23, s17  }
0xc4: {  	s16 =	smov.u32 @p0 s21  }
0xc5: {  	(v2sf) =	vpush v3, $0xA;
	s22 =	rddreg [dreg:$0x15];
	s21 =	sshll.u32 @p1 s16, $0x9  }
0xc6: {  	s22 =	sadd.s32 @p1 s20, s22;
	s23 =	simm.s32 @p1 $0x0;
	s21 =	sshra.s32 @p1 s21, $0x2  }
0xc7: {  	[tilespmem:s21], [sflag:$0x1] =	stream.linear.gather @p1 [hbm4b:s22+s23], $0x80, $0x38;
	[tilespmem:$0x19C80] =	vst v63  }
0xc8: {  	s21 =	sadd.s32 @p1 $0xFFFFFFF8, s18;
	s23 =	spop (v2sf)  }
0xc9: {  	[smem:s16] =	sst @p1 s21;
	s21 =	sadd.s32 @p1 $0x1, s16;
	p0 =	sge.f32 s23, s17  }
0xca: {  	s16 =	smov.u32 @p1 s21  }
0xcb: {  	(v2sf) =	vpush v3, $0xB;
	s22 =	rddreg [dreg:$0x14];
	s21 =	sshll.u32 @p0 s16, $0x9  }
0xcc: {  	s22 =	sadd.s32 @p0 s20, s22;
	s23 =	simm.s32 @p0 $0x0;
	s21 =	sshra.s32 @p0 s21, $0x2  }
0xcd: {  	[tilespmem:s21], [sflag:$0x1] =	stream.linear.gather @p0 [hbm4b:s22+s23], $0x80, $0x38;
	[tilespmem:$0x19C80] =	vst v63  }
0xce: {  	s21 =	sadd.s32 @p0 $0xFFFFFFF9, s18;
	s23 =	spop (v2sf)  }
0xcf: {  	[smem:s16] =	sst @p0 s21;
	s21 =	sadd.s32 @p0 $0x1, s16;
	p1 =	sge.f32 s23, s17  }
0xd0: {  	s16 =	smov.u32 @p0 s21  }
0xd1: {  	(v2sf) =	vpush v3, $0xC;
	s22 =	rddreg [dreg:$0x13];
	s21 =	sshll.u32 @p1 s16, $0x9  }
0xd2: {  	s22 =	sadd.s32 @p1 s20, s22;
	s23 =	simm.s32 @p1 $0x0;
	s21 =	sshra.s32 @p1 s21, $0x2  }
0xd3: {  	[tilespmem:s21], [sflag:$0x1] =	stream.linear.gather @p1 [hbm4b:s22+s23], $0x80, $0x38;
	[tilespmem:$0x19C80] =	vst v63  }
0xd4: {  	s21 =	sadd.s32 @p1 $0xFFFFFFFA, s18;
	s23 =	spop (v2sf)  }
0xd5: {  	[smem:s16] =	sst @p1 s21;
	s21 =	sadd.s32 @p1 $0x1, s16;
	p0 =	sge.f32 s23, s17  }
0xd6: {  	s16 =	smov.u32 @p1 s21  }
0xd7: {  	(v2sf) =	vpush v3, $0xD;
	s22 =	rddreg [dreg:$0x12];
	s21 =	sshll.u32 @p0 s16, $0x9  }
0xd8: {  	s22 =	sadd.s32 @p0 s20, s22;
	s23 =	simm.s32 @p0 $0x0;
	s21 =	sshra.s32 @p0 s21, $0x2  }
0xd9: {  	[tilespmem:s21], [sflag:$0x1] =	stream.linear.gather @p0 [hbm4b:s22+s23], $0x80, $0x38;
	[tilespmem:$0x19C80] =	vst v63  }
0xda: {  	s21 =	sadd.s32 @p0 $0xFFFFFFFB, s18;
	s23 =	spop (v2sf)  }
0xdb: {  	[smem:s16] =	sst @p0 s21;
	s21 =	sadd.s32 @p0 $0x1, s16;
	p1 =	sge.f32 s23, s17  }
0xdc: {  	s16 =	smov.u32 @p0 s21  }
0xdd: {  	(v2sf) =	vpush v3, $0xE;
	s21 =	sshll.u32 @p1 s16, $0x9  }
0xde: {  	s22 =	sadd.s32 @p1 s20, s29;
	s23 =	simm.s32 @p1 $0x0;
	s21 =	sshra.s32 @p1 s21, $0x2  }
0xdf: {  	[tilespmem:s21], [sflag:$0x1] =	stream.linear.gather @p1 [hbm4b:s22+s23], $0x80, $0x38;
	[tilespmem:$0x19C80] =	vst v63  }
0xe0: {  	s21 =	sadd.s32 @p1 $0xFFFFFFFC, s18;
	s23 =	spop (v2sf)  }
0xe1: {  	[smem:s16] =	sst @p1 s21;
	s21 =	sadd.s32 @p1 $0x1, s16;
	p0 =	sge.f32 s23, s17  }
0xe2: {  	s16 =	smov.u32 @p1 s21  }
0xe3: {  	(v2sf) =	vpush v3, $0xF;
	s21 =	sshll.u32 @p0 s16, $0x9  }
0xe4: {  	s22 =	sadd.s32 @p0 s20, s28;
	s23 =	simm.s32 @p0 $0x0;
	s21 =	sshra.s32 @p0 s21, $0x2  }
0xe5: {  	[tilespmem:s21], [sflag:$0x1] =	stream.linear.gather @p0 [hbm4b:s22+s23], $0x80, $0x38;
	[tilespmem:$0x19C80] =	vst v63  }
0xe6: {  	s23 =	spop (v2sf);
	s22 =	sadd.s32 @p0 $0xFFFFFFFD, s18  }
0xe7: {  	[smem:s16] =	sst @p0 s22;
	s22 =	sadd.s32 @p0 $0x1, s16;
	p1 =	sge.f32 s23, s17  }
0xe8: {  	s16 =	smov.u32 @p0 s22  }
0xe9: {  	s21 =	sshll.u32 @p1 s16, $0x9  }
0xea: {  	s22 =	sadd.s32 @p1 s20, s26;
	s23 =	simm.s32 @p1 $0x0;
	s21 =	sshra.s32 @p1 s21, $0x2  }
0xeb: {  	[tilespmem:s21], [sflag:$0x1] =	stream.linear.gather @p1 [hbm4b:s22+s23], $0x80, $0x38;
	[tilespmem:$0x19C80] =	vst v63  }
0xec: {  	s23 =	spop (v2sf);
	s22 =	sadd.s32 @p1 $0xFFFFFFFE, s18  }
0xed: {  	[smem:s16] =	sst @p1 s22;
	s22 =	sadd.s32 @p1 $0x1, s16;
	p0 =	sge.f32 s23, s17  }
0xee: {  	s16 =	smov.u32 @p1 s22  }
0xef: {  	s21 =	sshll.u32 @p0 s16, $0x9  }
0xf0: {  	s22 =	sadd.s32 @p0 s20, s25;
	s23 =	simm.s32 @p0 $0x0;
	s21 =	sshra.s32 @p0 s21, $0x2  }
0xf1: {  	[tilespmem:s21], [sflag:$0x1] =	stream.linear.gather @p0 [hbm4b:s22+s23], $0x80, $0x38;
	[tilespmem:$0x19C80] =	vst v63  }
0xf2: {  	s21 =	sadd.s32 @p0 $0xFFFFFFFF, s18;
	s23 =	spop (v2sf)  }
0xf3: {  	[smem:s16] =	sst @p0 s21;
	s21 =	sadd.s32 @p0 $0x1, s16;
	p1 =	sge.f32 s23, s17  }
0xf4: {  	s16 =	smov.u32 @p0 s21  }
.Ltmp6:
0xf5: {  	s21 =	sshll.u32 @p1 s16, $0x9;
	(pc) =	sbr.rel .LBB2_6-.Ltmp6, $4  }
0xf6: {  	s22 =	sadd.s32 @p1 s20, s24;
	s23 =	simm.s32 @p1 $0x0;
	s21 =	sshra.s32 @p1 s21, $0x2  }
0xf7: {  	[tilespmem:s21], [sflag:$0x1] =	stream.linear.gather @p1 [hbm4b:s22+s23], $0x80, $0x38;
	[tilespmem:$0x19C80] =	vst v63  }
0xf8: {  	s21 =	sadd.s32 @p1 $0x1, s16  }
0xf9: {  	[smem:s16] =	sst @p1 s18;
	s16 =	smov.u32 @p1 s21  }
.LBB2_7:
0xfa: {  	p0 =	sgt.s32 s16, $0x0  }
.Ltmp7:
0xfb: {  	_ = 	snop;
	(pc) =	sbr.rel @!p0 .LBB2_8-.Ltmp7, $2  }
0xfc: {  	_ =	sdelay $0x2  }
0xfd: {  	v2 =	vimm.f32 $-Inf;
	s17 =	smov.u32 s16  }
.LBB2_9:
0xfe: {  	p0 =	sne.s32 s17, $0x1  }
.Ltmp8:
0xff: {  	_ = 	snop;
	(pc) =	sbr.rel @p0 .LBB2_9-.Ltmp8, $4  }
0x100: {  	_ = 	snop  }
0x101: {  	_ =	swait.ge [sflag:s15], $0x80  }
0x102: {  	[sflag:s15] =	ssyncset.done $0x0  }
0x103: {  	s17 =	sadd.s32 $0xFFFFFFFF, s17;
	[sflag:s15] =	ssyncadd.s32 $0xFFFFFF80  }
0x104: {  	v4 =	vimm.f32 $-Inf;
	v3 =	vimm.s32 $0x0;
	s17 =	simm.s32 $0x0;
	s18 =	simm.s32 $0x40;
	s19 =	rddreg [dreg:$0x1c]  }
.LBB2_11:
0x105: {  	v5 =	vld [tilespmem:s18+$0xFFFFFFC0];
	_ =	sdelay $0x4  }
0x106: {  	vm0 =	vgt.f32 v5, s19  }
0x107: {  	v6 =	vsel vm0, $0x3F800000, v1  }
0x108: {  	(xrf0) =	vmax.scan.msk.f32 $0xffff, v6;
	_ =	sdelay $0x5  }
0x109: {  	v6, _, _ =	vpop (xrf0)  }
0x10a: {  	(v2sf) =	vpush v6, $0xF;
	_ =	sdelay $0xe  }
0x10b: {  	s20 =	sld [smem:s17+$0x0];
	s21 =	spop (v2sf)  }
0x10c: {  	p0 =	sgt.f32 s21, $0.0e+00;
	_ =	sdelay $0x1  }
0x10d: {  	s20 =	sshll.u32 s20, $0x7;
	v6 =	vlaneseq.u32 @p0  }
0x10e: {  	v7 =	vor.u32 @p0 s20, v6  }
0x10f: {  	(xrf1) =	vsort.dscd.msk.f32 @p0 $0xffff, v5, v7;
	_ =	sdelay $0xb  }
0x110: {  	v5 =	vmul.u32 @p0 $0xFFFFFFFF, v6;
	_ =	sdelay $0x1  }
0x111: {  	v5 =	vadd.s32 @p0 $0xF, v5;
	v6, v7, _ =	vpop @p0 (xrf1)  }
0x112: {  	v6 =	vperm.xlane @p0 v6, v5;
	v5 =	vperm.xlane @p0 v7, v5;
	_ =	sdelay $0x1  }
0x113: {  	vm0 =	veq.f32 @p0 v4, v6;
	vm1 =	vlt.s32 @p0 v3, v5  }
0x114: {  	vm2 =	vgt.f32 @p0 v4, v6;
	vm0 =	vmand @p0 vm0, vm1  }
0x115: {  	vm0 =	vmor @p0 vm2, vm0  }
0x116: {  	v6 =	vsel @p0 vm0, v4, v6;
	v5 =	vsel @p0 vm0, v3, v5  }
0x117: {  	(xrf1) =	vsort.dscd.msk.f32 @p0 $0xffff, v6, v5;
	_ =	sdelay $0xd  }
0x118: {  	v5, v6, _ =	vpop @p0 (xrf1)  }
0x119: {  	(xrf0) =	vmin.scan.msk.f32 @p0 $0xffff, v5;
	_ =	sdelay $0x4  }
0x11a: {  	v7 =	vld [tilespmem:s18+$0xFFFFFFD0]  }
0x11b: {  	v8, _, _ =	vpop @p0 (xrf0)  }
0x11c: {  	v9 =	vbroadcast @p0 v8, $0xF  }
0x11d: {  	v10 =	vmov s19  }
0x11e: {  	v9 =	vpsel p0, v9, v10  }
0x11f: {  	vm9 =	vgt.f32 v7, v9  }
0x120: {  	v51 =	vsel vm9, $0x3F800000, v1  }
0x121: {  	(xrf0) =	vmax.scan.msk.f32 $0xffff, v51;
	_ =	sdelay $0x5  }
0x122: {  	(v2sf) =	vpush @p0 v8, $0xF;
	v52, _, _ =	vpop (xrf0)  }
0x123: {  	(v2sf) =	vpush v52, $0xF;
	_ =	sdelay $0xb  }
0x124: {  	s21 =	simm.s32 @!p0 $0x0  }
0x125: {  	s21 =	simm.s32 @p0 $0x1  }
0x126: {  	[smem:$0x7FC] =	sst s21;
	s21 =	spop @p0 (v2sf)  }
0x127: {  	s22 =	spop (v2sf)  }
0x128: {  	p1 =	sgt.f32 s22, $0.0e+00;
	_ =	sdelay $0x1  }
0x129: {  	s22 =	sor.u32 @p1 $0x10, s20;
	v8 =	vlaneseq.u32 @p1  }
0x12a: {  	v10 =	vor.u32 @p1 s22, v8  }
0x12b: {  	(xrf1) =	vsort.dscd.msk.f32 @p1 $0xffff, v7, v10;
	_ =	sdelay $0xb  }
0x12c: {  	v7 =	vmul.u32 @p1 $0xFFFFFFFF, v8;
	_ =	sdelay $0x1  }
0x12d: {  	v7 =	vadd.s32 @p1 $0xF, v7;
	v8, v10, _ =	vpop @p1 (xrf1)  }
0x12e: {  	v8 =	vperm.xlane @p1 v8, v7;
	v7 =	vperm.xlane @p1 v10, v7  }
0x12f: {  	v4 =	vpsel p0, v5, v4;
	v3 =	vpsel p0, v6, v3  }
0x130: {  	vm0 =	veq.f32 @p1 v4, v8;
	vm1 =	vlt.s32 @p1 v3, v7  }
0x131: {  	vm2 =	vgt.f32 @p1 v4, v8;
	vm0 =	vmand @p1 vm0, vm1  }
0x132: {  	vm0 =	vmor @p1 vm2, vm0  }
0x133: {  	v5 =	vsel @p1 vm0, v4, v8;
	v6 =	vsel @p1 vm0, v3, v7  }
0x134: {  	(xrf1) =	vsort.dscd.msk.f32 @p1 $0xffff, v5, v6;
	_ =	sdelay $0xd  }
0x135: {  	v5, v6, _ =	vpop @p1 (xrf1)  }
0x136: {  	(xrf0) =	vmin.scan.msk.f32 @p1 $0xffff, v5;
	_ =	sdelay $0x4  }
0x137: {  	v7 =	vld [tilespmem:s18+$0xFFFFFFE0]  }
0x138: {  	v8, _, _ =	vpop @p1 (xrf0)  }
0x139: {  	v10 =	vbroadcast @p1 v8, $0xF;
	_ =	sdelay $0x1  }
0x13a: {  	v9 =	vpsel p1, v10, v9  }
0x13b: {  	vm10 =	vgt.f32 v7, v9  }
0x13c: {  	v53 =	vsel vm10, $0x3F800000, v1  }
0x13d: {  	(xrf0) =	vmax.scan.msk.f32 $0xffff, v53;
	_ =	sdelay $0x5  }
0x13e: {  	(v2sf) =	vpush @p1 v8, $0xF;
	v54, _, _ =	vpop (xrf0)  }
0x13f: {  	(v2sf) =	vpush v54, $0xF;
	_ =	sdelay $0xb  }
0x140: {  	s22 =	simm.s32 @!p1 $0x0  }
0x141: {  	s22 =	simm.s32 @p1 $0x1  }
0x142: {  	[smem:$0x7FD] =	sst s22;
	s22 =	spop @p1 (v2sf)  }
0x143: {  	s23 =	spop (v2sf)  }
0x144: {  	p2 =	sgt.f32 s23, $0.0e+00;
	_ =	sdelay $0x1  }
0x145: {  	s23 =	sor.u32 @p2 $0x20, s20;
	v8 =	vlaneseq.u32 @p2  }
0x146: {  	v10 =	vor.u32 @p2 s23, v8  }
0x147: {  	(xrf1) =	vsort.dscd.msk.f32 @p2 $0xffff, v7, v10;
	_ =	sdelay $0xb  }
0x148: {  	v7 =	vmul.u32 @p2 $0xFFFFFFFF, v8;
	_ =	sdelay $0x1  }
0x149: {  	v7 =	vadd.s32 @p2 $0xF, v7;
	v8, v10, _ =	vpop @p2 (xrf1)  }
0x14a: {  	v8 =	vperm.xlane @p2 v8, v7;
	v7 =	vperm.xlane @p2 v10, v7  }
0x14b: {  	v4 =	vpsel p1, v5, v4;
	v3 =	vpsel p1, v6, v3  }
0x14c: {  	vm0 =	veq.f32 @p2 v4, v8;
	vm1 =	vlt.s32 @p2 v3, v7  }
0x14d: {  	vm2 =	vgt.f32 @p2 v4, v8;
	vm0 =	vmand @p2 vm0, vm1  }
0x14e: {  	vm0 =	vmor @p2 vm2, vm0  }
0x14f: {  	v5 =	vsel @p2 vm0, v4, v8;
	v6 =	vsel @p2 vm0, v3, v7  }
0x150: {  	(xrf1) =	vsort.dscd.msk.f32 @p2 $0xffff, v5, v6;
	_ =	sdelay $0xd  }
0x151: {  	v5, v6, _ =	vpop @p2 (xrf1)  }
0x152: {  	(xrf0) =	vmin.scan.msk.f32 @p2 $0xffff, v5;
	_ =	sdelay $0x4  }
0x153: {  	v7 =	vld [tilespmem:s18+$0xFFFFFFF0]  }
0x154: {  	v8, _, _ =	vpop @p2 (xrf0)  }
0x155: {  	v10 =	vbroadcast @p2 v8, $0xF;
	_ =	sdelay $0x1  }
0x156: {  	v9 =	vpsel p2, v10, v9  }
0x157: {  	vm11 =	vgt.f32 v7, v9  }
0x158: {  	v55 =	vsel vm11, $0x3F800000, v1  }
0x159: {  	(xrf0) =	vmax.scan.msk.f32 $0xffff, v55;
	_ =	sdelay $0x5  }
0x15a: {  	(v2sf) =	vpush @p2 v8, $0xF;
	v56, _, _ =	vpop (xrf0)  }
0x15b: {  	(v2sf) =	vpush v56, $0xF;
	_ =	sdelay $0xd  }
0x15c: {  	s23 =	spop @p2 (v2sf)  }
0x15d: {  	s24 =	spop (v2sf)  }
0x15e: {  	p3 =	sgt.f32 s24, $0.0e+00;
	_ =	sdelay $0x1  }
0x15f: {  	s24 =	sor.u32 @p3 $0x30, s20;
	v8 =	vlaneseq.u32 @p3  }
0x160: {  	v10 =	vor.u32 @p3 s24, v8  }
0x161: {  	(xrf1) =	vsort.dscd.msk.f32 @p3 $0xffff, v7, v10;
	_ =	sdelay $0xb  }
0x162: {  	v7 =	vmul.u32 @p3 $0xFFFFFFFF, v8;
	_ =	sdelay $0x1  }
0x163: {  	v7 =	vadd.s32 @p3 $0xF, v7;
	v8, v10, _ =	vpop @p3 (xrf1)  }
0x164: {  	v8 =	vperm.xlane @p3 v8, v7;
	v7 =	vperm.xlane @p3 v10, v7  }
0x165: {  	v4 =	vpsel p2, v5, v4;
	v3 =	vpsel p2, v6, v3  }
0x166: {  	vm0 =	veq.f32 @p3 v4, v8;
	vm1 =	vlt.s32 @p3 v3, v7  }
0x167: {  	vm2 =	vgt.f32 @p3 v4, v8;
	vm0 =	vmand @p3 vm0, vm1  }
0x168: {  	vm0 =	vmor @p3 vm2, vm0  }
0x169: {  	v5 =	vsel @p3 vm0, v4, v8;
	v6 =	vsel @p3 vm0, v3, v7  }
0x16a: {  	(xrf1) =	vsort.dscd.msk.f32 @p3 $0xffff, v5, v6;
	_ =	sdelay $0xd  }
0x16b: {  	v5, v6, _ =	vpop @p3 (xrf1)  }
0x16c: {  	(xrf0) =	vmin.scan.msk.f32 @p3 $0xffff, v5;
	_ =	sdelay $0x4  }
0x16d: {  	v7 =	vld [tilespmem:s18+$0x0]  }
0x16e: {  	v8, _, _ =	vpop @p3 (xrf0)  }
0x16f: {  	v10 =	vbroadcast @p3 v8, $0xF;
	_ =	sdelay $0x1  }
0x170: {  	v9 =	vpsel p3, v10, v9  }
0x171: {  	vm12 =	vgt.f32 v7, v9  }
0x172: {  	v57 =	vsel vm12, $0x3F800000, v1  }
0x173: {  	(xrf0) =	vmax.scan.msk.f32 $0xffff, v57;
	_ =	sdelay $0x5  }
0x174: {  	(v2sf) =	vpush @p3 v8, $0xF;
	v58, _, _ =	vpop (xrf0)  }
0x175: {  	(v2sf) =	vpush v58, $0xF;
	_ =	sdelay $0xd  }
0x176: {  	s24 =	spop @p3 (v2sf)  }
0x177: {  	s25 =	spop (v2sf)  }
0x178: {  	p4 =	sgt.f32 s25, $0.0e+00;
	_ =	sdelay $0x1  }
0x179: {  	s25 =	sor.u32 @p4 $0x40, s20;
	v8 =	vlaneseq.u32 @p4  }
0x17a: {  	v10 =	vor.u32 @p4 s25, v8  }
0x17b: {  	(xrf1) =	vsort.dscd.msk.f32 @p4 $0xffff, v7, v10;
	_ =	sdelay $0xb  }
0x17c: {  	v7 =	vmul.u32 @p4 $0xFFFFFFFF, v8;
	_ =	sdelay $0x1  }
0x17d: {  	v7 =	vadd.s32 @p4 $0xF, v7;
	v8, v10, _ =	vpop @p4 (xrf1)  }
0x17e: {  	v8 =	vperm.xlane @p4 v8, v7;
	v7 =	vperm.xlane @p4 v10, v7  }
0x17f: {  	v4 =	vpsel p3, v5, v4;
	v3 =	vpsel p3, v6, v3  }
0x180: {  	vm0 =	veq.f32 @p4 v4, v8;
	vm1 =	vlt.s32 @p4 v3, v7  }
0x181: {  	vm2 =	vgt.f32 @p4 v4, v8;
	vm0 =	vmand @p4 vm0, vm1  }
0x182: {  	vm0 =	vmor @p4 vm2, vm0  }
0x183: {  	v5 =	vsel @p4 vm0, v4, v8;
	v6 =	vsel @p4 vm0, v3, v7  }
0x184: {  	(xrf1) =	vsort.dscd.msk.f32 @p4 $0xffff, v5, v6;
	_ =	sdelay $0xd  }
0x185: {  	v5, v6, _ =	vpop @p4 (xrf1)  }
0x186: {  	(xrf0) =	vmin.scan.msk.f32 @p4 $0xffff, v5;
	_ =	sdelay $0x4  }
0x187: {  	v7 =	vld [tilespmem:s18+$0x10]  }
0x188: {  	v8, _, _ =	vpop @p4 (xrf0)  }
0x189: {  	v10 =	vbroadcast @p4 v8, $0xF;
	_ =	sdelay $0x1  }
0x18a: {  	v9 =	vpsel p4, v10, v9  }
0x18b: {  	vm13 =	vgt.f32 v7, v9  }
0x18c: {  	v59 =	vsel vm13, $0x3F800000, v1  }
0x18d: {  	(xrf0) =	vmax.scan.msk.f32 $0xffff, v59;
	_ =	sdelay $0x5  }
0x18e: {  	(v2sf) =	vpush @p4 v8, $0xF;
	v60, _, _ =	vpop (xrf0)  }
0x18f: {  	(v2sf) =	vpush v60, $0xF;
	_ =	sdelay $0xd  }
0x190: {  	s25 =	spop @p4 (v2sf)  }
0x191: {  	s26 =	spop (v2sf)  }
0x192: {  	p5 =	sgt.f32 s26, $0.0e+00;
	_ =	sdelay $0x1  }
0x193: {  	s26 =	sor.u32 @p5 $0x50, s20;
	v8 =	vlaneseq.u32 @p5  }
0x194: {  	v10 =	vor.u32 @p5 s26, v8  }
0x195: {  	(xrf1) =	vsort.dscd.msk.f32 @p5 $0xffff, v7, v10;
	_ =	sdelay $0xb  }
0x196: {  	v7 =	vmul.u32 @p5 $0xFFFFFFFF, v8;
	_ =	sdelay $0x1  }
0x197: {  	v7 =	vadd.s32 @p5 $0xF, v7;
	v8, v10, _ =	vpop @p5 (xrf1)  }
0x198: {  	v8 =	vperm.xlane @p5 v8, v7;
	v7 =	vperm.xlane @p5 v10, v7  }
0x199: {  	v4 =	vpsel p4, v5, v4;
	v3 =	vpsel p4, v6, v3  }
0x19a: {  	vm0 =	veq.f32 @p5 v4, v8;
	vm1 =	vlt.s32 @p5 v3, v7  }
0x19b: {  	vm2 =	vgt.f32 @p5 v4, v8;
	vm0 =	vmand @p5 vm0, vm1  }
0x19c: {  	vm0 =	vmor @p5 vm2, vm0  }
0x19d: {  	v5 =	vsel @p5 vm0, v4, v8;
	v6 =	vsel @p5 vm0, v3, v7  }
0x19e: {  	(xrf1) =	vsort.dscd.msk.f32 @p5 $0xffff, v5, v6;
	_ =	sdelay $0xd  }
0x19f: {  	v5, v6, _ =	vpop @p5 (xrf1)  }
0x1a0: {  	(xrf0) =	vmin.scan.msk.f32 @p5 $0xffff, v5;
	_ =	sdelay $0x4  }
0x1a1: {  	v7 =	vld [tilespmem:s18+$0x20]  }
0x1a2: {  	v8, _, _ =	vpop @p5 (xrf0)  }
0x1a3: {  	v10 =	vbroadcast @p5 v8, $0xF;
	_ =	sdelay $0x1  }
0x1a4: {  	v9 =	vpsel p5, v10, v9  }
0x1a5: {  	vm14 =	vgt.f32 v7, v9  }
0x1a6: {  	v61 =	vsel vm14, $0x3F800000, v1  }
0x1a7: {  	(xrf0) =	vmax.scan.msk.f32 $0xffff, v61;
	_ =	sdelay $0x5  }
0x1a8: {  	(v2sf) =	vpush @p5 v8, $0xF;
	v62, _, _ =	vpop (xrf0)  }
0x1a9: {  	(v2sf) =	vpush v62, $0xF;
	_ =	sdelay $0xd  }
0x1aa: {  	s26 =	spop @p5 (v2sf)  }
0x1ab: {  	s28 =	spop (v2sf)  }
0x1ac: {  	p6 =	sgt.f32 s28, $0.0e+00;
	_ =	sdelay $0x1  }
0x1ad: {  	s28 =	sor.u32 @p6 $0x60, s20;
	v8 =	vlaneseq.u32 @p6  }
0x1ae: {  	v10 =	vor.u32 @p6 s28, v8  }
0x1af: {  	(xrf1) =	vsort.dscd.msk.f32 @p6 $0xffff, v7, v10;
	_ =	sdelay $0xb  }
0x1b0: {  	v7 =	vmul.u32 @p6 $0xFFFFFFFF, v8;
	_ =	sdelay $0x1  }
0x1b1: {  	v7 =	vadd.s32 @p6 $0xF, v7;
	v8, v10, _ =	vpop @p6 (xrf1)  }
0x1b2: {  	v8 =	vperm.xlane @p6 v8, v7;
	v7 =	vperm.xlane @p6 v10, v7  }
0x1b3: {  	v4 =	vpsel p5, v5, v4;
	v3 =	vpsel p5, v6, v3  }
0x1b4: {  	vm0 =	veq.f32 @p6 v4, v8;
	vm1 =	vlt.s32 @p6 v3, v7  }
0x1b5: {  	vm2 =	vgt.f32 @p6 v4, v8;
	vm0 =	vmand @p6 vm0, vm1  }
0x1b6: {  	vm0 =	vmor @p6 vm2, vm0  }
0x1b7: {  	v5 =	vsel @p6 vm0, v4, v8;
	v6 =	vsel @p6 vm0, v3, v7  }
0x1b8: {  	(xrf1) =	vsort.dscd.msk.f32 @p6 $0xffff, v5, v6;
	_ =	sdelay $0xd  }
0x1b9: {  	v5, v6, _ =	vpop @p6 (xrf1)  }
0x1ba: {  	(xrf0) =	vmin.scan.msk.f32 @p6 $0xffff, v5;
	_ =	sdelay $0x4  }
0x1bb: {  	v7 =	vld [tilespmem:s18+$0x30]  }
0x1bc: {  	v8, _, _ =	vpop @p6 (xrf0)  }
0x1bd: {  	v10 =	vbroadcast @p6 v8, $0xF;
	_ =	sdelay $0x1  }
0x1be: {  	v9 =	vpsel p6, v10, v9  }
0x1bf: {  	vm15 =	vgt.f32 v7, v9  }
0x1c0: {  	v9 =	vsel vm15, $0x3F800000, v1  }
0x1c1: {  	(xrf0) =	vmax.scan.msk.f32 $0xffff, v9;
	_ =	sdelay $0x5  }
0x1c2: {  	(v2sf) =	vpush @p6 v8, $0xF;
	v63, _, _ =	vpop (xrf0)  }
0x1c3: {  	(v2sf) =	vpush v63, $0xF;
	_ =	sdelay $0xd  }
0x1c4: {  	s28 =	spop @p6 (v2sf)  }
0x1c5: {  	s29 =	spop (v2sf)  }
0x1c6: {  	p0 =	sgt.f32 s29, $0.0e+00;
	_ =	sdelay $0x1  }
0x1c7: {  	s20 =	sor.u32 @p0 $0x70, s20;
	v8 =	vlaneseq.u32 @p0  }
0x1c8: {  	v9 =	vor.u32 @p0 s20, v8  }
0x1c9: {  	(xrf1) =	vsort.dscd.msk.f32 @p0 $0xffff, v7, v9;
	_ =	sdelay $0xb  }
0x1ca: {  	v7 =	vmul.u32 @p0 $0xFFFFFFFF, v8;
	_ =	sdelay $0x1  }
0x1cb: {  	v7 =	vadd.s32 @p0 $0xF, v7;
	v8, v9, _ =	vpop @p0 (xrf1)  }
0x1cc: {  	v8 =	vperm.xlane @p0 v8, v7;
	v7 =	vperm.xlane @p0 v9, v7  }
0x1cd: {  	v4 =	vpsel p6, v5, v4;
	v3 =	vpsel p6, v6, v3  }
0x1ce: {  	vm0 =	veq.f32 @p0 v4, v8;
	vm1 =	vlt.s32 @p0 v3, v7  }
0x1cf: {  	vm2 =	vgt.f32 @p0 v4, v8;
	vm0 =	vmand @p0 vm0, vm1  }
0x1d0: {  	vm0 =	vmor @p0 vm2, vm0  }
0x1d1: {  	v5 =	vsel @p0 vm0, v4, v8;
	v6 =	vsel @p0 vm0, v3, v7  }
0x1d2: {  	(xrf1) =	vsort.dscd.msk.f32 @p0 $0xffff, v5, v6;
	_ =	sdelay $0xd  }
0x1d3: {  	v5, v6, _ =	vpop @p0 (xrf1)  }
0x1d4: {  	(xrf0) =	vmin.scan.msk.f32 @p0 $0xffff, v5;
	_ =	sdelay $0x5  }
0x1d5: {  	v7, _, _ =	vpop @p0 (xrf0)  }
0x1d6: {  	(v2sf) =	vpush @p0 v7, $0xF;
	_ =	sdelay $0x2  }
0x1d7: {  	s29 =	sld [smem:$0x7FC];
	_ =	sdelay $0x2  }
0x1d8: {  	p1 =	seq.s32 s29, $0x1;
	s29 =	sld [smem:$0x7FD];
	_ =	sdelay $0x2  }
0x1d9: {  	s19 =	smov.u32 @p1 s21;
	p1 =	seq.s32 s29, $0x1  }
0x1da: {  	s16 =	sadd.s32 $0xFFFFFFFF, s16;
	s19 =	smov.u32 @p1 s22  }
0x1db: {  	p1 =	sne.s32 s16, $0x0;
	s19 =	smov.u32 @p2 s23  }
.Ltmp9:
0x1dc: {  	s19 =	smov.u32 @p3 s24;
	(pc) =	sbr.rel @p1 .LBB2_11-.Ltmp9, $4  }
0x1dd: {  	s19 =	smov.u32 @p4 s25  }
0x1de: {  	s19 =	smov.u32 @p5 s26  }
0x1df: {  	s19 =	smov.u32 @p6 s28;
	s20 =	spop @p0 (v2sf)  }
0x1e0: {  	s17 =	sadd.s32 $0x1, s17;
	s18 =	sadd.s32 $0x80, s18;
	v4 =	vpsel p0, v5, v4;
	v3 =	vpsel p0, v6, v3;
	s19 =	smov.u32 @p0 s20  }
.Ltmp10:
0x1e1: {  	_ = 	snop;
	(pc) =	sbr.rel .LBB2_12-.Ltmp10, $1  }
0x1e2: {  	_ =	sdelay $0x3  }
.LBB2_8:
0x1e3: {  	v3 =	vimm.s32 $0x0;
	v4 =	vimm.f32 $-Inf  }
.LBB2_12:
0x1e4: {  	[tilespmem:$0x19380] =	vst v4;
	s16 =	simm.s32 $0x0  }
0x1e5: {  	[tilespmem:$0x19400] =	vst v3;
	s17 =	rddreg [dreg:$0x5];
	s18 =	simm.s32 $0x19380;
	s20 =	simm.s32 $0x2  }
0x1e6: {  	[hbm4b:s17+s16] =	stream.linear.scatter [tilespmem:s18], [sflag:$0x2], $0x80, $0x38;
	[tilespmem:$0x19C80] =	vst v63  }
0x1e7: {  	_ =	swait.ge [sflag:s20], $0x80  }
0x1e8: {  	[sflag:s20] =	ssyncset.done $0x0  }
0x1e9: {  	s28 =	simm.s32 $0x19400;
	s26 =	rddreg [dreg:$0x6];
	[sflag:s20] =	ssyncadd.s32 $0xFFFFFF80  }
0x1ea: {  	[hbm4b:s26+s16] =	stream.linear.scatter [tilespmem:s28], [sflag:$0x2], $0x80, $0x38;
	[tilespmem:$0x19C80] =	vst v63  }
0x1eb: {  	_ =	swait.ge [sflag:s20], $0x80  }
0x1ec: {  	[sflag:s20] =	ssyncset.done $0x0  }
0x1ed: {  	[sflag:s20] =	ssyncadd.s32 $0xFFFFFF80  }
0x1ee: {  	s19 =	simm.s32 $0x10;
	s21 =	simm.s32 $0x19480;
	s29 =	rddreg [dreg:$0x1]  }
0x1ef: {  	[tilespmem:s21], [sflag:$0x1] =	stream.indirect.gather [hbm4b:s29+s19], $0x80, s28, s19, $0xb8;
	[tilespmem:$0x19C80] =	vst v63  }
0x1f0: {  	_ =	swait.ge [sflag:s15], $0x800  }
0x1f1: {  	[sflag:s15] =	ssyncset.done $0x0  }
0x1f2: {  	s22 =	rddreg [dreg:$0x7];
	[sflag:s15] =	ssyncadd.s32 $0xFFFFF800  }
0x1f3: {  	[hbm4b:s22+s16] =	stream.linear.scatter [tilespmem:s21], [sflag:$0x2], $0x800, $0x38;
	[tilespmem:$0x19C80] =	vst v63  }
0x1f4: {  	_ =	swait.ge [sflag:s20], $0x800  }
0x1f5: {  	s24 =	simm.s32 $0x80;
	s25 =	simm.s32 $0x400;
	[sflag:s20] =	ssyncset.done $0x0  }
0x1f6: {  	s26 =	simm.s32 $0x19000;
	s23 =	rddreg [dreg:$0x8];
	[sflag:s20] =	ssyncadd.s32 $0xFFFFF800  }
0x1f7: {  	[tilespmem:s26], [sflag:$0x2] =	stream.strided.gather [hbm4b:s23+s24], $0x380, s25, s24, $0x38;
	[tilespmem:$0x19C80] =	vst v63  }
0x1f8: {  	_ =	swait.ge [sflag:s20], $0x380  }
0x1f9: {  	[sflag:s20] =	ssyncset.done $0x0  }
0x1fa: {  	s28 =	simm.s32 $0x0;
	[sflag:s20] =	ssyncadd.s32 $0xFFFFFC80  }
0x1fb: {  	v3 =	vld [tilespmem:s28+$0x19000];
	_ =	sdelay $0x3  }
0x1fc: {  	s17 =	rddreg [dreg:$0x1c]  }
0x1fd: {  	vm0 =	vgt.f32 v3, s17  }
0x1fe: {  	v63 =	vsel vm0, $0x3F800000, v1  }
0x1ff: {  	(xrf0) =	vmax.scan.msk.f32 $0xffff, v63;
	_ =	sdelay $0x5  }
0x200: {  	v4, _, _ =	vpop (xrf0)  }
0x201: {  	(v2sf) =	vpush v4, $0xF;
	_ =	sdelay $0xe  }
0x202: {  	s29 =	spop (v2sf)  }
0x203: {  	p1 =	sgt.f32 s29, $0.0e+00;
	_ =	sdelay $0x1  }
0x204: {  	v4 =	vlaneseq.u32 @p1  }
0x205: {  	(xrf1) =	vsort.dscd.msk.f32 @p1 $0xffff, v3, v4;
	_ =	sdelay $0xb  }
0x206: {  	v3 =	vmul.u32 @p1 $0xFFFFFFFF, v4;
	_ =	sdelay $0x1  }
0x207: {  	v3 =	vadd.s32 @p1 $0xF, v3;
	v5, _, _ =	vpop @p1 (xrf1)  }
0x208: {  	v3 =	vperm.xlane @p1 v5, v3;
	_ =	sdelay $0x1  }
0x209: {  	v3 =	vmax.f32 @p1 v2, v3  }
0x20a: {  	(xrf1) =	vsort.dscd.msk.f32 @p1 $0xffff, v3, v4;
	_ =	sdelay $0xd  }
0x20b: {  	v3, _, _ =	vpop @p1 (xrf1)  }
0x20c: {  	(xrf0) =	vmin.scan.msk.f32 @p1 $0xffff, v3;
	_ =	sdelay $0x5  }
0x20d: {  	v4, _, _ =	vpop @p1 (xrf0)  }
0x20e: {  	s16 =	simm.s32 $0x40;
	v2 =	vpsel p1, v3, v2;
	(v2sf) =	vpush @p1 v4, $0xF  }
.LBB2_13:
0x20f: {  	_ =	sdelay $0x9  }
0x210: {  	s18 =	sshra.s32 s16, $0x2;
	s16 =	sadd.s32 $0x40, s16  }
0x211: {  	v3 =	vld [tilespmem:s18+$0x19000];
	p0 =	seq.s32 s16, $0xC80;
	_ =	sdelay $0x2  }
0x212: {  	s18 =	spop @p1 (v2sf)  }
0x213: {  	s17 =	smov.u32 @p1 s18  }
0x214: {  	vm0 =	vgt.f32 v3, s17  }
0x215: {  	v4 =	vsel vm0, $0x3F800000, v1  }
0x216: {  	(xrf0) =	vmax.scan.msk.f32 $0xffff, v4;
	_ =	sdelay $0x5  }
0x217: {  	v4, _, _ =	vpop (xrf0)  }
0x218: {  	(v2sf) =	vpush v4, $0xF;
	_ =	sdelay $0xe  }
0x219: {  	s18 =	spop (v2sf)  }
0x21a: {  	p1 =	sgt.f32 s18, $0.0e+00;
	_ =	sdelay $0x1  }
0x21b: {  	v4 =	vlaneseq.u32 @p1  }
0x21c: {  	(xrf1) =	vsort.dscd.msk.f32 @p1 $0xffff, v3, v4;
	_ =	sdelay $0xb  }
0x21d: {  	v3 =	vmul.u32 @p1 $0xFFFFFFFF, v4;
	_ =	sdelay $0x1  }
0x21e: {  	v3 =	vadd.s32 @p1 $0xF, v3;
	v5, _, _ =	vpop @p1 (xrf1)  }
0x21f: {  	v3 =	vperm.xlane @p1 v5, v3;
	_ =	sdelay $0x1  }
0x220: {  	v3 =	vmax.f32 @p1 v2, v3  }
0x221: {  	(xrf1) =	vsort.dscd.msk.f32 @p1 $0xffff, v3, v4;
	_ =	sdelay $0xd  }
0x222: {  	v3, _, _ =	vpop @p1 (xrf1)  }
0x223: {  	v2 =	vpsel p1, v3, v2;
	(xrf0) =	vmin.scan.msk.f32 @p1 $0xffff, v3;
	_ =	sdelay $0x2  }
.Ltmp11:
0x224: {  	(pc) =	sbr.rel @!p0 .LBB2_13-.Ltmp11, $3  }
0x225: {  	_ =	sdelay $0x1  }
0x226: {  	v3, _, _ =	vpop @p1 (xrf0)  }
0x227: {  	(v2sf) =	vpush @p1 v3, $0xF  }
0x228: {  	_ =	sdelay $0xb  }
.Ltmp12:
0x229: {  	_ = 	snop;
	(pc) =	sbr.rel .LBB2_15-.Ltmp12, $4  }
0x22a: {  	_ = 	snop  }
0x22b: {  	s16 =	spop @p1 (v2sf)  }
0x22c: {  	s18 =	simm.s32 $0xF;
	s17 =	smov.u32 @p1 s16  }
0x22d: {  	s19 =	simm.s32 $0x19000;
	s20 =	rddreg [dreg:$0x3];
	s16 =	simm.s32 $0x0;
	v2 =	vmov s17  }
.LBB2_17:
0x22e: {  	s18 =	sadd.s32 $0x10, s18  }
0x22f: {  	p0 =	seq.s32 s18, $0x32F  }
.Ltmp13:
0x230: {  	_ = 	snop;
	(pc) =	sbr.rel @p0 .LBB2_18-.Ltmp13, $2  }
0x231: {  	_ =	sdelay $0x2  }
0x232: {  	s20 =	sadd.s32 $0x800, s20;
	s19 =	sadd.s32 $0x10, s19  }
.LBB2_15:
0x233: {  	v3 =	vld [tilespmem:s19+$0x0];
	_ =	sdelay $0x4  }
0x234: {  	vm0 =	vge.f32 v3, v2  }
0x235: {  	v4 =	vsel vm0, $0x3F800000, v1  }
0x236: {  	(xrf0) =	vmax.scan.msk.f32 $0xffff, v4;
	_ =	sdelay $0x5  }
0x237: {  	v4, _, _ =	vpop (xrf0)  }
0x238: {  	(v2sf) =	vpush v4, $0xF;
	_ =	sdelay $0xe  }
0x239: {  	s21 =	spop (v2sf)  }
0x23a: {  	p0 =	sgt.f32 s21, $0.0e+00  }
.Ltmp14:
0x23b: {  	_ = 	snop;
	(pc) =	sbr.rel @!p0 .LBB2_17-.Ltmp14, $1  }
0x23c: {  	_ =	sdelay $0x3  }
0x23d: {  	(v2sf) =	vpush v3, $0x0;
	_ =	sdelay $0x5  }
0x23e: {  	(v2sf) =	vpush v3, $0x1;
	_ =	sdelay $0x5  }
0x23f: {  	(v2sf) =	vpush v3, $0x2;
	_ =	sdelay $0x2  }
0x240: {  	s21 =	spop (v2sf)  }
0x241: {  	p0 =	sge.f32 s21, s17;
	_ =	sdelay $0x1  }
0x242: {  	(v2sf) =	vpush v3, $0x3;
	s21 =	sshll.u32 @p0 s16, $0x9  }
0x243: {  	s22 =	sadd.s32 @p0 s20, s31;
	s23 =	simm.s32 @p0 $0x0;
	s21 =	sshra.s32 @p0 s21, $0x2  }
0x244: {  	[tilespmem:s21], [sflag:$0x1] =	stream.linear.gather @p0 [hbm4b:s22+s23], $0x80, $0x38;
	[tilespmem:$0x19C80] =	vst v63  }
0x245: {  	s26 =	spop (v2sf);
	s21 =	sadd.s32 $0xFFFFFFF1, s18  }
0x246: {  	p1 =	sge.f32 s26, s17;
	[smem:s16] =	sst @p0 s21;
	s21 =	sadd.s32 @p0 $0x1, s16  }
0x247: {  	s16 =	smov.u32 @p0 s21  }
0x248: {  	(v2sf) =	vpush v3, $0x4;
	s21 =	sshll.u32 @p1 s16, $0x9  }
0x249: {  	s22 =	sadd.s32 @p1 s20, s14;
	s23 =	simm.s32 @p1 $0x0;
	s21 =	sshra.s32 @p1 s21, $0x2  }
0x24a: {  	[tilespmem:s21], [sflag:$0x1] =	stream.linear.gather @p1 [hbm4b:s22+s23], $0x80, $0x38;
	[tilespmem:$0x19C80] =	vst v63  }
0x24b: {  	s28 =	spop (v2sf);
	s21 =	sadd.s32 @p1 $0xFFFFFFF2, s18  }
0x24c: {  	p0 =	sge.f32 s28, s17;
	[smem:s16] =	sst @p1 s21;
	s21 =	sadd.s32 @p1 $0x1, s16  }
0x24d: {  	s16 =	smov.u32 @p1 s21  }
0x24e: {  	(v2sf) =	vpush v3, $0x5;
	s21 =	sshll.u32 @p0 s16, $0x9  }
0x24f: {  	s22 =	sadd.s32 @p0 s20, s4;
	s23 =	simm.s32 @p0 $0x0;
	s21 =	sshra.s32 @p0 s21, $0x2  }
0x250: {  	[tilespmem:s21], [sflag:$0x1] =	stream.linear.gather @p0 [hbm4b:s22+s23], $0x80, $0x38;
	[tilespmem:$0x19C80] =	vst v63  }
0x251: {  	s21 =	sadd.s32 @p0 $0xFFFFFFF3, s18;
	s29 =	spop (v2sf)  }
0x252: {  	[smem:s16] =	sst @p0 s21;
	s21 =	sadd.s32 @p0 $0x1, s16;
	p1 =	sge.f32 s29, s17  }
0x253: {  	s16 =	smov.u32 @p0 s21  }
0x254: {  	(v2sf) =	vpush v3, $0x6;
	s21 =	sshll.u32 @p1 s16, $0x9  }
0x255: {  	s22 =	sadd.s32 @p1 s20, s2;
	s23 =	simm.s32 @p1 $0x0;
	s21 =	sshra.s32 @p1 s21, $0x2  }
0x256: {  	[tilespmem:s21], [sflag:$0x1] =	stream.linear.gather @p1 [hbm4b:s22+s23], $0x80, $0x38;
	[tilespmem:$0x19C80] =	vst v63  }
0x257: {  	s21 =	sadd.s32 @p1 $0xFFFFFFF4, s18;
	s23 =	spop (v2sf)  }
0x258: {  	[smem:s16] =	sst @p1 s21;
	s21 =	sadd.s32 @p1 $0x1, s16;
	p0 =	sge.f32 s23, s17  }
0x259: {  	s16 =	smov.u32 @p1 s21  }
0x25a: {  	(v2sf) =	vpush v3, $0x7;
	s21 =	sshll.u32 @p0 s16, $0x9  }
0x25b: {  	s22 =	sadd.s32 @p0 s20, s13;
	s23 =	simm.s32 @p0 $0x0;
	s21 =	sshra.s32 @p0 s21, $0x2  }
0x25c: {  	[tilespmem:s21], [sflag:$0x1] =	stream.linear.gather @p0 [hbm4b:s22+s23], $0x80, $0x38;
	[tilespmem:$0x19C80] =	vst v63  }
0x25d: {  	s24 =	spop (v2sf);
	s21 =	sadd.s32 @p0 $0xFFFFFFF5, s18  }
0x25e: {  	p1 =	sge.f32 s24, s17;
	[smem:s16] =	sst @p0 s21;
	s21 =	sadd.s32 @p0 $0x1, s16  }
0x25f: {  	s16 =	smov.u32 @p0 s21  }
0x260: {  	(v2sf) =	vpush v3, $0x8;
	s21 =	sshll.u32 @p1 s16, $0x9  }
0x261: {  	s22 =	sadd.s32 @p1 s20, s12;
	s23 =	simm.s32 @p1 $0x0;
	s21 =	sshra.s32 @p1 s21, $0x2  }
0x262: {  	[tilespmem:s21], [sflag:$0x1] =	stream.linear.gather @p1 [hbm4b:s22+s23], $0x80, $0x38;
	[tilespmem:$0x19C80] =	vst v63  }
0x263: {  	s21 =	sadd.s32 @p1 $0xFFFFFFF6, s18;
	s25 =	spop (v2sf)  }
0x264: {  	[smem:s16] =	sst @p1 s21;
	s21 =	sadd.s32 @p1 $0x1, s16;
	p0 =	sge.f32 s25, s17  }
0x265: {  	s16 =	smov.u32 @p1 s21  }
0x266: {  	(v2sf) =	vpush v3, $0x9;
	s21 =	sshll.u32 @p0 s16, $0x9  }
0x267: {  	s22 =	sadd.s32 @p0 s20, s11;
	s23 =	simm.s32 @p0 $0x0;
	s21 =	sshra.s32 @p0 s21, $0x2  }
0x268: {  	[tilespmem:s21], [sflag:$0x1] =	stream.linear.gather @p0 [hbm4b:s22+s23], $0x80, $0x38;
	[tilespmem:$0x19C80] =	vst v63  }
0x269: {  	s21 =	sadd.s32 @p0 $0xFFFFFFF7, s18;
	s26 =	spop (v2sf)  }
0x26a: {  	[smem:s16] =	sst @p0 s21;
	s21 =	sadd.s32 @p0 $0x1, s16;
	p1 =	sge.f32 s26, s17  }
0x26b: {  	s16 =	smov.u32 @p0 s21  }
0x26c: {  	(v2sf) =	vpush v3, $0xA;
	s21 =	sshll.u32 @p1 s16, $0x9  }
0x26d: {  	s22 =	sadd.s32 @p1 s20, s10;
	s23 =	simm.s32 @p1 $0x0;
	s21 =	sshra.s32 @p1 s21, $0x2  }
0x26e: {  	[tilespmem:s21], [sflag:$0x1] =	stream.linear.gather @p1 [hbm4b:s22+s23], $0x80, $0x38;
	[tilespmem:$0x19C80] =	vst v63  }
0x26f: {  	s28 =	spop (v2sf);
	s21 =	sadd.s32 @p1 $0xFFFFFFF8, s18  }
0x270: {  	p0 =	sge.f32 s28, s17;
	[smem:s16] =	sst @p1 s21;
	s21 =	sadd.s32 @p1 $0x1, s16  }
0x271: {  	s16 =	smov.u32 @p1 s21  }
0x272: {  	(v2sf) =	vpush v3, $0xB;
	s21 =	sshll.u32 @p0 s16, $0x9  }
0x273: {  	s22 =	sadd.s32 @p0 s20, s9;
	s23 =	simm.s32 @p0 $0x0;
	s21 =	sshra.s32 @p0 s21, $0x2  }
0x274: {  	[tilespmem:s21], [sflag:$0x1] =	stream.linear.gather @p0 [hbm4b:s22+s23], $0x80, $0x38;
	[tilespmem:$0x19C80] =	vst v63  }
0x275: {  	s21 =	sadd.s32 @p0 $0xFFFFFFF9, s18;
	s29 =	spop (v2sf)  }
0x276: {  	[smem:s16] =	sst @p0 s21;
	s21 =	sadd.s32 @p0 $0x1, s16;
	p1 =	sge.f32 s29, s17  }
0x277: {  	s16 =	smov.u32 @p0 s21  }
0x278: {  	(v2sf) =	vpush v3, $0xC;
	s21 =	sshll.u32 @p1 s16, $0x9  }
0x279: {  	s22 =	sadd.s32 @p1 s20, s8;
	s23 =	simm.s32 @p1 $0x0;
	s21 =	sshra.s32 @p1 s21, $0x2  }
0x27a: {  	[tilespmem:s21], [sflag:$0x1] =	stream.linear.gather @p1 [hbm4b:s22+s23], $0x80, $0x38;
	[tilespmem:$0x19C80] =	vst v63  }
0x27b: {  	s21 =	sadd.s32 @p1 $0xFFFFFFFA, s18;
	s23 =	spop (v2sf)  }
0x27c: {  	[smem:s16] =	sst @p1 s21;
	s21 =	sadd.s32 @p1 $0x1, s16;
	p0 =	sge.f32 s23, s17  }
0x27d: {  	s16 =	smov.u32 @p1 s21  }
0x27e: {  	(v2sf) =	vpush v3, $0xD;
	s21 =	sshll.u32 @p0 s16, $0x9  }
0x27f: {  	s22 =	sadd.s32 @p0 s20, s7;
	s23 =	simm.s32 @p0 $0x0;
	s21 =	sshra.s32 @p0 s21, $0x2  }
0x280: {  	[tilespmem:s21], [sflag:$0x1] =	stream.linear.gather @p0 [hbm4b:s22+s23], $0x80, $0x38;
	[tilespmem:$0x19C80] =	vst v63  }
0x281: {  	s24 =	spop (v2sf);
	s21 =	sadd.s32 @p0 $0xFFFFFFFB, s18  }
0x282: {  	p1 =	sge.f32 s24, s17;
	[smem:s16] =	sst @p0 s21;
	s21 =	sadd.s32 @p0 $0x1, s16  }
0x283: {  	s16 =	smov.u32 @p0 s21  }
0x284: {  	(v2sf) =	vpush v3, $0xE;
	s21 =	sshll.u32 @p1 s16, $0x9  }
0x285: {  	s22 =	sadd.s32 @p1 s20, s6;
	s23 =	simm.s32 @p1 $0x0;
	s21 =	sshra.s32 @p1 s21, $0x2  }
0x286: {  	[tilespmem:s21], [sflag:$0x1] =	stream.linear.gather @p1 [hbm4b:s22+s23], $0x80, $0x38;
	[tilespmem:$0x19C80] =	vst v63  }
0x287: {  	s21 =	sadd.s32 @p1 $0xFFFFFFFC, s18;
	s25 =	spop (v2sf)  }
0x288: {  	[smem:s16] =	sst @p1 s21;
	s21 =	sadd.s32 @p1 $0x1, s16;
	p0 =	sge.f32 s25, s17  }
0x289: {  	s16 =	smov.u32 @p1 s21  }
0x28a: {  	(v2sf) =	vpush v3, $0xF;
	s21 =	sshll.u32 @p0 s16, $0x9  }
0x28b: {  	s22 =	sadd.s32 @p0 s20, s5;
	s23 =	simm.s32 @p0 $0x0;
	s21 =	sshra.s32 @p0 s21, $0x2  }
0x28c: {  	[tilespmem:s21], [sflag:$0x1] =	stream.linear.gather @p0 [hbm4b:s22+s23], $0x80, $0x38;
	[tilespmem:$0x19C80] =	vst v63  }
0x28d: {  	s26 =	spop (v2sf);
	s22 =	sadd.s32 @p0 $0xFFFFFFFD, s18  }
0x28e: {  	[smem:s16] =	sst @p0 s22;
	s22 =	sadd.s32 @p0 $0x1, s16;
	p1 =	sge.f32 s26, s17  }
0x28f: {  	s16 =	smov.u32 @p0 s22  }
0x290: {  	s21 =	sshll.u32 @p1 s16, $0x9  }
0x291: {  	s22 =	sadd.s32 @p1 s20, s1;
	s23 =	simm.s32 @p1 $0x0;
	s21 =	sshra.s32 @p1 s21, $0x2  }
0x292: {  	[tilespmem:s21], [sflag:$0x1] =	stream.linear.gather @p1 [hbm4b:s22+s23], $0x80, $0x38;
	[tilespmem:$0x19C80] =	vst v63  }
0x293: {  	s28 =	spop (v2sf);
	s22 =	sadd.s32 @p1 $0xFFFFFFFE, s18  }
0x294: {  	p0 =	sge.f32 s28, s17;
	[smem:s16] =	sst @p1 s22;
	s22 =	sadd.s32 @p1 $0x1, s16  }
0x295: {  	s16 =	smov.u32 @p1 s22  }
0x296: {  	s21 =	sshll.u32 @p0 s16, $0x9  }
0x297: {  	s23 =	simm.s32 @p0 $0x0;
	s22 =	sadd.s32 @p0 s20, s3;
	s21 =	sshra.s32 @p0 s21, $0x2  }
0x298: {  	[tilespmem:s21], [sflag:$0x1] =	stream.linear.gather @p0 [hbm4b:s22+s23], $0x80, $0x38;
	[tilespmem:$0x19C80] =	vst v63  }
0x299: {  	s21 =	sadd.s32 @p0 $0xFFFFFFFF, s18;
	s29 =	spop (v2sf)  }
0x29a: {  	[smem:s16] =	sst @p0 s21;
	s21 =	sadd.s32 @p0 $0x1, s16;
	p1 =	sge.f32 s29, s17  }
0x29b: {  	s16 =	smov.u32 @p0 s21  }
.Ltmp15:
0x29c: {  	s21 =	sshll.u32 @p1 s16, $0x9;
	(pc) =	sbr.rel .LBB2_17-.Ltmp15, $4  }
0x29d: {  	s22 =	sadd.s32 @p1 s20, s0;
	s23 =	simm.s32 @p1 $0x0;
	s21 =	sshra.s32 @p1 s21, $0x2  }
0x29e: {  	[tilespmem:s21], [sflag:$0x1] =	stream.linear.gather @p1 [hbm4b:s22+s23], $0x80, $0x38;
	[tilespmem:$0x19C80] =	vst v63  }
0x29f: {  	s21 =	sadd.s32 @p1 $0x1, s16  }
0x2a0: {  	[smem:s16] =	sst @p1 s18;
	s16 =	smov.u32 @p1 s21  }
.LBB2_18:
0x2a1: {  	p0 =	sgt.s32 s16, $0x0  }
.Ltmp16:
0x2a2: {  	_ = 	snop;
	(pc) =	sbr.rel @!p0 .LBB2_19-.Ltmp16, $2  }
0x2a3: {  	_ =	sdelay $0x2  }
0x2a4: {  	s17 =	smov.u32 s16  }
.LBB2_20:
0x2a5: {  	p0 =	sne.s32 s17, $0x1  }
.Ltmp17:
0x2a6: {  	_ = 	snop;
	(pc) =	sbr.rel @p0 .LBB2_20-.Ltmp17, $4  }
0x2a7: {  	_ = 	snop  }
0x2a8: {  	_ =	swait.ge [sflag:s15], $0x80  }
0x2a9: {  	[sflag:s15] =	ssyncset.done $0x0  }
0x2aa: {  	s17 =	sadd.s32 $0xFFFFFFFF, s17;
	[sflag:s15] =	ssyncadd.s32 $0xFFFFFF80  }
0x2ab: {  	v3 =	vimm.f32 $-Inf;
	v2 =	vimm.s32 $0x0;
	s17 =	simm.s32 $0x0;
	s18 =	simm.s32 $0x40;
	s19 =	rddreg [dreg:$0x1c]  }
.LBB2_22:
0x2ac: {  	v4 =	vld [tilespmem:s18+$0xFFFFFFC0];
	_ =	sdelay $0x4  }
0x2ad: {  	vm0 =	vgt.f32 v4, s19  }
0x2ae: {  	v5 =	vsel vm0, $0x3F800000, v1  }
0x2af: {  	(xrf0) =	vmax.scan.msk.f32 $0xffff, v5;
	_ =	sdelay $0x5  }
0x2b0: {  	v5, _, _ =	vpop (xrf0)  }
0x2b1: {  	(v2sf) =	vpush v5, $0xF;
	_ =	sdelay $0xe  }
0x2b2: {  	s20 =	sld [smem:s17+$0x0];
	s21 =	spop (v2sf)  }
0x2b3: {  	p0 =	sgt.f32 s21, $0.0e+00;
	_ =	sdelay $0x1  }
0x2b4: {  	s20 =	sshll.u32 s20, $0x7;
	v5 =	vlaneseq.u32 @p0  }
0x2b5: {  	v6 =	vor.u32 @p0 s20, v5  }
0x2b6: {  	(xrf1) =	vsort.dscd.msk.f32 @p0 $0xffff, v4, v6;
	_ =	sdelay $0xb  }
0x2b7: {  	v4 =	vmul.u32 @p0 $0xFFFFFFFF, v5;
	_ =	sdelay $0x1  }
0x2b8: {  	v4 =	vadd.s32 @p0 $0xF, v4;
	v5, v6, _ =	vpop @p0 (xrf1)  }
0x2b9: {  	v5 =	vperm.xlane @p0 v5, v4;
	v4 =	vperm.xlane @p0 v6, v4;
	_ =	sdelay $0x1  }
0x2ba: {  	vm0 =	veq.f32 @p0 v3, v5;
	vm1 =	vlt.s32 @p0 v2, v4  }
0x2bb: {  	vm2 =	vgt.f32 @p0 v3, v5;
	vm0 =	vmand @p0 vm0, vm1  }
0x2bc: {  	vm0 =	vmor @p0 vm2, vm0  }
0x2bd: {  	v5 =	vsel @p0 vm0, v3, v5;
	v4 =	vsel @p0 vm0, v2, v4  }
0x2be: {  	(xrf1) =	vsort.dscd.msk.f32 @p0 $0xffff, v5, v4;
	_ =	sdelay $0xd  }
0x2bf: {  	v4, v5, _ =	vpop @p0 (xrf1)  }
0x2c0: {  	(xrf0) =	vmin.scan.msk.f32 @p0 $0xffff, v4;
	_ =	sdelay $0x4  }
0x2c1: {  	v6 =	vld [tilespmem:s18+$0xFFFFFFD0]  }
0x2c2: {  	v7, _, _ =	vpop @p0 (xrf0)  }
0x2c3: {  	v8 =	vbroadcast @p0 v7, $0xF  }
0x2c4: {  	v9 =	vmov s19  }
0x2c5: {  	v8 =	vpsel p0, v8, v9  }
0x2c6: {  	vm9 =	vgt.f32 v6, v8  }
0x2c7: {  	v51 =	vsel vm9, $0x3F800000, v1  }
0x2c8: {  	(xrf0) =	vmax.scan.msk.f32 $0xffff, v51;
	_ =	sdelay $0x5  }
0x2c9: {  	(v2sf) =	vpush @p0 v7, $0xF;
	v52, _, _ =	vpop (xrf0)  }
0x2ca: {  	(v2sf) =	vpush v52, $0xF;
	_ =	sdelay $0xb  }
0x2cb: {  	s21 =	simm.s32 @!p0 $0x0  }
0x2cc: {  	s21 =	simm.s32 @p0 $0x1  }
0x2cd: {  	[smem:$0x7FA] =	sst s21;
	s21 =	spop @p0 (v2sf)  }
0x2ce: {  	s22 =	spop (v2sf)  }
0x2cf: {  	p1 =	sgt.f32 s22, $0.0e+00;
	_ =	sdelay $0x1  }
0x2d0: {  	s22 =	sor.u32 @p1 $0x10, s20;
	v7 =	vlaneseq.u32 @p1  }
0x2d1: {  	v9 =	vor.u32 @p1 s22, v7  }
0x2d2: {  	(xrf1) =	vsort.dscd.msk.f32 @p1 $0xffff, v6, v9;
	_ =	sdelay $0xb  }
0x2d3: {  	v6 =	vmul.u32 @p1 $0xFFFFFFFF, v7;
	_ =	sdelay $0x1  }
0x2d4: {  	v6 =	vadd.s32 @p1 $0xF, v6;
	v7, v9, _ =	vpop @p1 (xrf1)  }
0x2d5: {  	v7 =	vperm.xlane @p1 v7, v6;
	v6 =	vperm.xlane @p1 v9, v6  }
0x2d6: {  	v3 =	vpsel p0, v4, v3;
	v2 =	vpsel p0, v5, v2  }
0x2d7: {  	vm0 =	veq.f32 @p1 v3, v7;
	vm1 =	vlt.s32 @p1 v2, v6  }
0x2d8: {  	vm2 =	vgt.f32 @p1 v3, v7;
	vm0 =	vmand @p1 vm0, vm1  }
0x2d9: {  	vm0 =	vmor @p1 vm2, vm0  }
0x2da: {  	v4 =	vsel @p1 vm0, v3, v7;
	v5 =	vsel @p1 vm0, v2, v6  }
0x2db: {  	(xrf1) =	vsort.dscd.msk.f32 @p1 $0xffff, v4, v5;
	_ =	sdelay $0xd  }
0x2dc: {  	v4, v5, _ =	vpop @p1 (xrf1)  }
0x2dd: {  	(xrf0) =	vmin.scan.msk.f32 @p1 $0xffff, v4;
	_ =	sdelay $0x4  }
0x2de: {  	v6 =	vld [tilespmem:s18+$0xFFFFFFE0]  }
0x2df: {  	v7, _, _ =	vpop @p1 (xrf0)  }
0x2e0: {  	v9 =	vbroadcast @p1 v7, $0xF;
	_ =	sdelay $0x1  }
0x2e1: {  	v8 =	vpsel p1, v9, v8  }
0x2e2: {  	vm10 =	vgt.f32 v6, v8  }
0x2e3: {  	v53 =	vsel vm10, $0x3F800000, v1  }
0x2e4: {  	(xrf0) =	vmax.scan.msk.f32 $0xffff, v53;
	_ =	sdelay $0x5  }
0x2e5: {  	(v2sf) =	vpush @p1 v7, $0xF;
	v54, _, _ =	vpop (xrf0)  }
0x2e6: {  	(v2sf) =	vpush v54, $0xF;
	_ =	sdelay $0xb  }
0x2e7: {  	s22 =	simm.s32 @!p1 $0x0  }
0x2e8: {  	s22 =	simm.s32 @p1 $0x1  }
0x2e9: {  	[smem:$0x7FB] =	sst s22;
	s22 =	spop @p1 (v2sf)  }
0x2ea: {  	s23 =	spop (v2sf)  }
0x2eb: {  	p2 =	sgt.f32 s23, $0.0e+00;
	_ =	sdelay $0x1  }
0x2ec: {  	s23 =	sor.u32 @p2 $0x20, s20;
	v7 =	vlaneseq.u32 @p2  }
0x2ed: {  	v9 =	vor.u32 @p2 s23, v7  }
0x2ee: {  	(xrf1) =	vsort.dscd.msk.f32 @p2 $0xffff, v6, v9;
	_ =	sdelay $0xb  }
0x2ef: {  	v6 =	vmul.u32 @p2 $0xFFFFFFFF, v7;
	_ =	sdelay $0x1  }
0x2f0: {  	v6 =	vadd.s32 @p2 $0xF, v6;
	v7, v9, _ =	vpop @p2 (xrf1)  }
0x2f1: {  	v7 =	vperm.xlane @p2 v7, v6;
	v6 =	vperm.xlane @p2 v9, v6  }
0x2f2: {  	v3 =	vpsel p1, v4, v3;
	v2 =	vpsel p1, v5, v2  }
0x2f3: {  	vm0 =	veq.f32 @p2 v3, v7;
	vm1 =	vlt.s32 @p2 v2, v6  }
0x2f4: {  	vm2 =	vgt.f32 @p2 v3, v7;
	vm0 =	vmand @p2 vm0, vm1  }
0x2f5: {  	vm0 =	vmor @p2 vm2, vm0  }
0x2f6: {  	v4 =	vsel @p2 vm0, v3, v7;
	v5 =	vsel @p2 vm0, v2, v6  }
0x2f7: {  	(xrf1) =	vsort.dscd.msk.f32 @p2 $0xffff, v4, v5;
	_ =	sdelay $0xd  }
0x2f8: {  	v4, v5, _ =	vpop @p2 (xrf1)  }
0x2f9: {  	(xrf0) =	vmin.scan.msk.f32 @p2 $0xffff, v4;
	_ =	sdelay $0x4  }
0x2fa: {  	v6 =	vld [tilespmem:s18+$0xFFFFFFF0]  }
0x2fb: {  	v7, _, _ =	vpop @p2 (xrf0)  }
0x2fc: {  	v9 =	vbroadcast @p2 v7, $0xF;
	_ =	sdelay $0x1  }
0x2fd: {  	v8 =	vpsel p2, v9, v8  }
0x2fe: {  	vm11 =	vgt.f32 v6, v8  }
0x2ff: {  	v55 =	vsel vm11, $0x3F800000, v1  }
0x300: {  	(xrf0) =	vmax.scan.msk.f32 $0xffff, v55;
	_ =	sdelay $0x5  }
0x301: {  	(v2sf) =	vpush @p2 v7, $0xF;
	v56, _, _ =	vpop (xrf0)  }
0x302: {  	(v2sf) =	vpush v56, $0xF;
	_ =	sdelay $0xd  }
0x303: {  	s23 =	spop @p2 (v2sf)  }
0x304: {  	s24 =	spop (v2sf)  }
0x305: {  	p3 =	sgt.f32 s24, $0.0e+00;
	_ =	sdelay $0x1  }
0x306: {  	s24 =	sor.u32 @p3 $0x30, s20;
	v7 =	vlaneseq.u32 @p3  }
0x307: {  	v9 =	vor.u32 @p3 s24, v7  }
0x308: {  	(xrf1) =	vsort.dscd.msk.f32 @p3 $0xffff, v6, v9;
	_ =	sdelay $0xb  }
0x309: {  	v6 =	vmul.u32 @p3 $0xFFFFFFFF, v7;
	_ =	sdelay $0x1  }
0x30a: {  	v6 =	vadd.s32 @p3 $0xF, v6;
	v7, v9, _ =	vpop @p3 (xrf1)  }
0x30b: {  	v7 =	vperm.xlane @p3 v7, v6;
	v6 =	vperm.xlane @p3 v9, v6  }
0x30c: {  	v3 =	vpsel p2, v4, v3;
	v2 =	vpsel p2, v5, v2  }
0x30d: {  	vm0 =	veq.f32 @p3 v3, v7;
	vm1 =	vlt.s32 @p3 v2, v6  }
0x30e: {  	vm2 =	vgt.f32 @p3 v3, v7;
	vm0 =	vmand @p3 vm0, vm1  }
0x30f: {  	vm0 =	vmor @p3 vm2, vm0  }
0x310: {  	v4 =	vsel @p3 vm0, v3, v7;
	v5 =	vsel @p3 vm0, v2, v6  }
0x311: {  	(xrf1) =	vsort.dscd.msk.f32 @p3 $0xffff, v4, v5;
	_ =	sdelay $0xd  }
0x312: {  	v4, v5, _ =	vpop @p3 (xrf1)  }
0x313: {  	(xrf0) =	vmin.scan.msk.f32 @p3 $0xffff, v4;
	_ =	sdelay $0x4  }
0x314: {  	v6 =	vld [tilespmem:s18+$0x0]  }
0x315: {  	v7, _, _ =	vpop @p3 (xrf0)  }
0x316: {  	v9 =	vbroadcast @p3 v7, $0xF;
	_ =	sdelay $0x1  }
0x317: {  	v8 =	vpsel p3, v9, v8  }
0x318: {  	vm12 =	vgt.f32 v6, v8  }
0x319: {  	v57 =	vsel vm12, $0x3F800000, v1  }
0x31a: {  	(xrf0) =	vmax.scan.msk.f32 $0xffff, v57;
	_ =	sdelay $0x5  }
0x31b: {  	(v2sf) =	vpush @p3 v7, $0xF;
	v58, _, _ =	vpop (xrf0)  }
0x31c: {  	(v2sf) =	vpush v58, $0xF;
	_ =	sdelay $0xd  }
0x31d: {  	s24 =	spop @p3 (v2sf)  }
0x31e: {  	s25 =	spop (v2sf)  }
0x31f: {  	p4 =	sgt.f32 s25, $0.0e+00;
	_ =	sdelay $0x1  }
0x320: {  	s25 =	sor.u32 @p4 $0x40, s20;
	v7 =	vlaneseq.u32 @p4  }
0x321: {  	v9 =	vor.u32 @p4 s25, v7  }
0x322: {  	(xrf1) =	vsort.dscd.msk.f32 @p4 $0xffff, v6, v9;
	_ =	sdelay $0xb  }
0x323: {  	v6 =	vmul.u32 @p4 $0xFFFFFFFF, v7;
	_ =	sdelay $0x1  }
0x324: {  	v6 =	vadd.s32 @p4 $0xF, v6;
	v7, v9, _ =	vpop @p4 (xrf1)  }
0x325: {  	v7 =	vperm.xlane @p4 v7, v6;
	v6 =	vperm.xlane @p4 v9, v6  }
0x326: {  	v3 =	vpsel p3, v4, v3;
	v2 =	vpsel p3, v5, v2  }
0x327: {  	vm0 =	veq.f32 @p4 v3, v7;
	vm1 =	vlt.s32 @p4 v2, v6  }
0x328: {  	vm2 =	vgt.f32 @p4 v3, v7;
	vm0 =	vmand @p4 vm0, vm1  }
0x329: {  	vm0 =	vmor @p4 vm2, vm0  }
0x32a: {  	v4 =	vsel @p4 vm0, v3, v7;
	v5 =	vsel @p4 vm0, v2, v6  }
0x32b: {  	(xrf1) =	vsort.dscd.msk.f32 @p4 $0xffff, v4, v5;
	_ =	sdelay $0xd  }
0x32c: {  	v4, v5, _ =	vpop @p4 (xrf1)  }
0x32d: {  	(xrf0) =	vmin.scan.msk.f32 @p4 $0xffff, v4;
	_ =	sdelay $0x4  }
0x32e: {  	v6 =	vld [tilespmem:s18+$0x10]  }
0x32f: {  	v7, _, _ =	vpop @p4 (xrf0)  }
0x330: {  	v9 =	vbroadcast @p4 v7, $0xF;
	_ =	sdelay $0x1  }
0x331: {  	v8 =	vpsel p4, v9, v8  }
0x332: {  	vm13 =	vgt.f32 v6, v8  }
0x333: {  	v59 =	vsel vm13, $0x3F800000, v1  }
0x334: {  	(xrf0) =	vmax.scan.msk.f32 $0xffff, v59;
	_ =	sdelay $0x5  }
0x335: {  	(v2sf) =	vpush @p4 v7, $0xF;
	v60, _, _ =	vpop (xrf0)  }
0x336: {  	(v2sf) =	vpush v60, $0xF;
	_ =	sdelay $0xd  }
0x337: {  	s25 =	spop @p4 (v2sf)  }
0x338: {  	s26 =	spop (v2sf)  }
0x339: {  	p5 =	sgt.f32 s26, $0.0e+00;
	_ =	sdelay $0x1  }
0x33a: {  	s26 =	sor.u32 @p5 $0x50, s20;
	v7 =	vlaneseq.u32 @p5  }
0x33b: {  	v9 =	vor.u32 @p5 s26, v7  }
0x33c: {  	(xrf1) =	vsort.dscd.msk.f32 @p5 $0xffff, v6, v9;
	_ =	sdelay $0xb  }
0x33d: {  	v6 =	vmul.u32 @p5 $0xFFFFFFFF, v7;
	_ =	sdelay $0x1  }
0x33e: {  	v6 =	vadd.s32 @p5 $0xF, v6;
	v7, v9, _ =	vpop @p5 (xrf1)  }
0x33f: {  	v7 =	vperm.xlane @p5 v7, v6;
	v6 =	vperm.xlane @p5 v9, v6  }
0x340: {  	v3 =	vpsel p4, v4, v3;
	v2 =	vpsel p4, v5, v2  }
0x341: {  	vm0 =	veq.f32 @p5 v3, v7;
	vm1 =	vlt.s32 @p5 v2, v6  }
0x342: {  	vm2 =	vgt.f32 @p5 v3, v7;
	vm0 =	vmand @p5 vm0, vm1  }
0x343: {  	vm0 =	vmor @p5 vm2, vm0  }
0x344: {  	v4 =	vsel @p5 vm0, v3, v7;
	v5 =	vsel @p5 vm0, v2, v6  }
0x345: {  	(xrf1) =	vsort.dscd.msk.f32 @p5 $0xffff, v4, v5;
	_ =	sdelay $0xd  }
0x346: {  	v4, v5, _ =	vpop @p5 (xrf1)  }
0x347: {  	(xrf0) =	vmin.scan.msk.f32 @p5 $0xffff, v4;
	_ =	sdelay $0x4  }
0x348: {  	v6 =	vld [tilespmem:s18+$0x20]  }
0x349: {  	v7, _, _ =	vpop @p5 (xrf0)  }
0x34a: {  	v9 =	vbroadcast @p5 v7, $0xF;
	_ =	sdelay $0x1  }
0x34b: {  	v8 =	vpsel p5, v9, v8  }
0x34c: {  	vm14 =	vgt.f32 v6, v8  }
0x34d: {  	v61 =	vsel vm14, $0x3F800000, v1  }
0x34e: {  	(xrf0) =	vmax.scan.msk.f32 $0xffff, v61;
	_ =	sdelay $0x5  }
0x34f: {  	(v2sf) =	vpush @p5 v7, $0xF;
	v62, _, _ =	vpop (xrf0)  }
0x350: {  	(v2sf) =	vpush v62, $0xF;
	_ =	sdelay $0xd  }
0x351: {  	s26 =	spop @p5 (v2sf)  }
0x352: {  	s28 =	spop (v2sf)  }
0x353: {  	p6 =	sgt.f32 s28, $0.0e+00;
	_ =	sdelay $0x1  }
0x354: {  	s28 =	sor.u32 @p6 $0x60, s20;
	v7 =	vlaneseq.u32 @p6  }
0x355: {  	v9 =	vor.u32 @p6 s28, v7  }
0x356: {  	(xrf1) =	vsort.dscd.msk.f32 @p6 $0xffff, v6, v9;
	_ =	sdelay $0xb  }
0x357: {  	v6 =	vmul.u32 @p6 $0xFFFFFFFF, v7;
	_ =	sdelay $0x1  }
0x358: {  	v6 =	vadd.s32 @p6 $0xF, v6;
	v7, v9, _ =	vpop @p6 (xrf1)  }
0x359: {  	v7 =	vperm.xlane @p6 v7, v6;
	v6 =	vperm.xlane @p6 v9, v6  }
0x35a: {  	v3 =	vpsel p5, v4, v3;
	v2 =	vpsel p5, v5, v2  }
0x35b: {  	vm0 =	veq.f32 @p6 v3, v7;
	vm1 =	vlt.s32 @p6 v2, v6  }
0x35c: {  	vm2 =	vgt.f32 @p6 v3, v7;
	vm0 =	vmand @p6 vm0, vm1  }
0x35d: {  	vm0 =	vmor @p6 vm2, vm0  }
0x35e: {  	v4 =	vsel @p6 vm0, v3, v7;
	v5 =	vsel @p6 vm0, v2, v6  }
0x35f: {  	(xrf1) =	vsort.dscd.msk.f32 @p6 $0xffff, v4, v5;
	_ =	sdelay $0xd  }
0x360: {  	v4, v5, _ =	vpop @p6 (xrf1)  }
0x361: {  	(xrf0) =	vmin.scan.msk.f32 @p6 $0xffff, v4;
	_ =	sdelay $0x4  }
0x362: {  	v6 =	vld [tilespmem:s18+$0x30]  }
0x363: {  	v7, _, _ =	vpop @p6 (xrf0)  }
0x364: {  	v9 =	vbroadcast @p6 v7, $0xF;
	_ =	sdelay $0x1  }
0x365: {  	v8 =	vpsel p6, v9, v8  }
0x366: {  	vm15 =	vgt.f32 v6, v8  }
0x367: {  	v8 =	vsel vm15, $0x3F800000, v1  }
0x368: {  	(xrf0) =	vmax.scan.msk.f32 $0xffff, v8;
	_ =	sdelay $0x5  }
0x369: {  	(v2sf) =	vpush @p6 v7, $0xF;
	v63, _, _ =	vpop (xrf0)  }
0x36a: {  	(v2sf) =	vpush v63, $0xF;
	_ =	sdelay $0xd  }
0x36b: {  	s28 =	spop @p6 (v2sf)  }
0x36c: {  	s29 =	spop (v2sf)  }
0x36d: {  	p0 =	sgt.f32 s29, $0.0e+00;
	_ =	sdelay $0x1  }
0x36e: {  	s20 =	sor.u32 @p0 $0x70, s20;
	v7 =	vlaneseq.u32 @p0  }
0x36f: {  	v8 =	vor.u32 @p0 s20, v7  }
0x370: {  	(xrf1) =	vsort.dscd.msk.f32 @p0 $0xffff, v6, v8;
	_ =	sdelay $0xb  }
0x371: {  	v6 =	vmul.u32 @p0 $0xFFFFFFFF, v7;
	_ =	sdelay $0x1  }
0x372: {  	v6 =	vadd.s32 @p0 $0xF, v6;
	v7, v8, _ =	vpop @p0 (xrf1)  }
0x373: {  	v7 =	vperm.xlane @p0 v7, v6;
	v6 =	vperm.xlane @p0 v8, v6  }
0x374: {  	v3 =	vpsel p6, v4, v3;
	v2 =	vpsel p6, v5, v2  }
0x375: {  	vm0 =	veq.f32 @p0 v3, v7;
	vm1 =	vlt.s32 @p0 v2, v6  }
0x376: {  	vm2 =	vgt.f32 @p0 v3, v7;
	vm0 =	vmand @p0 vm0, vm1  }
0x377: {  	vm0 =	vmor @p0 vm2, vm0  }
0x378: {  	v4 =	vsel @p0 vm0, v3, v7;
	v5 =	vsel @p0 vm0, v2, v6  }
0x379: {  	(xrf1) =	vsort.dscd.msk.f32 @p0 $0xffff, v4, v5;
	_ =	sdelay $0xd  }
0x37a: {  	v4, v5, _ =	vpop @p0 (xrf1)  }
0x37b: {  	(xrf0) =	vmin.scan.msk.f32 @p0 $0xffff, v4;
	_ =	sdelay $0x5  }
0x37c: {  	v6, _, _ =	vpop @p0 (xrf0)  }
0x37d: {  	(v2sf) =	vpush @p0 v6, $0xF;
	_ =	sdelay $0x2  }
0x37e: {  	s29 =	sld [smem:$0x7FA];
	_ =	sdelay $0x2  }
0x37f: {  	p1 =	seq.s32 s29, $0x1;
	s29 =	sld [smem:$0x7FB];
	_ =	sdelay $0x2  }
0x380: {  	s19 =	smov.u32 @p1 s21;
	p1 =	seq.s32 s29, $0x1  }
0x381: {  	s16 =	sadd.s32 $0xFFFFFFFF, s16;
	s19 =	smov.u32 @p1 s22  }
0x382: {  	p1 =	sne.s32 s16, $0x0;
	s19 =	smov.u32 @p2 s23  }
.Ltmp18:
0x383: {  	s19 =	smov.u32 @p3 s24;
	(pc) =	sbr.rel @p1 .LBB2_22-.Ltmp18, $4  }
0x384: {  	s19 =	smov.u32 @p4 s25  }
0x385: {  	s19 =	smov.u32 @p5 s26  }
0x386: {  	s19 =	smov.u32 @p6 s28;
	s20 =	spop @p0 (v2sf)  }
0x387: {  	s17 =	sadd.s32 $0x1, s17;
	s18 =	sadd.s32 $0x80, s18;
	v3 =	vpsel p0, v4, v3;
	v2 =	vpsel p0, v5, v2;
	s19 =	smov.u32 @p0 s20  }
.Ltmp19:
0x388: {  	_ = 	snop;
	(pc) =	sbr.rel .LBB2_23-.Ltmp19, $1  }
0x389: {  	_ =	sdelay $0x3  }
.LBB2_24:
0x38a: {  	_ =	sfence.sel $0x180000  }
0x38b: {  	[bflag:$0x0] =	sbarrier.arrive $0xFFFF  }
0x38c: {  	_ =	strace $0x9000004A  }
0x38d: {  	s0 =	stileid.u32;
	[bflag:$0x2] =	sbarrier.arrive $0xFFFF  }
0x38e: {  	p0 =	sne.s32 s0, $0x0;
	s0 =	rddreg [dreg:$0x2]  }
0x38f: {  	s0 =	sadd.s32 @!p0 $0x100000, s0  }
0x390: {  	[sflag:s0] =	ssyncadd.tile.s32 @!p0 $0x1;
	_ =	shalt  }
.Lfunc_end2:
_tile_overlayer_lowered:
.L_overlay_start_2:
0x391: {  	(tag) =	ssettag $0x2  }
0x392: {  	s0 =	rddreg [dreg:$0x0];
	s2 =	stileid.u32  }
0x393: {  	s1 =	rddreg [dreg:$0x1];
	p0 =	sne.s32 s2, $0x0  }
0x394: {  	s3 =	rddreg [dreg:$0x2];
	[bflag:$0x3] =	sbarrier.arrive $0xFFFF;
	s2 =	simm.s32 @!p0 $0x1C02  }
0x395: {  	[timem:s3], [sflag:s2] =	dma.local @!p0 [hbm:s0], s1  }
0x396: {  	s0 =	simm.s32 @!p0 $0x2  }
0x397: {  	_ =	swait.ge @!p0 [sflag:s0], s1  }
0x398: {  	s1 =	ssub.s32 @!p0 $0x0, s1;
	[sflag:s0] =	ssyncset.done @!p0 $0x0  }
0x399: {  	[sflag:s0] =	ssyncadd.s32 @!p0 s1  }
0x39a: {  	[bflag:$0x3] =	sbarrier.arrive $0xFFFF  }
0x39b: {  	_ =	shalt  }

// kernel: kernel.7.cloned.1.call-start
scs
__scs_entry_jumppad:
0x0: {  	(pc) =	sbr.rel $0x88, $3  }
0x1: {  	(tag) =	ssettag $0x0;
	lr =	simm.s32 $0x1  }
0x2: {  	[smem:$0x3F9A] =	sst lr;
	_ =	strace $0xD0000000  }
0x3: {  	_ = 	snop  }
0x4: {  	_ = 	snop  }
0x5: {  	_ = 	snop  }
0x6: {  	_ = 	snop  }
0x7: {  	_ = 	snop  }
__scs_overlays_trampoline_lowered:
0x8: {  	[smem:$0x3FA9] =	sst s0  }
0x9: {  	[smem:$0x3FAA] =	sst s1  }
0xa: {  	[smem:$0x3FAB] =	sst s2  }
0xb: {  	[smem:$0x3FAC] =	sst s3  }
0xc: {  	[smem:$0x3FAD] =	sst s4  }
0xd: {  	[smem:$0x3FAE] =	sst s5  }
0xe: {  	[smem:$0x3FAF] =	sst s6  }
0xf: {  	[smem:$0x3FB0] =	sst s7  }
0x10: {  	[smem:$0x3FB1] =	sst s8  }
0x11: {  	[smem:$0x3FB2] =	sst s9;
	s0 =	simm.s32 @!p0 $0x0  }
0x12: {  	s1 =	sld [smem:$0x3F98];
	s0 =	simm.s32 @p0 $0x1  }
0x13: {  	[smem:$0x3FB3] =	sst s0;
	s0 =	simm.s32 @!p1 $0x0  }
0x14: {  	s2 =	sld [smem:$0x3F97];
	s0 =	simm.s32 @p1 $0x1  }
0x15: {  	[smem:$0x3FB4] =	sst s0;
	s0 =	simm.s32 @!p2 $0x0  }
0x16: {  	s3 =	sld [smem:$0x3FDB];
	s0 =	simm.s32 @p2 $0x1  }
0x17: {  	s4 =	simm.s32 $0x1BF5;
	[smem:$0x3FB6] =	sst s0  }
0x18: {  	s0 =	sld [smem:$0x3F99];
	_ =	swait.ge [sflag:s4], $0x0  }
0x19: {  	s7 =	sld [smem:$0x3F9A]  }
0x1a: {  	s8 =	sadd.s32 $0xFFFFE003, lr  }
0x1b: {  	s9 =	sadd.s32 $0xFFFFFEF7, lr;
	s5 =	simm.s32 $0xFFFFFFFF;
	p2 =	slt.u32 s8, $0xFFFFF086  }
0x1c: {  	p1 =	slt.u32 s9, $0xF7A;
	s5 =	simm.s32 @!p2 $0x0  }
0x1d: {  	s5 =	simm.s32 @p1 $0x1;
	p0 =	seq.s32 s7, s2  }
0x1e: {  	s7 =	smul.u32 @!p0 $0xF7A, s2;
	p2 =	seq.s32 @!p0 s5, $0x0  }
0x1f: {  	s9 =	smul.u32 $0xF7A, s1;
	s8 =	simm.s32 @!p0 $0x1BF5;
	p2 =	por !p2, p0  }
0x20: {  	[sflag:s8] =	ssyncset.s32 @!p0 $0xFFFFF086;
	s6 =	sadd.s32 @!p0 s3, s7;
	s7 =	simm.s32 @!p0 $0x108  }
0x21: {  	s3 =	sadd.s32 s3, s9;
	s6 =	sadd.s32 @!p0 $0x88, s6;
	s7 =	simm.s32 @p2 $0x1082  }
0x22: {  	[simem:s7], [sflag:s8] =	dma.local @!p0 [hbm:s6], $0xF7A  }
0x23: {  	s9 =	sor.u32 $0xD0000000, s2;
	s6 =	simm.s32 $0x108;
	_ =	swait.ge @!p0 [sflag:s8], $0x0  }
0x24: {  	s3 =	sadd.s32 $0x88, s3;
	s6 =	simm.s32 @!p1 $0x1082;
	[sflag:s4] =	ssyncset.s32 $0xFFFFF086  }
0x25: {  	[simem:s6], [sflag:s4] =	dma.local [hbm:s3], $0xF7A  }
0x26: {  	[smem:$0x3F9A] =	sst s1;
	(tag) =	ssettag s2;
	_ =	strace s9  }
0x27: {  	s1 =	sld [smem:$0x3FAA]  }
0x28: {  	s2 =	sld [smem:$0x3FAB]  }
0x29: {  	s4 =	sld [smem:$0x3FAD]  }
0x2a: {  	p0 =	seq.s32 s5, $0x0;
	s5 =	sld [smem:$0x3FAE]  }
0x2b: {  	s6 =	sld [smem:$0x3FAF]  }
0x2c: {  	s7 =	sld [smem:$0x3FB0]  }
0x2d: {  	s3 =	simm.s32 $0x108;
	s8 =	sld [smem:$0x3FB1]  }
0x2e: {  	s3 =	simm.s32 @!p0 $0x1082;
	s9 =	sld [smem:$0x3FB2]  }
0x2f: {  	lr =	sadd.s32 s0, s3;
	s0 =	sld [smem:$0x3FA9]  }
0x30: {  	s3 =	sld [smem:$0x3FAC]  }
0x31: {  	[smem:$0x3FB5] =	sst s10  }
0x32: {  	s10 =	sld [smem:$0x3FB3];
	_ =	sdelay $0x3  }
0x33: {  	p0 =	seq.s32 s10, $0x1;
	s10 =	sld [smem:$0x3FB5];
	_ =	sdelay $0x3  }
0x34: {  	[smem:$0x3FB5] =	sst s10  }
0x35: {  	s10 =	sld [smem:$0x3FB4];
	_ =	sdelay $0x3  }
0x36: {  	p1 =	seq.s32 s10, $0x1;
	s10 =	sld [smem:$0x3FB5];
	_ =	sdelay $0x3  }
0x37: {  	[smem:$0x3FB5] =	sst s10  }
0x38: {  	s10 =	sld [smem:$0x3FB6]  }
0x39: {  	_ = 	snop;
	(pc) =	sbr.ind lr, $3  }
0x3a: {  	_ = 	snop  }
0x3b: {  	_ = 	snop  }
0x3c: {  	p2 =	seq.s32 s10, $0x1;
	s10 =	sld [smem:$0x3FB5]  }
0x3d: {  	_ =	shalt  }
0x3e: {  	_ =	shalt  }
0x3f: {  	_ =	shalt  }
0x40: {  	_ =	shalt  }
0x41: {  	_ =	shalt  }
0x42: {  	_ =	shalt  }
0x43: {  	_ =	shalt  }
0x44: {  	_ =	shalt  }
0x45: {  	_ =	shalt  }
0x46: {  	_ =	shalt  }
0x47: {  	_ =	shalt  }
0x48: {  	_ =	shalt  }
0x49: {  	_ =	shalt  }
0x4a: {  	_ =	shalt  }
0x4b: {  	_ =	shalt  }
0x4c: {  	_ =	shalt  }
0x4d: {  	_ =	shalt  }
0x4e: {  	_ =	shalt  }
0x4f: {  	_ =	shalt  }
0x50: {  	_ =	shalt  }
0x51: {  	_ =	shalt  }
0x52: {  	_ =	shalt  }
0x53: {  	_ =	shalt  }
0x54: {  	_ =	shalt  }
0x55: {  	_ =	shalt  }
0x56: {  	_ =	shalt  }
0x57: {  	_ =	shalt  }
0x58: {  	_ =	shalt  }
0x59: {  	_ =	shalt  }
0x5a: {  	_ =	shalt  }
0x5b: {  	_ =	shalt  }
0x5c: {  	_ =	shalt  }
0x5d: {  	_ =	shalt  }
0x5e: {  	_ =	shalt  }
0x5f: {  	_ =	shalt  }
0x60: {  	_ =	shalt  }
0x61: {  	_ =	shalt  }
0x62: {  	_ =	shalt  }
0x63: {  	_ =	shalt  }
0x64: {  	_ =	shalt  }
0x65: {  	_ =	shalt  }
0x66: {  	_ =	shalt  }
0x67: {  	_ =	shalt  }
0x68: {  	_ =	shalt  }
0x69: {  	_ =	shalt  }
0x6a: {  	_ =	shalt  }
0x6b: {  	_ =	shalt  }
0x6c: {  	_ =	shalt  }
0x6d: {  	_ =	shalt  }
0x6e: {  	_ =	shalt  }
0x6f: {  	_ =	shalt  }
0x70: {  	_ =	shalt  }
0x71: {  	_ =	shalt  }
0x72: {  	_ =	shalt  }
0x73: {  	_ =	shalt  }
0x74: {  	_ =	shalt  }
0x75: {  	_ =	shalt  }
0x76: {  	_ =	shalt  }
0x77: {  	_ =	shalt  }
0x78: {  	_ =	shalt  }
0x79: {  	_ =	shalt  }
0x7a: {  	_ =	shalt  }
0x7b: {  	_ =	shalt  }
0x7c: {  	_ =	shalt  }
0x7d: {  	_ =	shalt  }
0x7e: {  	_ =	shalt  }
0x7f: {  	_ =	shalt  }
0x80: {  	_ =	shalt  }
0x81: {  	_ =	shalt  }
0x82: {  	_ =	shalt  }
0x83: {  	_ =	shalt  }
0x84: {  	_ =	shalt  }
0x85: {  	_ =	shalt  }
0x86: {  	_ =	shalt  }
0x87: {  	_ =	shalt  }
.Lfunc_end0:
.L_simem_size_0:
called_computation_lowered:
.L_overlay_start_0:
0x88: {  	s2 =	sld [smem:$0x3FD9]  }
0x89: {  	s3 =	sld [smem:$0x3FFE];
	_ =	sdelay $0x1  }
0x8a: {  	s1 =	srdreg.scid  }
0x8b: {  	s0 =	sand.u32 $0x1, s1  }
0x8c: {  	s14 =	sshll.u32 s0, $0xA;
	s2 =	sadd.s32 s3, s2  }
0x8d: {  	s2 =	sadd.s32 s2, s14  }
0x8e: {  	[smem:$0x3FC1] =	sst s2  }
0x8f: {  	_ = 	snop  }
0x90: {  	s2 =	sld [smem:$0x3FD0];
	_ =	sdelay $0x2  }
0x91: {  	s4 =	simm.s32 $0xA;
	s5 =	simm.s32 $0x10;
	s15 =	sld [smem:$0x3FC9]  }
0x92: {  	[smem:s5], [sflag:s4] =	dma.local [hbm:s2], $0x1  }
0x93: {  	_ =	swait.eq [sflag:s4], $0x1  }
0x94: {  	[sflag:s4] =	ssyncset.done $0x0  }
0x95: {  	[sflag:s4] =	ssyncadd.s32 $0xFFFFFFFF  }
0x96: {  	s16 =	sld [smem:$0x11];
	(tm) =	ssettm $0x1  }
0x97: {  	s17 =	sld [smem:$0x3FFB];
	_ =	sdelay $0x3  }
0x98: {  	_ =	strace s17  }
0x99: {  	s4 =	sld [smem:$0x3FFC];
	_ =	sdelay $0x3  }
0x9a: {  	_ =	strace s4  }
0x9b: {  	s4 =	sld [smem:$0x3FFD];
	_ =	sdelay $0x3  }
0x9c: {  	_ =	strace s4  }
0x9d: {  	_ =	strace $0x8FFFFFFF  }
0x9e: {  	s18 =	sld [smem:$0x3FDB];
	_ =	sdelay $0x1  }
0x9f: {  	s19 =	simm.s32 $_scs_section_size  }
0xa0: {  	s6 =	simm.s32 $_size__tile_overlayer_lowered;
	s7 =	simm.s32 $_tile_overlayer_lowered  }
0xa1: {  	s22 =	simm.s32 $0x1BFF;
	s21 =	sshll.u32 s7, $0x1;
	s4 =	sadd.s32 s19, s18  }
0xa2: {  	s8 =	simm.s32 $0x0;
	s20 =	sshll.u32 s6, $0x1;
	s6 =	sadd.s32 s21, s4  }
0xa3: {  	[timem:s8], [sflag:s22] =	dma.local [hbm:s6], s20  }
0xa4: {  	_ =	swait.ge [sflag:s22], s20  }
0xa5: {  	s5 =	ssub.s32 $0x0, s20;
	[sflag:s22] =	ssyncset.done $0x0  }
0xa6: {  	[sflag:s22] =	ssyncadd.s32 s5;
	_ =	sdelay $0x1  }
0xa7: {  	s23 =	simm.s32 $0x1B8B  }
0xa8: {  	_ =	swait.ge [sflag:s23], $0x1  }
0xa9: {  	[sflag:s23] =	ssyncset.done $0x0  }
0xaa: {  	s25 =	simm.s32 $0x1B8E;
	s24 =	sld [smem:$0x3FFE];
	[sflag:s23] =	ssyncadd.s32 $0xFFFFFFFF  }
0xab: {  	s26 =	simm.s32 $execute0_lowered;
	[smem:$0x3FD2] =	sst s25  }
0xac: {  	s6 =	sshll.u32 s26, $0x1;
	_ =	strace $0x80000046;
	[dreg:$0x1] =	wrdreg $0xFFFFFFFF  }
0xad: {  	s28 =	simm.s32 $_size_execute0_lowered;
	s4 =	sadd.s32 s4, s6;
	[dreg:$0x0] =	wrdreg $0x0  }
0xae: {  	s6 =	sshll.u32 s28, $0x1;
	[dreg:$0x2] =	wrdreg s4  }
0xaf: {  	[dreg:$0x3] =	wrdreg s6  }
0xb0: {  	[dreg:$0x4] =	wrdreg $0xC0  }
0xb1: {  	_ =	task [dreg:s8], $0x5FFFF  }
0xb2: {  	[dreg:$0x1] =	wrdreg $0xFFFFFFFF  }
0xb3: {  	[dreg:$0x0] =	wrdreg $0x60  }
0xb4: {  	[dreg:$0x2] =	wrdreg s15  }
0xb5: {  	[dreg:$0x3] =	wrdreg s16  }
0xb6: {  	[dreg:$0x4] =	wrdreg s24  }
0xb7: {  	[dreg:$0x5] =	wrdreg $0x9  }
0xb8: {  	_ =	task.clear_ibuf [dreg:s8], $0x6FFFF;
	_ =	strace $0x90000046  }
0xb9: {  	s29 =	simm.s32 $0x9;
	_ =	strace $0x80000048  }
0xba: {  	_ =	swait.ge [sflag:s29], $0x1  }
0xbb: {  	[sflag:s29] =	ssyncadd.s32 $0xFFFFFFFF  }
0xbc: {  	_ =	strace $0x90000048  }
0xbd: {  	_ =	sfence  }
0xbe: {  	s30 =	sld [smem:$0x0];
	_ =	sdelay $0x2  }
0xbf: {  	s31 =	sshll.u32 s1, $0xD;
	s1 =	sshrl.u32 s1, $0x2  }
0xc0: {  	s3 =	sand.u32 $0x4000, s31;
	s1 =	sadd.s32 s1, s30  }
0xc1: {  	s0 =	sor.u32 s3, s0;
	s1 =	sshll.u32 s1, $0x11  }
0xc2: {  	s0 =	sor.u32 s1, s0  }
0xc3: {  	s0 =	sadd.s32 $0x8F2B, s0  }
0xc4: {  	[sflag:s0] =	ssyncadd.remote.s32 $0x1  }
0xc5: {  	_ =	sfence.sel $0xFFFF  }
0xc6: {  	[dreg:$0x0] =	wrdreg $0xFFFFFFFF;
	(pc) =	sbr.abs _section_cstart, $3  }
0xc7: {  	[dreg:$0x1] =	wrdreg $0xFFFFFFFF  }
0xc8: {  	_ =	task.clear_ibuf [dreg:s8], $0x2FFFF;
	_ =	strace $0x9FFFFFFF  }
0xc9: {  	(tm) =	ssettm $0x7FFFFFFF  }
tec
execute0_lowered:
.L_overlay_start_1:
0x0: {  	(tag) =	ssettag $0x1  }
0x1: {  	s1 =	rddreg [dreg:$0x0]  }
0x2: {  	s2 =	srdreg.scid;
	s0 =	stileid.u32  }
0x3: {  	s4 =	rddreg [dreg:$0x1];
	s6 =	sand.u32 $0x1, s2;
	s30 =	sshll.u32 s0, $0x1  }
0x4: {  	s9 =	rddreg [dreg:$0x2];
	s3 =	simm.s32 $0x0;
	s7 =	sor.u32 s6, s30  }
0x5: {  	s8 =	simm.s32 $0x1;
	[smem:$0x7FF] =	sst s3;
	s5 =	smul.u32 $0x5, s7  }
0x6: {  	s2 =	rddreg [dreg:$0x3];
	_ =	strace $0x80000047;
	s11 =	ssub.s32 $0x2, s6  }
0x7: {  	s6 =	simm.s32 $0x28;
	s5 =	sadd.s32 s4, s5;
	s4 =	simm.s32 $0x2  }
0x8: {  	[tilespmem:s3], [sflag:$0x2] =	stream.linear.gather [hbm4b:s5+s3], $0x28, $0x38;
	[tilespmem:$0x1480] =	vst v63  }
0x9: {  	s10 =	smul.u32 $0x280, s7;
	s12 =	sshrl.u32 s11, $0x1;
	_ =	swait.ge [sflag:s4], $0x28  }
0xa: {  	s7 =	simm.s32 $0x80;
	s31 =	ssub.s32 s11, s12;
	[sflag:s4] =	ssyncset.done $0x0  }
0xb: {  	s9 =	sadd.s32 s10, s9;
	s10 =	smax.u32 s31, $0x1;
	[sflag:s4] =	ssyncadd.s32 $0xFFFFFFD8  }
0xc: {  	[tilespmem:s7], [sflag:$0x1] =	stream.indirect.gather [hbm4b:s1+s6], $0x80, s3, s6, $0xb8;
	[tilespmem:$0x1480] =	vst v63  }
0xd: {  	p0 =	sne.s32 s10, $0x1;
	_ =	swait.ge [sflag:s8], $0x1400  }
.Ltmp0:
0xe: {  	[sflag:s8] =	ssyncset.done $0x0;
	(pc) =	sbr.rel @!p0 .LBB2_2-.Ltmp0, $4  }
0xf: {  	s9 =	sadd.s32 $0x1000, s9;
	[sflag:s8] =	ssyncadd.s32 $0xFFFFEC00  }
0x10: {  	[hbm4b:s9+s3] =	stream.linear.scatter [tilespmem:s7], [sflag:$0x2], $0x1400, $0x38;
	[tilespmem:$0x1480] =	vst v63  }
0x11: {  	_ =	swait.ge [sflag:s4], $0x1400  }
0x12: {  	s10 =	sadd.s32 $0xFFFFFFFF, s10;
	[sflag:s4] =	ssyncset.done $0x0  }
.LBB2_1:
0x13: {  	p0 =	sne.s32 s10, $0x1;
	s10 =	sadd.s32 $0xFFFFFFFF, s10;
	[sflag:s4] =	ssyncadd.s32 $0xFFFFEC00  }
0x14: {  	[tilespmem:s3], [sflag:$0x2] =	stream.linear.gather [hbm4b:s5+s3], $0x28, $0x38;
	[tilespmem:$0x1480] =	vst v63  }
0x15: {  	_ =	swait.ge [sflag:s4], $0x28  }
0x16: {  	[sflag:s4] =	ssyncset.done $0x0  }
0x17: {  	[sflag:s4] =	ssyncadd.s32 $0xFFFFFFD8  }
0x18: {  	[tilespmem:s7], [sflag:$0x1] =	stream.indirect.gather [hbm4b:s1+s6], $0x80, s3, s6, $0xb8;
	[tilespmem:$0x1480] =	vst v63  }
0x19: {  	_ =	swait.ge [sflag:s8], $0x1400  }
.Ltmp1:
0x1a: {  	[sflag:s8] =	ssyncset.done $0x0;
	(pc) =	sbr.rel @p0 .LBB2_1-.Ltmp1, $4  }
0x1b: {  	[sflag:s8] =	ssyncadd.s32 $0xFFFFEC00  }
0x1c: {  	[hbm4b:s9+s3] =	stream.linear.scatter [tilespmem:s7], [sflag:$0x2], $0x1400, $0x38;
	[tilespmem:$0x1480] =	vst v63  }
0x1d: {  	_ =	swait.ge [sflag:s4], $0x1400  }
0x1e: {  	[sflag:s4] =	ssyncset.done $0x0  }
.LBB2_2:
0x1f: {  	[sflag:s4] =	ssyncadd.s32 $0xFFFFEC00  }
0x20: {  	_ =	sfence.sel $0x180000  }
0x21: {  	[bflag:$0x0] =	sbarrier.arrive $0xFFFF  }
0x22: {  	p0 =	sne.s32 s0, $0x0;
	_ =	strace $0x90000047  }
0x23: {  	s0 =	sadd.s32 @!p0 $0x100000, s2;
	[bflag:$0x2] =	sbarrier.arrive $0xFFFF  }
0x24: {  	[sflag:s0] =	ssyncadd.tile.s32 @!p0 $0x1;
	_ =	shalt  }
.Lfunc_end2:
_tile_overlayer_lowered:
.L_overlay_start_2:
0x25: {  	(tag) =	ssettag $0x2  }
0x26: {  	s0 =	rddreg [dreg:$0x0];
	s2 =	stileid.u32  }
0x27: {  	s1 =	rddreg [dreg:$0x1];
	p0 =	sne.s32 s2, $0x0  }
0x28: {  	s3 =	rddreg [dreg:$0x2];
	[bflag:$0x3] =	sbarrier.arrive $0xFFFF;
	s2 =	simm.s32 @!p0 $0x1C02  }
0x29: {  	[timem:s3], [sflag:s2] =	dma.local @!p0 [hbm:s0], s1  }
0x2a: {  	s0 =	simm.s32 @!p0 $0x2  }
0x2b: {  	_ =	swait.ge @!p0 [sflag:s0], s1  }
0x2c: {  	s1 =	ssub.s32 @!p0 $0x0, s1;
	[sflag:s0] =	ssyncset.done @!p0 $0x0  }
0x2d: {  	[sflag:s0] =	ssyncadd.s32 @!p0 s1  }
0x2e: {  	[bflag:$0x3] =	sbarrier.arrive $0xFFFF  }
0x2f: {  	_ =	shalt  }

</sc_bundles>
